<compile_context>
chip_gen: v7x
topology: tpu7x:2x2x1
jax: 0.10.2.dev20260603
libtpu: 0.0.44.dev20260713+nightly
codegen_flags: <defaults>
</compile_context>

<pallas_src>
import functools

import jax
import jax.numpy as jnp
from jax import lax
from jax.experimental import pallas as pl
from jax.experimental.pallas import tpu as pltpu
from jax.experimental.pallas import tpu_sc as plsc

N = 10000
F = 128
HID2 = 256
E = 320000
BLK = 100
NB = N // BLK
CH = 125
EROWS = E // CH
NC, NS = 2, 16
NW = NC * NS
CPT = EROWS // NW
OUTR = 624
TAIL = N - NS * OUTR
EPT = E // NW
SB = 4
G = NB // SB

_HI = lax.Precision.HIGHEST
_BF = jnp.bfloat16
_f32 = jnp.float32
_mesh = plsc.VectorSubcoreMesh(core_axis_name="c", subcore_axis_name="s")


def _zero_vmem(ref, nrow, ncol):
    z = jnp.zeros((16,), jnp.float32)

    def row(i, _):
        for j in range(ncol // 16):
            ref[i, pl.ds(j * 16, 16)] = z
        return 0

    lax.fori_loop(0, nrow, row, 0)



@functools.partial(
    pl.kernel,
    out_type=jax.ShapeDtypeStruct((NC, NS, NB, 128), jnp.float32),
    mesh=_mesh,
    scratch_types=[
        pltpu.VMEM((EPT // 16, 16), jnp.int32),
        pltpu.VMEM((NB, 128), jnp.float32),
    ],
    compiler_params=pltpu.CompilerParams(needs_layout_passes=False),
)
def _sc_degree(dst_hbm, out_hbm, dstf_v, hist):
    cid = lax.axis_index("c")
    sid = lax.axis_index("s")
    wid = cid * NS + sid
    z = jnp.zeros((16,), jnp.float32)

    def zr(i, _):
        for k in range(8):
            hist[i, pl.ds(k * 16, 16)] = z
        return 0

    lax.fori_loop(0, NB, zr, 0)
    pltpu.sync_copy(dst_hbm.at[wid], dstf_v)
    ones16 = jnp.full((16,), 1.0, jnp.float32)
    c100 = jnp.full((16,), BLK, jnp.int32)

    def body(j, _):
        idx = dstf_v[j, :]
        plsc.addupdate_scatter(
            hist, [lax.div(idx, c100), lax.rem(idx, c100)], ones16)
        return 0

    lax.fori_loop(0, EPT // 16, body, 0)
    pltpu.sync_copy(hist, out_hbm.at[cid, sid])



@functools.partial(
    pl.kernel,
    out_type=jax.ShapeDtypeStruct((NC, N, F), jnp.float32),
    mesh=_mesh,
    scratch_types=[
        pltpu.VMEM((CPT, CH), jnp.int32),
        pltpu.VMEM((CPT, CH), jnp.int32),
        pltpu.VMEM((CH, F), jnp.float32),
        pltpu.VMEM((104, F), jnp.float32),
        pltpu.VMEM_SHARED((N, F), jnp.float32),
        pltpu.SemaphoreType.DMA,
    ],
)
def _sc_edge_sum(g_hbm, src_hbm, dst_hbm, out_hbm,
                 src_v, dst_v, rows_v, zbuf, acc, sem):
    cid = lax.axis_index("c")
    sid = lax.axis_index("s")
    wid = cid * NS + sid
    _zero_vmem(zbuf, 104, F)
    for kk in range(OUTR // 104):
        pltpu.sync_copy(zbuf, acc.at[pl.ds(sid * OUTR + kk * 104, 104)])

    @pl.when(sid == 0)
    def _():
        pltpu.sync_copy(zbuf.at[pl.ds(0, TAIL)], acc.at[pl.ds(NS * OUTR, TAIL)])

    pltpu.sync_copy(src_hbm.at[pl.ds(wid * CPT, CPT)], src_v)
    pltpu.sync_copy(dst_hbm.at[pl.ds(wid * CPT, CPT)], dst_v)
    plsc.subcore_barrier()

    def body(j, _):
        pltpu.async_copy(g_hbm.at[src_v.at[j]], rows_v, sem).wait()
        pltpu.sync_copy(rows_v, acc.at[dst_v.at[j]], add=True)
        return 0

    lax.fori_loop(0, CPT, body, 0)
    plsc.subcore_barrier()
    pltpu.sync_copy(acc.at[pl.ds(sid * OUTR, OUTR)],
                    out_hbm.at[cid, pl.ds(sid * OUTR, OUTR)])

    @pl.when(sid == 0)
    def _():
        pltpu.sync_copy(acc.at[pl.ds(NS * OUTR, TAIL)],
                        out_hbm.at[cid, pl.ds(NS * OUTR, TAIL)])



def _mm(a, b):
    return jnp.dot(a.astype(_BF), b.astype(_BF),
                   preferred_element_type=jnp.float32)


def _rbf(a):
    return a.astype(_BF).astype(jnp.float32)


def _dinv_block(dv_ref, sb):
    gb = pl.program_id(0) * SB + sb
    kid = lax.broadcasted_iota(jnp.int32, (1, NB), 1)
    oh = jnp.where(kid == gb, 1.0, 0.0)
    row = lax.dot_general(oh, dv_ref[...], (((1,), (0,)), ((), ())),
                          precision=_HI,
                          preferred_element_type=jnp.float32)
    rid = lax.broadcasted_iota(jnp.int32, (BLK, 128), 0)
    cid = lax.broadcasted_iota(jnp.int32, (BLK, 128), 1)
    sel = jnp.where(rid == cid, 1.0, 0.0)
    return lax.dot_general(sel, row, (((1,), (1,)), ((), ())),
                           precision=_HI,
                           preferred_element_type=jnp.float32)


def _tc0_body(deg_ref, dv_ref):
    dsum = jnp.sum(deg_ref[...], axis=(0, 1))
    dv_ref[...] = lax.rsqrt(dsum + 1.0)


def _knn_select(feat, nfeat):
    del nfeat
    t = feat * feat
    sqcol = jnp.sum(t, axis=1, keepdims=True)
    rid0 = lax.broadcasted_iota(jnp.int32, (BLK, BLK), 0)
    cid0 = lax.broadcasted_iota(jnp.int32, (BLK, BLK), 1)
    sel0 = jnp.where(rid0 == cid0, 1.0, 0.0)
    sq = lax.dot_general(sqcol, sel0, (((0,), (0,)), ((), ())),
                         precision=_HI,
                         preferred_element_type=jnp.float32)
    fb = feat.astype(_BF)
    gram = lax.dot_general(fb, fb, (((1,), (1,)), ((), ())),
                           preferred_element_type=jnp.float32)
    rid = lax.broadcasted_iota(jnp.int32, (BLK, BLK), 0)
    cid = lax.broadcasted_iota(jnp.int32, (BLK, BLK), 1)
    eye = rid == cid
    d = sqcol + sq - 2.0 * gram + jnp.where(eye, jnp.float32(1e9), 0.0)
    S = jnp.where(eye, 1.0, 0.0)
    for r in range(8):
        m = jnp.min(d, axis=1, keepdims=True)
        first = jnp.min(jnp.where(d <= m, cid, jnp.int32(10 ** 6)),
                        axis=1, keepdims=True)
        sel = cid == first
        if r % 2 == 0:
            S = S + jnp.where(sel, 1.0, 0.0)
        d = jnp.where(sel, jnp.float32(3e38), d)
    return S


def _tc1_body(x_ref, w_ref, dv_ref, hx_ref, g1_ref):
    w = w_ref[...]
    for sb in range(SB):
        dinv = _dinv_block(dv_ref, sb)
        hx = _mm(x_ref[sb], w)
        hx_ref[sb] = hx
        g1_ref[sb] = hx * dinv


def _tc2_body(s1_ref, g1_ref, hx_ref, dv_ref, b_ref, xe_ref, g2_ref):
    b = b_ref[...]
    for sb in range(SB):
        dinv = _dinv_block(dv_ref, sb)
        s = s1_ref[0, sb] + s1_ref[1, sb]
        x1 = jnp.tanh((s + g1_ref[sb]) * dinv + b)
        SI = _knn_select(x1, F)
        agg = jnp.dot(SI, hx_ref[sb], precision=_HI,
                      preferred_element_type=jnp.float32)
        x2 = jnp.tanh(agg * 0.2 + b)
        z = x1 + x2
        xe = jnp.where(z >= 0, z, 0.01 * z)
        xe_ref[sb] = xe
        g2_ref[sb] = _rbf(xe) * dinv


def _tc3_body(s2_ref, g2_ref, dv_ref, wrt_ref, br_ref, wd_ref, bd_ref,
              d1_ref, hr_ref):
    wrt = _rbf(wrt_ref[...])
    br = br_ref[...]
    wd = _rbf(wd_ref[...])
    bd = bd_ref[...]
    for sb in range(SB):
        dinv = _dinv_block(dv_ref, sb)
        axe = (s2_ref[0, sb] + s2_ref[1, sb] + g2_ref[sb]) * dinv
        hr_ref[sb] = jnp.tanh(
            jnp.sum(axe * wrt, axis=1, keepdims=True) + br)
        d1_ref[sb] = jnp.tanh(
            jnp.dot(axe, wd, precision=_HI,
                    preferred_element_type=jnp.float32) + bd)


def _tc4_body(d1_ref, xe_ref, wd_ref, bd_ref, adj_ref):
    wd = wd_ref[...]
    bd = bd_ref[...]
    rid = lax.broadcasted_iota(jnp.int32, (BLK, BLK), 0)
    cid = lax.broadcasted_iota(jnp.int32, (BLK, BLK), 1)
    eye = rid == cid
    for sb in range(SB):
        d1 = d1_ref[sb]
        SI = _knn_select(d1, HID2)
        hh = _mm(xe_ref[sb], wd)
        d2 = jnp.tanh(jnp.dot(SI, hh, precision=_HI,
                              preferred_element_type=jnp.float32) * 0.2 + bd)
        xd = d1 + d2
        xb = xd.astype(_BF)
        adj = lax.dot_general(xb, xb, (((1,), (1,)), ((), ())),
                              preferred_element_type=jnp.float32)
        adj_ref[sb] = jnp.where(eye, 0.0, adj)


def _spec(shape, imap):
    return pl.BlockSpec(shape, imap)


_tc0 = pl.pallas_call(
    _tc0_body,
    grid=(1,),
    in_specs=[_spec((NC, NS, NB, 128), lambda i: (0, 0, 0, 0))],
    out_specs=_spec((NB, 128), lambda i: (0, 0)),
    out_shape=jax.ShapeDtypeStruct((NB, 128), jnp.float32),
)

_tc1 = pl.pallas_call(
    _tc1_body,
    grid=(G,),
    in_specs=[
        _spec((SB, BLK, F), lambda i: (i, 0, 0)),
        _spec((F, F), lambda i: (0, 0)),
        _spec((NB, 128), lambda i: (0, 0)),
    ],
    out_specs=[_spec((SB, BLK, F), lambda i: (i, 0, 0))] * 2,
    out_shape=[jax.ShapeDtypeStruct((NB, BLK, F), _f32)] * 2,
)

_tc2 = pl.pallas_call(
    _tc2_body,
    grid=(G,),
    in_specs=[
        _spec((NC, SB, BLK, F), lambda i: (0, i, 0, 0)),
        _spec((SB, BLK, F), lambda i: (i, 0, 0)),
        _spec((SB, BLK, F), lambda i: (i, 0, 0)),
        _spec((NB, 128), lambda i: (0, 0)),
        _spec((1, F), lambda i: (0, 0)),
    ],
    out_specs=[_spec((SB, BLK, F), lambda i: (i, 0, 0))] * 2,
    out_shape=[jax.ShapeDtypeStruct((NB, BLK, F), _f32)] * 2,
)

_tc3 = pl.pallas_call(
    _tc3_body,
    grid=(G,),
    in_specs=[
        _spec((NC, SB, BLK, F), lambda i: (0, i, 0, 0)),
        _spec((SB, BLK, F), lambda i: (i, 0, 0)),
        _spec((NB, 128), lambda i: (0, 0)),
        _spec((1, F), lambda i: (0, 0)),
        _spec((1, 1), lambda i: (0, 0)),
        _spec((F, HID2), lambda i: (0, 0)),
        _spec((1, HID2), lambda i: (0, 0)),
    ],
    out_specs=[
        _spec((SB, BLK, HID2), lambda i: (i, 0, 0)),
        _spec((SB, BLK, 1), lambda i: (i, 0, 0)),
    ],
    out_shape=[
        jax.ShapeDtypeStruct((NB, BLK, HID2), _f32),
        jax.ShapeDtypeStruct((NB, BLK, 1), _f32),
    ],
)

_tc4 = pl.pallas_call(
    _tc4_body,
    grid=(G,),
    in_specs=[
        _spec((SB, BLK, HID2), lambda i: (i, 0, 0)),
        _spec((SB, BLK, F), lambda i: (i, 0, 0)),
        _spec((F, HID2), lambda i: (0, 0)),
        _spec((1, HID2), lambda i: (0, 0)),
    ],
    out_specs=_spec((SB, BLK, BLK), lambda i: (i, 0, 0)),
    out_shape=jax.ShapeDtypeStruct((NB, BLK, BLK), _f32),
)


def kernel(x, edge_index, edge_attr, eyes, batch,
           W_e0, b_e0, W_r, b_r, W_d0, b_d0):
    del edge_attr, eyes, batch
    src2d = edge_index[0].astype(jnp.int32).reshape(EROWS, CH)
    dst2d = edge_index[1].astype(jnp.int32).reshape(EROWS, CH)
    x3 = x.reshape(NB, BLK, F)
    b_e = b_e0.reshape(1, F)
    wrt = W_r.reshape(1, F)
    b_r2 = b_r.reshape(1, 1)
    b_d = b_d0.reshape(1, HID2)

    dst_flat = edge_index[1].astype(jnp.int32).reshape(NW, EPT // 16, 16)
    deg32 = _sc_degree(dst_flat)
    dv = _tc0(deg32)
    hx, g1 = _tc1(x3, W_e0, dv)
    s1 = _sc_edge_sum(g1.reshape(N, F), src2d, dst2d)
    xe, g2 = _tc2(s1.reshape(NC, NB, BLK, F), g1, hx, dv, b_e)
    s2 = _sc_edge_sum(g2.reshape(N, F), src2d, dst2d)
    d1, hr = _tc3(s2.reshape(NC, NB, BLK, F), g2, dv, wrt, b_r2, W_d0, b_d)
    adj = _tc4(d1, xe, W_d0, b_d)
    return adj.reshape(N, BLK), hr.reshape(NB, BLK)

# --- scband reference (transcript-rebuilt; emitter-appended) ---
"""Pipeline reference for scband-contrative-net-58866821759632 (READ-ONLY COPY).

The authoritative reference and input builder live on the scoring server;
editing this copy changes nothing except your own understanding.
"""

import jax, jax.numpy as jnp
import numpy as np

N = 10000
F_IN = 128
HID = 128
BLOCK = 100
K = 4
DIL = 2
E = 320000


def gcn_conv(x, edge_index, W, b):
    n = x.shape[0]
    loops = jnp.arange(n)
    src = jnp.concatenate([edge_index[0], loops])
    dst = jnp.concatenate([edge_index[1], loops])
    deg = jnp.zeros((n,), x.dtype).at[dst].add(1.0)
    dinv = jax.lax.rsqrt(jnp.maximum(deg, 1.0))
    h = x @ W
    msg = h[src] * (dinv[src] * dinv[dst])[:, None]
    out = jnp.zeros((n, W.shape[1]), x.dtype).at[dst].add(msg)
    return jnp.tanh(out + b)


def dilated_knn(x):
    # DilatedKnnGraph(k=4, dilation=2): find k*d nearest neighbors per node
    # within its 100-node graph, keep every d-th (deterministic / eval mode).
    n, d = x.shape
    B = n // BLOCK
    xb = x.reshape(B, BLOCK, d)
    sq = jnp.sum(xb * xb, axis=-1)
    dist = sq[:, :, None] + sq[:, None, :] - 2.0 * jnp.einsum('bid,bjd->bij', xb, xb)
    dist = dist + jnp.eye(BLOCK, dtype=x.dtype)[None] * 1e9  # exclude self
    _, idx = jax.lax.top_k(-dist, K * DIL)  # [B, BLOCK, K*DIL]
    idx = idx[:, :, ::DIL]  # dilation -> [B, BLOCK, K]
    offs = (jnp.arange(B) * BLOCK)[:, None, None]
    nbr = (idx + offs).reshape(-1)
    ctr = jnp.broadcast_to(offs + jnp.arange(BLOCK)[None, :, None], (B, BLOCK, K)).reshape(-1)
    return jnp.stack([nbr, ctr])  # source_to_target flow


def setup_inputs(seed: int = 0) -> dict:
    key = jax.random.key(seed)
    ks = jax.random.split(key, 10)
    x = jax.random.normal(ks[0], (N, F_IN), dtype=jnp.float32)
    edge_index = jax.random.randint(ks[1], (2, E), 0, N)
    edge_attr = jax.random.normal(ks[2], (E, 4), dtype=jnp.float32)
    eyes = jnp.tile(jnp.eye(BLOCK, dtype=jnp.float32), (N // BLOCK, 1))  # [N, 100]
    batch = jnp.repeat(jnp.arange(N // BLOCK), BLOCK)
    W_e0 = jax.random.normal(ks[3], (F_IN, HID), dtype=jnp.float32) * 0.05
    b_e0 = jnp.zeros((HID,), jnp.float32)
    W_r = jax.random.normal(ks[4], (HID, 1), dtype=jnp.float32) * 0.05
    b_r = jnp.zeros((1,), jnp.float32)
    W_d0 = jax.random.normal(ks[5], (HID, HID * 2), dtype=jnp.float32) * 0.05
    b_d0 = jnp.zeros((HID * 2,), jnp.float32)
    return {"x": x, "edge_index": edge_index, "edge_attr": edge_attr, "eyes": eyes,
            "batch": batch, "W_e0": W_e0, "b_e0": b_e0, "W_r": W_r, "b_r": b_r,
            "W_d0": W_d0, "b_d0": b_d0}


def reference(x, edge_index, edge_attr, eyes, batch, W_e0, b_e0, W_r, b_r, W_d0, b_d0):
    # ---- Encoder2 (conv='gcn', more_layer=False) ----
    x1 = gcn_conv(x, edge_index, W_e0, b_e0)
    e_dyn = dilated_knn(x1)
    x2 = gcn_conv(x, e_dyn, W_e0, b_e0)
    xe = jax.nn.leaky_relu(x1 + x2, negative_slope=0.01)
    h = gcn_conv(xe, edge_index, W_r, b_r).reshape(-1, eyes.shape[-1])  # conv_read
    # ---- Decoder2 (hidden=indim=128 -> 256) on encoded node features ----
    d1 = gcn_conv(xe, edge_index, W_d0, b_d0)
    e_dyn2 = dilated_knn(d1)
    d2 = gcn_conv(xe, e_dyn2, W_d0, b_d0)
    xd = d1 + d2
    B = xd.shape[0] // BLOCK
    x_ = xd.reshape(B, BLOCK, -1)
    adj = jnp.einsum('bid,bjd->bij', x_, x_).reshape(-1, BLOCK)  # bmm(x_, x_^T)
    adj = adj - adj * eyes  # remove diagonal
    return adj, h

if __name__ == "__main__":
    import jax
    _d = setup_inputs()
    print(jax.jit(kernel)(*tuple(_d.values())))

</pallas_src>

<mosaic_0001>
#map = affine_map<(d0, d1) -> (0, 0)>
#map1 = affine_map<(d0, d1) -> (0, 0, 0)>
module attributes {stable_mosaic.version = 14 : i64} {
  func.func @_sc_edge_sum(%arg0: i32, %arg1: i32, %arg2: memref<10000x128xf32, #tpu.memory_space<hbm>>, %arg3: memref<2560x125xi32, #tpu.memory_space<hbm>>, %arg4: memref<2560x125xi32, #tpu.memory_space<hbm>>, %arg5: memref<2x10000x128xf32, #tpu.memory_space<hbm>>, %arg6: memref<80x125xi32, #tpu.memory_space<vmem>>, %arg7: memref<80x125xi32, #tpu.memory_space<vmem>>, %arg8: memref<125x128xf32, #tpu.memory_space<vmem>>, %arg9: memref<104x128xf32, #tpu.memory_space<vmem>>, %arg10: memref<10000x128xf32, #tpu.memory_space<vmem_shared>>, %arg11: memref<!tpu.dma_semaphore, #tpu.memory_space<semaphore_mem>>) attributes {dimension_semantics = [#tpu.dimension_semantics<core_parallel>, #tpu.dimension_semantics<subcore_parallel>], iteration_bounds = array<i64: 2, 16>, scalar_prefetch = 0 : i64, scratch_operands = 6 : i64, tpu.core_type = #tpu.core_type<sc_vector_subcore>, window_params = [{transform_indices = #map}, {transform_indices = #map}, {transform_indices = #map}, {transform_indices = #map1}]} {
    %mul3A = arith.constant 16 : i32
    %mul3A_0 = arith.muli %arg0, %mul3A : i32
    %add3A = arith.addi %mul3A_0, %arg1 : i32
    %broadcast_in_dim3A = arith.constant 0.000000e+00 : f32
    %broadcast_in_dim3A_1 = vector.broadcast %broadcast_in_dim3A : f32 to vector<16xf32>
    %scan3A = arith.constant 0 : i32
    %scan3A_2 = arith.constant 0 : i32
    %scan3A_3 = arith.constant 104 : i32
    %scan3A_4 = arith.addi %scan3A_2, %scan3A_3 : i32
    %scan3A_5 = arith.constant 1 : i32
    %scan3A_6 = scf.for %scan3A_55 = %scan3A_2 to %scan3A_4 step %scan3A_5 iter_args(%scan3A_56 = %scan3A) -> (i32)  : i32 {
      %swap3A = arith.index_cast %scan3A_55 : i32 to index
      %swap3A_57 = arith.constant 0 : index
      %swap3A_58 = tpu.vector_load %arg9[%swap3A, %swap3A_57] {strides = array<i32>} : memref<104x128xf32, #tpu.memory_space<vmem>>, vector<1x16xf32>,
      %swap3A_59 = vector.shape_cast %swap3A_58 : vector<1x16xf32> to vector<16xf32>
      %swap3A_60 = vector.shape_cast %broadcast_in_dim3A_1 : vector<16xf32> to vector<1x16xf32>
      tpu.vector_store %arg9[%swap3A, %swap3A_57], %swap3A_60 {strides = array<i32>} : memref<104x128xf32, #tpu.memory_space<vmem>>, vector<1x16xf32>,
      %swap3A_61 = arith.index_cast %scan3A_55 : i32 to index
      %swap3A_62 = arith.constant 16 : index
      %swap3A_63 = tpu.vector_load %arg9[%swap3A_61, %swap3A_62] {strides = array<i32>} : memref<104x128xf32, #tpu.memory_space<vmem>>, vector<1x16xf32>,
      %swap3A_64 = vector.shape_cast %swap3A_63 : vector<1x16xf32> to vector<16xf32>
      %swap3A_65 = vector.shape_cast %broadcast_in_dim3A_1 : vector<16xf32> to vector<1x16xf32>
      tpu.vector_store %arg9[%swap3A_61, %swap3A_62], %swap3A_65 {strides = array<i32>} : memref<104x128xf32, #tpu.memory_space<vmem>>, vector<1x16xf32>,
      %swap3A_66 = arith.index_cast %scan3A_55 : i32 to index
      %swap3A_67 = arith.constant 32 : index
      %swap3A_68 = tpu.vector_load %arg9[%swap3A_66, %swap3A_67] {strides = array<i32>} : memref<104x128xf32, #tpu.memory_space<vmem>>, vector<1x16xf32>,
      %swap3A_69 = vector.shape_cast %swap3A_68 : vector<1x16xf32> to vector<16xf32>
      %swap3A_70 = vector.shape_cast %broadcast_in_dim3A_1 : vector<16xf32> to vector<1x16xf32>
      tpu.vector_store %arg9[%swap3A_66, %swap3A_67], %swap3A_70 {strides = array<i32>} : memref<104x128xf32, #tpu.memory_space<vmem>>, vector<1x16xf32>,
      %swap3A_71 = arith.index_cast %scan3A_55 : i32 to index
      %swap3A_72 = arith.constant 48 : index
      %swap3A_73 = tpu.vector_load %arg9[%swap3A_71, %swap3A_72] {strides = array<i32>} : memref<104x128xf32, #tpu.memory_space<vmem>>, vector<1x16xf32>,
      %swap3A_74 = vector.shape_cast %swap3A_73 : vector<1x16xf32> to vector<16xf32>
      %swap3A_75 = vector.shape_cast %broadcast_in_dim3A_1 : vector<16xf32> to vector<1x16xf32>
      tpu.vector_store %arg9[%swap3A_71, %swap3A_72], %swap3A_75 {strides = array<i32>} : memref<104x128xf32, #tpu.memory_space<vmem>>, vector<1x16xf32>,
      %swap3A_76 = arith.index_cast %scan3A_55 : i32 to index
      %swap3A_77 = arith.constant 64 : index
      %swap3A_78 = tpu.vector_load %arg9[%swap3A_76, %swap3A_77] {strides = array<i32>} : memref<104x128xf32, #tpu.memory_space<vmem>>, vector<1x16xf32>,
      %swap3A_79 = vector.shape_cast %swap3A_78 : vector<1x16xf32> to vector<16xf32>
      %swap3A_80 = vector.shape_cast %broadcast_in_dim3A_1 : vector<16xf32> to vector<1x16xf32>
      tpu.vector_store %arg9[%swap3A_76, %swap3A_77], %swap3A_80 {strides = array<i32>} : memref<104x128xf32, #tpu.memory_space<vmem>>, vector<1x16xf32>,
      %swap3A_81 = arith.index_cast %scan3A_55 : i32 to index
      %swap3A_82 = arith.constant 80 : index
      %swap3A_83 = tpu.vector_load %arg9[%swap3A_81, %swap3A_82] {strides = array<i32>} : memref<104x128xf32, #tpu.memory_space<vmem>>, vector<1x16xf32>,
      %swap3A_84 = vector.shape_cast %swap3A_83 : vector<1x16xf32> to vector<16xf32>
      %swap3A_85 = vector.shape_cast %broadcast_in_dim3A_1 : vector<16xf32> to vector<1x16xf32>
      tpu.vector_store %arg9[%swap3A_81, %swap3A_82], %swap3A_85 {strides = array<i32>} : memref<104x128xf32, #tpu.memory_space<vmem>>, vector<1x16xf32>,
      %swap3A_86 = arith.index_cast %scan3A_55 : i32 to index
      %swap3A_87 = arith.constant 96 : index
      %swap3A_88 = tpu.vector_load %arg9[%swap3A_86, %swap3A_87] {strides = array<i32>} : memref<104x128xf32, #tpu.memory_space<vmem>>, vector<1x16xf32>,
      %swap3A_89 = vector.shape_cast %swap3A_88 : vector<1x16xf32> to vector<16xf32>
      %swap3A_90 = vector.shape_cast %broadcast_in_dim3A_1 : vector<16xf32> to vector<1x16xf32>
      tpu.vector_store %arg9[%swap3A_86, %swap3A_87], %swap3A_90 {strides = array<i32>} : memref<104x128xf32, #tpu.memory_space<vmem>>, vector<1x16xf32>,
      %swap3A_91 = arith.index_cast %scan3A_55 : i32 to index
      %swap3A_92 = arith.constant 112 : index
      %swap3A_93 = tpu.vector_load %arg9[%swap3A_91, %swap3A_92] {strides = array<i32>} : memref<104x128xf32, #tpu.memory_space<vmem>>, vector<1x16xf32>,
      %swap3A_94 = vector.shape_cast %swap3A_93 : vector<1x16xf32> to vector<16xf32>
      %swap3A_95 = vector.shape_cast %broadcast_in_dim3A_1 : vector<16xf32> to vector<1x16xf32>
      tpu.vector_store %arg9[%swap3A_91, %swap3A_92], %swap3A_95 {strides = array<i32>} : memref<104x128xf32, #tpu.memory_space<vmem>>, vector<1x16xf32>,
      %scan3A_96 = arith.constant 0 : i32
      scf.yield %scan3A_96 : i32
    }
    %scan3A_7 = arith.constant 104 : i32
    %mul3A_8 = arith.constant 624 : i32
    %mul3A_9 = arith.muli %arg1, %mul3A_8 : i32
    %add3A_10 = arith.constant 0 : i32
    %add3A_11 = arith.addi %mul3A_9, %add3A_10 : i32
    "tpu.region"() ({
      %run_scoped3A = tpu.sem_alloc : memref<!tpu.dma_semaphore, #tpu.memory_space<semaphore_mem>>
      %dma_start3A = arith.constant 0 : i32
      %dma_start3A_55 = tpu.memref_slice %arg10[%add3A_11, %dma_start3A] : memref<10000x128xf32, #tpu.memory_space<vmem_shared>> -> memref<104x128xf32, #tpu.memory_space<vmem_shared>>
      %dma_start3A_56 = arith.constant 0 : i32
      %dma_start3A_57 = tpu.memref_slice %arg10[%add3A_11, %dma_start3A_56] : memref<10000x128xf32, #tpu.memory_space<vmem_shared>> -> memref<104x128xf32, #tpu.memory_space<vmem_shared>>
      tpu.enqueue_dma source(%arg9 : memref<104x128xf32, #tpu.memory_space<vmem>>) target(%dma_start3A_57 : memref<104x128xf32, #tpu.memory_space<vmem_shared>>) target_semaphore(%run_scoped3A : memref<!tpu.dma_semaphore, #tpu.memory_space<semaphore_mem>>)
      %dma_wait3A = arith.constant 0 : i32
      %dma_wait3A_58 = tpu.memref_slice %arg10[%add3A_11, %dma_wait3A] : memref<10000x128xf32, #tpu.memory_space<vmem_shared>> -> memref<104x128xf32, #tpu.memory_space<vmem_shared>>
      %dma_wait3A_59 = arith.constant 0 : i32
      %dma_wait3A_60 = tpu.memref_slice %arg10[%add3A_11, %dma_wait3A_59] : memref<10000x128xf32, #tpu.memory_space<vmem_shared>> -> memref<104x128xf32, #tpu.memory_space<vmem_shared>>
      tpu.wait_dma2 semaphore(%run_scoped3A : memref<!tpu.dma_semaphore, #tpu.memory_space<semaphore_mem>>) src(%arg9 : memref<104x128xf32, #tpu.memory_space<vmem>>) dst(%dma_wait3A_60 : memref<104x128xf32, #tpu.memory_space<vmem_shared>>)
      tpu.yield
    }) : () -> ()
    %mul3A_12 = arith.constant 624 : i32
    %mul3A_13 = arith.muli %arg1, %mul3A_12 : i32
    %add3A_14 = arith.constant 104 : i32
    %add3A_15 = arith.addi %mul3A_13, %add3A_14 : i32
    "tpu.region"() ({
      %run_scoped3A = tpu.sem_alloc : memref<!tpu.dma_semaphore, #tpu.memory_space<semaphore_mem>>
      %dma_start3A = arith.constant 0 : i32
      %dma_start3A_55 = tpu.memref_slice %arg10[%add3A_15, %dma_start3A] : memref<10000x128xf32, #tpu.memory_space<vmem_shared>> -> memref<104x128xf32, #tpu.memory_space<vmem_shared>>
      %dma_start3A_56 = arith.constant 0 : i32
      %dma_start3A_57 = tpu.memref_slice %arg10[%add3A_15, %dma_start3A_56] : memref<10000x128xf32, #tpu.memory_space<vmem_shared>> -> memref<104x128xf32, #tpu.memory_space<vmem_shared>>
      tpu.enqueue_dma source(%arg9 : memref<104x128xf32, #tpu.memory_space<vmem>>) target(%dma_start3A_57 : memref<104x128xf32, #tpu.memory_space<vmem_shared>>) target_semaphore(%run_scoped3A : memref<!tpu.dma_semaphore, #tpu.memory_space<semaphore_mem>>)
      %dma_wait3A = arith.constant 0 : i32
      %dma_wait3A_58 = tpu.memref_slice %arg10[%add3A_15, %dma_wait3A] : memref<10000x128xf32, #tpu.memory_space<vmem_shared>> -> memref<104x128xf32, #tpu.memory_space<vmem_shared>>
      %dma_wait3A_59 = arith.constant 0 : i32
      %dma_wait3A_60 = tpu.memref_slice %arg10[%add3A_15, %dma_wait3A_59] : memref<10000x128xf32, #tpu.memory_space<vmem_shared>> -> memref<104x128xf32, #tpu.memory_space<vmem_shared>>
      tpu.wait_dma2 semaphore(%run_scoped3A : memref<!tpu.dma_semaphore, #tpu.memory_space<semaphore_mem>>) src(%arg9 : memref<104x128xf32, #tpu.memory_space<vmem>>) dst(%dma_wait3A_60 : memref<104x128xf32, #tpu.memory_space<vmem_shared>>)
      tpu.yield
    }) : () -> ()
    %mul3A_16 = arith.constant 624 : i32
    %mul3A_17 = arith.muli %arg1, %mul3A_16 : i32
    %add3A_18 = arith.constant 208 : i32
    %add3A_19 = arith.addi %mul3A_17, %add3A_18 : i32
    "tpu.region"() ({
      %run_scoped3A = tpu.sem_alloc : memref<!tpu.dma_semaphore, #tpu.memory_space<semaphore_mem>>
      %dma_start3A = arith.constant 0 : i32
      %dma_start3A_55 = tpu.memref_slice %arg10[%add3A_19, %dma_start3A] : memref<10000x128xf32, #tpu.memory_space<vmem_shared>> -> memref<104x128xf32, #tpu.memory_space<vmem_shared>>
      %dma_start3A_56 = arith.constant 0 : i32
      %dma_start3A_57 = tpu.memref_slice %arg10[%add3A_19, %dma_start3A_56] : memref<10000x128xf32, #tpu.memory_space<vmem_shared>> -> memref<104x128xf32, #tpu.memory_space<vmem_shared>>
      tpu.enqueue_dma source(%arg9 : memref<104x128xf32, #tpu.memory_space<vmem>>) target(%dma_start3A_57 : memref<104x128xf32, #tpu.memory_space<vmem_shared>>) target_semaphore(%run_scoped3A : memref<!tpu.dma_semaphore, #tpu.memory_space<semaphore_mem>>)
      %dma_wait3A = arith.constant 0 : i32
      %dma_wait3A_58 = tpu.memref_slice %arg10[%add3A_19, %dma_wait3A] : memref<10000x128xf32, #tpu.memory_space<vmem_shared>> -> memref<104x128xf32, #tpu.memory_space<vmem_shared>>
      %dma_wait3A_59 = arith.constant 0 : i32
      %dma_wait3A_60 = tpu.memref_slice %arg10[%add3A_19, %dma_wait3A_59] : memref<10000x128xf32, #tpu.memory_space<vmem_shared>> -> memref<104x128xf32, #tpu.memory_space<vmem_shared>>
      tpu.wait_dma2 semaphore(%run_scoped3A : memref<!tpu.dma_semaphore, #tpu.memory_space<semaphore_mem>>) src(%arg9 : memref<104x128xf32, #tpu.memory_space<vmem>>) dst(%dma_wait3A_60 : memref<104x128xf32, #tpu.memory_space<vmem_shared>>)
      tpu.yield
    }) : () -> ()
    %mul3A_20 = arith.constant 624 : i32
    %mul3A_21 = arith.muli %arg1, %mul3A_20 : i32
    %add3A_22 = arith.constant 312 : i32
    %add3A_23 = arith.addi %mul3A_21, %add3A_22 : i32
    "tpu.region"() ({
      %run_scoped3A = tpu.sem_alloc : memref<!tpu.dma_semaphore, #tpu.memory_space<semaphore_mem>>
      %dma_start3A = arith.constant 0 : i32
      %dma_start3A_55 = tpu.memref_slice %arg10[%add3A_23, %dma_start3A] : memref<10000x128xf32, #tpu.memory_space<vmem_shared>> -> memref<104x128xf32, #tpu.memory_space<vmem_shared>>
      %dma_start3A_56 = arith.constant 0 : i32
      %dma_start3A_57 = tpu.memref_slice %arg10[%add3A_23, %dma_start3A_56] : memref<10000x128xf32, #tpu.memory_space<vmem_shared>> -> memref<104x128xf32, #tpu.memory_space<vmem_shared>>
      tpu.enqueue_dma source(%arg9 : memref<104x128xf32, #tpu.memory_space<vmem>>) target(%dma_start3A_57 : memref<104x128xf32, #tpu.memory_space<vmem_shared>>) target_semaphore(%run_scoped3A : memref<!tpu.dma_semaphore, #tpu.memory_space<semaphore_mem>>)
      %dma_wait3A = arith.constant 0 : i32
      %dma_wait3A_58 = tpu.memref_slice %arg10[%add3A_23, %dma_wait3A] : memref<10000x128xf32, #tpu.memory_space<vmem_shared>> -> memref<104x128xf32, #tpu.memory_space<vmem_shared>>
      %dma_wait3A_59 = arith.constant 0 : i32
      %dma_wait3A_60 = tpu.memref_slice %arg10[%add3A_23, %dma_wait3A_59] : memref<10000x128xf32, #tpu.memory_space<vmem_shared>> -> memref<104x128xf32, #tpu.memory_space<vmem_shared>>
      tpu.wait_dma2 semaphore(%run_scoped3A : memref<!tpu.dma_semaphore, #tpu.memory_space<semaphore_mem>>) src(%arg9 : memref<104x128xf32, #tpu.memory_space<vmem>>) dst(%dma_wait3A_60 : memref<104x128xf32, #tpu.memory_space<vmem_shared>>)
      tpu.yield
    }) : () -> ()
    %mul3A_24 = arith.constant 624 : i32
    %mul3A_25 = arith.muli %arg1, %mul3A_24 : i32
    %add3A_26 = arith.constant 416 : i32
    %add3A_27 = arith.addi %mul3A_25, %add3A_26 : i32
    "tpu.region"() ({
      %run_scoped3A = tpu.sem_alloc : memref<!tpu.dma_semaphore, #tpu.memory_space<semaphore_mem>>
      %dma_start3A = arith.constant 0 : i32
      %dma_start3A_55 = tpu.memref_slice %arg10[%add3A_27, %dma_start3A] : memref<10000x128xf32, #tpu.memory_space<vmem_shared>> -> memref<104x128xf32, #tpu.memory_space<vmem_shared>>
      %dma_start3A_56 = arith.constant 0 : i32
      %dma_start3A_57 = tpu.memref_slice %arg10[%add3A_27, %dma_start3A_56] : memref<10000x128xf32, #tpu.memory_space<vmem_shared>> -> memref<104x128xf32, #tpu.memory_space<vmem_shared>>
      tpu.enqueue_dma source(%arg9 : memref<104x128xf32, #tpu.memory_space<vmem>>) target(%dma_start3A_57 : memref<104x128xf32, #tpu.memory_space<vmem_shared>>) target_semaphore(%run_scoped3A : memref<!tpu.dma_semaphore, #tpu.memory_space<semaphore_mem>>)
      %dma_wait3A = arith.constant 0 : i32
      %dma_wait3A_58 = tpu.memref_slice %arg10[%add3A_27, %dma_wait3A] : memref<10000x128xf32, #tpu.memory_space<vmem_shared>> -> memref<104x128xf32, #tpu.memory_space<vmem_shared>>
      %dma_wait3A_59 = arith.constant 0 : i32
      %dma_wait3A_60 = tpu.memref_slice %arg10[%add3A_27, %dma_wait3A_59] : memref<10000x128xf32, #tpu.memory_space<vmem_shared>> -> memref<104x128xf32, #tpu.memory_space<vmem_shared>>
      tpu.wait_dma2 semaphore(%run_scoped3A : memref<!tpu.dma_semaphore, #tpu.memory_space<semaphore_mem>>) src(%arg9 : memref<104x128xf32, #tpu.memory_space<vmem>>) dst(%dma_wait3A_60 : memref<104x128xf32, #tpu.memory_space<vmem_shared>>)
      tpu.yield
    }) : () -> ()
    %mul3A_28 = arith.constant 624 : i32
    %mul3A_29 = arith.muli %arg1, %mul3A_28 : i32
    %add3A_30 = arith.constant 520 : i32
    %add3A_31 = arith.addi %mul3A_29, %add3A_30 : i32
    "tpu.region"() ({
      %run_scoped3A = tpu.sem_alloc : memref<!tpu.dma_semaphore, #tpu.memory_space<semaphore_mem>>
      %dma_start3A = arith.constant 0 : i32
      %dma_start3A_55 = tpu.memref_slice %arg10[%add3A_31, %dma_start3A] : memref<10000x128xf32, #tpu.memory_space<vmem_shared>> -> memref<104x128xf32, #tpu.memory_space<vmem_shared>>
      %dma_start3A_56 = arith.constant 0 : i32
      %dma_start3A_57 = tpu.memref_slice %arg10[%add3A_31, %dma_start3A_56] : memref<10000x128xf32, #tpu.memory_space<vmem_shared>> -> memref<104x128xf32, #tpu.memory_space<vmem_shared>>
      tpu.enqueue_dma source(%arg9 : memref<104x128xf32, #tpu.memory_space<vmem>>) target(%dma_start3A_57 : memref<104x128xf32, #tpu.memory_space<vmem_shared>>) target_semaphore(%run_scoped3A : memref<!tpu.dma_semaphore, #tpu.memory_space<semaphore_mem>>)
      %dma_wait3A = arith.constant 0 : i32
      %dma_wait3A_58 = tpu.memref_slice %arg10[%add3A_31, %dma_wait3A] : memref<10000x128xf32, #tpu.memory_space<vmem_shared>> -> memref<104x128xf32, #tpu.memory_space<vmem_shared>>
      %dma_wait3A_59 = arith.constant 0 : i32
      %dma_wait3A_60 = tpu.memref_slice %arg10[%add3A_31, %dma_wait3A_59] : memref<10000x128xf32, #tpu.memory_space<vmem_shared>> -> memref<104x128xf32, #tpu.memory_space<vmem_shared>>
      tpu.wait_dma2 semaphore(%run_scoped3A : memref<!tpu.dma_semaphore, #tpu.memory_space<semaphore_mem>>) src(%arg9 : memref<104x128xf32, #tpu.memory_space<vmem>>) dst(%dma_wait3A_60 : memref<104x128xf32, #tpu.memory_space<vmem_shared>>)
      tpu.yield
    }) : () -> ()
    %eq3A = arith.constant 0 : i32
    %eq3A_32 = arith.cmpi eq, %arg1, %eq3A : i32
    %convert_element_type3A = arith.extui %eq3A_32 : i1 to i32
    %cond3A = arith.constant 0 : i32
    %cond3A_33 = arith.cmpi ne, %convert_element_type3A, %cond3A : i32
    scf.if %cond3A_33 {
      "tpu.region"() ({
        %run_scoped3A = tpu.sem_alloc : memref<!tpu.dma_semaphore, #tpu.memory_space<semaphore_mem>>
        %dma_start3A = arith.constant 0 : i32
        %dma_start3A_55 = arith.constant 0 : i32
        %dma_start3A_56 = tpu.memref_slice %arg9[%dma_start3A, %dma_start3A_55] : memref<104x128xf32, #tpu.memory_space<vmem>> -> memref<16x128xf32, #tpu.memory_space<vmem>>
        %dma_start3A_57 = arith.constant 9984 : i32
        %dma_start3A_58 = arith.constant 0 : i32
        %dma_start3A_59 = tpu.memref_slice %arg10[%dma_start3A_57, %dma_start3A_58] : memref<10000x128xf32, #tpu.memory_space<vmem_shared>> -> memref<16x128xf32, #tpu.memory_space<vmem_shared>>
        %dma_start3A_60 = arith.constant 9984 : i32
        %dma_start3A_61 = arith.constant 0 : i32
        %dma_start3A_62 = tpu.memref_slice %arg10[%dma_start3A_60, %dma_start3A_61] : memref<10000x128xf32, #tpu.memory_space<vmem_shared>> -> memref<16x128xf32, #tpu.memory_space<vmem_shared>>
        %dma_start3A_63 = arith.constant 0 : i32
        %dma_start3A_64 = arith.constant 0 : i32
        %dma_start3A_65 = tpu.memref_slice %arg9[%dma_start3A_63, %dma_start3A_64] : memref<104x128xf32, #tpu.memory_space<vmem>> -> memref<16x128xf32, #tpu.memory_space<vmem>>
        tpu.enqueue_dma source(%dma_start3A_65 : memref<16x128xf32, #tpu.memory_space<vmem>>) target(%dma_start3A_62 : memref<16x128xf32, #tpu.memory_space<vmem_shared>>) target_semaphore(%run_scoped3A : memref<!tpu.dma_semaphore, #tpu.memory_space<semaphore_mem>>)
        %dma_wait3A = arith.constant 0 : i32
        %dma_wait3A_66 = arith.constant 0 : i32
        %dma_wait3A_67 = tpu.memref_slice %arg9[%dma_wait3A, %dma_wait3A_66] : memref<104x128xf32, #tpu.memory_space<vmem>> -> memref<16x128xf32, #tpu.memory_space<vmem>>
        %dma_wait3A_68 = arith.constant 9984 : i32
        %dma_wait3A_69 = arith.constant 0 : i32
        %dma_wait3A_70 = tpu.memref_slice %arg10[%dma_wait3A_68, %dma_wait3A_69] : memref<10000x128xf32, #tpu.memory_space<vmem_shared>> -> memref<16x128xf32, #tpu.memory_space<vmem_shared>>
        %dma_wait3A_71 = arith.constant 9984 : i32
        %dma_wait3A_72 = arith.constant 0 : i32
        %dma_wait3A_73 = tpu.memref_slice %arg10[%dma_wait3A_71, %dma_wait3A_72] : memref<10000x128xf32, #tpu.memory_space<vmem_shared>> -> memref<16x128xf32, #tpu.memory_space<vmem_shared>>
        %dma_wait3A_74 = arith.constant 0 : i32
        %dma_wait3A_75 = arith.constant 0 : i32
        %dma_wait3A_76 = tpu.memref_slice %arg9[%dma_wait3A_74, %dma_wait3A_75] : memref<104x128xf32, #tpu.memory_space<vmem>> -> memref<16x128xf32, #tpu.memory_space<vmem>>
        tpu.wait_dma2 semaphore(%run_scoped3A : memref<!tpu.dma_semaphore, #tpu.memory_space<semaphore_mem>>) src(%dma_wait3A_76 : memref<16x128xf32, #tpu.memory_space<vmem>>) dst(%dma_wait3A_73 : memref<16x128xf32, #tpu.memory_space<vmem_shared>>)
        tpu.yield
      }) : () -> ()
    } else {
    }
    %mul3A_34 = arith.constant 80 : i32
    %mul3A_35 = arith.muli %add3A, %mul3A_34 : i32
    "tpu.region"() ({
      %run_scoped3A = tpu.sem_alloc : memref<!tpu.dma_semaphore, #tpu.memory_space<semaphore_mem>>
      %dma_start3A = arith.constant 0 : i32
      %dma_start3A_55 = tpu.memref_slice %arg3[%mul3A_35, %dma_start3A] : memref<2560x125xi32, #tpu.memory_space<hbm>> -> memref<80x125xi32, #tpu.memory_space<hbm>>
      %dma_start3A_56 = arith.constant 0 : i32
      %dma_start3A_57 = tpu.memref_slice %arg3[%mul3A_35, %dma_start3A_56] : memref<2560x125xi32, #tpu.memory_space<hbm>> -> memref<80x125xi32, #tpu.memory_space<hbm>>
      tpu.enqueue_dma source(%dma_start3A_57 : memref<80x125xi32, #tpu.memory_space<hbm>>) target(%arg6 : memref<80x125xi32, #tpu.memory_space<vmem>>) target_semaphore(%run_scoped3A : memref<!tpu.dma_semaphore, #tpu.memory_space<semaphore_mem>>)
      %dma_wait3A = arith.constant 0 : i32
      %dma_wait3A_58 = tpu.memref_slice %arg3[%mul3A_35, %dma_wait3A] : memref<2560x125xi32, #tpu.memory_space<hbm>> -> memref<80x125xi32, #tpu.memory_space<hbm>>
      %dma_wait3A_59 = arith.constant 0 : i32
      %dma_wait3A_60 = tpu.memref_slice %arg3[%mul3A_35, %dma_wait3A_59] : memref<2560x125xi32, #tpu.memory_space<hbm>> -> memref<80x125xi32, #tpu.memory_space<hbm>>
      tpu.wait_dma2 semaphore(%run_scoped3A : memref<!tpu.dma_semaphore, #tpu.memory_space<semaphore_mem>>) src(%dma_wait3A_60 : memref<80x125xi32, #tpu.memory_space<hbm>>) dst(%arg6 : memref<80x125xi32, #tpu.memory_space<vmem>>)
      tpu.yield
    }) : () -> ()
    %mul3A_36 = arith.constant 80 : i32
    %mul3A_37 = arith.muli %add3A, %mul3A_36 : i32
    "tpu.region"() ({
      %run_scoped3A = tpu.sem_alloc : memref<!tpu.dma_semaphore, #tpu.memory_space<semaphore_mem>>
      %dma_start3A = arith.constant 0 : i32
      %dma_start3A_55 = tpu.memref_slice %arg4[%mul3A_37, %dma_start3A] : memref<2560x125xi32, #tpu.memory_space<hbm>> -> memref<80x125xi32, #tpu.memory_space<hbm>>
      %dma_start3A_56 = arith.constant 0 : i32
      %dma_start3A_57 = tpu.memref_slice %arg4[%mul3A_37, %dma_start3A_56] : memref<2560x125xi32, #tpu.memory_space<hbm>> -> memref<80x125xi32, #tpu.memory_space<hbm>>
      tpu.enqueue_dma source(%dma_start3A_57 : memref<80x125xi32, #tpu.memory_space<hbm>>) target(%arg7 : memref<80x125xi32, #tpu.memory_space<vmem>>) target_semaphore(%run_scoped3A : memref<!tpu.dma_semaphore, #tpu.memory_space<semaphore_mem>>)
      %dma_wait3A = arith.constant 0 : i32
      %dma_wait3A_58 = tpu.memref_slice %arg4[%mul3A_37, %dma_wait3A] : memref<2560x125xi32, #tpu.memory_space<hbm>> -> memref<80x125xi32, #tpu.memory_space<hbm>>
      %dma_wait3A_59 = arith.constant 0 : i32
      %dma_wait3A_60 = tpu.memref_slice %arg4[%mul3A_37, %dma_wait3A_59] : memref<2560x125xi32, #tpu.memory_space<hbm>> -> memref<80x125xi32, #tpu.memory_space<hbm>>
      tpu.wait_dma2 semaphore(%run_scoped3A : memref<!tpu.dma_semaphore, #tpu.memory_space<semaphore_mem>>) src(%dma_wait3A_60 : memref<80x125xi32, #tpu.memory_space<hbm>>) dst(%arg7 : memref<80x125xi32, #tpu.memory_space<vmem>>)
      tpu.yield
    }) : () -> ()
    %barrier3A = arith.constant 0 : index
    tpu.barrier barrier_id(%barrier3A)
    %scan3A_38 = arith.constant 0 : i32
    %scan3A_39 = arith.constant 0 : i32
    %scan3A_40 = arith.constant 80 : i32
    %scan3A_41 = arith.addi %scan3A_39, %scan3A_40 : i32
    %scan3A_42 = arith.constant 1 : i32
    %scan3A_43 = scf.for %scan3A_55 = %scan3A_39 to %scan3A_41 step %scan3A_42 iter_args(%scan3A_56 = %scan3A_38) -> (i32)  : i32 {
      %dma_start3A = arith.constant 0 : i32
      %dma_start3A_57 = tpu.memref_slice %arg6[%scan3A_55, %dma_start3A] : memref<80x125xi32, #tpu.memory_space<vmem>> -> memref<1x125xi32, #tpu.memory_space<vmem>>
      %dma_start3A_58 = tpu.memref_squeeze %dma_start3A_57 : memref<1x125xi32, #tpu.memory_space<vmem>> -> memref<125xi32, #tpu.memory_space<vmem>>
      %dma_start3A_59 = arith.constant 0 : i32
      %dma_start3A_60 = arith.constant 0 : i32
      %dma_start3A_61 = tpu.memref_slice %arg2[%dma_start3A_59, %dma_start3A_60] : memref<10000x128xf32, #tpu.memory_space<hbm>> -> memref<10000x128xf32, #tpu.memory_space<hbm>>
      tpu.enqueue_indirect_dma source(%dma_start3A_61 : memref<10000x128xf32, #tpu.memory_space<hbm>>) target(%arg8 : memref<125x128xf32, #tpu.memory_space<vmem>>) offsets(%dma_start3A_58 : memref<125xi32, #tpu.memory_space<vmem>>) semaphore(%arg11 : memref<!tpu.dma_semaphore, #tpu.memory_space<semaphore_mem>>)
      %dma_wait3A = arith.constant 0 : i32
      %dma_wait3A_62 = tpu.memref_slice %arg6[%scan3A_55, %dma_wait3A] : memref<80x125xi32, #tpu.memory_space<vmem>> -> memref<1x125xi32, #tpu.memory_space<vmem>>
      %dma_wait3A_63 = tpu.memref_squeeze %dma_wait3A_62 : memref<1x125xi32, #tpu.memory_space<vmem>> -> memref<125xi32, #tpu.memory_space<vmem>>
      %dma_wait3A_64 = arith.constant 0 : i32
      %dma_wait3A_65 = arith.constant 0 : i32
      %dma_wait3A_66 = tpu.memref_slice %arg2[%dma_wait3A_64, %dma_wait3A_65] : memref<10000x128xf32, #tpu.memory_space<hbm>> -> memref<10000x128xf32, #tpu.memory_space<hbm>>
      tpu.wait_indirect_dma semaphore(%arg11 : memref<!tpu.dma_semaphore, #tpu.memory_space<semaphore_mem>>) src(%dma_wait3A_66 : memref<10000x128xf32, #tpu.memory_space<hbm>>) dst(%arg8 : memref<125x128xf32, #tpu.memory_space<vmem>>)
      "tpu.region"() ({
        %run_scoped3A = tpu.sem_alloc : memref<!tpu.dma_semaphore, #tpu.memory_space<semaphore_mem>>
        %dma_start3A_68 = arith.constant 0 : i32
        %dma_start3A_69 = tpu.memref_slice %arg7[%scan3A_55, %dma_start3A_68] : memref<80x125xi32, #tpu.memory_space<vmem>> -> memref<1x125xi32, #tpu.memory_space<vmem>>
        %dma_start3A_70 = tpu.memref_squeeze %dma_start3A_69 : memref<1x125xi32, #tpu.memory_space<vmem>> -> memref<125xi32, #tpu.memory_space<vmem>>
        %dma_start3A_71 = arith.constant 0 : i32
        %dma_start3A_72 = arith.constant 0 : i32
        %dma_start3A_73 = tpu.memref_slice %arg10[%dma_start3A_71, %dma_start3A_72] : memref<10000x128xf32, #tpu.memory_space<vmem_shared>> -> memref<10000x128xf32, #tpu.memory_space<vmem_shared>>
        tpu.enqueue_indirect_dma source(%arg8 : memref<125x128xf32, #tpu.memory_space<vmem>>) target(%dma_start3A_73 : memref<10000x128xf32, #tpu.memory_space<vmem_shared>>) offsets(%dma_start3A_70 : memref<125xi32, #tpu.memory_space<vmem>>) semaphore(%run_scoped3A : memref<!tpu.dma_semaphore, #tpu.memory_space<semaphore_mem>>) {add = true}
        %dma_wait3A_74 = arith.constant 0 : i32
        %dma_wait3A_75 = tpu.memref_slice %arg7[%scan3A_55, %dma_wait3A_74] : memref<80x125xi32, #tpu.memory_space<vmem>> -> memref<1x125xi32, #tpu.memory_space<vmem>>
        %dma_wait3A_76 = tpu.memref_squeeze %dma_wait3A_75 : memref<1x125xi32, #tpu.memory_space<vmem>> -> memref<125xi32, #tpu.memory_space<vmem>>
        %dma_wait3A_77 = arith.constant 0 : i32
        %dma_wait3A_78 = arith.constant 0 : i32
        %dma_wait3A_79 = tpu.memref_slice %arg10[%dma_wait3A_77, %dma_wait3A_78] : memref<10000x128xf32, #tpu.memory_space<vmem_shared>> -> memref<10000x128xf32, #tpu.memory_space<vmem_shared>>
        tpu.wait_indirect_dma semaphore(%run_scoped3A : memref<!tpu.dma_semaphore, #tpu.memory_space<semaphore_mem>>) src(%arg8 : memref<125x128xf32, #tpu.memory_space<vmem>>) dst(%dma_wait3A_79 : memref<10000x128xf32, #tpu.memory_space<vmem_shared>>)
        tpu.yield
      }) : () -> ()
      %scan3A_67 = arith.constant 0 : i32
      scf.yield %scan3A_67 : i32
    }
    %scan3A_44 = arith.constant 80 : i32
    %barrier3A_45 = arith.constant 0 : index
    tpu.barrier barrier_id(%barrier3A_45)
    %mul3A_46 = arith.constant 624 : i32
    %mul3A_47 = arith.muli %arg1, %mul3A_46 : i32
    %mul3A_48 = arith.constant 624 : i32
    %mul3A_49 = arith.muli %arg1, %mul3A_48 : i32
    "tpu.region"() ({
      %run_scoped3A = tpu.sem_alloc : memref<!tpu.dma_semaphore, #tpu.memory_space<semaphore_mem>>
      %dma_start3A = arith.constant 0 : i32
      %dma_start3A_55 = tpu.memref_slice %arg5[%arg0, %mul3A_49, %dma_start3A] : memref<2x10000x128xf32, #tpu.memory_space<hbm>> -> memref<1x624x128xf32, #tpu.memory_space<hbm>>
      %dma_start3A_56 = tpu.memref_squeeze %dma_start3A_55 : memref<1x624x128xf32, #tpu.memory_space<hbm>> -> memref<624x128xf32, #tpu.memory_space<hbm>>
      %dma_start3A_57 = arith.constant 0 : i32
      %dma_start3A_58 = tpu.memref_slice %arg10[%mul3A_47, %dma_start3A_57] : memref<10000x128xf32, #tpu.memory_space<vmem_shared>> -> memref<624x128xf32, #tpu.memory_space<vmem_shared>>
      tpu.enqueue_dma source(%dma_start3A_58 : memref<624x128xf32, #tpu.memory_space<vmem_shared>>) target(%dma_start3A_56 : memref<624x128xf32, #tpu.memory_space<hbm>>) target_semaphore(%run_scoped3A : memref<!tpu.dma_semaphore, #tpu.memory_space<semaphore_mem>>)
      %dma_wait3A = arith.constant 0 : i32
      %dma_wait3A_59 = tpu.memref_slice %arg5[%arg0, %mul3A_49, %dma_wait3A] : memref<2x10000x128xf32, #tpu.memory_space<hbm>> -> memref<1x624x128xf32, #tpu.memory_space<hbm>>
      %dma_wait3A_60 = tpu.memref_squeeze %dma_wait3A_59 : memref<1x624x128xf32, #tpu.memory_space<hbm>> -> memref<624x128xf32, #tpu.memory_space<hbm>>
      %dma_wait3A_61 = arith.constant 0 : i32
      %dma_wait3A_62 = tpu.memref_slice %arg10[%mul3A_47, %dma_wait3A_61] : memref<10000x128xf32, #tpu.memory_space<vmem_shared>> -> memref<624x128xf32, #tpu.memory_space<vmem_shared>>
      tpu.wait_dma2 semaphore(%run_scoped3A : memref<!tpu.dma_semaphore, #tpu.memory_space<semaphore_mem>>) src(%dma_wait3A_62 : memref<624x128xf32, #tpu.memory_space<vmem_shared>>) dst(%dma_wait3A_60 : memref<624x128xf32, #tpu.memory_space<hbm>>)
      tpu.yield
    }) : () -> ()
    %eq3A_50 = arith.constant 0 : i32
    %eq3A_51 = arith.cmpi eq, %arg1, %eq3A_50 : i32
    %convert_element_type3A_52 = arith.extui %eq3A_51 : i1 to i32
    %cond3A_53 = arith.constant 0 : i32
    %cond3A_54 = arith.cmpi ne, %convert_element_type3A_52, %cond3A_53 : i32
    scf.if %cond3A_54 {
      "tpu.region"() ({
        %run_scoped3A = tpu.sem_alloc : memref<!tpu.dma_semaphore, #tpu.memory_space<semaphore_mem>>
        %dma_start3A = arith.constant 9984 : i32
        %dma_start3A_55 = arith.constant 0 : i32
        %dma_start3A_56 = tpu.memref_slice %arg5[%arg0, %dma_start3A, %dma_start3A_55] : memref<2x10000x128xf32, #tpu.memory_space<hbm>> -> memref<1x16x128xf32, #tpu.memory_space<hbm>>
        %dma_start3A_57 = tpu.memref_squeeze %dma_start3A_56 : memref<1x16x128xf32, #tpu.memory_space<hbm>> -> memref<16x128xf32, #tpu.memory_space<hbm>>
        %dma_start3A_58 = arith.constant 9984 : i32
        %dma_start3A_59 = arith.constant 0 : i32
        %dma_start3A_60 = tpu.memref_slice %arg10[%dma_start3A_58, %dma_start3A_59] : memref<10000x128xf32, #tpu.memory_space<vmem_shared>> -> memref<16x128xf32, #tpu.memory_space<vmem_shared>>
        tpu.enqueue_dma source(%dma_start3A_60 : memref<16x128xf32, #tpu.memory_space<vmem_shared>>) target(%dma_start3A_57 : memref<16x128xf32, #tpu.memory_space<hbm>>) target_semaphore(%run_scoped3A : memref<!tpu.dma_semaphore, #tpu.memory_space<semaphore_mem>>)
        %dma_wait3A = arith.constant 9984 : i32
        %dma_wait3A_61 = arith.constant 0 : i32
        %dma_wait3A_62 = tpu.memref_slice %arg5[%arg0, %dma_wait3A, %dma_wait3A_61] : memref<2x10000x128xf32, #tpu.memory_space<hbm>> -> memref<1x16x128xf32, #tpu.memory_space<hbm>>
        %dma_wait3A_63 = tpu.memref_squeeze %dma_wait3A_62 : memref<1x16x128xf32, #tpu.memory_space<hbm>> -> memref<16x128xf32, #tpu.memory_space<hbm>>
        %dma_wait3A_64 = arith.constant 9984 : i32
        %dma_wait3A_65 = arith.constant 0 : i32
        %dma_wait3A_66 = tpu.memref_slice %arg10[%dma_wait3A_64, %dma_wait3A_65] : memref<10000x128xf32, #tpu.memory_space<vmem_shared>> -> memref<16x128xf32, #tpu.memory_space<vmem_shared>>
        tpu.wait_dma2 semaphore(%run_scoped3A : memref<!tpu.dma_semaphore, #tpu.memory_space<semaphore_mem>>) src(%dma_wait3A_66 : memref<16x128xf32, #tpu.memory_space<vmem_shared>>) dst(%dma_wait3A_63 : memref<16x128xf32, #tpu.memory_space<hbm>>)
        tpu.yield
      }) : () -> ()
    } else {
    }
    return
  }
}

#map = affine_map<(d0, d1) -> (0, 0, 0)>
#map1 = affine_map<(d0, d1) -> (0, 0, 0, 0)>
module attributes {stable_mosaic.version = 14 : i64} {
  func.func @_sc_degree(%arg0: i32, %arg1: i32, %arg2: memref<32x625x16xi32, #tpu.memory_space<hbm>>, %arg3: memref<2x16x100x128xf32, #tpu.memory_space<hbm>>, %arg4: memref<625x16xi32, #tpu.memory_space<vmem>>, %arg5: memref<100x128xf32, #tpu.memory_space<vmem>>) attributes {dimension_semantics = [#tpu.dimension_semantics<core_parallel>, #tpu.dimension_semantics<subcore_parallel>], iteration_bounds = array<i64: 2, 16>, scalar_prefetch = 0 : i64, scratch_operands = 2 : i64, tpu.core_type = #tpu.core_type<sc_vector_subcore>, window_params = [{transform_indices = #map}, {transform_indices = #map1}]} {
    %mul3A = arith.constant 16 : i32
    %mul3A_0 = arith.muli %arg0, %mul3A : i32
    %add3A = arith.addi %mul3A_0, %arg1 : i32
    %broadcast_in_dim3A = arith.constant 0.000000e+00 : f32
    %broadcast_in_dim3A_1 = vector.broadcast %broadcast_in_dim3A : f32 to vector<16xf32>
    %scan3A = arith.constant 0 : i32
    %scan3A_2 = arith.constant 0 : i32
    %scan3A_3 = arith.constant 100 : i32
    %scan3A_4 = arith.addi %scan3A_2, %scan3A_3 : i32
    %scan3A_5 = arith.constant 1 : i32
    %scan3A_6 = scf.for %scan3A_19 = %scan3A_2 to %scan3A_4 step %scan3A_5 iter_args(%scan3A_20 = %scan3A) -> (i32)  : i32 {
      %swap3A = arith.index_cast %scan3A_19 : i32 to index
      %swap3A_21 = arith.constant 0 : index
      %swap3A_22 = tpu.vector_load %arg5[%swap3A, %swap3A_21] {strides = array<i32>} : memref<100x128xf32, #tpu.memory_space<vmem>>, vector<16xf32>,
      tpu.vector_store %arg5[%swap3A, %swap3A_21], %broadcast_in_dim3A_1 {strides = array<i32>} : memref<100x128xf32, #tpu.memory_space<vmem>>, vector<16xf32>,
      %swap3A_23 = arith.index_cast %scan3A_19 : i32 to index
      %swap3A_24 = arith.constant 16 : index
      %swap3A_25 = tpu.vector_load %arg5[%swap3A_23, %swap3A_24] {strides = array<i32>} : memref<100x128xf32, #tpu.memory_space<vmem>>, vector<16xf32>,
      tpu.vector_store %arg5[%swap3A_23, %swap3A_24], %broadcast_in_dim3A_1 {strides = array<i32>} : memref<100x128xf32, #tpu.memory_space<vmem>>, vector<16xf32>,
      %swap3A_26 = arith.index_cast %scan3A_19 : i32 to index
      %swap3A_27 = arith.constant 32 : index
      %swap3A_28 = tpu.vector_load %arg5[%swap3A_26, %swap3A_27] {strides = array<i32>} : memref<100x128xf32, #tpu.memory_space<vmem>>, vector<16xf32>,
      tpu.vector_store %arg5[%swap3A_26, %swap3A_27], %broadcast_in_dim3A_1 {strides = array<i32>} : memref<100x128xf32, #tpu.memory_space<vmem>>, vector<16xf32>,
      %swap3A_29 = arith.index_cast %scan3A_19 : i32 to index
      %swap3A_30 = arith.constant 48 : index
      %swap3A_31 = tpu.vector_load %arg5[%swap3A_29, %swap3A_30] {strides = array<i32>} : memref<100x128xf32, #tpu.memory_space<vmem>>, vector<16xf32>,
      tpu.vector_store %arg5[%swap3A_29, %swap3A_30], %broadcast_in_dim3A_1 {strides = array<i32>} : memref<100x128xf32, #tpu.memory_space<vmem>>, vector<16xf32>,
      %swap3A_32 = arith.index_cast %scan3A_19 : i32 to index
      %swap3A_33 = arith.constant 64 : index
      %swap3A_34 = tpu.vector_load %arg5[%swap3A_32, %swap3A_33] {strides = array<i32>} : memref<100x128xf32, #tpu.memory_space<vmem>>, vector<16xf32>,
      tpu.vector_store %arg5[%swap3A_32, %swap3A_33], %broadcast_in_dim3A_1 {strides = array<i32>} : memref<100x128xf32, #tpu.memory_space<vmem>>, vector<16xf32>,
      %swap3A_35 = arith.index_cast %scan3A_19 : i32 to index
      %swap3A_36 = arith.constant 80 : index
      %swap3A_37 = tpu.vector_load %arg5[%swap3A_35, %swap3A_36] {strides = array<i32>} : memref<100x128xf32, #tpu.memory_space<vmem>>, vector<16xf32>,
      tpu.vector_store %arg5[%swap3A_35, %swap3A_36], %broadcast_in_dim3A_1 {strides = array<i32>} : memref<100x128xf32, #tpu.memory_space<vmem>>, vector<16xf32>,
      %swap3A_38 = arith.index_cast %scan3A_19 : i32 to index
      %swap3A_39 = arith.constant 96 : index
      %swap3A_40 = tpu.vector_load %arg5[%swap3A_38, %swap3A_39] {strides = array<i32>} : memref<100x128xf32, #tpu.memory_space<vmem>>, vector<16xf32>,
      tpu.vector_store %arg5[%swap3A_38, %swap3A_39], %broadcast_in_dim3A_1 {strides = array<i32>} : memref<100x128xf32, #tpu.memory_space<vmem>>, vector<16xf32>,
      %swap3A_41 = arith.index_cast %scan3A_19 : i32 to index
      %swap3A_42 = arith.constant 112 : index
      %swap3A_43 = tpu.vector_load %arg5[%swap3A_41, %swap3A_42] {strides = array<i32>} : memref<100x128xf32, #tpu.memory_space<vmem>>, vector<16xf32>,
      tpu.vector_store %arg5[%swap3A_41, %swap3A_42], %broadcast_in_dim3A_1 {strides = array<i32>} : memref<100x128xf32, #tpu.memory_space<vmem>>, vector<16xf32>,
      %scan3A_44 = arith.constant 0 : i32
      scf.yield %scan3A_44 : i32
    }
    %scan3A_7 = arith.constant 100 : i32
    "tpu.region"() ({
      %run_scoped3A = tpu.sem_alloc : memref<!tpu.dma_semaphore, #tpu.memory_space<semaphore_mem>>
      %dma_start3A = arith.constant 0 : i32
      %dma_start3A_19 = arith.constant 0 : i32
      %dma_start3A_20 = tpu.memref_slice %arg2[%add3A, %dma_start3A, %dma_start3A_19] : memref<32x625x16xi32, #tpu.memory_space<hbm>> -> memref<1x625x16xi32, #tpu.memory_space<hbm>>
      %dma_start3A_21 = tpu.memref_squeeze %dma_start3A_20 : memref<1x625x16xi32, #tpu.memory_space<hbm>> -> memref<625x16xi32, #tpu.memory_space<hbm>>
      %dma_start3A_22 = arith.constant 0 : i32
      %dma_start3A_23 = arith.constant 0 : i32
      %dma_start3A_24 = tpu.memref_slice %arg2[%add3A, %dma_start3A_22, %dma_start3A_23] : memref<32x625x16xi32, #tpu.memory_space<hbm>> -> memref<1x625x16xi32, #tpu.memory_space<hbm>>
      %dma_start3A_25 = tpu.memref_squeeze %dma_start3A_24 : memref<1x625x16xi32, #tpu.memory_space<hbm>> -> memref<625x16xi32, #tpu.memory_space<hbm>>
      tpu.enqueue_dma source(%dma_start3A_25 : memref<625x16xi32, #tpu.memory_space<hbm>>) target(%arg4 : memref<625x16xi32, #tpu.memory_space<vmem>>) target_semaphore(%run_scoped3A : memref<!tpu.dma_semaphore, #tpu.memory_space<semaphore_mem>>)
      %dma_wait3A = arith.constant 0 : i32
      %dma_wait3A_26 = arith.constant 0 : i32
      %dma_wait3A_27 = tpu.memref_slice %arg2[%add3A, %dma_wait3A, %dma_wait3A_26] : memref<32x625x16xi32, #tpu.memory_space<hbm>> -> memref<1x625x16xi32, #tpu.memory_space<hbm>>
      %dma_wait3A_28 = tpu.memref_squeeze %dma_wait3A_27 : memref<1x625x16xi32, #tpu.memory_space<hbm>> -> memref<625x16xi32, #tpu.memory_space<hbm>>
      %dma_wait3A_29 = arith.constant 0 : i32
      %dma_wait3A_30 = arith.constant 0 : i32
      %dma_wait3A_31 = tpu.memref_slice %arg2[%add3A, %dma_wait3A_29, %dma_wait3A_30] : memref<32x625x16xi32, #tpu.memory_space<hbm>> -> memref<1x625x16xi32, #tpu.memory_space<hbm>>
      %dma_wait3A_32 = tpu.memref_squeeze %dma_wait3A_31 : memref<1x625x16xi32, #tpu.memory_space<hbm>> -> memref<625x16xi32, #tpu.memory_space<hbm>>
      tpu.wait_dma2 semaphore(%run_scoped3A : memref<!tpu.dma_semaphore, #tpu.memory_space<semaphore_mem>>) src(%dma_wait3A_32 : memref<625x16xi32, #tpu.memory_space<hbm>>) dst(%arg4 : memref<625x16xi32, #tpu.memory_space<vmem>>)
      tpu.yield
    }) : () -> ()
    %broadcast_in_dim3A_8 = arith.constant 1.000000e+00 : f32
    %broadcast_in_dim3A_9 = vector.broadcast %broadcast_in_dim3A_8 : f32 to vector<16xf32>
    %broadcast_in_dim3A_10 = arith.constant 100 : i32
    %broadcast_in_dim3A_11 = vector.broadcast %broadcast_in_dim3A_10 : i32 to vector<16xi32>
    %scan3A_12 = arith.constant 0 : i32
    %scan3A_13 = arith.constant 0 : i32
    %scan3A_14 = arith.constant 625 : i32
    %scan3A_15 = arith.addi %scan3A_13, %scan3A_14 : i32
    %scan3A_16 = arith.constant 1 : i32
    %scan3A_17 = scf.for %scan3A_19 = %scan3A_13 to %scan3A_15 step %scan3A_16 iter_args(%scan3A_20 = %scan3A_12) -> (i32)  : i32 {
      %get3A = arith.index_cast %scan3A_19 : i32 to index
      %get3A_21 = arith.constant 0 : index
      %get3A_22 = tpu.vector_load %arg4[%get3A, %get3A_21] {strides = array<i32>} : memref<625x16xi32, #tpu.memory_space<vmem>>, vector<16xi32>,
      %div3A = arith.divsi %get3A_22, %broadcast_in_dim3A_11 : vector<16xi32>
      %rem3A = arith.remsi %get3A_22, %broadcast_in_dim3A_11 : vector<16xi32>
      tpu.vector_store_idx %arg5[%div3A, %rem3A], %broadcast_in_dim3A_9 {add = true} : memref<100x128xf32, #tpu.memory_space<vmem>>[vector<16xi32>, vector<16xi32>], vector<16xf32>,
      %scan3A_23 = arith.constant 0 : i32
      scf.yield %scan3A_23 : i32
    }
    %scan3A_18 = arith.constant 625 : i32
    "tpu.region"() ({
      %run_scoped3A = tpu.sem_alloc : memref<!tpu.dma_semaphore, #tpu.memory_space<semaphore_mem>>
      %dma_start3A = arith.constant 0 : i32
      %dma_start3A_19 = arith.constant 0 : i32
      %dma_start3A_20 = tpu.memref_slice %arg3[%arg0, %arg1, %dma_start3A, %dma_start3A_19] : memref<2x16x100x128xf32, #tpu.memory_space<hbm>> -> memref<1x1x100x128xf32, #tpu.memory_space<hbm>>
      %dma_start3A_21 = tpu.memref_squeeze %dma_start3A_20 : memref<1x1x100x128xf32, #tpu.memory_space<hbm>> -> memref<100x128xf32, #tpu.memory_space<hbm>>
      %dma_start3A_22 = arith.constant 0 : i32
      %dma_start3A_23 = arith.constant 0 : i32
      %dma_start3A_24 = tpu.memref_slice %arg3[%arg0, %arg1, %dma_start3A_22, %dma_start3A_23] : memref<2x16x100x128xf32, #tpu.memory_space<hbm>> -> memref<1x1x100x128xf32, #tpu.memory_space<hbm>>
      %dma_start3A_25 = tpu.memref_squeeze %dma_start3A_24 : memref<1x1x100x128xf32, #tpu.memory_space<hbm>> -> memref<100x128xf32, #tpu.memory_space<hbm>>
      tpu.enqueue_dma source(%arg5 : memref<100x128xf32, #tpu.memory_space<vmem>>) target(%dma_start3A_25 : memref<100x128xf32, #tpu.memory_space<hbm>>) target_semaphore(%run_scoped3A : memref<!tpu.dma_semaphore, #tpu.memory_space<semaphore_mem>>)
      %dma_wait3A = arith.constant 0 : i32
      %dma_wait3A_26 = arith.constant 0 : i32
      %dma_wait3A_27 = tpu.memref_slice %arg3[%arg0, %arg1, %dma_wait3A, %dma_wait3A_26] : memref<2x16x100x128xf32, #tpu.memory_space<hbm>> -> memref<1x1x100x128xf32, #tpu.memory_space<hbm>>
      %dma_wait3A_28 = tpu.memref_squeeze %dma_wait3A_27 : memref<1x1x100x128xf32, #tpu.memory_space<hbm>> -> memref<100x128xf32, #tpu.memory_space<hbm>>
      %dma_wait3A_29 = arith.constant 0 : i32
      %dma_wait3A_30 = arith.constant 0 : i32
      %dma_wait3A_31 = tpu.memref_slice %arg3[%arg0, %arg1, %dma_wait3A_29, %dma_wait3A_30] : memref<2x16x100x128xf32, #tpu.memory_space<hbm>> -> memref<1x1x100x128xf32, #tpu.memory_space<hbm>>
      %dma_wait3A_32 = tpu.memref_squeeze %dma_wait3A_31 : memref<1x1x100x128xf32, #tpu.memory_space<hbm>> -> memref<100x128xf32, #tpu.memory_space<hbm>>
      tpu.wait_dma2 semaphore(%run_scoped3A : memref<!tpu.dma_semaphore, #tpu.memory_space<semaphore_mem>>) src(%arg5 : memref<100x128xf32, #tpu.memory_space<vmem>>) dst(%dma_wait3A_32 : memref<100x128xf32, #tpu.memory_space<hbm>>)
      tpu.yield
    }) : () -> ()
    return
  }
}

#map = affine_map<(d0, d1) -> (0, 0)>
#map1 = affine_map<(d0, d1) -> (0, 0, 0)>
module attributes {stable_mosaic.version = 14 : i64} {
  func.func @_sc_edge_sum(%arg0: i32, %arg1: i32, %arg2: memref<10000x128xf32, #tpu.memory_space<hbm>>, %arg3: memref<2560x125xi32, #tpu.memory_space<hbm>>, %arg4: memref<2560x125xi32, #tpu.memory_space<hbm>>, %arg5: memref<2x10000x128xf32, #tpu.memory_space<hbm>>, %arg6: memref<80x125xi32, #tpu.memory_space<vmem>>, %arg7: memref<80x125xi32, #tpu.memory_space<vmem>>, %arg8: memref<125x128xf32, #tpu.memory_space<vmem>>, %arg9: memref<104x128xf32, #tpu.memory_space<vmem>>, %arg10: memref<10000x128xf32, #tpu.memory_space<vmem_shared>>, %arg11: memref<!tpu.dma_semaphore, #tpu.memory_space<semaphore_mem>>) attributes {dimension_semantics = [#tpu.dimension_semantics<core_parallel>, #tpu.dimension_semantics<subcore_parallel>], iteration_bounds = array<i64: 2, 16>, scalar_prefetch = 0 : i64, scratch_operands = 6 : i64, tpu.core_type = #tpu.core_type<sc_vector_subcore>, window_params = [{transform_indices = #map}, {transform_indices = #map}, {transform_indices = #map}, {transform_indices = #map1}]} {
    %mul3A = arith.constant 16 : i32
    %mul3A_0 = arith.muli %arg0, %mul3A : i32
    %add3A = arith.addi %mul3A_0, %arg1 : i32
    %broadcast_in_dim3A = arith.constant 0.000000e+00 : f32
    %broadcast_in_dim3A_1 = vector.broadcast %broadcast_in_dim3A : f32 to vector<16xf32>
    %scan3A = arith.constant 0 : i32
    %scan3A_2 = arith.constant 0 : i32
    %scan3A_3 = arith.constant 104 : i32
    %scan3A_4 = arith.addi %scan3A_2, %scan3A_3 : i32
    %scan3A_5 = arith.constant 1 : i32
    %scan3A_6 = scf.for %scan3A_55 = %scan3A_2 to %scan3A_4 step %scan3A_5 iter_args(%scan3A_56 = %scan3A) -> (i32)  : i32 {
      %swap3A = arith.index_cast %scan3A_55 : i32 to index
      %swap3A_57 = arith.constant 0 : index
      %swap3A_58 = tpu.vector_load %arg9[%swap3A, %swap3A_57] {strides = array<i32>} : memref<104x128xf32, #tpu.memory_space<vmem>>, vector<1x16xf32>,
      %swap3A_59 = vector.shape_cast %swap3A_58 : vector<1x16xf32> to vector<16xf32>
      %swap3A_60 = vector.shape_cast %broadcast_in_dim3A_1 : vector<16xf32> to vector<1x16xf32>
      tpu.vector_store %arg9[%swap3A, %swap3A_57], %swap3A_60 {strides = array<i32>} : memref<104x128xf32, #tpu.memory_space<vmem>>, vector<1x16xf32>,
      %swap3A_61 = arith.index_cast %scan3A_55 : i32 to index
      %swap3A_62 = arith.constant 16 : index
      %swap3A_63 = tpu.vector_load %arg9[%swap3A_61, %swap3A_62] {strides = array<i32>} : memref<104x128xf32, #tpu.memory_space<vmem>>, vector<1x16xf32>,
      %swap3A_64 = vector.shape_cast %swap3A_63 : vector<1x16xf32> to vector<16xf32>
      %swap3A_65 = vector.shape_cast %broadcast_in_dim3A_1 : vector<16xf32> to vector<1x16xf32>
      tpu.vector_store %arg9[%swap3A_61, %swap3A_62], %swap3A_65 {strides = array<i32>} : memref<104x128xf32, #tpu.memory_space<vmem>>, vector<1x16xf32>,
      %swap3A_66 = arith.index_cast %scan3A_55 : i32 to index
      %swap3A_67 = arith.constant 32 : index
      %swap3A_68 = tpu.vector_load %arg9[%swap3A_66, %swap3A_67] {strides = array<i32>} : memref<104x128xf32, #tpu.memory_space<vmem>>, vector<1x16xf32>,
      %swap3A_69 = vector.shape_cast %swap3A_68 : vector<1x16xf32> to vector<16xf32>
      %swap3A_70 = vector.shape_cast %broadcast_in_dim3A_1 : vector<16xf32> to vector<1x16xf32>
      tpu.vector_store %arg9[%swap3A_66, %swap3A_67], %swap3A_70 {strides = array<i32>} : memref<104x128xf32, #tpu.memory_space<vmem>>, vector<1x16xf32>,
      %swap3A_71 = arith.index_cast %scan3A_55 : i32 to index
      %swap3A_72 = arith.constant 48 : index
      %swap3A_73 = tpu.vector_load %arg9[%swap3A_71, %swap3A_72] {strides = array<i32>} : memref<104x128xf32, #tpu.memory_space<vmem>>, vector<1x16xf32>,
      %swap3A_74 = vector.shape_cast %swap3A_73 : vector<1x16xf32> to vector<16xf32>
      %swap3A_75 = vector.shape_cast %broadcast_in_dim3A_1 : vector<16xf32> to vector<1x16xf32>
      tpu.vector_store %arg9[%swap3A_71, %swap3A_72], %swap3A_75 {strides = array<i32>} : memref<104x128xf32, #tpu.memory_space<vmem>>, vector<1x16xf32>,
      %swap3A_76 = arith.index_cast %scan3A_55 : i32 to index
      %swap3A_77 = arith.constant 64 : index
      %swap3A_78 = tpu.vector_load %arg9[%swap3A_76, %swap3A_77] {strides = array<i32>} : memref<104x128xf32, #tpu.memory_space<vmem>>, vector<1x16xf32>,
      %swap3A_79 = vector.shape_cast %swap3A_78 : vector<1x16xf32> to vector<16xf32>
      %swap3A_80 = vector.shape_cast %broadcast_in_dim3A_1 : vector<16xf32> to vector<1x16xf32>
      tpu.vector_store %arg9[%swap3A_76, %swap3A_77], %swap3A_80 {strides = array<i32>} : memref<104x128xf32, #tpu.memory_space<vmem>>, vector<1x16xf32>,
      %swap3A_81 = arith.index_cast %scan3A_55 : i32 to index
      %swap3A_82 = arith.constant 80 : index
      %swap3A_83 = tpu.vector_load %arg9[%swap3A_81, %swap3A_82] {strides = array<i32>} : memref<104x128xf32, #tpu.memory_space<vmem>>, vector<1x16xf32>,
      %swap3A_84 = vector.shape_cast %swap3A_83 : vector<1x16xf32> to vector<16xf32>
      %swap3A_85 = vector.shape_cast %broadcast_in_dim3A_1 : vector<16xf32> to vector<1x16xf32>
      tpu.vector_store %arg9[%swap3A_81, %swap3A_82], %swap3A_85 {strides = array<i32>} : memref<104x128xf32, #tpu.memory_space<vmem>>, vector<1x16xf32>,
      %swap3A_86 = arith.index_cast %scan3A_55 : i32 to index
      %swap3A_87 = arith.constant 96 : index
      %swap3A_88 = tpu.vector_load %arg9[%swap3A_86, %swap3A_87] {strides = array<i32>} : memref<104x128xf32, #tpu.memory_space<vmem>>, vector<1x16xf32>,
      %swap3A_89 = vector.shape_cast %swap3A_88 : vector<1x16xf32> to vector<16xf32>
      %swap3A_90 = vector.shape_cast %broadcast_in_dim3A_1 : vector<16xf32> to vector<1x16xf32>
      tpu.vector_store %arg9[%swap3A_86, %swap3A_87], %swap3A_90 {strides = array<i32>} : memref<104x128xf32, #tpu.memory_space<vmem>>, vector<1x16xf32>,
      %swap3A_91 = arith.index_cast %scan3A_55 : i32 to index
      %swap3A_92 = arith.constant 112 : index
      %swap3A_93 = tpu.vector_load %arg9[%swap3A_91, %swap3A_92] {strides = array<i32>} : memref<104x128xf32, #tpu.memory_space<vmem>>, vector<1x16xf32>,
      %swap3A_94 = vector.shape_cast %swap3A_93 : vector<1x16xf32> to vector<16xf32>
      %swap3A_95 = vector.shape_cast %broadcast_in_dim3A_1 : vector<16xf32> to vector<1x16xf32>
      tpu.vector_store %arg9[%swap3A_91, %swap3A_92], %swap3A_95 {strides = array<i32>} : memref<104x128xf32, #tpu.memory_space<vmem>>, vector<1x16xf32>,
      %scan3A_96 = arith.constant 0 : i32
      scf.yield %scan3A_96 : i32
    }
    %scan3A_7 = arith.constant 104 : i32
    %mul3A_8 = arith.constant 624 : i32
    %mul3A_9 = arith.muli %arg1, %mul3A_8 : i32
    %add3A_10 = arith.constant 0 : i32
    %add3A_11 = arith.addi %mul3A_9, %add3A_10 : i32
    "tpu.region"() ({
      %run_scoped3A = tpu.sem_alloc : memref<!tpu.dma_semaphore, #tpu.memory_space<semaphore_mem>>
      %dma_start3A = arith.constant 0 : i32
      %dma_start3A_55 = tpu.memref_slice %arg10[%add3A_11, %dma_start3A] : memref<10000x128xf32, #tpu.memory_space<vmem_shared>> -> memref<104x128xf32, #tpu.memory_space<vmem_shared>>
      %dma_start3A_56 = arith.constant 0 : i32
      %dma_start3A_57 = tpu.memref_slice %arg10[%add3A_11, %dma_start3A_56] : memref<10000x128xf32, #tpu.memory_space<vmem_shared>> -> memref<104x128xf32, #tpu.memory_space<vmem_shared>>
      tpu.enqueue_dma source(%arg9 : memref<104x128xf32, #tpu.memory_space<vmem>>) target(%dma_start3A_57 : memref<104x128xf32, #tpu.memory_space<vmem_shared>>) target_semaphore(%run_scoped3A : memref<!tpu.dma_semaphore, #tpu.memory_space<semaphore_mem>>)
      %dma_wait3A = arith.constant 0 : i32
      %dma_wait3A_58 = tpu.memref_slice %arg10[%add3A_11, %dma_wait3A] : memref<10000x128xf32, #tpu.memory_space<vmem_shared>> -> memref<104x128xf32, #tpu.memory_space<vmem_shared>>
      %dma_wait3A_59 = arith.constant 0 : i32
      %dma_wait3A_60 = tpu.memref_slice %arg10[%add3A_11, %dma_wait3A_59] : memref<10000x128xf32, #tpu.memory_space<vmem_shared>> -> memref<104x128xf32, #tpu.memory_space<vmem_shared>>
      tpu.wait_dma2 semaphore(%run_scoped3A : memref<!tpu.dma_semaphore, #tpu.memory_space<semaphore_mem>>) src(%arg9 : memref<104x128xf32, #tpu.memory_space<vmem>>) dst(%dma_wait3A_60 : memref<104x128xf32, #tpu.memory_space<vmem_shared>>)
      tpu.yield
    }) : () -> ()
    %mul3A_12 = arith.constant 624 : i32
    %mul3A_13 = arith.muli %arg1, %mul3A_12 : i32
    %add3A_14 = arith.constant 104 : i32
    %add3A_15 = arith.addi %mul3A_13, %add3A_14 : i32
    "tpu.region"() ({
      %run_scoped3A = tpu.sem_alloc : memref<!tpu.dma_semaphore, #tpu.memory_space<semaphore_mem>>
      %dma_start3A = arith.constant 0 : i32
      %dma_start3A_55 = tpu.memref_slice %arg10[%add3A_15, %dma_start3A] : memref<10000x128xf32, #tpu.memory_space<vmem_shared>> -> memref<104x128xf32, #tpu.memory_space<vmem_shared>>
      %dma_start3A_56 = arith.constant 0 : i32
      %dma_start3A_57 = tpu.memref_slice %arg10[%add3A_15, %dma_start3A_56] : memref<10000x128xf32, #tpu.memory_space<vmem_shared>> -> memref<104x128xf32, #tpu.memory_space<vmem_shared>>
      tpu.enqueue_dma source(%arg9 : memref<104x128xf32, #tpu.memory_space<vmem>>) target(%dma_start3A_57 : memref<104x128xf32, #tpu.memory_space<vmem_shared>>) target_semaphore(%run_scoped3A : memref<!tpu.dma_semaphore, #tpu.memory_space<semaphore_mem>>)
      %dma_wait3A = arith.constant 0 : i32
      %dma_wait3A_58 = tpu.memref_slice %arg10[%add3A_15, %dma_wait3A] : memref<10000x128xf32, #tpu.memory_space<vmem_shared>> -> memref<104x128xf32, #tpu.memory_space<vmem_shared>>
      %dma_wait3A_59 = arith.constant 0 : i32
      %dma_wait3A_60 = tpu.memref_slice %arg10[%add3A_15, %dma_wait3A_59] : memref<10000x128xf32, #tpu.memory_space<vmem_shared>> -> memref<104x128xf32, #tpu.memory_space<vmem_shared>>
      tpu.wait_dma2 semaphore(%run_scoped3A : memref<!tpu.dma_semaphore, #tpu.memory_space<semaphore_mem>>) src(%arg9 : memref<104x128xf32, #tpu.memory_space<vmem>>) dst(%dma_wait3A_60 : memref<104x128xf32, #tpu.memory_space<vmem_shared>>)
      tpu.yield
    }) : () -> ()
    %mul3A_16 = arith.constant 624 : i32
    %mul3A_17 = arith.muli %arg1, %mul3A_16 : i32
    %add3A_18 = arith.constant 208 : i32
    %add3A_19 = arith.addi %mul3A_17, %add3A_18 : i32
    "tpu.region"() ({
      %run_scoped3A = tpu.sem_alloc : memref<!tpu.dma_semaphore, #tpu.memory_space<semaphore_mem>>
      %dma_start3A = arith.constant 0 : i32
      %dma_start3A_55 = tpu.memref_slice %arg10[%add3A_19, %dma_start3A] : memref<10000x128xf32, #tpu.memory_space<vmem_shared>> -> memref<104x128xf32, #tpu.memory_space<vmem_shared>>
      %dma_start3A_56 = arith.constant 0 : i32
      %dma_start3A_57 = tpu.memref_slice %arg10[%add3A_19, %dma_start3A_56] : memref<10000x128xf32, #tpu.memory_space<vmem_shared>> -> memref<104x128xf32, #tpu.memory_space<vmem_shared>>
      tpu.enqueue_dma source(%arg9 : memref<104x128xf32, #tpu.memory_space<vmem>>) target(%dma_start3A_57 : memref<104x128xf32, #tpu.memory_space<vmem_shared>>) target_semaphore(%run_scoped3A : memref<!tpu.dma_semaphore, #tpu.memory_space<semaphore_mem>>)
      %dma_wait3A = arith.constant 0 : i32
      %dma_wait3A_58 = tpu.memref_slice %arg10[%add3A_19, %dma_wait3A] : memref<10000x128xf32, #tpu.memory_space<vmem_shared>> -> memref<104x128xf32, #tpu.memory_space<vmem_shared>>
      %dma_wait3A_59 = arith.constant 0 : i32
      %dma_wait3A_60 = tpu.memref_slice %arg10[%add3A_19, %dma_wait3A_59] : memref<10000x128xf32, #tpu.memory_space<vmem_shared>> -> memref<104x128xf32, #tpu.memory_space<vmem_shared>>
      tpu.wait_dma2 semaphore(%run_scoped3A : memref<!tpu.dma_semaphore, #tpu.memory_space<semaphore_mem>>) src(%arg9 : memref<104x128xf32, #tpu.memory_space<vmem>>) dst(%dma_wait3A_60 : memref<104x128xf32, #tpu.memory_space<vmem_shared>>)
      tpu.yield
    }) : () -> ()
    %mul3A_20 = arith.constant 624 : i32
    %mul3A_21 = arith.muli %arg1, %mul3A_20 : i32
    %add3A_22 = arith.constant 312 : i32
    %add3A_23 = arith.addi %mul3A_21, %add3A_22 : i32
    "tpu.region"() ({
      %run_scoped3A = tpu.sem_alloc : memref<!tpu.dma_semaphore, #tpu.memory_space<semaphore_mem>>
      %dma_start3A = arith.constant 0 : i32
      %dma_start3A_55 = tpu.memref_slice %arg10[%add3A_23, %dma_start3A] : memref<10000x128xf32, #tpu.memory_space<vmem_shared>> -> memref<104x128xf32, #tpu.memory_space<vmem_shared>>
      %dma_start3A_56 = arith.constant 0 : i32
      %dma_start3A_57 = tpu.memref_slice %arg10[%add3A_23, %dma_start3A_56] : memref<10000x128xf32, #tpu.memory_space<vmem_shared>> -> memref<104x128xf32, #tpu.memory_space<vmem_shared>>
      tpu.enqueue_dma source(%arg9 : memref<104x128xf32, #tpu.memory_space<vmem>>) target(%dma_start3A_57 : memref<104x128xf32, #tpu.memory_space<vmem_shared>>) target_semaphore(%run_scoped3A : memref<!tpu.dma_semaphore, #tpu.memory_space<semaphore_mem>>)
      %dma_wait3A = arith.constant 0 : i32
      %dma_wait3A_58 = tpu.memref_slice %arg10[%add3A_23, %dma_wait3A] : memref<10000x128xf32, #tpu.memory_space<vmem_shared>> -> memref<104x128xf32, #tpu.memory_space<vmem_shared>>
      %dma_wait3A_59 = arith.constant 0 : i32
      %dma_wait3A_60 = tpu.memref_slice %arg10[%add3A_23, %dma_wait3A_59] : memref<10000x128xf32, #tpu.memory_space<vmem_shared>> -> memref<104x128xf32, #tpu.memory_space<vmem_shared>>
      tpu.wait_dma2 semaphore(%run_scoped3A : memref<!tpu.dma_semaphore, #tpu.memory_space<semaphore_mem>>) src(%arg9 : memref<104x128xf32, #tpu.memory_space<vmem>>) dst(%dma_wait3A_60 : memref<104x128xf32, #tpu.memory_space<vmem_shared>>)
      tpu.yield
    }) : () -> ()
    %mul3A_24 = arith.constant 624 : i32
    %mul3A_25 = arith.muli %arg1, %mul3A_24 : i32
    %add3A_26 = arith.constant 416 : i32
    %add3A_27 = arith.addi %mul3A_25, %add3A_26 : i32
    "tpu.region"() ({
      %run_scoped3A = tpu.sem_alloc : memref<!tpu.dma_semaphore, #tpu.memory_space<semaphore_mem>>
      %dma_start3A = arith.constant 0 : i32
      %dma_start3A_55 = tpu.memref_slice %arg10[%add3A_27, %dma_start3A] : memref<10000x128xf32, #tpu.memory_space<vmem_shared>> -> memref<104x128xf32, #tpu.memory_space<vmem_shared>>
      %dma_start3A_56 = arith.constant 0 : i32
      %dma_start3A_57 = tpu.memref_slice %arg10[%add3A_27, %dma_start3A_56] : memref<10000x128xf32, #tpu.memory_space<vmem_shared>> -> memref<104x128xf32, #tpu.memory_space<vmem_shared>>
      tpu.enqueue_dma source(%arg9 : memref<104x128xf32, #tpu.memory_space<vmem>>) target(%dma_start3A_57 : memref<104x128xf32, #tpu.memory_space<vmem_shared>>) target_semaphore(%run_scoped3A : memref<!tpu.dma_semaphore, #tpu.memory_space<semaphore_mem>>)
      %dma_wait3A = arith.constant 0 : i32
      %dma_wait3A_58 = tpu.memref_slice %arg10[%add3A_27, %dma_wait3A] : memref<10000x128xf32, #tpu.memory_space<vmem_shared>> -> memref<104x128xf32, #tpu.memory_space<vmem_shared>>
      %dma_wait3A_59 = arith.constant 0 : i32
      %dma_wait3A_60 = tpu.memref_slice %arg10[%add3A_27, %dma_wait3A_59] : memref<10000x128xf32, #tpu.memory_space<vmem_shared>> -> memref<104x128xf32, #tpu.memory_space<vmem_shared>>
      tpu.wait_dma2 semaphore(%run_scoped3A : memref<!tpu.dma_semaphore, #tpu.memory_space<semaphore_mem>>) src(%arg9 : memref<104x128xf32, #tpu.memory_space<vmem>>) dst(%dma_wait3A_60 : memref<104x128xf32, #tpu.memory_space<vmem_shared>>)
      tpu.yield
    }) : () -> ()
    %mul3A_28 = arith.constant 624 : i32
    %mul3A_29 = arith.muli %arg1, %mul3A_28 : i32
    %add3A_30 = arith.constant 520 : i32
    %add3A_31 = arith.addi %mul3A_29, %add3A_30 : i32
    "tpu.region"() ({
      %run_scoped3A = tpu.sem_alloc : memref<!tpu.dma_semaphore, #tpu.memory_space<semaphore_mem>>
      %dma_start3A = arith.constant 0 : i32
      %dma_start3A_55 = tpu.memref_slice %arg10[%add3A_31, %dma_start3A] : memref<10000x128xf32, #tpu.memory_space<vmem_shared>> -> memref<104x128xf32, #tpu.memory_space<vmem_shared>>
      %dma_start3A_56 = arith.constant 0 : i32
      %dma_start3A_57 = tpu.memref_slice %arg10[%add3A_31, %dma_start3A_56] : memref<10000x128xf32, #tpu.memory_space<vmem_shared>> -> memref<104x128xf32, #tpu.memory_space<vmem_shared>>
      tpu.enqueue_dma source(%arg9 : memref<104x128xf32, #tpu.memory_space<vmem>>) target(%dma_start3A_57 : memref<104x128xf32, #tpu.memory_space<vmem_shared>>) target_semaphore(%run_scoped3A : memref<!tpu.dma_semaphore, #tpu.memory_space<semaphore_mem>>)
      %dma_wait3A = arith.constant 0 : i32
      %dma_wait3A_58 = tpu.memref_slice %arg10[%add3A_31, %dma_wait3A] : memref<10000x128xf32, #tpu.memory_space<vmem_shared>> -> memref<104x128xf32, #tpu.memory_space<vmem_shared>>
      %dma_wait3A_59 = arith.constant 0 : i32
      %dma_wait3A_60 = tpu.memref_slice %arg10[%add3A_31, %dma_wait3A_59] : memref<10000x128xf32, #tpu.memory_space<vmem_shared>> -> memref<104x128xf32, #tpu.memory_space<vmem_shared>>
      tpu.wait_dma2 semaphore(%run_scoped3A : memref<!tpu.dma_semaphore, #tpu.memory_space<semaphore_mem>>) src(%arg9 : memref<104x128xf32, #tpu.memory_space<vmem>>) dst(%dma_wait3A_60 : memref<104x128xf32, #tpu.memory_space<vmem_shared>>)
      tpu.yield
    }) : () -> ()
    %eq3A = arith.constant 0 : i32
    %eq3A_32 = arith.cmpi eq, %arg1, %eq3A : i32
    %convert_element_type3A = arith.extui %eq3A_32 : i1 to i32
    %cond3A = arith.constant 0 : i32
    %cond3A_33 = arith.cmpi ne, %convert_element_type3A, %cond3A : i32
    scf.if %cond3A_33 {
      "tpu.region"() ({
        %run_scoped3A = tpu.sem_alloc : memref<!tpu.dma_semaphore, #tpu.memory_space<semaphore_mem>>
        %dma_start3A = arith.constant 0 : i32
        %dma_start3A_55 = arith.constant 0 : i32
        %dma_start3A_56 = tpu.memref_slice %arg9[%dma_start3A, %dma_start3A_55] : memref<104x128xf32, #tpu.memory_space<vmem>> -> memref<16x128xf32, #tpu.memory_space<vmem>>
        %dma_start3A_57 = arith.constant 9984 : i32
        %dma_start3A_58 = arith.constant 0 : i32
        %dma_start3A_59 = tpu.memref_slice %arg10[%dma_start3A_57, %dma_start3A_58] : memref<10000x128xf32, #tpu.memory_space<vmem_shared>> -> memref<16x128xf32, #tpu.memory_space<vmem_shared>>
        %dma_start3A_60 = arith.constant 9984 : i32
        %dma_start3A_61 = arith.constant 0 : i32
        %dma_start3A_62 = tpu.memref_slice %arg10[%dma_start3A_60, %dma_start3A_61] : memref<10000x128xf32, #tpu.memory_space<vmem_shared>> -> memref<16x128xf32, #tpu.memory_space<vmem_shared>>
        %dma_start3A_63 = arith.constant 0 : i32
        %dma_start3A_64 = arith.constant 0 : i32
        %dma_start3A_65 = tpu.memref_slice %arg9[%dma_start3A_63, %dma_start3A_64] : memref<104x128xf32, #tpu.memory_space<vmem>> -> memref<16x128xf32, #tpu.memory_space<vmem>>
        tpu.enqueue_dma source(%dma_start3A_65 : memref<16x128xf32, #tpu.memory_space<vmem>>) target(%dma_start3A_62 : memref<16x128xf32, #tpu.memory_space<vmem_shared>>) target_semaphore(%run_scoped3A : memref<!tpu.dma_semaphore, #tpu.memory_space<semaphore_mem>>)
        %dma_wait3A = arith.constant 0 : i32
        %dma_wait3A_66 = arith.constant 0 : i32
        %dma_wait3A_67 = tpu.memref_slice %arg9[%dma_wait3A, %dma_wait3A_66] : memref<104x128xf32, #tpu.memory_space<vmem>> -> memref<16x128xf32, #tpu.memory_space<vmem>>
        %dma_wait3A_68 = arith.constant 9984 : i32
        %dma_wait3A_69 = arith.constant 0 : i32
        %dma_wait3A_70 = tpu.memref_slice %arg10[%dma_wait3A_68, %dma_wait3A_69] : memref<10000x128xf32, #tpu.memory_space<vmem_shared>> -> memref<16x128xf32, #tpu.memory_space<vmem_shared>>
        %dma_wait3A_71 = arith.constant 9984 : i32
        %dma_wait3A_72 = arith.constant 0 : i32
        %dma_wait3A_73 = tpu.memref_slice %arg10[%dma_wait3A_71, %dma_wait3A_72] : memref<10000x128xf32, #tpu.memory_space<vmem_shared>> -> memref<16x128xf32, #tpu.memory_space<vmem_shared>>
        %dma_wait3A_74 = arith.constant 0 : i32
        %dma_wait3A_75 = arith.constant 0 : i32
        %dma_wait3A_76 = tpu.memref_slice %arg9[%dma_wait3A_74, %dma_wait3A_75] : memref<104x128xf32, #tpu.memory_space<vmem>> -> memref<16x128xf32, #tpu.memory_space<vmem>>
        tpu.wait_dma2 semaphore(%run_scoped3A : memref<!tpu.dma_semaphore, #tpu.memory_space<semaphore_mem>>) src(%dma_wait3A_76 : memref<16x128xf32, #tpu.memory_space<vmem>>) dst(%dma_wait3A_73 : memref<16x128xf32, #tpu.memory_space<vmem_shared>>)
        tpu.yield
      }) : () -> ()
    } else {
    }
    %mul3A_34 = arith.constant 80 : i32
    %mul3A_35 = arith.muli %add3A, %mul3A_34 : i32
    "tpu.region"() ({
      %run_scoped3A = tpu.sem_alloc : memref<!tpu.dma_semaphore, #tpu.memory_space<semaphore_mem>>
      %dma_start3A = arith.constant 0 : i32
      %dma_start3A_55 = tpu.memref_slice %arg3[%mul3A_35, %dma_start3A] : memref<2560x125xi32, #tpu.memory_space<hbm>> -> memref<80x125xi32, #tpu.memory_space<hbm>>
      %dma_start3A_56 = arith.constant 0 : i32
      %dma_start3A_57 = tpu.memref_slice %arg3[%mul3A_35, %dma_start3A_56] : memref<2560x125xi32, #tpu.memory_space<hbm>> -> memref<80x125xi32, #tpu.memory_space<hbm>>
      tpu.enqueue_dma source(%dma_start3A_57 : memref<80x125xi32, #tpu.memory_space<hbm>>) target(%arg6 : memref<80x125xi32, #tpu.memory_space<vmem>>) target_semaphore(%run_scoped3A : memref<!tpu.dma_semaphore, #tpu.memory_space<semaphore_mem>>)
      %dma_wait3A = arith.constant 0 : i32
      %dma_wait3A_58 = tpu.memref_slice %arg3[%mul3A_35, %dma_wait3A] : memref<2560x125xi32, #tpu.memory_space<hbm>> -> memref<80x125xi32, #tpu.memory_space<hbm>>
      %dma_wait3A_59 = arith.constant 0 : i32
      %dma_wait3A_60 = tpu.memref_slice %arg3[%mul3A_35, %dma_wait3A_59] : memref<2560x125xi32, #tpu.memory_space<hbm>> -> memref<80x125xi32, #tpu.memory_space<hbm>>
      tpu.wait_dma2 semaphore(%run_scoped3A : memref<!tpu.dma_semaphore, #tpu.memory_space<semaphore_mem>>) src(%dma_wait3A_60 : memref<80x125xi32, #tpu.memory_space<hbm>>) dst(%arg6 : memref<80x125xi32, #tpu.memory_space<vmem>>)
      tpu.yield
    }) : () -> ()
    %mul3A_36 = arith.constant 80 : i32
    %mul3A_37 = arith.muli %add3A, %mul3A_36 : i32
    "tpu.region"() ({
      %run_scoped3A = tpu.sem_alloc : memref<!tpu.dma_semaphore, #tpu.memory_space<semaphore_mem>>
      %dma_start3A = arith.constant 0 : i32
      %dma_start3A_55 = tpu.memref_slice %arg4[%mul3A_37, %dma_start3A] : memref<2560x125xi32, #tpu.memory_space<hbm>> -> memref<80x125xi32, #tpu.memory_space<hbm>>
      %dma_start3A_56 = arith.constant 0 : i32
      %dma_start3A_57 = tpu.memref_slice %arg4[%mul3A_37, %dma_start3A_56] : memref<2560x125xi32, #tpu.memory_space<hbm>> -> memref<80x125xi32, #tpu.memory_space<hbm>>
      tpu.enqueue_dma source(%dma_start3A_57 : memref<80x125xi32, #tpu.memory_space<hbm>>) target(%arg7 : memref<80x125xi32, #tpu.memory_space<vmem>>) target_semaphore(%run_scoped3A : memref<!tpu.dma_semaphore, #tpu.memory_space<semaphore_mem>>)
      %dma_wait3A = arith.constant 0 : i32
      %dma_wait3A_58 = tpu.memref_slice %arg4[%mul3A_37, %dma_wait3A] : memref<2560x125xi32, #tpu.memory_space<hbm>> -> memref<80x125xi32, #tpu.memory_space<hbm>>
      %dma_wait3A_59 = arith.constant 0 : i32
      %dma_wait3A_60 = tpu.memref_slice %arg4[%mul3A_37, %dma_wait3A_59] : memref<2560x125xi32, #tpu.memory_space<hbm>> -> memref<80x125xi32, #tpu.memory_space<hbm>>
      tpu.wait_dma2 semaphore(%run_scoped3A : memref<!tpu.dma_semaphore, #tpu.memory_space<semaphore_mem>>) src(%dma_wait3A_60 : memref<80x125xi32, #tpu.memory_space<hbm>>) dst(%arg7 : memref<80x125xi32, #tpu.memory_space<vmem>>)
      tpu.yield
    }) : () -> ()
    %barrier3A = arith.constant 0 : index
    tpu.barrier barrier_id(%barrier3A)
    %scan3A_38 = arith.constant 0 : i32
    %scan3A_39 = arith.constant 0 : i32
    %scan3A_40 = arith.constant 80 : i32
    %scan3A_41 = arith.addi %scan3A_39, %scan3A_40 : i32
    %scan3A_42 = arith.constant 1 : i32
    %scan3A_43 = scf.for %scan3A_55 = %scan3A_39 to %scan3A_41 step %scan3A_42 iter_args(%scan3A_56 = %scan3A_38) -> (i32)  : i32 {
      %dma_start3A = arith.constant 0 : i32
      %dma_start3A_57 = tpu.memref_slice %arg6[%scan3A_55, %dma_start3A] : memref<80x125xi32, #tpu.memory_space<vmem>> -> memref<1x125xi32, #tpu.memory_space<vmem>>
      %dma_start3A_58 = tpu.memref_squeeze %dma_start3A_57 : memref<1x125xi32, #tpu.memory_space<vmem>> -> memref<125xi32, #tpu.memory_space<vmem>>
      %dma_start3A_59 = arith.constant 0 : i32
      %dma_start3A_60 = arith.constant 0 : i32
      %dma_start3A_61 = tpu.memref_slice %arg2[%dma_start3A_59, %dma_start3A_60] : memref<10000x128xf32, #tpu.memory_space<hbm>> -> memref<10000x128xf32, #tpu.memory_space<hbm>>
      tpu.enqueue_indirect_dma source(%dma_start3A_61 : memref<10000x128xf32, #tpu.memory_space<hbm>>) target(%arg8 : memref<125x128xf32, #tpu.memory_space<vmem>>) offsets(%dma_start3A_58 : memref<125xi32, #tpu.memory_space<vmem>>) semaphore(%arg11 : memref<!tpu.dma_semaphore, #tpu.memory_space<semaphore_mem>>)
      %dma_wait3A = arith.constant 0 : i32
      %dma_wait3A_62 = tpu.memref_slice %arg6[%scan3A_55, %dma_wait3A] : memref<80x125xi32, #tpu.memory_space<vmem>> -> memref<1x125xi32, #tpu.memory_space<vmem>>
      %dma_wait3A_63 = tpu.memref_squeeze %dma_wait3A_62 : memref<1x125xi32, #tpu.memory_space<vmem>> -> memref<125xi32, #tpu.memory_space<vmem>>
      %dma_wait3A_64 = arith.constant 0 : i32
      %dma_wait3A_65 = arith.constant 0 : i32
      %dma_wait3A_66 = tpu.memref_slice %arg2[%dma_wait3A_64, %dma_wait3A_65] : memref<10000x128xf32, #tpu.memory_space<hbm>> -> memref<10000x128xf32, #tpu.memory_space<hbm>>
      tpu.wait_indirect_dma semaphore(%arg11 : memref<!tpu.dma_semaphore, #tpu.memory_space<semaphore_mem>>) src(%dma_wait3A_66 : memref<10000x128xf32, #tpu.memory_space<hbm>>) dst(%arg8 : memref<125x128xf32, #tpu.memory_space<vmem>>)
      "tpu.region"() ({
        %run_scoped3A = tpu.sem_alloc : memref<!tpu.dma_semaphore, #tpu.memory_space<semaphore_mem>>
        %dma_start3A_68 = arith.constant 0 : i32
        %dma_start3A_69 = tpu.memref_slice %arg7[%scan3A_55, %dma_start3A_68] : memref<80x125xi32, #tpu.memory_space<vmem>> -> memref<1x125xi32, #tpu.memory_space<vmem>>
        %dma_start3A_70 = tpu.memref_squeeze %dma_start3A_69 : memref<1x125xi32, #tpu.memory_space<vmem>> -> memref<125xi32, #tpu.memory_space<vmem>>
        %dma_start3A_71 = arith.constant 0 : i32
        %dma_start3A_72 = arith.constant 0 : i32
        %dma_start3A_73 = tpu.memref_slice %arg10[%dma_start3A_71, %dma_start3A_72] : memref<10000x128xf32, #tpu.memory_space<vmem_shared>> -> memref<10000x128xf32, #tpu.memory_space<vmem_shared>>
        tpu.enqueue_indirect_dma source(%arg8 : memref<125x128xf32, #tpu.memory_space<vmem>>) target(%dma_start3A_73 : memref<10000x128xf32, #tpu.memory_space<vmem_shared>>) offsets(%dma_start3A_70 : memref<125xi32, #tpu.memory_space<vmem>>) semaphore(%run_scoped3A : memref<!tpu.dma_semaphore, #tpu.memory_space<semaphore_mem>>) {add = true}
        %dma_wait3A_74 = arith.constant 0 : i32
        %dma_wait3A_75 = tpu.memref_slice %arg7[%scan3A_55, %dma_wait3A_74] : memref<80x125xi32, #tpu.memory_space<vmem>> -> memref<1x125xi32, #tpu.memory_space<vmem>>
        %dma_wait3A_76 = tpu.memref_squeeze %dma_wait3A_75 : memref<1x125xi32, #tpu.memory_space<vmem>> -> memref<125xi32, #tpu.memory_space<vmem>>
        %dma_wait3A_77 = arith.constant 0 : i32
        %dma_wait3A_78 = arith.constant 0 : i32
        %dma_wait3A_79 = tpu.memref_slice %arg10[%dma_wait3A_77, %dma_wait3A_78] : memref<10000x128xf32, #tpu.memory_space<vmem_shared>> -> memref<10000x128xf32, #tpu.memory_space<vmem_shared>>
        tpu.wait_indirect_dma semaphore(%run_scoped3A : memref<!tpu.dma_semaphore, #tpu.memory_space<semaphore_mem>>) src(%arg8 : memref<125x128xf32, #tpu.memory_space<vmem>>) dst(%dma_wait3A_79 : memref<10000x128xf32, #tpu.memory_space<vmem_shared>>)
        tpu.yield
      }) : () -> ()
      %scan3A_67 = arith.constant 0 : i32
      scf.yield %scan3A_67 : i32
    }
    %scan3A_44 = arith.constant 80 : i32
    %barrier3A_45 = arith.constant 0 : index
    tpu.barrier barrier_id(%barrier3A_45)
    %mul3A_46 = arith.constant 624 : i32
    %mul3A_47 = arith.muli %arg1, %mul3A_46 : i32
    %mul3A_48 = arith.constant 624 : i32
    %mul3A_49 = arith.muli %arg1, %mul3A_48 : i32
    "tpu.region"() ({
      %run_scoped3A = tpu.sem_alloc : memref<!tpu.dma_semaphore, #tpu.memory_space<semaphore_mem>>
      %dma_start3A = arith.constant 0 : i32
      %dma_start3A_55 = tpu.memref_slice %arg5[%arg0, %mul3A_49, %dma_start3A] : memref<2x10000x128xf32, #tpu.memory_space<hbm>> -> memref<1x624x128xf32, #tpu.memory_space<hbm>>
      %dma_start3A_56 = tpu.memref_squeeze %dma_start3A_55 : memref<1x624x128xf32, #tpu.memory_space<hbm>> -> memref<624x128xf32, #tpu.memory_space<hbm>>
      %dma_start3A_57 = arith.constant 0 : i32
      %dma_start3A_58 = tpu.memref_slice %arg10[%mul3A_47, %dma_start3A_57] : memref<10000x128xf32, #tpu.memory_space<vmem_shared>> -> memref<624x128xf32, #tpu.memory_space<vmem_shared>>
      tpu.enqueue_dma source(%dma_start3A_58 : memref<624x128xf32, #tpu.memory_space<vmem_shared>>) target(%dma_start3A_56 : memref<624x128xf32, #tpu.memory_space<hbm>>) target_semaphore(%run_scoped3A : memref<!tpu.dma_semaphore, #tpu.memory_space<semaphore_mem>>)
      %dma_wait3A = arith.constant 0 : i32
      %dma_wait3A_59 = tpu.memref_slice %arg5[%arg0, %mul3A_49, %dma_wait3A] : memref<2x10000x128xf32, #tpu.memory_space<hbm>> -> memref<1x624x128xf32, #tpu.memory_space<hbm>>
      %dma_wait3A_60 = tpu.memref_squeeze %dma_wait3A_59 : memref<1x624x128xf32, #tpu.memory_space<hbm>> -> memref<624x128xf32, #tpu.memory_space<hbm>>
      %dma_wait3A_61 = arith.constant 0 : i32
      %dma_wait3A_62 = tpu.memref_slice %arg10[%mul3A_47, %dma_wait3A_61] : memref<10000x128xf32, #tpu.memory_space<vmem_shared>> -> memref<624x128xf32, #tpu.memory_space<vmem_shared>>
      tpu.wait_dma2 semaphore(%run_scoped3A : memref<!tpu.dma_semaphore, #tpu.memory_space<semaphore_mem>>) src(%dma_wait3A_62 : memref<624x128xf32, #tpu.memory_space<vmem_shared>>) dst(%dma_wait3A_60 : memref<624x128xf32, #tpu.memory_space<hbm>>)
      tpu.yield
    }) : () -> ()
    %eq3A_50 = arith.constant 0 : i32
    %eq3A_51 = arith.cmpi eq, %arg1, %eq3A_50 : i32
    %convert_element_type3A_52 = arith.extui %eq3A_51 : i1 to i32
    %cond3A_53 = arith.constant 0 : i32
    %cond3A_54 = arith.cmpi ne, %convert_element_type3A_52, %cond3A_53 : i32
    scf.if %cond3A_54 {
      "tpu.region"() ({
        %run_scoped3A = tpu.sem_alloc : memref<!tpu.dma_semaphore, #tpu.memory_space<semaphore_mem>>
        %dma_start3A = arith.constant 9984 : i32
        %dma_start3A_55 = arith.constant 0 : i32
        %dma_start3A_56 = tpu.memref_slice %arg5[%arg0, %dma_start3A, %dma_start3A_55] : memref<2x10000x128xf32, #tpu.memory_space<hbm>> -> memref<1x16x128xf32, #tpu.memory_space<hbm>>
        %dma_start3A_57 = tpu.memref_squeeze %dma_start3A_56 : memref<1x16x128xf32, #tpu.memory_space<hbm>> -> memref<16x128xf32, #tpu.memory_space<hbm>>
        %dma_start3A_58 = arith.constant 9984 : i32
        %dma_start3A_59 = arith.constant 0 : i32
        %dma_start3A_60 = tpu.memref_slice %arg10[%dma_start3A_58, %dma_start3A_59] : memref<10000x128xf32, #tpu.memory_space<vmem_shared>> -> memref<16x128xf32, #tpu.memory_space<vmem_shared>>
        tpu.enqueue_dma source(%dma_start3A_60 : memref<16x128xf32, #tpu.memory_space<vmem_shared>>) target(%dma_start3A_57 : memref<16x128xf32, #tpu.memory_space<hbm>>) target_semaphore(%run_scoped3A : memref<!tpu.dma_semaphore, #tpu.memory_space<semaphore_mem>>)
        %dma_wait3A = arith.constant 9984 : i32
        %dma_wait3A_61 = arith.constant 0 : i32
        %dma_wait3A_62 = tpu.memref_slice %arg5[%arg0, %dma_wait3A, %dma_wait3A_61] : memref<2x10000x128xf32, #tpu.memory_space<hbm>> -> memref<1x16x128xf32, #tpu.memory_space<hbm>>
        %dma_wait3A_63 = tpu.memref_squeeze %dma_wait3A_62 : memref<1x16x128xf32, #tpu.memory_space<hbm>> -> memref<16x128xf32, #tpu.memory_space<hbm>>
        %dma_wait3A_64 = arith.constant 9984 : i32
        %dma_wait3A_65 = arith.constant 0 : i32
        %dma_wait3A_66 = tpu.memref_slice %arg10[%dma_wait3A_64, %dma_wait3A_65] : memref<10000x128xf32, #tpu.memory_space<vmem_shared>> -> memref<16x128xf32, #tpu.memory_space<vmem_shared>>
        tpu.wait_dma2 semaphore(%run_scoped3A : memref<!tpu.dma_semaphore, #tpu.memory_space<semaphore_mem>>) src(%dma_wait3A_66 : memref<16x128xf32, #tpu.memory_space<vmem_shared>>) dst(%dma_wait3A_63 : memref<16x128xf32, #tpu.memory_space<hbm>>)
        tpu.yield
      }) : () -> ()
    } else {
    }
    return
  }
}

module attributes {stable_mosaic.version = 14 : i64} {
  func.func @_tc0_body(%arg0: i32, %arg1: memref<2x16x100x128xf32, #tpu.memory_space<vmem>>, %arg2: memref<100x128xf32, #tpu.memory_space<vmem>>) attributes {dimension_semantics = [#tpu.dimension_semantics<arbitrary>], iteration_bounds = array<i64: 1>, scalar_prefetch = 0 : i64, scratch_operands = 0 : i64, tpu.core_type = #tpu.core_type<tc>, window_params = [{pipeline_mode = #tpu.pipeline_mode<synchronous>, transform_indices = @transform_0, window_bounds = array<i64: 2, 16, 100, 128>}, {pipeline_mode = #tpu.pipeline_mode<synchronous>, transform_indices = @transform_1, window_bounds = array<i64: 100, 128>}]} {
    %get3A = arith.constant 0 : index
    %get3A_0 = arith.constant 0 : index
    %get3A_1 = arith.constant 0 : index
    %get3A_2 = arith.constant 0 : index
    %get3A_3 = vector.load %arg1[%get3A, %get3A_0, %get3A_1, %get3A_2] : memref<2x16x100x128xf32, #tpu.memory_space<vmem>>, vector<2x16x100x128xf32>
    %reduce_sum3A = arith.constant dense<0.000000e+00> : vector<100x128xf32>
    %reduce_sum3A_4 = vector.multi_reduction <add>, %get3A_3, %reduce_sum3A [0, 1] : vector<2x16x100x128xf32> to vector<100x128xf32>
    %add3A = arith.constant 1.000000e+00 : f32
    %add3A_5 = vector.broadcast %add3A : f32 to vector<100x128xf32>
    %add3A_6 = arith.addf %reduce_sum3A_4, %add3A_5 : vector<100x128xf32>
    %rsqrt3A = math.rsqrt %add3A_6 : vector<100x128xf32>
    %swap3A = arith.constant 0 : index
    %swap3A_7 = arith.constant 0 : index
    %swap3A_8 = vector.load %arg2[%swap3A, %swap3A_7] : memref<100x128xf32, #tpu.memory_space<vmem>>, vector<100x128xf32>
    tpu.vector_store %arg2[%swap3A, %swap3A_7], %rsqrt3A {strides = array<i32>} : memref<100x128xf32, #tpu.memory_space<vmem>>, vector<100x128xf32>,
    return
  }
  func.func @transform_0(%arg0: i32) -> (i32, i32, i32, i32) {
    %c0_i32 = arith.constant 0 : i32
    %c0_i32_0 = arith.constant 0 : i32
    %c0_i32_1 = arith.constant 0 : i32
    %c0_i32_2 = arith.constant 0 : i32
    %c0_i32_3 = arith.constant 0 : i32
    return %c0_i32, %c0_i32_0, %c0_i32_1, %c0_i32_2 : i32, i32, i32, i32
  }
  func.func @transform_1(%arg0: i32) -> (i32, i32) {
    %c0_i32 = arith.constant 0 : i32
    %c0_i32_0 = arith.constant 0 : i32
    %c0_i32_1 = arith.constant 0 : i32
    return %c0_i32, %c0_i32_0 : i32, i32
  }
}

module attributes {stable_mosaic.version = 14 : i64} {
  func.func @_tc1_body(%arg0: i32, %arg1: memref<4x100x128xf32, #tpu.memory_space<vmem>>, %arg2: memref<128x128xf32, #tpu.memory_space<vmem>>, %arg3: memref<100x128xf32, #tpu.memory_space<vmem>>, %arg4: memref<4x100x128xf32, #tpu.memory_space<vmem>>, %arg5: memref<4x100x128xf32, #tpu.memory_space<vmem>>) attributes {dimension_semantics = [#tpu.dimension_semantics<arbitrary>], iteration_bounds = array<i64: 25>, scalar_prefetch = 0 : i64, scratch_operands = 0 : i64, tpu.core_type = #tpu.core_type<tc>, window_params = [{transform_indices = @transform_0, window_bounds = array<i64: 4, 100, 128>}, {pipeline_mode = #tpu.pipeline_mode<synchronous>, transform_indices = @transform_1, window_bounds = array<i64: 128, 128>}, {pipeline_mode = #tpu.pipeline_mode<synchronous>, transform_indices = @transform_2, window_bounds = array<i64: 100, 128>}, {transform_indices = @transform_3, window_bounds = array<i64: 4, 100, 128>}, {transform_indices = @transform_4, window_bounds = array<i64: 4, 100, 128>}]} {
    %get3A = arith.constant 0 : index
    %get3A_0 = arith.constant 0 : index
    %get3A_1 = vector.load %arg2[%get3A, %get3A_0] : memref<128x128xf32, #tpu.memory_space<vmem>>, vector<128x128xf32>
    %mul3A = arith.constant 4 : i32
    %mul3A_2 = arith.muli %arg0, %mul3A : i32
    %add3A = arith.constant 0 : i32
    %add3A_3 = arith.addi %mul3A_2, %add3A : i32
    %iota3A = tpu.iota {dimensions = array<i32: 1>} : vector<1x100xi32>
    %eq3A = vector.broadcast %add3A_3 : i32 to vector<1x100xi32>
    %eq3A_4 = arith.cmpi eq, %iota3A, %eq3A : vector<1x100xi32>
    %jit3A = arith.constant 1.000000e+00 : f32
    %jit3A_5 = arith.constant 0.000000e+00 : f32
    %broadcast_in_dim3A = vector.broadcast %jit3A : f32 to vector<1x100xf32>
    %broadcast_in_dim3A_6 = vector.broadcast %jit3A_5 : f32 to vector<1x100xf32>
    %select_n3A = arith.select %eq3A_4, %broadcast_in_dim3A, %broadcast_in_dim3A_6 : vector<1x100xi1>, vector<1x100xf32>
    %get3A_7 = arith.constant 0 : index
    %get3A_8 = arith.constant 0 : index
    %get3A_9 = vector.load %arg3[%get3A_7, %get3A_8] : memref<100x128xf32, #tpu.memory_space<vmem>>, vector<100x128xf32>
    %dot_general3A = arith.constant dense<0.000000e+00> : vector<1x128xf32>
    %dot_general3A_10 = tpu.matmul %select_n3A, %get3A_9, %dot_general3A {dimension_numbers = #tpu.dot_dimension_numbers<[1], [0], [0], [1], [0, 0, 1, 1], [], []>, precision = #tpu.contract_precision<fp32>, transpose_lhs_hint = false} : vector<1x100xf32>, vector<100x128xf32>, vector<1x128xf32> -> vector<1x128xf32>
    %iota3A_11 = tpu.iota {dimensions = array<i32: 0>} : vector<100x128xi32>
    %iota3A_12 = tpu.iota {dimensions = array<i32: 1>} : vector<100x128xi32>
    %eq3A_13 = arith.cmpi eq, %iota3A_11, %iota3A_12 : vector<100x128xi32>
    %jit3A_14 = arith.constant 1.000000e+00 : f32
    %jit3A_15 = arith.constant 0.000000e+00 : f32
    %broadcast_in_dim3A_16 = vector.broadcast %jit3A_14 : f32 to vector<100x128xf32>
    %broadcast_in_dim3A_17 = vector.broadcast %jit3A_15 : f32 to vector<100x128xf32>
    %select_n3A_18 = arith.select %eq3A_13, %broadcast_in_dim3A_16, %broadcast_in_dim3A_17 : vector<100x128xi1>, vector<100x128xf32>
    %dot_general3A_19 = arith.constant dense<0.000000e+00> : vector<100x1xf32>
    %dot_general3A_20 = tpu.matmul %select_n3A_18, %dot_general3A_10, %dot_general3A_19 {dimension_numbers = #tpu.dot_dimension_numbers<[1], [1], [0], [0], [0, 0, 1, 0], [], []>, precision = #tpu.contract_precision<fp32>, transpose_lhs_hint = false} : vector<100x128xf32>, vector<1x128xf32>, vector<100x1xf32> -> vector<100x1xf32>
    %get3A_21 = arith.constant 0 : index
    %get3A_22 = arith.constant 0 : index
    %get3A_23 = arith.constant 0 : index
    %get3A_24 = vector.load %arg1[%get3A_21, %get3A_22, %get3A_23] : memref<4x100x128xf32, #tpu.memory_space<vmem>>, vector<1x100x128xf32>
    %get3A_25 = vector.shape_cast %get3A_24 : vector<1x100x128xf32> to vector<100x128xf32>
    %convert_element_type3A = arith.truncf %get3A_25 : vector<100x128xf32> to vector<100x128xbf16>
    %convert_element_type3A_26 = arith.truncf %get3A_1 : vector<128x128xf32> to vector<128x128xbf16>
    %dot_general3A_27 = arith.constant dense<0.000000e+00> : vector<100x128xf32>
    %dot_general3A_28 = tpu.matmul %convert_element_type3A, %convert_element_type3A_26, %dot_general3A_27 {dimension_numbers = #tpu.dot_dimension_numbers<[1], [0], [0], [1], [0, 0, 1, 1], [], []>, transpose_lhs_hint = false} : vector<100x128xbf16>, vector<128x128xbf16>, vector<100x128xf32> -> vector<100x128xf32>
    %swap3A = arith.constant 0 : index
    %swap3A_29 = arith.constant 0 : index
    %swap3A_30 = arith.constant 0 : index
    %swap3A_31 = vector.load %arg4[%swap3A, %swap3A_29, %swap3A_30] : memref<4x100x128xf32, #tpu.memory_space<vmem>>, vector<1x100x128xf32>
    %swap3A_32 = vector.shape_cast %swap3A_31 : vector<1x100x128xf32> to vector<100x128xf32>
    %swap3A_33 = vector.shape_cast %dot_general3A_28 : vector<100x128xf32> to vector<1x100x128xf32>
    tpu.vector_store %arg4[%swap3A, %swap3A_29, %swap3A_30], %swap3A_33 {strides = array<i32>} : memref<4x100x128xf32, #tpu.memory_space<vmem>>, vector<1x100x128xf32>,
    %mul3A_34 = vector.broadcast %dot_general3A_20 : vector<100x1xf32> to vector<100x128xf32>
    %mul3A_35 = arith.mulf %dot_general3A_28, %mul3A_34 : vector<100x128xf32>
    %swap3A_36 = arith.constant 0 : index
    %swap3A_37 = arith.constant 0 : index
    %swap3A_38 = arith.constant 0 : index
    %swap3A_39 = vector.load %arg5[%swap3A_36, %swap3A_37, %swap3A_38] : memref<4x100x128xf32, #tpu.memory_space<vmem>>, vector<1x100x128xf32>
    %swap3A_40 = vector.shape_cast %swap3A_39 : vector<1x100x128xf32> to vector<100x128xf32>
    %swap3A_41 = vector.shape_cast %mul3A_35 : vector<100x128xf32> to vector<1x100x128xf32>
    tpu.vector_store %arg5[%swap3A_36, %swap3A_37, %swap3A_38], %swap3A_41 {strides = array<i32>} : memref<4x100x128xf32, #tpu.memory_space<vmem>>, vector<1x100x128xf32>,
    %mul3A_42 = arith.constant 4 : i32
    %mul3A_43 = arith.muli %arg0, %mul3A_42 : i32
    %add3A_44 = arith.constant 1 : i32
    %add3A_45 = arith.addi %mul3A_43, %add3A_44 : i32
    %iota3A_46 = tpu.iota {dimensions = array<i32: 1>} : vector<1x100xi32>
    %eq3A_47 = vector.broadcast %add3A_45 : i32 to vector<1x100xi32>
    %eq3A_48 = arith.cmpi eq, %iota3A_46, %eq3A_47 : vector<1x100xi32>
    %jit3A_49 = arith.constant 1.000000e+00 : f32
    %jit3A_50 = arith.constant 0.000000e+00 : f32
    %broadcast_in_dim3A_51 = vector.broadcast %jit3A_49 : f32 to vector<1x100xf32>
    %broadcast_in_dim3A_52 = vector.broadcast %jit3A_50 : f32 to vector<1x100xf32>
    %select_n3A_53 = arith.select %eq3A_48, %broadcast_in_dim3A_51, %broadcast_in_dim3A_52 : vector<1x100xi1>, vector<1x100xf32>
    %get3A_54 = arith.constant 0 : index
    %get3A_55 = arith.constant 0 : index
    %get3A_56 = vector.load %arg3[%get3A_54, %get3A_55] : memref<100x128xf32, #tpu.memory_space<vmem>>, vector<100x128xf32>
    %dot_general3A_57 = arith.constant dense<0.000000e+00> : vector<1x128xf32>
    %dot_general3A_58 = tpu.matmul %select_n3A_53, %get3A_56, %dot_general3A_57 {dimension_numbers = #tpu.dot_dimension_numbers<[1], [0], [0], [1], [0, 0, 1, 1], [], []>, precision = #tpu.contract_precision<fp32>, transpose_lhs_hint = false} : vector<1x100xf32>, vector<100x128xf32>, vector<1x128xf32> -> vector<1x128xf32>
    %iota3A_59 = tpu.iota {dimensions = array<i32: 0>} : vector<100x128xi32>
    %iota3A_60 = tpu.iota {dimensions = array<i32: 1>} : vector<100x128xi32>
    %eq3A_61 = arith.cmpi eq, %iota3A_59, %iota3A_60 : vector<100x128xi32>
    %jit3A_62 = arith.constant 1.000000e+00 : f32
    %jit3A_63 = arith.constant 0.000000e+00 : f32
    %broadcast_in_dim3A_64 = vector.broadcast %jit3A_62 : f32 to vector<100x128xf32>
    %broadcast_in_dim3A_65 = vector.broadcast %jit3A_63 : f32 to vector<100x128xf32>
    %select_n3A_66 = arith.select %eq3A_61, %broadcast_in_dim3A_64, %broadcast_in_dim3A_65 : vector<100x128xi1>, vector<100x128xf32>
    %dot_general3A_67 = arith.constant dense<0.000000e+00> : vector<100x1xf32>
    %dot_general3A_68 = tpu.matmul %select_n3A_66, %dot_general3A_58, %dot_general3A_67 {dimension_numbers = #tpu.dot_dimension_numbers<[1], [1], [0], [0], [0, 0, 1, 0], [], []>, precision = #tpu.contract_precision<fp32>, transpose_lhs_hint = false} : vector<100x128xf32>, vector<1x128xf32>, vector<100x1xf32> -> vector<100x1xf32>
    %get3A_69 = arith.constant 1 : index
    %get3A_70 = arith.constant 0 : index
    %get3A_71 = arith.constant 0 : index
    %get3A_72 = vector.load %arg1[%get3A_69, %get3A_70, %get3A_71] : memref<4x100x128xf32, #tpu.memory_space<vmem>>, vector<1x100x128xf32>
    %get3A_73 = vector.shape_cast %get3A_72 : vector<1x100x128xf32> to vector<100x128xf32>
    %convert_element_type3A_74 = arith.truncf %get3A_73 : vector<100x128xf32> to vector<100x128xbf16>
    %convert_element_type3A_75 = arith.truncf %get3A_1 : vector<128x128xf32> to vector<128x128xbf16>
    %dot_general3A_76 = arith.constant dense<0.000000e+00> : vector<100x128xf32>
    %dot_general3A_77 = tpu.matmul %convert_element_type3A_74, %convert_element_type3A_75, %dot_general3A_76 {dimension_numbers = #tpu.dot_dimension_numbers<[1], [0], [0], [1], [0, 0, 1, 1], [], []>, transpose_lhs_hint = false} : vector<100x128xbf16>, vector<128x128xbf16>, vector<100x128xf32> -> vector<100x128xf32>
    %swap3A_78 = arith.constant 1 : index
    %swap3A_79 = arith.constant 0 : index
    %swap3A_80 = arith.constant 0 : index
    %swap3A_81 = vector.load %arg4[%swap3A_78, %swap3A_79, %swap3A_80] : memref<4x100x128xf32, #tpu.memory_space<vmem>>, vector<1x100x128xf32>
    %swap3A_82 = vector.shape_cast %swap3A_81 : vector<1x100x128xf32> to vector<100x128xf32>
    %swap3A_83 = vector.shape_cast %dot_general3A_77 : vector<100x128xf32> to vector<1x100x128xf32>
    tpu.vector_store %arg4[%swap3A_78, %swap3A_79, %swap3A_80], %swap3A_83 {strides = array<i32>} : memref<4x100x128xf32, #tpu.memory_space<vmem>>, vector<1x100x128xf32>,
    %mul3A_84 = vector.broadcast %dot_general3A_68 : vector<100x1xf32> to vector<100x128xf32>
    %mul3A_85 = arith.mulf %dot_general3A_77, %mul3A_84 : vector<100x128xf32>
    %swap3A_86 = arith.constant 1 : index
    %swap3A_87 = arith.constant 0 : index
    %swap3A_88 = arith.constant 0 : index
    %swap3A_89 = vector.load %arg5[%swap3A_86, %swap3A_87, %swap3A_88] : memref<4x100x128xf32, #tpu.memory_space<vmem>>, vector<1x100x128xf32>
    %swap3A_90 = vector.shape_cast %swap3A_89 : vector<1x100x128xf32> to vector<100x128xf32>
    %swap3A_91 = vector.shape_cast %mul3A_85 : vector<100x128xf32> to vector<1x100x128xf32>
    tpu.vector_store %arg5[%swap3A_86, %swap3A_87, %swap3A_88], %swap3A_91 {strides = array<i32>} : memref<4x100x128xf32, #tpu.memory_space<vmem>>, vector<1x100x128xf32>,
    %mul3A_92 = arith.constant 4 : i32
    %mul3A_93 = arith.muli %arg0, %mul3A_92 : i32
    %add3A_94 = arith.constant 2 : i32
    %add3A_95 = arith.addi %mul3A_93, %add3A_94 : i32
    %iota3A_96 = tpu.iota {dimensions = array<i32: 1>} : vector<1x100xi32>
    %eq3A_97 = vector.broadcast %add3A_95 : i32 to vector<1x100xi32>
    %eq3A_98 = arith.cmpi eq, %iota3A_96, %eq3A_97 : vector<1x100xi32>
    %jit3A_99 = arith.constant 1.000000e+00 : f32
    %jit3A_100 = arith.constant 0.000000e+00 : f32
    %broadcast_in_dim3A_101 = vector.broadcast %jit3A_99 : f32 to vector<1x100xf32>
    %broadcast_in_dim3A_102 = vector.broadcast %jit3A_100 : f32 to vector<1x100xf32>
    %select_n3A_103 = arith.select %eq3A_98, %broadcast_in_dim3A_101, %broadcast_in_dim3A_102 : vector<1x100xi1>, vector<1x100xf32>
    %get3A_104 = arith.constant 0 : index
    %get3A_105 = arith.constant 0 : index
    %get3A_106 = vector.load %arg3[%get3A_104, %get3A_105] : memref<100x128xf32, #tpu.memory_space<vmem>>, vector<100x128xf32>
    %dot_general3A_107 = arith.constant dense<0.000000e+00> : vector<1x128xf32>
    %dot_general3A_108 = tpu.matmul %select_n3A_103, %get3A_106, %dot_general3A_107 {dimension_numbers = #tpu.dot_dimension_numbers<[1], [0], [0], [1], [0, 0, 1, 1], [], []>, precision = #tpu.contract_precision<fp32>, transpose_lhs_hint = false} : vector<1x100xf32>, vector<100x128xf32>, vector<1x128xf32> -> vector<1x128xf32>
    %iota3A_109 = tpu.iota {dimensions = array<i32: 0>} : vector<100x128xi32>
    %iota3A_110 = tpu.iota {dimensions = array<i32: 1>} : vector<100x128xi32>
    %eq3A_111 = arith.cmpi eq, %iota3A_109, %iota3A_110 : vector<100x128xi32>
    %jit3A_112 = arith.constant 1.000000e+00 : f32
    %jit3A_113 = arith.constant 0.000000e+00 : f32
    %broadcast_in_dim3A_114 = vector.broadcast %jit3A_112 : f32 to vector<100x128xf32>
    %broadcast_in_dim3A_115 = vector.broadcast %jit3A_113 : f32 to vector<100x128xf32>
    %select_n3A_116 = arith.select %eq3A_111, %broadcast_in_dim3A_114, %broadcast_in_dim3A_115 : vector<100x128xi1>, vector<100x128xf32>
    %dot_general3A_117 = arith.constant dense<0.000000e+00> : vector<100x1xf32>
    %dot_general3A_118 = tpu.matmul %select_n3A_116, %dot_general3A_108, %dot_general3A_117 {dimension_numbers = #tpu.dot_dimension_numbers<[1], [1], [0], [0], [0, 0, 1, 0], [], []>, precision = #tpu.contract_precision<fp32>, transpose_lhs_hint = false} : vector<100x128xf32>, vector<1x128xf32>, vector<100x1xf32> -> vector<100x1xf32>
    %get3A_119 = arith.constant 2 : index
    %get3A_120 = arith.constant 0 : index
    %get3A_121 = arith.constant 0 : index
    %get3A_122 = vector.load %arg1[%get3A_119, %get3A_120, %get3A_121] : memref<4x100x128xf32, #tpu.memory_space<vmem>>, vector<1x100x128xf32>
    %get3A_123 = vector.shape_cast %get3A_122 : vector<1x100x128xf32> to vector<100x128xf32>
    %convert_element_type3A_124 = arith.truncf %get3A_123 : vector<100x128xf32> to vector<100x128xbf16>
    %convert_element_type3A_125 = arith.truncf %get3A_1 : vector<128x128xf32> to vector<128x128xbf16>
    %dot_general3A_126 = arith.constant dense<0.000000e+00> : vector<100x128xf32>
    %dot_general3A_127 = tpu.matmul %convert_element_type3A_124, %convert_element_type3A_125, %dot_general3A_126 {dimension_numbers = #tpu.dot_dimension_numbers<[1], [0], [0], [1], [0, 0, 1, 1], [], []>, transpose_lhs_hint = false} : vector<100x128xbf16>, vector<128x128xbf16>, vector<100x128xf32> -> vector<100x128xf32>
    %swap3A_128 = arith.constant 2 : index
    %swap3A_129 = arith.constant 0 : index
    %swap3A_130 = arith.constant 0 : index
    %swap3A_131 = vector.load %arg4[%swap3A_128, %swap3A_129, %swap3A_130] : memref<4x100x128xf32, #tpu.memory_space<vmem>>, vector<1x100x128xf32>
    %swap3A_132 = vector.shape_cast %swap3A_131 : vector<1x100x128xf32> to vector<100x128xf32>
    %swap3A_133 = vector.shape_cast %dot_general3A_127 : vector<100x128xf32> to vector<1x100x128xf32>
    tpu.vector_store %arg4[%swap3A_128, %swap3A_129, %swap3A_130], %swap3A_133 {strides = array<i32>} : memref<4x100x128xf32, #tpu.memory_space<vmem>>, vector<1x100x128xf32>,
    %mul3A_134 = vector.broadcast %dot_general3A_118 : vector<100x1xf32> to vector<100x128xf32>
    %mul3A_135 = arith.mulf %dot_general3A_127, %mul3A_134 : vector<100x128xf32>
    %swap3A_136 = arith.constant 2 : index
    %swap3A_137 = arith.constant 0 : index
    %swap3A_138 = arith.constant 0 : index
    %swap3A_139 = vector.load %arg5[%swap3A_136, %swap3A_137, %swap3A_138] : memref<4x100x128xf32, #tpu.memory_space<vmem>>, vector<1x100x128xf32>
    %swap3A_140 = vector.shape_cast %swap3A_139 : vector<1x100x128xf32> to vector<100x128xf32>
    %swap3A_141 = vector.shape_cast %mul3A_135 : vector<100x128xf32> to vector<1x100x128xf32>
    tpu.vector_store %arg5[%swap3A_136, %swap3A_137, %swap3A_138], %swap3A_141 {strides = array<i32>} : memref<4x100x128xf32, #tpu.memory_space<vmem>>, vector<1x100x128xf32>,
    %mul3A_142 = arith.constant 4 : i32
    %mul3A_143 = arith.muli %arg0, %mul3A_142 : i32
    %add3A_144 = arith.constant 3 : i32
    %add3A_145 = arith.addi %mul3A_143, %add3A_144 : i32
    %iota3A_146 = tpu.iota {dimensions = array<i32: 1>} : vector<1x100xi32>
    %eq3A_147 = vector.broadcast %add3A_145 : i32 to vector<1x100xi32>
    %eq3A_148 = arith.cmpi eq, %iota3A_146, %eq3A_147 : vector<1x100xi32>
    %jit3A_149 = arith.constant 1.000000e+00 : f32
    %jit3A_150 = arith.constant 0.000000e+00 : f32
    %broadcast_in_dim3A_151 = vector.broadcast %jit3A_149 : f32 to vector<1x100xf32>
    %broadcast_in_dim3A_152 = vector.broadcast %jit3A_150 : f32 to vector<1x100xf32>
    %select_n3A_153 = arith.select %eq3A_148, %broadcast_in_dim3A_151, %broadcast_in_dim3A_152 : vector<1x100xi1>, vector<1x100xf32>
    %get3A_154 = arith.constant 0 : index
    %get3A_155 = arith.constant 0 : index
    %get3A_156 = vector.load %arg3[%get3A_154, %get3A_155] : memref<100x128xf32, #tpu.memory_space<vmem>>, vector<100x128xf32>
    %dot_general3A_157 = arith.constant dense<0.000000e+00> : vector<1x128xf32>
    %dot_general3A_158 = tpu.matmul %select_n3A_153, %get3A_156, %dot_general3A_157 {dimension_numbers = #tpu.dot_dimension_numbers<[1], [0], [0], [1], [0, 0, 1, 1], [], []>, precision = #tpu.contract_precision<fp32>, transpose_lhs_hint = false} : vector<1x100xf32>, vector<100x128xf32>, vector<1x128xf32> -> vector<1x128xf32>
    %iota3A_159 = tpu.iota {dimensions = array<i32: 0>} : vector<100x128xi32>
    %iota3A_160 = tpu.iota {dimensions = array<i32: 1>} : vector<100x128xi32>
    %eq3A_161 = arith.cmpi eq, %iota3A_159, %iota3A_160 : vector<100x128xi32>
    %jit3A_162 = arith.constant 1.000000e+00 : f32
    %jit3A_163 = arith.constant 0.000000e+00 : f32
    %broadcast_in_dim3A_164 = vector.broadcast %jit3A_162 : f32 to vector<100x128xf32>
    %broadcast_in_dim3A_165 = vector.broadcast %jit3A_163 : f32 to vector<100x128xf32>
    %select_n3A_166 = arith.select %eq3A_161, %broadcast_in_dim3A_164, %broadcast_in_dim3A_165 : vector<100x128xi1>, vector<100x128xf32>
    %dot_general3A_167 = arith.constant dense<0.000000e+00> : vector<100x1xf32>
    %dot_general3A_168 = tpu.matmul %select_n3A_166, %dot_general3A_158, %dot_general3A_167 {dimension_numbers = #tpu.dot_dimension_numbers<[1], [1], [0], [0], [0, 0, 1, 0], [], []>, precision = #tpu.contract_precision<fp32>, transpose_lhs_hint = false} : vector<100x128xf32>, vector<1x128xf32>, vector<100x1xf32> -> vector<100x1xf32>
    %get3A_169 = arith.constant 3 : index
    %get3A_170 = arith.constant 0 : index
    %get3A_171 = arith.constant 0 : index
    %get3A_172 = vector.load %arg1[%get3A_169, %get3A_170, %get3A_171] : memref<4x100x128xf32, #tpu.memory_space<vmem>>, vector<1x100x128xf32>
    %get3A_173 = vector.shape_cast %get3A_172 : vector<1x100x128xf32> to vector<100x128xf32>
    %convert_element_type3A_174 = arith.truncf %get3A_173 : vector<100x128xf32> to vector<100x128xbf16>
    %convert_element_type3A_175 = arith.truncf %get3A_1 : vector<128x128xf32> to vector<128x128xbf16>
    %dot_general3A_176 = arith.constant dense<0.000000e+00> : vector<100x128xf32>
    %dot_general3A_177 = tpu.matmul %convert_element_type3A_174, %convert_element_type3A_175, %dot_general3A_176 {dimension_numbers = #tpu.dot_dimension_numbers<[1], [0], [0], [1], [0, 0, 1, 1], [], []>, transpose_lhs_hint = false} : vector<100x128xbf16>, vector<128x128xbf16>, vector<100x128xf32> -> vector<100x128xf32>
    %swap3A_178 = arith.constant 3 : index
    %swap3A_179 = arith.constant 0 : index
    %swap3A_180 = arith.constant 0 : index
    %swap3A_181 = vector.load %arg4[%swap3A_178, %swap3A_179, %swap3A_180] : memref<4x100x128xf32, #tpu.memory_space<vmem>>, vector<1x100x128xf32>
    %swap3A_182 = vector.shape_cast %swap3A_181 : vector<1x100x128xf32> to vector<100x128xf32>
    %swap3A_183 = vector.shape_cast %dot_general3A_177 : vector<100x128xf32> to vector<1x100x128xf32>
    tpu.vector_store %arg4[%swap3A_178, %swap3A_179, %swap3A_180], %swap3A_183 {strides = array<i32>} : memref<4x100x128xf32, #tpu.memory_space<vmem>>, vector<1x100x128xf32>,
    %mul3A_184 = vector.broadcast %dot_general3A_168 : vector<100x1xf32> to vector<100x128xf32>
    %mul3A_185 = arith.mulf %dot_general3A_177, %mul3A_184 : vector<100x128xf32>
    %swap3A_186 = arith.constant 3 : index
    %swap3A_187 = arith.constant 0 : index
    %swap3A_188 = arith.constant 0 : index
    %swap3A_189 = vector.load %arg5[%swap3A_186, %swap3A_187, %swap3A_188] : memref<4x100x128xf32, #tpu.memory_space<vmem>>, vector<1x100x128xf32>
    %swap3A_190 = vector.shape_cast %swap3A_189 : vector<1x100x128xf32> to vector<100x128xf32>
    %swap3A_191 = vector.shape_cast %mul3A_185 : vector<100x128xf32> to vector<1x100x128xf32>
    tpu.vector_store %arg5[%swap3A_186, %swap3A_187, %swap3A_188], %swap3A_191 {strides = array<i32>} : memref<4x100x128xf32, #tpu.memory_space<vmem>>, vector<1x100x128xf32>,
    return
  }
  func.func @transform_0(%arg0: i32) -> (i32, i32, i32) {
    %c0_i32 = arith.constant 0 : i32
    %c0_i32_0 = arith.constant 0 : i32
    %c0_i32_1 = arith.constant 0 : i32
    return %arg0, %c0_i32, %c0_i32_0 : i32, i32, i32
  }
  func.func @transform_1(%arg0: i32) -> (i32, i32) {
    %c0_i32 = arith.constant 0 : i32
    %c0_i32_0 = arith.constant 0 : i32
    %c0_i32_1 = arith.constant 0 : i32
    return %c0_i32, %c0_i32_0 : i32, i32
  }
  func.func @transform_2(%arg0: i32) -> (i32, i32) {
    %c0_i32 = arith.constant 0 : i32
    %c0_i32_0 = arith.constant 0 : i32
    %c0_i32_1 = arith.constant 0 : i32
    return %c0_i32, %c0_i32_0 : i32, i32
  }
  func.func @transform_3(%arg0: i32) -> (i32, i32, i32) {
    %c0_i32 = arith.constant 0 : i32
    %c0_i32_0 = arith.constant 0 : i32
    %c0_i32_1 = arith.constant 0 : i32
    return %arg0, %c0_i32, %c0_i32_0 : i32, i32, i32
  }
  func.func @transform_4(%arg0: i32) -> (i32, i32, i32) {
    %c0_i32 = arith.constant 0 : i32
    %c0_i32_0 = arith.constant 0 : i32
    %c0_i32_1 = arith.constant 0 : i32
    return %arg0, %c0_i32, %c0_i32_0 : i32, i32, i32
  }
}

module attributes {stable_mosaic.version = 14 : i64} {
  func.func @_tc2_body(%arg0: i32, %arg1: memref<2x4x100x128xf32, #tpu.memory_space<vmem>>, %arg2: memref<4x100x128xf32, #tpu.memory_space<vmem>>, %arg3: memref<4x100x128xf32, #tpu.memory_space<vmem>>, %arg4: memref<100x128xf32, #tpu.memory_space<vmem>>, %arg5: memref<1x128xf32, #tpu.memory_space<vmem>>, %arg6: memref<4x100x128xf32, #tpu.memory_space<vmem>>, %arg7: memref<4x100x128xf32, #tpu.memory_space<vmem>>) attributes {dimension_semantics = [#tpu.dimension_semantics<arbitrary>], iteration_bounds = array<i64: 25>, scalar_prefetch = 0 : i64, scratch_operands = 0 : i64, tpu.core_type = #tpu.core_type<tc>, window_params = [{transform_indices = @transform_0, window_bounds = array<i64: 2, 4, 100, 128>}, {transform_indices = @transform_1, window_bounds = array<i64: 4, 100, 128>}, {transform_indices = @transform_2, window_bounds = array<i64: 4, 100, 128>}, {pipeline_mode = #tpu.pipeline_mode<synchronous>, transform_indices = @transform_3, window_bounds = array<i64: 100, 128>}, {pipeline_mode = #tpu.pipeline_mode<synchronous>, transform_indices = @transform_4, window_bounds = array<i64: 1, 128>}, {transform_indices = @transform_5, window_bounds = array<i64: 4, 100, 128>}, {transform_indices = @transform_6, window_bounds = array<i64: 4, 100, 128>}]} {
    %get3A = arith.constant 0 : index
    %get3A_0 = arith.constant 0 : index
    %get3A_1 = vector.load %arg5[%get3A, %get3A_0] : memref<1x128xf32, #tpu.memory_space<vmem>>, vector<1x128xf32>
    %mul3A = arith.constant 4 : i32
    %mul3A_2 = arith.muli %arg0, %mul3A : i32
    %add3A = arith.constant 0 : i32
    %add3A_3 = arith.addi %mul3A_2, %add3A : i32
    %iota3A = tpu.iota {dimensions = array<i32: 1>} : vector<1x100xi32>
    %eq3A = vector.broadcast %add3A_3 : i32 to vector<1x100xi32>
    %eq3A_4 = arith.cmpi eq, %iota3A, %eq3A : vector<1x100xi32>
    %jit3A = arith.constant 1.000000e+00 : f32
    %jit3A_5 = arith.constant 0.000000e+00 : f32
    %broadcast_in_dim3A = vector.broadcast %jit3A : f32 to vector<1x100xf32>
    %broadcast_in_dim3A_6 = vector.broadcast %jit3A_5 : f32 to vector<1x100xf32>
    %select_n3A = arith.select %eq3A_4, %broadcast_in_dim3A, %broadcast_in_dim3A_6 : vector<1x100xi1>, vector<1x100xf32>
    %get3A_7 = arith.constant 0 : index
    %get3A_8 = arith.constant 0 : index
    %get3A_9 = vector.load %arg4[%get3A_7, %get3A_8] : memref<100x128xf32, #tpu.memory_space<vmem>>, vector<100x128xf32>
    %dot_general3A = arith.constant dense<0.000000e+00> : vector<1x128xf32>
    %dot_general3A_10 = tpu.matmul %select_n3A, %get3A_9, %dot_general3A {dimension_numbers = #tpu.dot_dimension_numbers<[1], [0], [0], [1], [0, 0, 1, 1], [], []>, precision = #tpu.contract_precision<fp32>, transpose_lhs_hint = false} : vector<1x100xf32>, vector<100x128xf32>, vector<1x128xf32> -> vector<1x128xf32>
    %iota3A_11 = tpu.iota {dimensions = array<i32: 0>} : vector<100x128xi32>
    %iota3A_12 = tpu.iota {dimensions = array<i32: 1>} : vector<100x128xi32>
    %eq3A_13 = arith.cmpi eq, %iota3A_11, %iota3A_12 : vector<100x128xi32>
    %jit3A_14 = arith.constant 1.000000e+00 : f32
    %jit3A_15 = arith.constant 0.000000e+00 : f32
    %broadcast_in_dim3A_16 = vector.broadcast %jit3A_14 : f32 to vector<100x128xf32>
    %broadcast_in_dim3A_17 = vector.broadcast %jit3A_15 : f32 to vector<100x128xf32>
    %select_n3A_18 = arith.select %eq3A_13, %broadcast_in_dim3A_16, %broadcast_in_dim3A_17 : vector<100x128xi1>, vector<100x128xf32>
    %dot_general3A_19 = arith.constant dense<0.000000e+00> : vector<100x1xf32>
    %dot_general3A_20 = tpu.matmul %select_n3A_18, %dot_general3A_10, %dot_general3A_19 {dimension_numbers = #tpu.dot_dimension_numbers<[1], [1], [0], [0], [0, 0, 1, 0], [], []>, precision = #tpu.contract_precision<fp32>, transpose_lhs_hint = false} : vector<100x128xf32>, vector<1x128xf32>, vector<100x1xf32> -> vector<100x1xf32>
    %get3A_21 = arith.constant 0 : index
    %get3A_22 = arith.constant 0 : index
    %get3A_23 = arith.constant 0 : index
    %get3A_24 = arith.constant 0 : index
    %get3A_25 = vector.load %arg1[%get3A_21, %get3A_22, %get3A_23, %get3A_24] : memref<2x4x100x128xf32, #tpu.memory_space<vmem>>, vector<1x1x100x128xf32>
    %get3A_26 = vector.shape_cast %get3A_25 : vector<1x1x100x128xf32> to vector<100x128xf32>
    %get3A_27 = arith.constant 1 : index
    %get3A_28 = arith.constant 0 : index
    %get3A_29 = arith.constant 0 : index
    %get3A_30 = arith.constant 0 : index
    %get3A_31 = vector.load %arg1[%get3A_27, %get3A_28, %get3A_29, %get3A_30] : memref<2x4x100x128xf32, #tpu.memory_space<vmem>>, vector<1x1x100x128xf32>
    %get3A_32 = vector.shape_cast %get3A_31 : vector<1x1x100x128xf32> to vector<100x128xf32>
    %add3A_33 = arith.addf %get3A_26, %get3A_32 : vector<100x128xf32>
    %get3A_34 = arith.constant 0 : index
    %get3A_35 = arith.constant 0 : index
    %get3A_36 = arith.constant 0 : index
    %get3A_37 = vector.load %arg2[%get3A_34, %get3A_35, %get3A_36] : memref<4x100x128xf32, #tpu.memory_space<vmem>>, vector<1x100x128xf32>
    %get3A_38 = vector.shape_cast %get3A_37 : vector<1x100x128xf32> to vector<100x128xf32>
    %add3A_39 = arith.addf %add3A_33, %get3A_38 : vector<100x128xf32>
    %mul3A_40 = vector.broadcast %dot_general3A_20 : vector<100x1xf32> to vector<100x128xf32>
    %mul3A_41 = arith.mulf %add3A_39, %mul3A_40 : vector<100x128xf32>
    %add3A_42 = vector.broadcast %get3A_1 : vector<1x128xf32> to vector<100x128xf32>
    %add3A_43 = arith.addf %mul3A_41, %add3A_42 : vector<100x128xf32>
    %tanh3A = math.tanh %add3A_43 : vector<100x128xf32>
    %mul3A_44 = arith.mulf %tanh3A, %tanh3A : vector<100x128xf32>
    %reduce_sum3A = arith.constant dense<0.000000e+00> : vector<100xf32>
    %reduce_sum3A_45 = vector.multi_reduction <add>, %mul3A_44, %reduce_sum3A [1] : vector<100x128xf32> to vector<100xf32>
    %broadcast_in_dim3A_46 = vector.shape_cast %reduce_sum3A_45 : vector<100xf32> to vector<100x1xf32>
    %iota3A_47 = tpu.iota {dimensions = array<i32: 0>} : vector<100x100xi32>
    %iota3A_48 = tpu.iota {dimensions = array<i32: 1>} : vector<100x100xi32>
    %eq3A_49 = arith.cmpi eq, %iota3A_47, %iota3A_48 : vector<100x100xi32>
    %jit3A_50 = arith.constant 1.000000e+00 : f32
    %jit3A_51 = arith.constant 0.000000e+00 : f32
    %broadcast_in_dim3A_52 = vector.broadcast %jit3A_50 : f32 to vector<100x100xf32>
    %broadcast_in_dim3A_53 = vector.broadcast %jit3A_51 : f32 to vector<100x100xf32>
    %select_n3A_54 = arith.select %eq3A_49, %broadcast_in_dim3A_52, %broadcast_in_dim3A_53 : vector<100x100xi1>, vector<100x100xf32>
    %dot_general3A_55 = arith.constant dense<0.000000e+00> : vector<1x100xf32>
    %dot_general3A_56 = tpu.matmul %broadcast_in_dim3A_46, %select_n3A_54, %dot_general3A_55 {dimension_numbers = #tpu.dot_dimension_numbers<[0], [0], [1], [1], [0, 1, 1, 1], [], []>, precision = #tpu.contract_precision<fp32>, transpose_lhs_hint = false} : vector<100x1xf32>, vector<100x100xf32>, vector<1x100xf32> -> vector<1x100xf32>
    %convert_element_type3A = arith.truncf %tanh3A : vector<100x128xf32> to vector<100x128xbf16>
    %dot_general3A_57 = arith.constant dense<0.000000e+00> : vector<100x100xf32>
    %dot_general3A_58 = tpu.matmul %convert_element_type3A, %convert_element_type3A, %dot_general3A_57 {dimension_numbers = #tpu.dot_dimension_numbers<[1], [1], [0], [0], [0, 0, 1, 0], [], []>, transpose_lhs_hint = false} : vector<100x128xbf16>, vector<100x128xbf16>, vector<100x100xf32> -> vector<100x100xf32>
    %iota3A_59 = tpu.iota {dimensions = array<i32: 0>} : vector<100x100xi32>
    %iota3A_60 = tpu.iota {dimensions = array<i32: 1>} : vector<100x100xi32>
    %eq3A_61 = arith.cmpi eq, %iota3A_59, %iota3A_60 : vector<100x100xi32>
    %add3A_62 = vector.broadcast %broadcast_in_dim3A_46 : vector<100x1xf32> to vector<100x100xf32>
    %add3A_63 = vector.broadcast %dot_general3A_56 : vector<1x100xf32> to vector<100x100xf32>
    %add3A_64 = arith.addf %add3A_62, %add3A_63 : vector<100x100xf32>
    %mul3A_65 = arith.constant 2.000000e+00 : f32
    %mul3A_66 = vector.broadcast %mul3A_65 : f32 to vector<100x100xf32>
    %mul3A_67 = arith.mulf %mul3A_66, %dot_general3A_58 : vector<100x100xf32>
    %sub3A = arith.subf %add3A_64, %mul3A_67 : vector<100x100xf32>
    %jit3A_68 = arith.constant 1.000000e+09 : f32
    %jit3A_69 = arith.constant 0.000000e+00 : f32
    %broadcast_in_dim3A_70 = vector.broadcast %jit3A_68 : f32 to vector<100x100xf32>
    %broadcast_in_dim3A_71 = vector.broadcast %jit3A_69 : f32 to vector<100x100xf32>
    %select_n3A_72 = arith.select %eq3A_61, %broadcast_in_dim3A_70, %broadcast_in_dim3A_71 : vector<100x100xi1>, vector<100x100xf32>
    %add3A_73 = arith.addf %sub3A, %select_n3A_72 : vector<100x100xf32>
    %jit3A_74 = arith.constant 1.000000e+00 : f32
    %jit3A_75 = arith.constant 0.000000e+00 : f32
    %broadcast_in_dim3A_76 = vector.broadcast %jit3A_74 : f32 to vector<100x100xf32>
    %broadcast_in_dim3A_77 = vector.broadcast %jit3A_75 : f32 to vector<100x100xf32>
    %select_n3A_78 = arith.select %eq3A_61, %broadcast_in_dim3A_76, %broadcast_in_dim3A_77 : vector<100x100xi1>, vector<100x100xf32>
    %reduce_min3A = arith.constant dense<0x7F800000> : vector<100xf32>
    %reduce_min3A_79 = vector.multi_reduction <minimumf>, %add3A_73, %reduce_min3A [1] : vector<100x100xf32> to vector<100xf32>
    %broadcast_in_dim3A_80 = vector.shape_cast %reduce_min3A_79 : vector<100xf32> to vector<100x1xf32>
    %le3A = vector.broadcast %broadcast_in_dim3A_80 : vector<100x1xf32> to vector<100x100xf32>
    %le3A_81 = arith.cmpf ole, %add3A_73, %le3A : vector<100x100xf32>
    %jit3A_82 = arith.constant 1000000 : i32
    %broadcast_in_dim3A_83 = vector.broadcast %jit3A_82 : i32 to vector<100x100xi32>
    %select_n3A_84 = arith.select %le3A_81, %iota3A_60, %broadcast_in_dim3A_83 : vector<100x100xi1>, vector<100x100xi32>
    %reduce_min3A_85 = arith.constant dense<2147483647> : vector<100xi32>
    %reduce_min3A_86 = vector.multi_reduction <minsi>, %select_n3A_84, %reduce_min3A_85 [1] : vector<100x100xi32> to vector<100xi32>
    %broadcast_in_dim3A_87 = vector.shape_cast %reduce_min3A_86 : vector<100xi32> to vector<100x1xi32>
    %eq3A_88 = vector.broadcast %broadcast_in_dim3A_87 : vector<100x1xi32> to vector<100x100xi32>
    %eq3A_89 = arith.cmpi eq, %iota3A_60, %eq3A_88 : vector<100x100xi32>
    %jit3A_90 = arith.constant 1.000000e+00 : f32
    %jit3A_91 = arith.constant 0.000000e+00 : f32
    %broadcast_in_dim3A_92 = vector.broadcast %jit3A_90 : f32 to vector<100x100xf32>
    %broadcast_in_dim3A_93 = vector.broadcast %jit3A_91 : f32 to vector<100x100xf32>
    %select_n3A_94 = arith.select %eq3A_89, %broadcast_in_dim3A_92, %broadcast_in_dim3A_93 : vector<100x100xi1>, vector<100x100xf32>
    %add3A_95 = arith.addf %select_n3A_78, %select_n3A_94 : vector<100x100xf32>
    %jit3A_96 = arith.constant 3.000000e+38 : f32
    %broadcast_in_dim3A_97 = vector.broadcast %jit3A_96 : f32 to vector<100x100xf32>
    %select_n3A_98 = arith.select %eq3A_89, %broadcast_in_dim3A_97, %add3A_73 : vector<100x100xi1>, vector<100x100xf32>
    %reduce_min3A_99 = arith.constant dense<0x7F800000> : vector<100xf32>
    %reduce_min3A_100 = vector.multi_reduction <minimumf>, %select_n3A_98, %reduce_min3A_99 [1] : vector<100x100xf32> to vector<100xf32>
    %broadcast_in_dim3A_101 = vector.shape_cast %reduce_min3A_100 : vector<100xf32> to vector<100x1xf32>
    %le3A_102 = vector.broadcast %broadcast_in_dim3A_101 : vector<100x1xf32> to vector<100x100xf32>
    %le3A_103 = arith.cmpf ole, %select_n3A_98, %le3A_102 : vector<100x100xf32>
    %jit3A_104 = arith.constant 1000000 : i32
    %broadcast_in_dim3A_105 = vector.broadcast %jit3A_104 : i32 to vector<100x100xi32>
    %select_n3A_106 = arith.select %le3A_103, %iota3A_60, %broadcast_in_dim3A_105 : vector<100x100xi1>, vector<100x100xi32>
    %reduce_min3A_107 = arith.constant dense<2147483647> : vector<100xi32>
    %reduce_min3A_108 = vector.multi_reduction <minsi>, %select_n3A_106, %reduce_min3A_107 [1] : vector<100x100xi32> to vector<100xi32>
    %broadcast_in_dim3A_109 = vector.shape_cast %reduce_min3A_108 : vector<100xi32> to vector<100x1xi32>
    %eq3A_110 = vector.broadcast %broadcast_in_dim3A_109 : vector<100x1xi32> to vector<100x100xi32>
    %eq3A_111 = arith.cmpi eq, %iota3A_60, %eq3A_110 : vector<100x100xi32>
    %jit3A_112 = arith.constant 3.000000e+38 : f32
    %broadcast_in_dim3A_113 = vector.broadcast %jit3A_112 : f32 to vector<100x100xf32>
    %select_n3A_114 = arith.select %eq3A_111, %broadcast_in_dim3A_113, %select_n3A_98 : vector<100x100xi1>, vector<100x100xf32>
    %reduce_min3A_115 = arith.constant dense<0x7F800000> : vector<100xf32>
    %reduce_min3A_116 = vector.multi_reduction <minimumf>, %select_n3A_114, %reduce_min3A_115 [1] : vector<100x100xf32> to vector<100xf32>
    %broadcast_in_dim3A_117 = vector.shape_cast %reduce_min3A_116 : vector<100xf32> to vector<100x1xf32>
    %le3A_118 = vector.broadcast %broadcast_in_dim3A_117 : vector<100x1xf32> to vector<100x100xf32>
    %le3A_119 = arith.cmpf ole, %select_n3A_114, %le3A_118 : vector<100x100xf32>
    %jit3A_120 = arith.constant 1000000 : i32
    %broadcast_in_dim3A_121 = vector.broadcast %jit3A_120 : i32 to vector<100x100xi32>
    %select_n3A_122 = arith.select %le3A_119, %iota3A_60, %broadcast_in_dim3A_121 : vector<100x100xi1>, vector<100x100xi32>
    %reduce_min3A_123 = arith.constant dense<2147483647> : vector<100xi32>
    %reduce_min3A_124 = vector.multi_reduction <minsi>, %select_n3A_122, %reduce_min3A_123 [1] : vector<100x100xi32> to vector<100xi32>
    %broadcast_in_dim3A_125 = vector.shape_cast %reduce_min3A_124 : vector<100xi32> to vector<100x1xi32>
    %eq3A_126 = vector.broadcast %broadcast_in_dim3A_125 : vector<100x1xi32> to vector<100x100xi32>
    %eq3A_127 = arith.cmpi eq, %iota3A_60, %eq3A_126 : vector<100x100xi32>
    %jit3A_128 = arith.constant 1.000000e+00 : f32
    %jit3A_129 = arith.constant 0.000000e+00 : f32
    %broadcast_in_dim3A_130 = vector.broadcast %jit3A_128 : f32 to vector<100x100xf32>
    %broadcast_in_dim3A_131 = vector.broadcast %jit3A_129 : f32 to vector<100x100xf32>
    %select_n3A_132 = arith.select %eq3A_127, %broadcast_in_dim3A_130, %broadcast_in_dim3A_131 : vector<100x100xi1>, vector<100x100xf32>
    %add3A_133 = arith.addf %add3A_95, %select_n3A_132 : vector<100x100xf32>
    %jit3A_134 = arith.constant 3.000000e+38 : f32
    %broadcast_in_dim3A_135 = vector.broadcast %jit3A_134 : f32 to vector<100x100xf32>
    %select_n3A_136 = arith.select %eq3A_127, %broadcast_in_dim3A_135, %select_n3A_114 : vector<100x100xi1>, vector<100x100xf32>
    %reduce_min3A_137 = arith.constant dense<0x7F800000> : vector<100xf32>
    %reduce_min3A_138 = vector.multi_reduction <minimumf>, %select_n3A_136, %reduce_min3A_137 [1] : vector<100x100xf32> to vector<100xf32>
    %broadcast_in_dim3A_139 = vector.shape_cast %reduce_min3A_138 : vector<100xf32> to vector<100x1xf32>
    %le3A_140 = vector.broadcast %broadcast_in_dim3A_139 : vector<100x1xf32> to vector<100x100xf32>
    %le3A_141 = arith.cmpf ole, %select_n3A_136, %le3A_140 : vector<100x100xf32>
    %jit3A_142 = arith.constant 1000000 : i32
    %broadcast_in_dim3A_143 = vector.broadcast %jit3A_142 : i32 to vector<100x100xi32>
    %select_n3A_144 = arith.select %le3A_141, %iota3A_60, %broadcast_in_dim3A_143 : vector<100x100xi1>, vector<100x100xi32>
    %reduce_min3A_145 = arith.constant dense<2147483647> : vector<100xi32>
    %reduce_min3A_146 = vector.multi_reduction <minsi>, %select_n3A_144, %reduce_min3A_145 [1] : vector<100x100xi32> to vector<100xi32>
    %broadcast_in_dim3A_147 = vector.shape_cast %reduce_min3A_146 : vector<100xi32> to vector<100x1xi32>
    %eq3A_148 = vector.broadcast %broadcast_in_dim3A_147 : vector<100x1xi32> to vector<100x100xi32>
    %eq3A_149 = arith.cmpi eq, %iota3A_60, %eq3A_148 : vector<100x100xi32>
    %jit3A_150 = arith.constant 3.000000e+38 : f32
    %broadcast_in_dim3A_151 = vector.broadcast %jit3A_150 : f32 to vector<100x100xf32>
    %select_n3A_152 = arith.select %eq3A_149, %broadcast_in_dim3A_151, %select_n3A_136 : vector<100x100xi1>, vector<100x100xf32>
    %reduce_min3A_153 = arith.constant dense<0x7F800000> : vector<100xf32>
    %reduce_min3A_154 = vector.multi_reduction <minimumf>, %select_n3A_152, %reduce_min3A_153 [1] : vector<100x100xf32> to vector<100xf32>
    %broadcast_in_dim3A_155 = vector.shape_cast %reduce_min3A_154 : vector<100xf32> to vector<100x1xf32>
    %le3A_156 = vector.broadcast %broadcast_in_dim3A_155 : vector<100x1xf32> to vector<100x100xf32>
    %le3A_157 = arith.cmpf ole, %select_n3A_152, %le3A_156 : vector<100x100xf32>
    %jit3A_158 = arith.constant 1000000 : i32
    %broadcast_in_dim3A_159 = vector.broadcast %jit3A_158 : i32 to vector<100x100xi32>
    %select_n3A_160 = arith.select %le3A_157, %iota3A_60, %broadcast_in_dim3A_159 : vector<100x100xi1>, vector<100x100xi32>
    %reduce_min3A_161 = arith.constant dense<2147483647> : vector<100xi32>
    %reduce_min3A_162 = vector.multi_reduction <minsi>, %select_n3A_160, %reduce_min3A_161 [1] : vector<100x100xi32> to vector<100xi32>
    %broadcast_in_dim3A_163 = vector.shape_cast %reduce_min3A_162 : vector<100xi32> to vector<100x1xi32>
    %eq3A_164 = vector.broadcast %broadcast_in_dim3A_163 : vector<100x1xi32> to vector<100x100xi32>
    %eq3A_165 = arith.cmpi eq, %iota3A_60, %eq3A_164 : vector<100x100xi32>
    %jit3A_166 = arith.constant 1.000000e+00 : f32
    %jit3A_167 = arith.constant 0.000000e+00 : f32
    %broadcast_in_dim3A_168 = vector.broadcast %jit3A_166 : f32 to vector<100x100xf32>
    %broadcast_in_dim3A_169 = vector.broadcast %jit3A_167 : f32 to vector<100x100xf32>
    %select_n3A_170 = arith.select %eq3A_165, %broadcast_in_dim3A_168, %broadcast_in_dim3A_169 : vector<100x100xi1>, vector<100x100xf32>
    %add3A_171 = arith.addf %add3A_133, %select_n3A_170 : vector<100x100xf32>
    %jit3A_172 = arith.constant 3.000000e+38 : f32
    %broadcast_in_dim3A_173 = vector.broadcast %jit3A_172 : f32 to vector<100x100xf32>
    %select_n3A_174 = arith.select %eq3A_165, %broadcast_in_dim3A_173, %select_n3A_152 : vector<100x100xi1>, vector<100x100xf32>
    %reduce_min3A_175 = arith.constant dense<0x7F800000> : vector<100xf32>
    %reduce_min3A_176 = vector.multi_reduction <minimumf>, %select_n3A_174, %reduce_min3A_175 [1] : vector<100x100xf32> to vector<100xf32>
    %broadcast_in_dim3A_177 = vector.shape_cast %reduce_min3A_176 : vector<100xf32> to vector<100x1xf32>
    %le3A_178 = vector.broadcast %broadcast_in_dim3A_177 : vector<100x1xf32> to vector<100x100xf32>
    %le3A_179 = arith.cmpf ole, %select_n3A_174, %le3A_178 : vector<100x100xf32>
    %jit3A_180 = arith.constant 1000000 : i32
    %broadcast_in_dim3A_181 = vector.broadcast %jit3A_180 : i32 to vector<100x100xi32>
    %select_n3A_182 = arith.select %le3A_179, %iota3A_60, %broadcast_in_dim3A_181 : vector<100x100xi1>, vector<100x100xi32>
    %reduce_min3A_183 = arith.constant dense<2147483647> : vector<100xi32>
    %reduce_min3A_184 = vector.multi_reduction <minsi>, %select_n3A_182, %reduce_min3A_183 [1] : vector<100x100xi32> to vector<100xi32>
    %broadcast_in_dim3A_185 = vector.shape_cast %reduce_min3A_184 : vector<100xi32> to vector<100x1xi32>
    %eq3A_186 = vector.broadcast %broadcast_in_dim3A_185 : vector<100x1xi32> to vector<100x100xi32>
    %eq3A_187 = arith.cmpi eq, %iota3A_60, %eq3A_186 : vector<100x100xi32>
    %jit3A_188 = arith.constant 3.000000e+38 : f32
    %broadcast_in_dim3A_189 = vector.broadcast %jit3A_188 : f32 to vector<100x100xf32>
    %select_n3A_190 = arith.select %eq3A_187, %broadcast_in_dim3A_189, %select_n3A_174 : vector<100x100xi1>, vector<100x100xf32>
    %reduce_min3A_191 = arith.constant dense<0x7F800000> : vector<100xf32>
    %reduce_min3A_192 = vector.multi_reduction <minimumf>, %select_n3A_190, %reduce_min3A_191 [1] : vector<100x100xf32> to vector<100xf32>
    %broadcast_in_dim3A_193 = vector.shape_cast %reduce_min3A_192 : vector<100xf32> to vector<100x1xf32>
    %le3A_194 = vector.broadcast %broadcast_in_dim3A_193 : vector<100x1xf32> to vector<100x100xf32>
    %le3A_195 = arith.cmpf ole, %select_n3A_190, %le3A_194 : vector<100x100xf32>
    %jit3A_196 = arith.constant 1000000 : i32
    %broadcast_in_dim3A_197 = vector.broadcast %jit3A_196 : i32 to vector<100x100xi32>
    %select_n3A_198 = arith.select %le3A_195, %iota3A_60, %broadcast_in_dim3A_197 : vector<100x100xi1>, vector<100x100xi32>
    %reduce_min3A_199 = arith.constant dense<2147483647> : vector<100xi32>
    %reduce_min3A_200 = vector.multi_reduction <minsi>, %select_n3A_198, %reduce_min3A_199 [1] : vector<100x100xi32> to vector<100xi32>
    %broadcast_in_dim3A_201 = vector.shape_cast %reduce_min3A_200 : vector<100xi32> to vector<100x1xi32>
    %eq3A_202 = vector.broadcast %broadcast_in_dim3A_201 : vector<100x1xi32> to vector<100x100xi32>
    %eq3A_203 = arith.cmpi eq, %iota3A_60, %eq3A_202 : vector<100x100xi32>
    %jit3A_204 = arith.constant 1.000000e+00 : f32
    %jit3A_205 = arith.constant 0.000000e+00 : f32
    %broadcast_in_dim3A_206 = vector.broadcast %jit3A_204 : f32 to vector<100x100xf32>
    %broadcast_in_dim3A_207 = vector.broadcast %jit3A_205 : f32 to vector<100x100xf32>
    %select_n3A_208 = arith.select %eq3A_203, %broadcast_in_dim3A_206, %broadcast_in_dim3A_207 : vector<100x100xi1>, vector<100x100xf32>
    %add3A_209 = arith.addf %add3A_171, %select_n3A_208 : vector<100x100xf32>
    %get3A_210 = arith.constant 0 : index
    %get3A_211 = arith.constant 0 : index
    %get3A_212 = arith.constant 0 : index
    %get3A_213 = vector.load %arg3[%get3A_210, %get3A_211, %get3A_212] : memref<4x100x128xf32, #tpu.memory_space<vmem>>, vector<1x100x128xf32>
    %get3A_214 = vector.shape_cast %get3A_213 : vector<1x100x128xf32> to vector<100x128xf32>
    %dot_general3A_215 = arith.constant dense<0.000000e+00> : vector<100x128xf32>
    %dot_general3A_216 = tpu.matmul %add3A_209, %get3A_214, %dot_general3A_215 {dimension_numbers = #tpu.dot_dimension_numbers<[1], [0], [0], [1], [0, 0, 1, 1], [], []>, precision = #tpu.contract_precision<fp32>, transpose_lhs_hint = false} : vector<100x100xf32>, vector<100x128xf32>, vector<100x128xf32> -> vector<100x128xf32>
    %mul3A_217 = arith.constant 2.000000e-01 : f32
    %mul3A_218 = vector.broadcast %mul3A_217 : f32 to vector<100x128xf32>
    %mul3A_219 = arith.mulf %dot_general3A_216, %mul3A_218 : vector<100x128xf32>
    %add3A_220 = vector.broadcast %get3A_1 : vector<1x128xf32> to vector<100x128xf32>
    %add3A_221 = arith.addf %mul3A_219, %add3A_220 : vector<100x128xf32>
    %tanh3A_222 = math.tanh %add3A_221 : vector<100x128xf32>
    %add3A_223 = arith.addf %tanh3A, %tanh3A_222 : vector<100x128xf32>
    %ge3A = arith.constant 0.000000e+00 : f32
    %ge3A_224 = vector.broadcast %ge3A : f32 to vector<100x128xf32>
    %ge3A_225 = arith.cmpf oge, %add3A_223, %ge3A_224 : vector<100x128xf32>
    %mul3A_226 = arith.constant 0.00999999977 : f32
    %mul3A_227 = vector.broadcast %mul3A_226 : f32 to vector<100x128xf32>
    %mul3A_228 = arith.mulf %mul3A_227, %add3A_223 : vector<100x128xf32>
    %select_n3A_229 = arith.select %ge3A_225, %add3A_223, %mul3A_228 : vector<100x128xi1>, vector<100x128xf32>
    %swap3A = arith.constant 0 : index
    %swap3A_230 = arith.constant 0 : index
    %swap3A_231 = arith.constant 0 : index
    %swap3A_232 = vector.load %arg6[%swap3A, %swap3A_230, %swap3A_231] : memref<4x100x128xf32, #tpu.memory_space<vmem>>, vector<1x100x128xf32>
    %swap3A_233 = vector.shape_cast %swap3A_232 : vector<1x100x128xf32> to vector<100x128xf32>
    %swap3A_234 = vector.shape_cast %select_n3A_229 : vector<100x128xf32> to vector<1x100x128xf32>
    tpu.vector_store %arg6[%swap3A, %swap3A_230, %swap3A_231], %swap3A_234 {strides = array<i32>} : memref<4x100x128xf32, #tpu.memory_space<vmem>>, vector<1x100x128xf32>,
    %convert_element_type3A_235 = arith.truncf %select_n3A_229 : vector<100x128xf32> to vector<100x128xbf16>
    %convert_element_type3A_236 = arith.extf %convert_element_type3A_235 : vector<100x128xbf16> to vector<100x128xf32>
    %mul3A_237 = vector.broadcast %dot_general3A_20 : vector<100x1xf32> to vector<100x128xf32>
    %mul3A_238 = arith.mulf %convert_element_type3A_236, %mul3A_237 : vector<100x128xf32>
    %swap3A_239 = arith.constant 0 : index
    %swap3A_240 = arith.constant 0 : index
    %swap3A_241 = arith.constant 0 : index
    %swap3A_242 = vector.load %arg7[%swap3A_239, %swap3A_240, %swap3A_241] : memref<4x100x128xf32, #tpu.memory_space<vmem>>, vector<1x100x128xf32>
    %swap3A_243 = vector.shape_cast %swap3A_242 : vector<1x100x128xf32> to vector<100x128xf32>
    %swap3A_244 = vector.shape_cast %mul3A_238 : vector<100x128xf32> to vector<1x100x128xf32>
    tpu.vector_store %arg7[%swap3A_239, %swap3A_240, %swap3A_241], %swap3A_244 {strides = array<i32>} : memref<4x100x128xf32, #tpu.memory_space<vmem>>, vector<1x100x128xf32>,
    %mul3A_245 = arith.constant 4 : i32
    %mul3A_246 = arith.muli %arg0, %mul3A_245 : i32
    %add3A_247 = arith.constant 1 : i32
    %add3A_248 = arith.addi %mul3A_246, %add3A_247 : i32
    %iota3A_249 = tpu.iota {dimensions = array<i32: 1>} : vector<1x100xi32>
    %eq3A_250 = vector.broadcast %add3A_248 : i32 to vector<1x100xi32>
    %eq3A_251 = arith.cmpi eq, %iota3A_249, %eq3A_250 : vector<1x100xi32>
    %jit3A_252 = arith.constant 1.000000e+00 : f32
    %jit3A_253 = arith.constant 0.000000e+00 : f32
    %broadcast_in_dim3A_254 = vector.broadcast %jit3A_252 : f32 to vector<1x100xf32>
    %broadcast_in_dim3A_255 = vector.broadcast %jit3A_253 : f32 to vector<1x100xf32>
    %select_n3A_256 = arith.select %eq3A_251, %broadcast_in_dim3A_254, %broadcast_in_dim3A_255 : vector<1x100xi1>, vector<1x100xf32>
    %get3A_257 = arith.constant 0 : index
    %get3A_258 = arith.constant 0 : index
    %get3A_259 = vector.load %arg4[%get3A_257, %get3A_258] : memref<100x128xf32, #tpu.memory_space<vmem>>, vector<100x128xf32>
    %dot_general3A_260 = arith.constant dense<0.000000e+00> : vector<1x128xf32>
    %dot_general3A_261 = tpu.matmul %select_n3A_256, %get3A_259, %dot_general3A_260 {dimension_numbers = #tpu.dot_dimension_numbers<[1], [0], [0], [1], [0, 0, 1, 1], [], []>, precision = #tpu.contract_precision<fp32>, transpose_lhs_hint = false} : vector<1x100xf32>, vector<100x128xf32>, vector<1x128xf32> -> vector<1x128xf32>
    %iota3A_262 = tpu.iota {dimensions = array<i32: 0>} : vector<100x128xi32>
    %iota3A_263 = tpu.iota {dimensions = array<i32: 1>} : vector<100x128xi32>
    %eq3A_264 = arith.cmpi eq, %iota3A_262, %iota3A_263 : vector<100x128xi32>
    %jit3A_265 = arith.constant 1.000000e+00 : f32
    %jit3A_266 = arith.constant 0.000000e+00 : f32
    %broadcast_in_dim3A_267 = vector.broadcast %jit3A_265 : f32 to vector<100x128xf32>
    %broadcast_in_dim3A_268 = vector.broadcast %jit3A_266 : f32 to vector<100x128xf32>
    %select_n3A_269 = arith.select %eq3A_264, %broadcast_in_dim3A_267, %broadcast_in_dim3A_268 : vector<100x128xi1>, vector<100x128xf32>
    %dot_general3A_270 = arith.constant dense<0.000000e+00> : vector<100x1xf32>
    %dot_general3A_271 = tpu.matmul %select_n3A_269, %dot_general3A_261, %dot_general3A_270 {dimension_numbers = #tpu.dot_dimension_numbers<[1], [1], [0], [0], [0, 0, 1, 0], [], []>, precision = #tpu.contract_precision<fp32>, transpose_lhs_hint = false} : vector<100x128xf32>, vector<1x128xf32>, vector<100x1xf32> -> vector<100x1xf32>
    %get3A_272 = arith.constant 0 : index
    %get3A_273 = arith.constant 1 : index
    %get3A_274 = arith.constant 0 : index
    %get3A_275 = arith.constant 0 : index
    %get3A_276 = vector.load %arg1[%get3A_272, %get3A_273, %get3A_274, %get3A_275] : memref<2x4x100x128xf32, #tpu.memory_space<vmem>>, vector<1x1x100x128xf32>
    %get3A_277 = vector.shape_cast %get3A_276 : vector<1x1x100x128xf32> to vector<100x128xf32>
    %get3A_278 = arith.constant 1 : index
    %get3A_279 = arith.constant 1 : index
    %get3A_280 = arith.constant 0 : index
    %get3A_281 = arith.constant 0 : index
    %get3A_282 = vector.load %arg1[%get3A_278, %get3A_279, %get3A_280, %get3A_281] : memref<2x4x100x128xf32, #tpu.memory_space<vmem>>, vector<1x1x100x128xf32>
    %get3A_283 = vector.shape_cast %get3A_282 : vector<1x1x100x128xf32> to vector<100x128xf32>
    %add3A_284 = arith.addf %get3A_277, %get3A_283 : vector<100x128xf32>
    %get3A_285 = arith.constant 1 : index
    %get3A_286 = arith.constant 0 : index
    %get3A_287 = arith.constant 0 : index
    %get3A_288 = vector.load %arg2[%get3A_285, %get3A_286, %get3A_287] : memref<4x100x128xf32, #tpu.memory_space<vmem>>, vector<1x100x128xf32>
    %get3A_289 = vector.shape_cast %get3A_288 : vector<1x100x128xf32> to vector<100x128xf32>
    %add3A_290 = arith.addf %add3A_284, %get3A_289 : vector<100x128xf32>
    %mul3A_291 = vector.broadcast %dot_general3A_271 : vector<100x1xf32> to vector<100x128xf32>
    %mul3A_292 = arith.mulf %add3A_290, %mul3A_291 : vector<100x128xf32>
    %add3A_293 = vector.broadcast %get3A_1 : vector<1x128xf32> to vector<100x128xf32>
    %add3A_294 = arith.addf %mul3A_292, %add3A_293 : vector<100x128xf32>
    %tanh3A_295 = math.tanh %add3A_294 : vector<100x128xf32>
    %mul3A_296 = arith.mulf %tanh3A_295, %tanh3A_295 : vector<100x128xf32>
    %reduce_sum3A_297 = arith.constant dense<0.000000e+00> : vector<100xf32>
    %reduce_sum3A_298 = vector.multi_reduction <add>, %mul3A_296, %reduce_sum3A_297 [1] : vector<100x128xf32> to vector<100xf32>
    %broadcast_in_dim3A_299 = vector.shape_cast %reduce_sum3A_298 : vector<100xf32> to vector<100x1xf32>
    %iota3A_300 = tpu.iota {dimensions = array<i32: 0>} : vector<100x100xi32>
    %iota3A_301 = tpu.iota {dimensions = array<i32: 1>} : vector<100x100xi32>
    %eq3A_302 = arith.cmpi eq, %iota3A_300, %iota3A_301 : vector<100x100xi32>
    %jit3A_303 = arith.constant 1.000000e+00 : f32
    %jit3A_304 = arith.constant 0.000000e+00 : f32
    %broadcast_in_dim3A_305 = vector.broadcast %jit3A_303 : f32 to vector<100x100xf32>
    %broadcast_in_dim3A_306 = vector.broadcast %jit3A_304 : f32 to vector<100x100xf32>
    %select_n3A_307 = arith.select %eq3A_302, %broadcast_in_dim3A_305, %broadcast_in_dim3A_306 : vector<100x100xi1>, vector<100x100xf32>
    %dot_general3A_308 = arith.constant dense<0.000000e+00> : vector<1x100xf32>
    %dot_general3A_309 = tpu.matmul %broadcast_in_dim3A_299, %select_n3A_307, %dot_general3A_308 {dimension_numbers = #tpu.dot_dimension_numbers<[0], [0], [1], [1], [0, 1, 1, 1], [], []>, precision = #tpu.contract_precision<fp32>, transpose_lhs_hint = false} : vector<100x1xf32>, vector<100x100xf32>, vector<1x100xf32> -> vector<1x100xf32>
    %convert_element_type3A_310 = arith.truncf %tanh3A_295 : vector<100x128xf32> to vector<100x128xbf16>
    %dot_general3A_311 = arith.constant dense<0.000000e+00> : vector<100x100xf32>
    %dot_general3A_312 = tpu.matmul %convert_element_type3A_310, %convert_element_type3A_310, %dot_general3A_311 {dimension_numbers = #tpu.dot_dimension_numbers<[1], [1], [0], [0], [0, 0, 1, 0], [], []>, transpose_lhs_hint = false} : vector<100x128xbf16>, vector<100x128xbf16>, vector<100x100xf32> -> vector<100x100xf32>
    %iota3A_313 = tpu.iota {dimensions = array<i32: 0>} : vector<100x100xi32>
    %iota3A_314 = tpu.iota {dimensions = array<i32: 1>} : vector<100x100xi32>
    %eq3A_315 = arith.cmpi eq, %iota3A_313, %iota3A_314 : vector<100x100xi32>
    %add3A_316 = vector.broadcast %broadcast_in_dim3A_299 : vector<100x1xf32> to vector<100x100xf32>
    %add3A_317 = vector.broadcast %dot_general3A_309 : vector<1x100xf32> to vector<100x100xf32>
    %add3A_318 = arith.addf %add3A_316, %add3A_317 : vector<100x100xf32>
    %mul3A_319 = arith.constant 2.000000e+00 : f32
    %mul3A_320 = vector.broadcast %mul3A_319 : f32 to vector<100x100xf32>
    %mul3A_321 = arith.mulf %mul3A_320, %dot_general3A_312 : vector<100x100xf32>
    %sub3A_322 = arith.subf %add3A_318, %mul3A_321 : vector<100x100xf32>
    %jit3A_323 = arith.constant 1.000000e+09 : f32
    %jit3A_324 = arith.constant 0.000000e+00 : f32
    %broadcast_in_dim3A_325 = vector.broadcast %jit3A_323 : f32 to vector<100x100xf32>
    %broadcast_in_dim3A_326 = vector.broadcast %jit3A_324 : f32 to vector<100x100xf32>
    %select_n3A_327 = arith.select %eq3A_315, %broadcast_in_dim3A_325, %broadcast_in_dim3A_326 : vector<100x100xi1>, vector<100x100xf32>
    %add3A_328 = arith.addf %sub3A_322, %select_n3A_327 : vector<100x100xf32>
    %jit3A_329 = arith.constant 1.000000e+00 : f32
    %jit3A_330 = arith.constant 0.000000e+00 : f32
    %broadcast_in_dim3A_331 = vector.broadcast %jit3A_329 : f32 to vector<100x100xf32>
    %broadcast_in_dim3A_332 = vector.broadcast %jit3A_330 : f32 to vector<100x100xf32>
    %select_n3A_333 = arith.select %eq3A_315, %broadcast_in_dim3A_331, %broadcast_in_dim3A_332 : vector<100x100xi1>, vector<100x100xf32>
    %reduce_min3A_334 = arith.constant dense<0x7F800000> : vector<100xf32>
    %reduce_min3A_335 = vector.multi_reduction <minimumf>, %add3A_328, %reduce_min3A_334 [1] : vector<100x100xf32> to vector<100xf32>
    %broadcast_in_dim3A_336 = vector.shape_cast %reduce_min3A_335 : vector<100xf32> to vector<100x1xf32>
    %le3A_337 = vector.broadcast %broadcast_in_dim3A_336 : vector<100x1xf32> to vector<100x100xf32>
    %le3A_338 = arith.cmpf ole, %add3A_328, %le3A_337 : vector<100x100xf32>
    %jit3A_339 = arith.constant 1000000 : i32
    %broadcast_in_dim3A_340 = vector.broadcast %jit3A_339 : i32 to vector<100x100xi32>
    %select_n3A_341 = arith.select %le3A_338, %iota3A_314, %broadcast_in_dim3A_340 : vector<100x100xi1>, vector<100x100xi32>
    %reduce_min3A_342 = arith.constant dense<2147483647> : vector<100xi32>
    %reduce_min3A_343 = vector.multi_reduction <minsi>, %select_n3A_341, %reduce_min3A_342 [1] : vector<100x100xi32> to vector<100xi32>
    %broadcast_in_dim3A_344 = vector.shape_cast %reduce_min3A_343 : vector<100xi32> to vector<100x1xi32>
    %eq3A_345 = vector.broadcast %broadcast_in_dim3A_344 : vector<100x1xi32> to vector<100x100xi32>
    %eq3A_346 = arith.cmpi eq, %iota3A_314, %eq3A_345 : vector<100x100xi32>
    %jit3A_347 = arith.constant 1.000000e+00 : f32
    %jit3A_348 = arith.constant 0.000000e+00 : f32
    %broadcast_in_dim3A_349 = vector.broadcast %jit3A_347 : f32 to vector<100x100xf32>
    %broadcast_in_dim3A_350 = vector.broadcast %jit3A_348 : f32 to vector<100x100xf32>
    %select_n3A_351 = arith.select %eq3A_346, %broadcast_in_dim3A_349, %broadcast_in_dim3A_350 : vector<100x100xi1>, vector<100x100xf32>
    %add3A_352 = arith.addf %select_n3A_333, %select_n3A_351 : vector<100x100xf32>
    %jit3A_353 = arith.constant 3.000000e+38 : f32
    %broadcast_in_dim3A_354 = vector.broadcast %jit3A_353 : f32 to vector<100x100xf32>
    %select_n3A_355 = arith.select %eq3A_346, %broadcast_in_dim3A_354, %add3A_328 : vector<100x100xi1>, vector<100x100xf32>
    %reduce_min3A_356 = arith.constant dense<0x7F800000> : vector<100xf32>
    %reduce_min3A_357 = vector.multi_reduction <minimumf>, %select_n3A_355, %reduce_min3A_356 [1] : vector<100x100xf32> to vector<100xf32>
    %broadcast_in_dim3A_358 = vector.shape_cast %reduce_min3A_357 : vector<100xf32> to vector<100x1xf32>
    %le3A_359 = vector.broadcast %broadcast_in_dim3A_358 : vector<100x1xf32> to vector<100x100xf32>
    %le3A_360 = arith.cmpf ole, %select_n3A_355, %le3A_359 : vector<100x100xf32>
    %jit3A_361 = arith.constant 1000000 : i32
    %broadcast_in_dim3A_362 = vector.broadcast %jit3A_361 : i32 to vector<100x100xi32>
    %select_n3A_363 = arith.select %le3A_360, %iota3A_314, %broadcast_in_dim3A_362 : vector<100x100xi1>, vector<100x100xi32>
    %reduce_min3A_364 = arith.constant dense<2147483647> : vector<100xi32>
    %reduce_min3A_365 = vector.multi_reduction <minsi>, %select_n3A_363, %reduce_min3A_364 [1] : vector<100x100xi32> to vector<100xi32>
    %broadcast_in_dim3A_366 = vector.shape_cast %reduce_min3A_365 : vector<100xi32> to vector<100x1xi32>
    %eq3A_367 = vector.broadcast %broadcast_in_dim3A_366 : vector<100x1xi32> to vector<100x100xi32>
    %eq3A_368 = arith.cmpi eq, %iota3A_314, %eq3A_367 : vector<100x100xi32>
    %jit3A_369 = arith.constant 3.000000e+38 : f32
    %broadcast_in_dim3A_370 = vector.broadcast %jit3A_369 : f32 to vector<100x100xf32>
    %select_n3A_371 = arith.select %eq3A_368, %broadcast_in_dim3A_370, %select_n3A_355 : vector<100x100xi1>, vector<100x100xf32>
    %reduce_min3A_372 = arith.constant dense<0x7F800000> : vector<100xf32>
    %reduce_min3A_373 = vector.multi_reduction <minimumf>, %select_n3A_371, %reduce_min3A_372 [1] : vector<100x100xf32> to vector<100xf32>
    %broadcast_in_dim3A_374 = vector.shape_cast %reduce_min3A_373 : vector<100xf32> to vector<100x1xf32>
    %le3A_375 = vector.broadcast %broadcast_in_dim3A_374 : vector<100x1xf32> to vector<100x100xf32>
    %le3A_376 = arith.cmpf ole, %select_n3A_371, %le3A_375 : vector<100x100xf32>
    %jit3A_377 = arith.constant 1000000 : i32
    %broadcast_in_dim3A_378 = vector.broadcast %jit3A_377 : i32 to vector<100x100xi32>
    %select_n3A_379 = arith.select %le3A_376, %iota3A_314, %broadcast_in_dim3A_378 : vector<100x100xi1>, vector<100x100xi32>
    %reduce_min3A_380 = arith.constant dense<2147483647> : vector<100xi32>
    %reduce_min3A_381 = vector.multi_reduction <minsi>, %select_n3A_379, %reduce_min3A_380 [1] : vector<100x100xi32> to vector<100xi32>
    %broadcast_in_dim3A_382 = vector.shape_cast %reduce_min3A_381 : vector<100xi32> to vector<100x1xi32>
    %eq3A_383 = vector.broadcast %broadcast_in_dim3A_382 : vector<100x1xi32> to vector<100x100xi32>
    %eq3A_384 = arith.cmpi eq, %iota3A_314, %eq3A_383 : vector<100x100xi32>
    %jit3A_385 = arith.constant 1.000000e+00 : f32
    %jit3A_386 = arith.constant 0.000000e+00 : f32
    %broadcast_in_dim3A_387 = vector.broadcast %jit3A_385 : f32 to vector<100x100xf32>
    %broadcast_in_dim3A_388 = vector.broadcast %jit3A_386 : f32 to vector<100x100xf32>
    %select_n3A_389 = arith.select %eq3A_384, %broadcast_in_dim3A_387, %broadcast_in_dim3A_388 : vector<100x100xi1>, vector<100x100xf32>
    %add3A_390 = arith.addf %add3A_352, %select_n3A_389 : vector<100x100xf32>
    %jit3A_391 = arith.constant 3.000000e+38 : f32
    %broadcast_in_dim3A_392 = vector.broadcast %jit3A_391 : f32 to vector<100x100xf32>
    %select_n3A_393 = arith.select %eq3A_384, %broadcast_in_dim3A_392, %select_n3A_371 : vector<100x100xi1>, vector<100x100xf32>
    %reduce_min3A_394 = arith.constant dense<0x7F800000> : vector<100xf32>
    %reduce_min3A_395 = vector.multi_reduction <minimumf>, %select_n3A_393, %reduce_min3A_394 [1] : vector<100x100xf32> to vector<100xf32>
    %broadcast_in_dim3A_396 = vector.shape_cast %reduce_min3A_395 : vector<100xf32> to vector<100x1xf32>
    %le3A_397 = vector.broadcast %broadcast_in_dim3A_396 : vector<100x1xf32> to vector<100x100xf32>
    %le3A_398 = arith.cmpf ole, %select_n3A_393, %le3A_397 : vector<100x100xf32>
    %jit3A_399 = arith.constant 1000000 : i32
    %broadcast_in_dim3A_400 = vector.broadcast %jit3A_399 : i32 to vector<100x100xi32>
    %select_n3A_401 = arith.select %le3A_398, %iota3A_314, %broadcast_in_dim3A_400 : vector<100x100xi1>, vector<100x100xi32>
    %reduce_min3A_402 = arith.constant dense<2147483647> : vector<100xi32>
    %reduce_min3A_403 = vector.multi_reduction <minsi>, %select_n3A_401, %reduce_min3A_402 [1] : vector<100x100xi32> to vector<100xi32>
    %broadcast_in_dim3A_404 = vector.shape_cast %reduce_min3A_403 : vector<100xi32> to vector<100x1xi32>
    %eq3A_405 = vector.broadcast %broadcast_in_dim3A_404 : vector<100x1xi32> to vector<100x100xi32>
    %eq3A_406 = arith.cmpi eq, %iota3A_314, %eq3A_405 : vector<100x100xi32>
    %jit3A_407 = arith.constant 3.000000e+38 : f32
    %broadcast_in_dim3A_408 = vector.broadcast %jit3A_407 : f32 to vector<100x100xf32>
    %select_n3A_409 = arith.select %eq3A_406, %broadcast_in_dim3A_408, %select_n3A_393 : vector<100x100xi1>, vector<100x100xf32>
    %reduce_min3A_410 = arith.constant dense<0x7F800000> : vector<100xf32>
    %reduce_min3A_411 = vector.multi_reduction <minimumf>, %select_n3A_409, %reduce_min3A_410 [1] : vector<100x100xf32> to vector<100xf32>
    %broadcast_in_dim3A_412 = vector.shape_cast %reduce_min3A_411 : vector<100xf32> to vector<100x1xf32>
    %le3A_413 = vector.broadcast %broadcast_in_dim3A_412 : vector<100x1xf32> to vector<100x100xf32>
    %le3A_414 = arith.cmpf ole, %select_n3A_409, %le3A_413 : vector<100x100xf32>
    %jit3A_415 = arith.constant 1000000 : i32
    %broadcast_in_dim3A_416 = vector.broadcast %jit3A_415 : i32 to vector<100x100xi32>
    %select_n3A_417 = arith.select %le3A_414, %iota3A_314, %broadcast_in_dim3A_416 : vector<100x100xi1>, vector<100x100xi32>
    %reduce_min3A_418 = arith.constant dense<2147483647> : vector<100xi32>
    %reduce_min3A_419 = vector.multi_reduction <minsi>, %select_n3A_417, %reduce_min3A_418 [1] : vector<100x100xi32> to vector<100xi32>
    %broadcast_in_dim3A_420 = vector.shape_cast %reduce_min3A_419 : vector<100xi32> to vector<100x1xi32>
    %eq3A_421 = vector.broadcast %broadcast_in_dim3A_420 : vector<100x1xi32> to vector<100x100xi32>
    %eq3A_422 = arith.cmpi eq, %iota3A_314, %eq3A_421 : vector<100x100xi32>
    %jit3A_423 = arith.constant 1.000000e+00 : f32
    %jit3A_424 = arith.constant 0.000000e+00 : f32
    %broadcast_in_dim3A_425 = vector.broadcast %jit3A_423 : f32 to vector<100x100xf32>
    %broadcast_in_dim3A_426 = vector.broadcast %jit3A_424 : f32 to vector<100x100xf32>
    %select_n3A_427 = arith.select %eq3A_422, %broadcast_in_dim3A_425, %broadcast_in_dim3A_426 : vector<100x100xi1>, vector<100x100xf32>
    %add3A_428 = arith.addf %add3A_390, %select_n3A_427 : vector<100x100xf32>
    %jit3A_429 = arith.constant 3.000000e+38 : f32
    %broadcast_in_dim3A_430 = vector.broadcast %jit3A_429 : f32 to vector<100x100xf32>
    %select_n3A_431 = arith.select %eq3A_422, %broadcast_in_dim3A_430, %select_n3A_409 : vector<100x100xi1>, vector<100x100xf32>
    %reduce_min3A_432 = arith.constant dense<0x7F800000> : vector<100xf32>
    %reduce_min3A_433 = vector.multi_reduction <minimumf>, %select_n3A_431, %reduce_min3A_432 [1] : vector<100x100xf32> to vector<100xf32>
    %broadcast_in_dim3A_434 = vector.shape_cast %reduce_min3A_433 : vector<100xf32> to vector<100x1xf32>
    %le3A_435 = vector.broadcast %broadcast_in_dim3A_434 : vector<100x1xf32> to vector<100x100xf32>
    %le3A_436 = arith.cmpf ole, %select_n3A_431, %le3A_435 : vector<100x100xf32>
    %jit3A_437 = arith.constant 1000000 : i32
    %broadcast_in_dim3A_438 = vector.broadcast %jit3A_437 : i32 to vector<100x100xi32>
    %select_n3A_439 = arith.select %le3A_436, %iota3A_314, %broadcast_in_dim3A_438 : vector<100x100xi1>, vector<100x100xi32>
    %reduce_min3A_440 = arith.constant dense<2147483647> : vector<100xi32>
    %reduce_min3A_441 = vector.multi_reduction <minsi>, %select_n3A_439, %reduce_min3A_440 [1] : vector<100x100xi32> to vector<100xi32>
    %broadcast_in_dim3A_442 = vector.shape_cast %reduce_min3A_441 : vector<100xi32> to vector<100x1xi32>
    %eq3A_443 = vector.broadcast %broadcast_in_dim3A_442 : vector<100x1xi32> to vector<100x100xi32>
    %eq3A_444 = arith.cmpi eq, %iota3A_314, %eq3A_443 : vector<100x100xi32>
    %jit3A_445 = arith.constant 3.000000e+38 : f32
    %broadcast_in_dim3A_446 = vector.broadcast %jit3A_445 : f32 to vector<100x100xf32>
    %select_n3A_447 = arith.select %eq3A_444, %broadcast_in_dim3A_446, %select_n3A_431 : vector<100x100xi1>, vector<100x100xf32>
    %reduce_min3A_448 = arith.constant dense<0x7F800000> : vector<100xf32>
    %reduce_min3A_449 = vector.multi_reduction <minimumf>, %select_n3A_447, %reduce_min3A_448 [1] : vector<100x100xf32> to vector<100xf32>
    %broadcast_in_dim3A_450 = vector.shape_cast %reduce_min3A_449 : vector<100xf32> to vector<100x1xf32>
    %le3A_451 = vector.broadcast %broadcast_in_dim3A_450 : vector<100x1xf32> to vector<100x100xf32>
    %le3A_452 = arith.cmpf ole, %select_n3A_447, %le3A_451 : vector<100x100xf32>
    %jit3A_453 = arith.constant 1000000 : i32
    %broadcast_in_dim3A_454 = vector.broadcast %jit3A_453 : i32 to vector<100x100xi32>
    %select_n3A_455 = arith.select %le3A_452, %iota3A_314, %broadcast_in_dim3A_454 : vector<100x100xi1>, vector<100x100xi32>
    %reduce_min3A_456 = arith.constant dense<2147483647> : vector<100xi32>
    %reduce_min3A_457 = vector.multi_reduction <minsi>, %select_n3A_455, %reduce_min3A_456 [1] : vector<100x100xi32> to vector<100xi32>
    %broadcast_in_dim3A_458 = vector.shape_cast %reduce_min3A_457 : vector<100xi32> to vector<100x1xi32>
    %eq3A_459 = vector.broadcast %broadcast_in_dim3A_458 : vector<100x1xi32> to vector<100x100xi32>
    %eq3A_460 = arith.cmpi eq, %iota3A_314, %eq3A_459 : vector<100x100xi32>
    %jit3A_461 = arith.constant 1.000000e+00 : f32
    %jit3A_462 = arith.constant 0.000000e+00 : f32
    %broadcast_in_dim3A_463 = vector.broadcast %jit3A_461 : f32 to vector<100x100xf32>
    %broadcast_in_dim3A_464 = vector.broadcast %jit3A_462 : f32 to vector<100x100xf32>
    %select_n3A_465 = arith.select %eq3A_460, %broadcast_in_dim3A_463, %broadcast_in_dim3A_464 : vector<100x100xi1>, vector<100x100xf32>
    %add3A_466 = arith.addf %add3A_428, %select_n3A_465 : vector<100x100xf32>
    %get3A_467 = arith.constant 1 : index
    %get3A_468 = arith.constant 0 : index
    %get3A_469 = arith.constant 0 : index
    %get3A_470 = vector.load %arg3[%get3A_467, %get3A_468, %get3A_469] : memref<4x100x128xf32, #tpu.memory_space<vmem>>, vector<1x100x128xf32>
    %get3A_471 = vector.shape_cast %get3A_470 : vector<1x100x128xf32> to vector<100x128xf32>
    %dot_general3A_472 = arith.constant dense<0.000000e+00> : vector<100x128xf32>
    %dot_general3A_473 = tpu.matmul %add3A_466, %get3A_471, %dot_general3A_472 {dimension_numbers = #tpu.dot_dimension_numbers<[1], [0], [0], [1], [0, 0, 1, 1], [], []>, precision = #tpu.contract_precision<fp32>, transpose_lhs_hint = false} : vector<100x100xf32>, vector<100x128xf32>, vector<100x128xf32> -> vector<100x128xf32>
    %mul3A_474 = arith.constant 2.000000e-01 : f32
    %mul3A_475 = vector.broadcast %mul3A_474 : f32 to vector<100x128xf32>
    %mul3A_476 = arith.mulf %dot_general3A_473, %mul3A_475 : vector<100x128xf32>
    %add3A_477 = vector.broadcast %get3A_1 : vector<1x128xf32> to vector<100x128xf32>
    %add3A_478 = arith.addf %mul3A_476, %add3A_477 : vector<100x128xf32>
    %tanh3A_479 = math.tanh %add3A_478 : vector<100x128xf32>
    %add3A_480 = arith.addf %tanh3A_295, %tanh3A_479 : vector<100x128xf32>
    %ge3A_481 = arith.constant 0.000000e+00 : f32
    %ge3A_482 = vector.broadcast %ge3A_481 : f32 to vector<100x128xf32>
    %ge3A_483 = arith.cmpf oge, %add3A_480, %ge3A_482 : vector<100x128xf32>
    %mul3A_484 = arith.constant 0.00999999977 : f32
    %mul3A_485 = vector.broadcast %mul3A_484 : f32 to vector<100x128xf32>
    %mul3A_486 = arith.mulf %mul3A_485, %add3A_480 : vector<100x128xf32>
    %select_n3A_487 = arith.select %ge3A_483, %add3A_480, %mul3A_486 : vector<100x128xi1>, vector<100x128xf32>
    %swap3A_488 = arith.constant 1 : index
    %swap3A_489 = arith.constant 0 : index
    %swap3A_490 = arith.constant 0 : index
    %swap3A_491 = vector.load %arg6[%swap3A_488, %swap3A_489, %swap3A_490] : memref<4x100x128xf32, #tpu.memory_space<vmem>>, vector<1x100x128xf32>
    %swap3A_492 = vector.shape_cast %swap3A_491 : vector<1x100x128xf32> to vector<100x128xf32>
    %swap3A_493 = vector.shape_cast %select_n3A_487 : vector<100x128xf32> to vector<1x100x128xf32>
    tpu.vector_store %arg6[%swap3A_488, %swap3A_489, %swap3A_490], %swap3A_493 {strides = array<i32>} : memref<4x100x128xf32, #tpu.memory_space<vmem>>, vector<1x100x128xf32>,
    %convert_element_type3A_494 = arith.truncf %select_n3A_487 : vector<100x128xf32> to vector<100x128xbf16>
    %convert_element_type3A_495 = arith.extf %convert_element_type3A_494 : vector<100x128xbf16> to vector<100x128xf32>
    %mul3A_496 = vector.broadcast %dot_general3A_271 : vector<100x1xf32> to vector<100x128xf32>
    %mul3A_497 = arith.mulf %convert_element_type3A_495, %mul3A_496 : vector<100x128xf32>
    %swap3A_498 = arith.constant 1 : index
    %swap3A_499 = arith.constant 0 : index
    %swap3A_500 = arith.constant 0 : index
    %swap3A_501 = vector.load %arg7[%swap3A_498, %swap3A_499, %swap3A_500] : memref<4x100x128xf32, #tpu.memory_space<vmem>>, vector<1x100x128xf32>
    %swap3A_502 = vector.shape_cast %swap3A_501 : vector<1x100x128xf32> to vector<100x128xf32>
    %swap3A_503 = vector.shape_cast %mul3A_497 : vector<100x128xf32> to vector<1x100x128xf32>
    tpu.vector_store %arg7[%swap3A_498, %swap3A_499, %swap3A_500], %swap3A_503 {strides = array<i32>} : memref<4x100x128xf32, #tpu.memory_space<vmem>>, vector<1x100x128xf32>,
    %mul3A_504 = arith.constant 4 : i32
    %mul3A_505 = arith.muli %arg0, %mul3A_504 : i32
    %add3A_506 = arith.constant 2 : i32
    %add3A_507 = arith.addi %mul3A_505, %add3A_506 : i32
    %iota3A_508 = tpu.iota {dimensions = array<i32: 1>} : vector<1x100xi32>
    %eq3A_509 = vector.broadcast %add3A_507 : i32 to vector<1x100xi32>
    %eq3A_510 = arith.cmpi eq, %iota3A_508, %eq3A_509 : vector<1x100xi32>
    %jit3A_511 = arith.constant 1.000000e+00 : f32
    %jit3A_512 = arith.constant 0.000000e+00 : f32
    %broadcast_in_dim3A_513 = vector.broadcast %jit3A_511 : f32 to vector<1x100xf32>
    %broadcast_in_dim3A_514 = vector.broadcast %jit3A_512 : f32 to vector<1x100xf32>
    %select_n3A_515 = arith.select %eq3A_510, %broadcast_in_dim3A_513, %broadcast_in_dim3A_514 : vector<1x100xi1>, vector<1x100xf32>
    %get3A_516 = arith.constant 0 : index
    %get3A_517 = arith.constant 0 : index
    %get3A_518 = vector.load %arg4[%get3A_516, %get3A_517] : memref<100x128xf32, #tpu.memory_space<vmem>>, vector<100x128xf32>
    %dot_general3A_519 = arith.constant dense<0.000000e+00> : vector<1x128xf32>
    %dot_general3A_520 = tpu.matmul %select_n3A_515, %get3A_518, %dot_general3A_519 {dimension_numbers = #tpu.dot_dimension_numbers<[1], [0], [0], [1], [0, 0, 1, 1], [], []>, precision = #tpu.contract_precision<fp32>, transpose_lhs_hint = false} : vector<1x100xf32>, vector<100x128xf32>, vector<1x128xf32> -> vector<1x128xf32>
    %iota3A_521 = tpu.iota {dimensions = array<i32: 0>} : vector<100x128xi32>
    %iota3A_522 = tpu.iota {dimensions = array<i32: 1>} : vector<100x128xi32>
    %eq3A_523 = arith.cmpi eq, %iota3A_521, %iota3A_522 : vector<100x128xi32>
    %jit3A_524 = arith.constant 1.000000e+00 : f32
    %jit3A_525 = arith.constant 0.000000e+00 : f32
    %broadcast_in_dim3A_526 = vector.broadcast %jit3A_524 : f32 to vector<100x128xf32>
    %broadcast_in_dim3A_527 = vector.broadcast %jit3A_525 : f32 to vector<100x128xf32>
    %select_n3A_528 = arith.select %eq3A_523, %broadcast_in_dim3A_526, %broadcast_in_dim3A_527 : vector<100x128xi1>, vector<100x128xf32>
    %dot_general3A_529 = arith.constant dense<0.000000e+00> : vector<100x1xf32>
    %dot_general3A_530 = tpu.matmul %select_n3A_528, %dot_general3A_520, %dot_general3A_529 {dimension_numbers = #tpu.dot_dimension_numbers<[1], [1], [0], [0], [0, 0, 1, 0], [], []>, precision = #tpu.contract_precision<fp32>, transpose_lhs_hint = false} : vector<100x128xf32>, vector<1x128xf32>, vector<100x1xf32> -> vector<100x1xf32>
    %get3A_531 = arith.constant 0 : index
    %get3A_532 = arith.constant 2 : index
    %get3A_533 = arith.constant 0 : index
    %get3A_534 = arith.constant 0 : index
    %get3A_535 = vector.load %arg1[%get3A_531, %get3A_532, %get3A_533, %get3A_534] : memref<2x4x100x128xf32, #tpu.memory_space<vmem>>, vector<1x1x100x128xf32>
    %get3A_536 = vector.shape_cast %get3A_535 : vector<1x1x100x128xf32> to vector<100x128xf32>
    %get3A_537 = arith.constant 1 : index
    %get3A_538 = arith.constant 2 : index
    %get3A_539 = arith.constant 0 : index
    %get3A_540 = arith.constant 0 : index
    %get3A_541 = vector.load %arg1[%get3A_537, %get3A_538, %get3A_539, %get3A_540] : memref<2x4x100x128xf32, #tpu.memory_space<vmem>>, vector<1x1x100x128xf32>
    %get3A_542 = vector.shape_cast %get3A_541 : vector<1x1x100x128xf32> to vector<100x128xf32>
    %add3A_543 = arith.addf %get3A_536, %get3A_542 : vector<100x128xf32>
    %get3A_544 = arith.constant 2 : index
    %get3A_545 = arith.constant 0 : index
    %get3A_546 = arith.constant 0 : index
    %get3A_547 = vector.load %arg2[%get3A_544, %get3A_545, %get3A_546] : memref<4x100x128xf32, #tpu.memory_space<vmem>>, vector<1x100x128xf32>
    %get3A_548 = vector.shape_cast %get3A_547 : vector<1x100x128xf32> to vector<100x128xf32>
    %add3A_549 = arith.addf %add3A_543, %get3A_548 : vector<100x128xf32>
    %mul3A_550 = vector.broadcast %dot_general3A_530 : vector<100x1xf32> to vector<100x128xf32>
    %mul3A_551 = arith.mulf %add3A_549, %mul3A_550 : vector<100x128xf32>
    %add3A_552 = vector.broadcast %get3A_1 : vector<1x128xf32> to vector<100x128xf32>
    %add3A_553 = arith.addf %mul3A_551, %add3A_552 : vector<100x128xf32>
    %tanh3A_554 = math.tanh %add3A_553 : vector<100x128xf32>
    %mul3A_555 = arith.mulf %tanh3A_554, %tanh3A_554 : vector<100x128xf32>
    %reduce_sum3A_556 = arith.constant dense<0.000000e+00> : vector<100xf32>
    %reduce_sum3A_557 = vector.multi_reduction <add>, %mul3A_555, %reduce_sum3A_556 [1] : vector<100x128xf32> to vector<100xf32>
    %broadcast_in_dim3A_558 = vector.shape_cast %reduce_sum3A_557 : vector<100xf32> to vector<100x1xf32>
    %iota3A_559 = tpu.iota {dimensions = array<i32: 0>} : vector<100x100xi32>
    %iota3A_560 = tpu.iota {dimensions = array<i32: 1>} : vector<100x100xi32>
    %eq3A_561 = arith.cmpi eq, %iota3A_559, %iota3A_560 : vector<100x100xi32>
    %jit3A_562 = arith.constant 1.000000e+00 : f32
    %jit3A_563 = arith.constant 0.000000e+00 : f32
    %broadcast_in_dim3A_564 = vector.broadcast %jit3A_562 : f32 to vector<100x100xf32>
    %broadcast_in_dim3A_565 = vector.broadcast %jit3A_563 : f32 to vector<100x100xf32>
    %select_n3A_566 = arith.select %eq3A_561, %broadcast_in_dim3A_564, %broadcast_in_dim3A_565 : vector<100x100xi1>, vector<100x100xf32>
    %dot_general3A_567 = arith.constant dense<0.000000e+00> : vector<1x100xf32>
    %dot_general3A_568 = tpu.matmul %broadcast_in_dim3A_558, %select_n3A_566, %dot_general3A_567 {dimension_numbers = #tpu.dot_dimension_numbers<[0], [0], [1], [1], [0, 1, 1, 1], [], []>, precision = #tpu.contract_precision<fp32>, transpose_lhs_hint = false} : vector<100x1xf32>, vector<100x100xf32>, vector<1x100xf32> -> vector<1x100xf32>
    %convert_element_type3A_569 = arith.truncf %tanh3A_554 : vector<100x128xf32> to vector<100x128xbf16>
    %dot_general3A_570 = arith.constant dense<0.000000e+00> : vector<100x100xf32>
    %dot_general3A_571 = tpu.matmul %convert_element_type3A_569, %convert_element_type3A_569, %dot_general3A_570 {dimension_numbers = #tpu.dot_dimension_numbers<[1], [1], [0], [0], [0, 0, 1, 0], [], []>, transpose_lhs_hint = false} : vector<100x128xbf16>, vector<100x128xbf16>, vector<100x100xf32> -> vector<100x100xf32>
    %iota3A_572 = tpu.iota {dimensions = array<i32: 0>} : vector<100x100xi32>
    %iota3A_573 = tpu.iota {dimensions = array<i32: 1>} : vector<100x100xi32>
    %eq3A_574 = arith.cmpi eq, %iota3A_572, %iota3A_573 : vector<100x100xi32>
    %add3A_575 = vector.broadcast %broadcast_in_dim3A_558 : vector<100x1xf32> to vector<100x100xf32>
    %add3A_576 = vector.broadcast %dot_general3A_568 : vector<1x100xf32> to vector<100x100xf32>
    %add3A_577 = arith.addf %add3A_575, %add3A_576 : vector<100x100xf32>
    %mul3A_578 = arith.constant 2.000000e+00 : f32
    %mul3A_579 = vector.broadcast %mul3A_578 : f32 to vector<100x100xf32>
    %mul3A_580 = arith.mulf %mul3A_579, %dot_general3A_571 : vector<100x100xf32>
    %sub3A_581 = arith.subf %add3A_577, %mul3A_580 : vector<100x100xf32>
    %jit3A_582 = arith.constant 1.000000e+09 : f32
    %jit3A_583 = arith.constant 0.000000e+00 : f32
    %broadcast_in_dim3A_584 = vector.broadcast %jit3A_582 : f32 to vector<100x100xf32>
    %broadcast_in_dim3A_585 = vector.broadcast %jit3A_583 : f32 to vector<100x100xf32>
    %select_n3A_586 = arith.select %eq3A_574, %broadcast_in_dim3A_584, %broadcast_in_dim3A_585 : vector<100x100xi1>, vector<100x100xf32>
    %add3A_587 = arith.addf %sub3A_581, %select_n3A_586 : vector<100x100xf32>
    %jit3A_588 = arith.constant 1.000000e+00 : f32
    %jit3A_589 = arith.constant 0.000000e+00 : f32
    %broadcast_in_dim3A_590 = vector.broadcast %jit3A_588 : f32 to vector<100x100xf32>
    %broadcast_in_dim3A_591 = vector.broadcast %jit3A_589 : f32 to vector<100x100xf32>
    %select_n3A_592 = arith.select %eq3A_574, %broadcast_in_dim3A_590, %broadcast_in_dim3A_591 : vector<100x100xi1>, vector<100x100xf32>
    %reduce_min3A_593 = arith.constant dense<0x7F800000> : vector<100xf32>
    %reduce_min3A_594 = vector.multi_reduction <minimumf>, %add3A_587, %reduce_min3A_593 [1] : vector<100x100xf32> to vector<100xf32>
    %broadcast_in_dim3A_595 = vector.shape_cast %reduce_min3A_594 : vector<100xf32> to vector<100x1xf32>
    %le3A_596 = vector.broadcast %broadcast_in_dim3A_595 : vector<100x1xf32> to vector<100x100xf32>
    %le3A_597 = arith.cmpf ole, %add3A_587, %le3A_596 : vector<100x100xf32>
    %jit3A_598 = arith.constant 1000000 : i32
    %broadcast_in_dim3A_599 = vector.broadcast %jit3A_598 : i32 to vector<100x100xi32>
    %select_n3A_600 = arith.select %le3A_597, %iota3A_573, %broadcast_in_dim3A_599 : vector<100x100xi1>, vector<100x100xi32>
    %reduce_min3A_601 = arith.constant dense<2147483647> : vector<100xi32>
    %reduce_min3A_602 = vector.multi_reduction <minsi>, %select_n3A_600, %reduce_min3A_601 [1] : vector<100x100xi32> to vector<100xi32>
    %broadcast_in_dim3A_603 = vector.shape_cast %reduce_min3A_602 : vector<100xi32> to vector<100x1xi32>
    %eq3A_604 = vector.broadcast %broadcast_in_dim3A_603 : vector<100x1xi32> to vector<100x100xi32>
    %eq3A_605 = arith.cmpi eq, %iota3A_573, %eq3A_604 : vector<100x100xi32>
    %jit3A_606 = arith.constant 1.000000e+00 : f32
    %jit3A_607 = arith.constant 0.000000e+00 : f32
    %broadcast_in_dim3A_608 = vector.broadcast %jit3A_606 : f32 to vector<100x100xf32>
    %broadcast_in_dim3A_609 = vector.broadcast %jit3A_607 : f32 to vector<100x100xf32>
    %select_n3A_610 = arith.select %eq3A_605, %broadcast_in_dim3A_608, %broadcast_in_dim3A_609 : vector<100x100xi1>, vector<100x100xf32>
    %add3A_611 = arith.addf %select_n3A_592, %select_n3A_610 : vector<100x100xf32>
    %jit3A_612 = arith.constant 3.000000e+38 : f32
    %broadcast_in_dim3A_613 = vector.broadcast %jit3A_612 : f32 to vector<100x100xf32>
    %select_n3A_614 = arith.select %eq3A_605, %broadcast_in_dim3A_613, %add3A_587 : vector<100x100xi1>, vector<100x100xf32>
    %reduce_min3A_615 = arith.constant dense<0x7F800000> : vector<100xf32>
    %reduce_min3A_616 = vector.multi_reduction <minimumf>, %select_n3A_614, %reduce_min3A_615 [1] : vector<100x100xf32> to vector<100xf32>
    %broadcast_in_dim3A_617 = vector.shape_cast %reduce_min3A_616 : vector<100xf32> to vector<100x1xf32>
    %le3A_618 = vector.broadcast %broadcast_in_dim3A_617 : vector<100x1xf32> to vector<100x100xf32>
    %le3A_619 = arith.cmpf ole, %select_n3A_614, %le3A_618 : vector<100x100xf32>
    %jit3A_620 = arith.constant 1000000 : i32
    %broadcast_in_dim3A_621 = vector.broadcast %jit3A_620 : i32 to vector<100x100xi32>
    %select_n3A_622 = arith.select %le3A_619, %iota3A_573, %broadcast_in_dim3A_621 : vector<100x100xi1>, vector<100x100xi32>
    %reduce_min3A_623 = arith.constant dense<2147483647> : vector<100xi32>
    %reduce_min3A_624 = vector.multi_reduction <minsi>, %select_n3A_622, %reduce_min3A_623 [1] : vector<100x100xi32> to vector<100xi32>
    %broadcast_in_dim3A_625 = vector.shape_cast %reduce_min3A_624 : vector<100xi32> to vector<100x1xi32>
    %eq3A_626 = vector.broadcast %broadcast_in_dim3A_625 : vector<100x1xi32> to vector<100x100xi32>
    %eq3A_627 = arith.cmpi eq, %iota3A_573, %eq3A_626 : vector<100x100xi32>
    %jit3A_628 = arith.constant 3.000000e+38 : f32
    %broadcast_in_dim3A_629 = vector.broadcast %jit3A_628 : f32 to vector<100x100xf32>
    %select_n3A_630 = arith.select %eq3A_627, %broadcast_in_dim3A_629, %select_n3A_614 : vector<100x100xi1>, vector<100x100xf32>
    %reduce_min3A_631 = arith.constant dense<0x7F800000> : vector<100xf32>
    %reduce_min3A_632 = vector.multi_reduction <minimumf>, %select_n3A_630, %reduce_min3A_631 [1] : vector<100x100xf32> to vector<100xf32>
    %broadcast_in_dim3A_633 = vector.shape_cast %reduce_min3A_632 : vector<100xf32> to vector<100x1xf32>
    %le3A_634 = vector.broadcast %broadcast_in_dim3A_633 : vector<100x1xf32> to vector<100x100xf32>
    %le3A_635 = arith.cmpf ole, %select_n3A_630, %le3A_634 : vector<100x100xf32>
    %jit3A_636 = arith.constant 1000000 : i32
    %broadcast_in_dim3A_637 = vector.broadcast %jit3A_636 : i32 to vector<100x100xi32>
    %select_n3A_638 = arith.select %le3A_635, %iota3A_573, %broadcast_in_dim3A_637 : vector<100x100xi1>, vector<100x100xi32>
    %reduce_min3A_639 = arith.constant dense<2147483647> : vector<100xi32>
    %reduce_min3A_640 = vector.multi_reduction <minsi>, %select_n3A_638, %reduce_min3A_639 [1] : vector<100x100xi32> to vector<100xi32>
    %broadcast_in_dim3A_641 = vector.shape_cast %reduce_min3A_640 : vector<100xi32> to vector<100x1xi32>
    %eq3A_642 = vector.broadcast %broadcast_in_dim3A_641 : vector<100x1xi32> to vector<100x100xi32>
    %eq3A_643 = arith.cmpi eq, %iota3A_573, %eq3A_642 : vector<100x100xi32>
    %jit3A_644 = arith.constant 1.000000e+00 : f32
    %jit3A_645 = arith.constant 0.000000e+00 : f32
    %broadcast_in_dim3A_646 = vector.broadcast %jit3A_644 : f32 to vector<100x100xf32>
    %broadcast_in_dim3A_647 = vector.broadcast %jit3A_645 : f32 to vector<100x100xf32>
    %select_n3A_648 = arith.select %eq3A_643, %broadcast_in_dim3A_646, %broadcast_in_dim3A_647 : vector<100x100xi1>, vector<100x100xf32>
    %add3A_649 = arith.addf %add3A_611, %select_n3A_648 : vector<100x100xf32>
    %jit3A_650 = arith.constant 3.000000e+38 : f32
    %broadcast_in_dim3A_651 = vector.broadcast %jit3A_650 : f32 to vector<100x100xf32>
    %select_n3A_652 = arith.select %eq3A_643, %broadcast_in_dim3A_651, %select_n3A_630 : vector<100x100xi1>, vector<100x100xf32>
    %reduce_min3A_653 = arith.constant dense<0x7F800000> : vector<100xf32>
    %reduce_min3A_654 = vector.multi_reduction <minimumf>, %select_n3A_652, %reduce_min3A_653 [1] : vector<100x100xf32> to vector<100xf32>
    %broadcast_in_dim3A_655 = vector.shape_cast %reduce_min3A_654 : vector<100xf32> to vector<100x1xf32>
    %le3A_656 = vector.broadcast %broadcast_in_dim3A_655 : vector<100x1xf32> to vector<100x100xf32>
    %le3A_657 = arith.cmpf ole, %select_n3A_652, %le3A_656 : vector<100x100xf32>
    %jit3A_658 = arith.constant 1000000 : i32
    %broadcast_in_dim3A_659 = vector.broadcast %jit3A_658 : i32 to vector<100x100xi32>
    %select_n3A_660 = arith.select %le3A_657, %iota3A_573, %broadcast_in_dim3A_659 : vector<100x100xi1>, vector<100x100xi32>
    %reduce_min3A_661 = arith.constant dense<2147483647> : vector<100xi32>
    %reduce_min3A_662 = vector.multi_reduction <minsi>, %select_n3A_660, %reduce_min3A_661 [1] : vector<100x100xi32> to vector<100xi32>
    %broadcast_in_dim3A_663 = vector.shape_cast %reduce_min3A_662 : vector<100xi32> to vector<100x1xi32>
    %eq3A_664 = vector.broadcast %broadcast_in_dim3A_663 : vector<100x1xi32> to vector<100x100xi32>
    %eq3A_665 = arith.cmpi eq, %iota3A_573, %eq3A_664 : vector<100x100xi32>
    %jit3A_666 = arith.constant 3.000000e+38 : f32
    %broadcast_in_dim3A_667 = vector.broadcast %jit3A_666 : f32 to vector<100x100xf32>
    %select_n3A_668 = arith.select %eq3A_665, %broadcast_in_dim3A_667, %select_n3A_652 : vector<100x100xi1>, vector<100x100xf32>
    %reduce_min3A_669 = arith.constant dense<0x7F800000> : vector<100xf32>
    %reduce_min3A_670 = vector.multi_reduction <minimumf>, %select_n3A_668, %reduce_min3A_669 [1] : vector<100x100xf32> to vector<100xf32>
    %broadcast_in_dim3A_671 = vector.shape_cast %reduce_min3A_670 : vector<100xf32> to vector<100x1xf32>
    %le3A_672 = vector.broadcast %broadcast_in_dim3A_671 : vector<100x1xf32> to vector<100x100xf32>
    %le3A_673 = arith.cmpf ole, %select_n3A_668, %le3A_672 : vector<100x100xf32>
    %jit3A_674 = arith.constant 1000000 : i32
    %broadcast_in_dim3A_675 = vector.broadcast %jit3A_674 : i32 to vector<100x100xi32>
    %select_n3A_676 = arith.select %le3A_673, %iota3A_573, %broadcast_in_dim3A_675 : vector<100x100xi1>, vector<100x100xi32>
    %reduce_min3A_677 = arith.constant dense<2147483647> : vector<100xi32>
    %reduce_min3A_678 = vector.multi_reduction <minsi>, %select_n3A_676, %reduce_min3A_677 [1] : vector<100x100xi32> to vector<100xi32>
    %broadcast_in_dim3A_679 = vector.shape_cast %reduce_min3A_678 : vector<100xi32> to vector<100x1xi32>
    %eq3A_680 = vector.broadcast %broadcast_in_dim3A_679 : vector<100x1xi32> to vector<100x100xi32>
    %eq3A_681 = arith.cmpi eq, %iota3A_573, %eq3A_680 : vector<100x100xi32>
    %jit3A_682 = arith.constant 1.000000e+00 : f32
    %jit3A_683 = arith.constant 0.000000e+00 : f32
    %broadcast_in_dim3A_684 = vector.broadcast %jit3A_682 : f32 to vector<100x100xf32>
    %broadcast_in_dim3A_685 = vector.broadcast %jit3A_683 : f32 to vector<100x100xf32>
    %select_n3A_686 = arith.select %eq3A_681, %broadcast_in_dim3A_684, %broadcast_in_dim3A_685 : vector<100x100xi1>, vector<100x100xf32>
    %add3A_687 = arith.addf %add3A_649, %select_n3A_686 : vector<100x100xf32>
    %jit3A_688 = arith.constant 3.000000e+38 : f32
    %broadcast_in_dim3A_689 = vector.broadcast %jit3A_688 : f32 to vector<100x100xf32>
    %select_n3A_690 = arith.select %eq3A_681, %broadcast_in_dim3A_689, %select_n3A_668 : vector<100x100xi1>, vector<100x100xf32>
    %reduce_min3A_691 = arith.constant dense<0x7F800000> : vector<100xf32>
    %reduce_min3A_692 = vector.multi_reduction <minimumf>, %select_n3A_690, %reduce_min3A_691 [1] : vector<100x100xf32> to vector<100xf32>
    %broadcast_in_dim3A_693 = vector.shape_cast %reduce_min3A_692 : vector<100xf32> to vector<100x1xf32>
    %le3A_694 = vector.broadcast %broadcast_in_dim3A_693 : vector<100x1xf32> to vector<100x100xf32>
    %le3A_695 = arith.cmpf ole, %select_n3A_690, %le3A_694 : vector<100x100xf32>
    %jit3A_696 = arith.constant 1000000 : i32
    %broadcast_in_dim3A_697 = vector.broadcast %jit3A_696 : i32 to vector<100x100xi32>
    %select_n3A_698 = arith.select %le3A_695, %iota3A_573, %broadcast_in_dim3A_697 : vector<100x100xi1>, vector<100x100xi32>
    %reduce_min3A_699 = arith.constant dense<2147483647> : vector<100xi32>
    %reduce_min3A_700 = vector.multi_reduction <minsi>, %select_n3A_698, %reduce_min3A_699 [1] : vector<100x100xi32> to vector<100xi32>
    %broadcast_in_dim3A_701 = vector.shape_cast %reduce_min3A_700 : vector<100xi32> to vector<100x1xi32>
    %eq3A_702 = vector.broadcast %broadcast_in_dim3A_701 : vector<100x1xi32> to vector<100x100xi32>
    %eq3A_703 = arith.cmpi eq, %iota3A_573, %eq3A_702 : vector<100x100xi32>
    %jit3A_704 = arith.constant 3.000000e+38 : f32
    %broadcast_in_dim3A_705 = vector.broadcast %jit3A_704 : f32 to vector<100x100xf32>
    %select_n3A_706 = arith.select %eq3A_703, %broadcast_in_dim3A_705, %select_n3A_690 : vector<100x100xi1>, vector<100x100xf32>
    %reduce_min3A_707 = arith.constant dense<0x7F800000> : vector<100xf32>
    %reduce_min3A_708 = vector.multi_reduction <minimumf>, %select_n3A_706, %reduce_min3A_707 [1] : vector<100x100xf32> to vector<100xf32>
    %broadcast_in_dim3A_709 = vector.shape_cast %reduce_min3A_708 : vector<100xf32> to vector<100x1xf32>
    %le3A_710 = vector.broadcast %broadcast_in_dim3A_709 : vector<100x1xf32> to vector<100x100xf32>
    %le3A_711 = arith.cmpf ole, %select_n3A_706, %le3A_710 : vector<100x100xf32>
    %jit3A_712 = arith.constant 1000000 : i32
    %broadcast_in_dim3A_713 = vector.broadcast %jit3A_712 : i32 to vector<100x100xi32>
    %select_n3A_714 = arith.select %le3A_711, %iota3A_573, %broadcast_in_dim3A_713 : vector<100x100xi1>, vector<100x100xi32>
    %reduce_min3A_715 = arith.constant dense<2147483647> : vector<100xi32>
    %reduce_min3A_716 = vector.multi_reduction <minsi>, %select_n3A_714, %reduce_min3A_715 [1] : vector<100x100xi32> to vector<100xi32>
    %broadcast_in_dim3A_717 = vector.shape_cast %reduce_min3A_716 : vector<100xi32> to vector<100x1xi32>
    %eq3A_718 = vector.broadcast %broadcast_in_dim3A_717 : vector<100x1xi32> to vector<100x100xi32>
    %eq3A_719 = arith.cmpi eq, %iota3A_573, %eq3A_718 : vector<100x100xi32>
    %jit3A_720 = arith.constant 1.000000e+00 : f32
    %jit3A_721 = arith.constant 0.000000e+00 : f32
    %broadcast_in_dim3A_722 = vector.broadcast %jit3A_720 : f32 to vector<100x100xf32>
    %broadcast_in_dim3A_723 = vector.broadcast %jit3A_721 : f32 to vector<100x100xf32>
    %select_n3A_724 = arith.select %eq3A_719, %broadcast_in_dim3A_722, %broadcast_in_dim3A_723 : vector<100x100xi1>, vector<100x100xf32>
    %add3A_725 = arith.addf %add3A_687, %select_n3A_724 : vector<100x100xf32>
    %get3A_726 = arith.constant 2 : index
    %get3A_727 = arith.constant 0 : index
    %get3A_728 = arith.constant 0 : index
    %get3A_729 = vector.load %arg3[%get3A_726, %get3A_727, %get3A_728] : memref<4x100x128xf32, #tpu.memory_space<vmem>>, vector<1x100x128xf32>
    %get3A_730 = vector.shape_cast %get3A_729 : vector<1x100x128xf32> to vector<100x128xf32>
    %dot_general3A_731 = arith.constant dense<0.000000e+00> : vector<100x128xf32>
    %dot_general3A_732 = tpu.matmul %add3A_725, %get3A_730, %dot_general3A_731 {dimension_numbers = #tpu.dot_dimension_numbers<[1], [0], [0], [1], [0, 0, 1, 1], [], []>, precision = #tpu.contract_precision<fp32>, transpose_lhs_hint = false} : vector<100x100xf32>, vector<100x128xf32>, vector<100x128xf32> -> vector<100x128xf32>
    %mul3A_733 = arith.constant 2.000000e-01 : f32
    %mul3A_734 = vector.broadcast %mul3A_733 : f32 to vector<100x128xf32>
    %mul3A_735 = arith.mulf %dot_general3A_732, %mul3A_734 : vector<100x128xf32>
    %add3A_736 = vector.broadcast %get3A_1 : vector<1x128xf32> to vector<100x128xf32>
    %add3A_737 = arith.addf %mul3A_735, %add3A_736 : vector<100x128xf32>
    %tanh3A_738 = math.tanh %add3A_737 : vector<100x128xf32>
    %add3A_739 = arith.addf %tanh3A_554, %tanh3A_738 : vector<100x128xf32>
    %ge3A_740 = arith.constant 0.000000e+00 : f32
    %ge3A_741 = vector.broadcast %ge3A_740 : f32 to vector<100x128xf32>
    %ge3A_742 = arith.cmpf oge, %add3A_739, %ge3A_741 : vector<100x128xf32>
    %mul3A_743 = arith.constant 0.00999999977 : f32
    %mul3A_744 = vector.broadcast %mul3A_743 : f32 to vector<100x128xf32>
    %mul3A_745 = arith.mulf %mul3A_744, %add3A_739 : vector<100x128xf32>
    %select_n3A_746 = arith.select %ge3A_742, %add3A_739, %mul3A_745 : vector<100x128xi1>, vector<100x128xf32>
    %swap3A_747 = arith.constant 2 : index
    %swap3A_748 = arith.constant 0 : index
    %swap3A_749 = arith.constant 0 : index
    %swap3A_750 = vector.load %arg6[%swap3A_747, %swap3A_748, %swap3A_749] : memref<4x100x128xf32, #tpu.memory_space<vmem>>, vector<1x100x128xf32>
    %swap3A_751 = vector.shape_cast %swap3A_750 : vector<1x100x128xf32> to vector<100x128xf32>
    %swap3A_752 = vector.shape_cast %select_n3A_746 : vector<100x128xf32> to vector<1x100x128xf32>
    tpu.vector_store %arg6[%swap3A_747, %swap3A_748, %swap3A_749], %swap3A_752 {strides = array<i32>} : memref<4x100x128xf32, #tpu.memory_space<vmem>>, vector<1x100x128xf32>,
    %convert_element_type3A_753 = arith.truncf %select_n3A_746 : vector<100x128xf32> to vector<100x128xbf16>
    %convert_element_type3A_754 = arith.extf %convert_element_type3A_753 : vector<100x128xbf16> to vector<100x128xf32>
    %mul3A_755 = vector.broadcast %dot_general3A_530 : vector<100x1xf32> to vector<100x128xf32>
    %mul3A_756 = arith.mulf %convert_element_type3A_754, %mul3A_755 : vector<100x128xf32>
    %swap3A_757 = arith.constant 2 : index
    %swap3A_758 = arith.constant 0 : index
    %swap3A_759 = arith.constant 0 : index
    %swap3A_760 = vector.load %arg7[%swap3A_757, %swap3A_758, %swap3A_759] : memref<4x100x128xf32, #tpu.memory_space<vmem>>, vector<1x100x128xf32>
    %swap3A_761 = vector.shape_cast %swap3A_760 : vector<1x100x128xf32> to vector<100x128xf32>
    %swap3A_762 = vector.shape_cast %mul3A_756 : vector<100x128xf32> to vector<1x100x128xf32>
    tpu.vector_store %arg7[%swap3A_757, %swap3A_758, %swap3A_759], %swap3A_762 {strides = array<i32>} : memref<4x100x128xf32, #tpu.memory_space<vmem>>, vector<1x100x128xf32>,
    %mul3A_763 = arith.constant 4 : i32
    %mul3A_764 = arith.muli %arg0, %mul3A_763 : i32
    %add3A_765 = arith.constant 3 : i32
    %add3A_766 = arith.addi %mul3A_764, %add3A_765 : i32
    %iota3A_767 = tpu.iota {dimensions = array<i32: 1>} : vector<1x100xi32>
    %eq3A_768 = vector.broadcast %add3A_766 : i32 to vector<1x100xi32>
    %eq3A_769 = arith.cmpi eq, %iota3A_767, %eq3A_768 : vector<1x100xi32>
    %jit3A_770 = arith.constant 1.000000e+00 : f32
    %jit3A_771 = arith.constant 0.000000e+00 : f32
    %broadcast_in_dim3A_772 = vector.broadcast %jit3A_770 : f32 to vector<1x100xf32>
    %broadcast_in_dim3A_773 = vector.broadcast %jit3A_771 : f32 to vector<1x100xf32>
    %select_n3A_774 = arith.select %eq3A_769, %broadcast_in_dim3A_772, %broadcast_in_dim3A_773 : vector<1x100xi1>, vector<1x100xf32>
    %get3A_775 = arith.constant 0 : index
    %get3A_776 = arith.constant 0 : index
    %get3A_777 = vector.load %arg4[%get3A_775, %get3A_776] : memref<100x128xf32, #tpu.memory_space<vmem>>, vector<100x128xf32>
    %dot_general3A_778 = arith.constant dense<0.000000e+00> : vector<1x128xf32>
    %dot_general3A_779 = tpu.matmul %select_n3A_774, %get3A_777, %dot_general3A_778 {dimension_numbers = #tpu.dot_dimension_numbers<[1], [0], [0], [1], [0, 0, 1, 1], [], []>, precision = #tpu.contract_precision<fp32>, transpose_lhs_hint = false} : vector<1x100xf32>, vector<100x128xf32>, vector<1x128xf32> -> vector<1x128xf32>
    %iota3A_780 = tpu.iota {dimensions = array<i32: 0>} : vector<100x128xi32>
    %iota3A_781 = tpu.iota {dimensions = array<i32: 1>} : vector<100x128xi32>
    %eq3A_782 = arith.cmpi eq, %iota3A_780, %iota3A_781 : vector<100x128xi32>
    %jit3A_783 = arith.constant 1.000000e+00 : f32
    %jit3A_784 = arith.constant 0.000000e+00 : f32
    %broadcast_in_dim3A_785 = vector.broadcast %jit3A_783 : f32 to vector<100x128xf32>
    %broadcast_in_dim3A_786 = vector.broadcast %jit3A_784 : f32 to vector<100x128xf32>
    %select_n3A_787 = arith.select %eq3A_782, %broadcast_in_dim3A_785, %broadcast_in_dim3A_786 : vector<100x128xi1>, vector<100x128xf32>
    %dot_general3A_788 = arith.constant dense<0.000000e+00> : vector<100x1xf32>
    %dot_general3A_789 = tpu.matmul %select_n3A_787, %dot_general3A_779, %dot_general3A_788 {dimension_numbers = #tpu.dot_dimension_numbers<[1], [1], [0], [0], [0, 0, 1, 0], [], []>, precision = #tpu.contract_precision<fp32>, transpose_lhs_hint = false} : vector<100x128xf32>, vector<1x128xf32>, vector<100x1xf32> -> vector<100x1xf32>
    %get3A_790 = arith.constant 0 : index
    %get3A_791 = arith.constant 3 : index
    %get3A_792 = arith.constant 0 : index
    %get3A_793 = arith.constant 0 : index
    %get3A_794 = vector.load %arg1[%get3A_790, %get3A_791, %get3A_792, %get3A_793] : memref<2x4x100x128xf32, #tpu.memory_space<vmem>>, vector<1x1x100x128xf32>
    %get3A_795 = vector.shape_cast %get3A_794 : vector<1x1x100x128xf32> to vector<100x128xf32>
    %get3A_796 = arith.constant 1 : index
    %get3A_797 = arith.constant 3 : index
    %get3A_798 = arith.constant 0 : index
    %get3A_799 = arith.constant 0 : index
    %get3A_800 = vector.load %arg1[%get3A_796, %get3A_797, %get3A_798, %get3A_799] : memref<2x4x100x128xf32, #tpu.memory_space<vmem>>, vector<1x1x100x128xf32>
    %get3A_801 = vector.shape_cast %get3A_800 : vector<1x1x100x128xf32> to vector<100x128xf32>
    %add3A_802 = arith.addf %get3A_795, %get3A_801 : vector<100x128xf32>
    %get3A_803 = arith.constant 3 : index
    %get3A_804 = arith.constant 0 : index
    %get3A_805 = arith.constant 0 : index
    %get3A_806 = vector.load %arg2[%get3A_803, %get3A_804, %get3A_805] : memref<4x100x128xf32, #tpu.memory_space<vmem>>, vector<1x100x128xf32>
    %get3A_807 = vector.shape_cast %get3A_806 : vector<1x100x128xf32> to vector<100x128xf32>
    %add3A_808 = arith.addf %add3A_802, %get3A_807 : vector<100x128xf32>
    %mul3A_809 = vector.broadcast %dot_general3A_789 : vector<100x1xf32> to vector<100x128xf32>
    %mul3A_810 = arith.mulf %add3A_808, %mul3A_809 : vector<100x128xf32>
    %add3A_811 = vector.broadcast %get3A_1 : vector<1x128xf32> to vector<100x128xf32>
    %add3A_812 = arith.addf %mul3A_810, %add3A_811 : vector<100x128xf32>
    %tanh3A_813 = math.tanh %add3A_812 : vector<100x128xf32>
    %mul3A_814 = arith.mulf %tanh3A_813, %tanh3A_813 : vector<100x128xf32>
    %reduce_sum3A_815 = arith.constant dense<0.000000e+00> : vector<100xf32>
    %reduce_sum3A_816 = vector.multi_reduction <add>, %mul3A_814, %reduce_sum3A_815 [1] : vector<100x128xf32> to vector<100xf32>
    %broadcast_in_dim3A_817 = vector.shape_cast %reduce_sum3A_816 : vector<100xf32> to vector<100x1xf32>
    %iota3A_818 = tpu.iota {dimensions = array<i32: 0>} : vector<100x100xi32>
    %iota3A_819 = tpu.iota {dimensions = array<i32: 1>} : vector<100x100xi32>
    %eq3A_820 = arith.cmpi eq, %iota3A_818, %iota3A_819 : vector<100x100xi32>
    %jit3A_821 = arith.constant 1.000000e+00 : f32
    %jit3A_822 = arith.constant 0.000000e+00 : f32
    %broadcast_in_dim3A_823 = vector.broadcast %jit3A_821 : f32 to vector<100x100xf32>
    %broadcast_in_dim3A_824 = vector.broadcast %jit3A_822 : f32 to vector<100x100xf32>
    %select_n3A_825 = arith.select %eq3A_820, %broadcast_in_dim3A_823, %broadcast_in_dim3A_824 : vector<100x100xi1>, vector<100x100xf32>
    %dot_general3A_826 = arith.constant dense<0.000000e+00> : vector<1x100xf32>
    %dot_general3A_827 = tpu.matmul %broadcast_in_dim3A_817, %select_n3A_825, %dot_general3A_826 {dimension_numbers = #tpu.dot_dimension_numbers<[0], [0], [1], [1], [0, 1, 1, 1], [], []>, precision = #tpu.contract_precision<fp32>, transpose_lhs_hint = false} : vector<100x1xf32>, vector<100x100xf32>, vector<1x100xf32> -> vector<1x100xf32>
    %convert_element_type3A_828 = arith.truncf %tanh3A_813 : vector<100x128xf32> to vector<100x128xbf16>
    %dot_general3A_829 = arith.constant dense<0.000000e+00> : vector<100x100xf32>
    %dot_general3A_830 = tpu.matmul %convert_element_type3A_828, %convert_element_type3A_828, %dot_general3A_829 {dimension_numbers = #tpu.dot_dimension_numbers<[1], [1], [0], [0], [0, 0, 1, 0], [], []>, transpose_lhs_hint = false} : vector<100x128xbf16>, vector<100x128xbf16>, vector<100x100xf32> -> vector<100x100xf32>
    %iota3A_831 = tpu.iota {dimensions = array<i32: 0>} : vector<100x100xi32>
    %iota3A_832 = tpu.iota {dimensions = array<i32: 1>} : vector<100x100xi32>
    %eq3A_833 = arith.cmpi eq, %iota3A_831, %iota3A_832 : vector<100x100xi32>
    %add3A_834 = vector.broadcast %broadcast_in_dim3A_817 : vector<100x1xf32> to vector<100x100xf32>
    %add3A_835 = vector.broadcast %dot_general3A_827 : vector<1x100xf32> to vector<100x100xf32>
    %add3A_836 = arith.addf %add3A_834, %add3A_835 : vector<100x100xf32>
    %mul3A_837 = arith.constant 2.000000e+00 : f32
    %mul3A_838 = vector.broadcast %mul3A_837 : f32 to vector<100x100xf32>
    %mul3A_839 = arith.mulf %mul3A_838, %dot_general3A_830 : vector<100x100xf32>
    %sub3A_840 = arith.subf %add3A_836, %mul3A_839 : vector<100x100xf32>
    %jit3A_841 = arith.constant 1.000000e+09 : f32
    %jit3A_842 = arith.constant 0.000000e+00 : f32
    %broadcast_in_dim3A_843 = vector.broadcast %jit3A_841 : f32 to vector<100x100xf32>
    %broadcast_in_dim3A_844 = vector.broadcast %jit3A_842 : f32 to vector<100x100xf32>
    %select_n3A_845 = arith.select %eq3A_833, %broadcast_in_dim3A_843, %broadcast_in_dim3A_844 : vector<100x100xi1>, vector<100x100xf32>
    %add3A_846 = arith.addf %sub3A_840, %select_n3A_845 : vector<100x100xf32>
    %jit3A_847 = arith.constant 1.000000e+00 : f32
    %jit3A_848 = arith.constant 0.000000e+00 : f32
    %broadcast_in_dim3A_849 = vector.broadcast %jit3A_847 : f32 to vector<100x100xf32>
    %broadcast_in_dim3A_850 = vector.broadcast %jit3A_848 : f32 to vector<100x100xf32>
    %select_n3A_851 = arith.select %eq3A_833, %broadcast_in_dim3A_849, %broadcast_in_dim3A_850 : vector<100x100xi1>, vector<100x100xf32>
    %reduce_min3A_852 = arith.constant dense<0x7F800000> : vector<100xf32>
    %reduce_min3A_853 = vector.multi_reduction <minimumf>, %add3A_846, %reduce_min3A_852 [1] : vector<100x100xf32> to vector<100xf32>
    %broadcast_in_dim3A_854 = vector.shape_cast %reduce_min3A_853 : vector<100xf32> to vector<100x1xf32>
    %le3A_855 = vector.broadcast %broadcast_in_dim3A_854 : vector<100x1xf32> to vector<100x100xf32>
    %le3A_856 = arith.cmpf ole, %add3A_846, %le3A_855 : vector<100x100xf32>
    %jit3A_857 = arith.constant 1000000 : i32
    %broadcast_in_dim3A_858 = vector.broadcast %jit3A_857 : i32 to vector<100x100xi32>
    %select_n3A_859 = arith.select %le3A_856, %iota3A_832, %broadcast_in_dim3A_858 : vector<100x100xi1>, vector<100x100xi32>
    %reduce_min3A_860 = arith.constant dense<2147483647> : vector<100xi32>
    %reduce_min3A_861 = vector.multi_reduction <minsi>, %select_n3A_859, %reduce_min3A_860 [1] : vector<100x100xi32> to vector<100xi32>
    %broadcast_in_dim3A_862 = vector.shape_cast %reduce_min3A_861 : vector<100xi32> to vector<100x1xi32>
    %eq3A_863 = vector.broadcast %broadcast_in_dim3A_862 : vector<100x1xi32> to vector<100x100xi32>
    %eq3A_864 = arith.cmpi eq, %iota3A_832, %eq3A_863 : vector<100x100xi32>
    %jit3A_865 = arith.constant 1.000000e+00 : f32
    %jit3A_866 = arith.constant 0.000000e+00 : f32
    %broadcast_in_dim3A_867 = vector.broadcast %jit3A_865 : f32 to vector<100x100xf32>
    %broadcast_in_dim3A_868 = vector.broadcast %jit3A_866 : f32 to vector<100x100xf32>
    %select_n3A_869 = arith.select %eq3A_864, %broadcast_in_dim3A_867, %broadcast_in_dim3A_868 : vector<100x100xi1>, vector<100x100xf32>
    %add3A_870 = arith.addf %select_n3A_851, %select_n3A_869 : vector<100x100xf32>
    %jit3A_871 = arith.constant 3.000000e+38 : f32
    %broadcast_in_dim3A_872 = vector.broadcast %jit3A_871 : f32 to vector<100x100xf32>
    %select_n3A_873 = arith.select %eq3A_864, %broadcast_in_dim3A_872, %add3A_846 : vector<100x100xi1>, vector<100x100xf32>
    %reduce_min3A_874 = arith.constant dense<0x7F800000> : vector<100xf32>
    %reduce_min3A_875 = vector.multi_reduction <minimumf>, %select_n3A_873, %reduce_min3A_874 [1] : vector<100x100xf32> to vector<100xf32>
    %broadcast_in_dim3A_876 = vector.shape_cast %reduce_min3A_875 : vector<100xf32> to vector<100x1xf32>
    %le3A_877 = vector.broadcast %broadcast_in_dim3A_876 : vector<100x1xf32> to vector<100x100xf32>
    %le3A_878 = arith.cmpf ole, %select_n3A_873, %le3A_877 : vector<100x100xf32>
    %jit3A_879 = arith.constant 1000000 : i32
    %broadcast_in_dim3A_880 = vector.broadcast %jit3A_879 : i32 to vector<100x100xi32>
    %select_n3A_881 = arith.select %le3A_878, %iota3A_832, %broadcast_in_dim3A_880 : vector<100x100xi1>, vector<100x100xi32>
    %reduce_min3A_882 = arith.constant dense<2147483647> : vector<100xi32>
    %reduce_min3A_883 = vector.multi_reduction <minsi>, %select_n3A_881, %reduce_min3A_882 [1] : vector<100x100xi32> to vector<100xi32>
    %broadcast_in_dim3A_884 = vector.shape_cast %reduce_min3A_883 : vector<100xi32> to vector<100x1xi32>
    %eq3A_885 = vector.broadcast %broadcast_in_dim3A_884 : vector<100x1xi32> to vector<100x100xi32>
    %eq3A_886 = arith.cmpi eq, %iota3A_832, %eq3A_885 : vector<100x100xi32>
    %jit3A_887 = arith.constant 3.000000e+38 : f32
    %broadcast_in_dim3A_888 = vector.broadcast %jit3A_887 : f32 to vector<100x100xf32>
    %select_n3A_889 = arith.select %eq3A_886, %broadcast_in_dim3A_888, %select_n3A_873 : vector<100x100xi1>, vector<100x100xf32>
    %reduce_min3A_890 = arith.constant dense<0x7F800000> : vector<100xf32>
    %reduce_min3A_891 = vector.multi_reduction <minimumf>, %select_n3A_889, %reduce_min3A_890 [1] : vector<100x100xf32> to vector<100xf32>
    %broadcast_in_dim3A_892 = vector.shape_cast %reduce_min3A_891 : vector<100xf32> to vector<100x1xf32>
    %le3A_893 = vector.broadcast %broadcast_in_dim3A_892 : vector<100x1xf32> to vector<100x100xf32>
    %le3A_894 = arith.cmpf ole, %select_n3A_889, %le3A_893 : vector<100x100xf32>
    %jit3A_895 = arith.constant 1000000 : i32
    %broadcast_in_dim3A_896 = vector.broadcast %jit3A_895 : i32 to vector<100x100xi32>
    %select_n3A_897 = arith.select %le3A_894, %iota3A_832, %broadcast_in_dim3A_896 : vector<100x100xi1>, vector<100x100xi32>
    %reduce_min3A_898 = arith.constant dense<2147483647> : vector<100xi32>
    %reduce_min3A_899 = vector.multi_reduction <minsi>, %select_n3A_897, %reduce_min3A_898 [1] : vector<100x100xi32> to vector<100xi32>
    %broadcast_in_dim3A_900 = vector.shape_cast %reduce_min3A_899 : vector<100xi32> to vector<100x1xi32>
    %eq3A_901 = vector.broadcast %broadcast_in_dim3A_900 : vector<100x1xi32> to vector<100x100xi32>
    %eq3A_902 = arith.cmpi eq, %iota3A_832, %eq3A_901 : vector<100x100xi32>
    %jit3A_903 = arith.constant 1.000000e+00 : f32
    %jit3A_904 = arith.constant 0.000000e+00 : f32
    %broadcast_in_dim3A_905 = vector.broadcast %jit3A_903 : f32 to vector<100x100xf32>
    %broadcast_in_dim3A_906 = vector.broadcast %jit3A_904 : f32 to vector<100x100xf32>
    %select_n3A_907 = arith.select %eq3A_902, %broadcast_in_dim3A_905, %broadcast_in_dim3A_906 : vector<100x100xi1>, vector<100x100xf32>
    %add3A_908 = arith.addf %add3A_870, %select_n3A_907 : vector<100x100xf32>
    %jit3A_909 = arith.constant 3.000000e+38 : f32
    %broadcast_in_dim3A_910 = vector.broadcast %jit3A_909 : f32 to vector<100x100xf32>
    %select_n3A_911 = arith.select %eq3A_902, %broadcast_in_dim3A_910, %select_n3A_889 : vector<100x100xi1>, vector<100x100xf32>
    %reduce_min3A_912 = arith.constant dense<0x7F800000> : vector<100xf32>
    %reduce_min3A_913 = vector.multi_reduction <minimumf>, %select_n3A_911, %reduce_min3A_912 [1] : vector<100x100xf32> to vector<100xf32>
    %broadcast_in_dim3A_914 = vector.shape_cast %reduce_min3A_913 : vector<100xf32> to vector<100x1xf32>
    %le3A_915 = vector.broadcast %broadcast_in_dim3A_914 : vector<100x1xf32> to vector<100x100xf32>
    %le3A_916 = arith.cmpf ole, %select_n3A_911, %le3A_915 : vector<100x100xf32>
    %jit3A_917 = arith.constant 1000000 : i32
    %broadcast_in_dim3A_918 = vector.broadcast %jit3A_917 : i32 to vector<100x100xi32>
    %select_n3A_919 = arith.select %le3A_916, %iota3A_832, %broadcast_in_dim3A_918 : vector<100x100xi1>, vector<100x100xi32>
    %reduce_min3A_920 = arith.constant dense<2147483647> : vector<100xi32>
    %reduce_min3A_921 = vector.multi_reduction <minsi>, %select_n3A_919, %reduce_min3A_920 [1] : vector<100x100xi32> to vector<100xi32>
    %broadcast_in_dim3A_922 = vector.shape_cast %reduce_min3A_921 : vector<100xi32> to vector<100x1xi32>
    %eq3A_923 = vector.broadcast %broadcast_in_dim3A_922 : vector<100x1xi32> to vector<100x100xi32>
    %eq3A_924 = arith.cmpi eq, %iota3A_832, %eq3A_923 : vector<100x100xi32>
    %jit3A_925 = arith.constant 3.000000e+38 : f32
    %broadcast_in_dim3A_926 = vector.broadcast %jit3A_925 : f32 to vector<100x100xf32>
    %select_n3A_927 = arith.select %eq3A_924, %broadcast_in_dim3A_926, %select_n3A_911 : vector<100x100xi1>, vector<100x100xf32>
    %reduce_min3A_928 = arith.constant dense<0x7F800000> : vector<100xf32>
    %reduce_min3A_929 = vector.multi_reduction <minimumf>, %select_n3A_927, %reduce_min3A_928 [1] : vector<100x100xf32> to vector<100xf32>
    %broadcast_in_dim3A_930 = vector.shape_cast %reduce_min3A_929 : vector<100xf32> to vector<100x1xf32>
    %le3A_931 = vector.broadcast %broadcast_in_dim3A_930 : vector<100x1xf32> to vector<100x100xf32>
    %le3A_932 = arith.cmpf ole, %select_n3A_927, %le3A_931 : vector<100x100xf32>
    %jit3A_933 = arith.constant 1000000 : i32
    %broadcast_in_dim3A_934 = vector.broadcast %jit3A_933 : i32 to vector<100x100xi32>
    %select_n3A_935 = arith.select %le3A_932, %iota3A_832, %broadcast_in_dim3A_934 : vector<100x100xi1>, vector<100x100xi32>
    %reduce_min3A_936 = arith.constant dense<2147483647> : vector<100xi32>
    %reduce_min3A_937 = vector.multi_reduction <minsi>, %select_n3A_935, %reduce_min3A_936 [1] : vector<100x100xi32> to vector<100xi32>
    %broadcast_in_dim3A_938 = vector.shape_cast %reduce_min3A_937 : vector<100xi32> to vector<100x1xi32>
    %eq3A_939 = vector.broadcast %broadcast_in_dim3A_938 : vector<100x1xi32> to vector<100x100xi32>
    %eq3A_940 = arith.cmpi eq, %iota3A_832, %eq3A_939 : vector<100x100xi32>
    %jit3A_941 = arith.constant 1.000000e+00 : f32
    %jit3A_942 = arith.constant 0.000000e+00 : f32
    %broadcast_in_dim3A_943 = vector.broadcast %jit3A_941 : f32 to vector<100x100xf32>
    %broadcast_in_dim3A_944 = vector.broadcast %jit3A_942 : f32 to vector<100x100xf32>
    %select_n3A_945 = arith.select %eq3A_940, %broadcast_in_dim3A_943, %broadcast_in_dim3A_944 : vector<100x100xi1>, vector<100x100xf32>
    %add3A_946 = arith.addf %add3A_908, %select_n3A_945 : vector<100x100xf32>
    %jit3A_947 = arith.constant 3.000000e+38 : f32
    %broadcast_in_dim3A_948 = vector.broadcast %jit3A_947 : f32 to vector<100x100xf32>
    %select_n3A_949 = arith.select %eq3A_940, %broadcast_in_dim3A_948, %select_n3A_927 : vector<100x100xi1>, vector<100x100xf32>
    %reduce_min3A_950 = arith.constant dense<0x7F800000> : vector<100xf32>
    %reduce_min3A_951 = vector.multi_reduction <minimumf>, %select_n3A_949, %reduce_min3A_950 [1] : vector<100x100xf32> to vector<100xf32>
    %broadcast_in_dim3A_952 = vector.shape_cast %reduce_min3A_951 : vector<100xf32> to vector<100x1xf32>
    %le3A_953 = vector.broadcast %broadcast_in_dim3A_952 : vector<100x1xf32> to vector<100x100xf32>
    %le3A_954 = arith.cmpf ole, %select_n3A_949, %le3A_953 : vector<100x100xf32>
    %jit3A_955 = arith.constant 1000000 : i32
    %broadcast_in_dim3A_956 = vector.broadcast %jit3A_955 : i32 to vector<100x100xi32>
    %select_n3A_957 = arith.select %le3A_954, %iota3A_832, %broadcast_in_dim3A_956 : vector<100x100xi1>, vector<100x100xi32>
    %reduce_min3A_958 = arith.constant dense<2147483647> : vector<100xi32>
    %reduce_min3A_959 = vector.multi_reduction <minsi>, %select_n3A_957, %reduce_min3A_958 [1] : vector<100x100xi32> to vector<100xi32>
    %broadcast_in_dim3A_960 = vector.shape_cast %reduce_min3A_959 : vector<100xi32> to vector<100x1xi32>
    %eq3A_961 = vector.broadcast %broadcast_in_dim3A_960 : vector<100x1xi32> to vector<100x100xi32>
    %eq3A_962 = arith.cmpi eq, %iota3A_832, %eq3A_961 : vector<100x100xi32>
    %jit3A_963 = arith.constant 3.000000e+38 : f32
    %broadcast_in_dim3A_964 = vector.broadcast %jit3A_963 : f32 to vector<100x100xf32>
    %select_n3A_965 = arith.select %eq3A_962, %broadcast_in_dim3A_964, %select_n3A_949 : vector<100x100xi1>, vector<100x100xf32>
    %reduce_min3A_966 = arith.constant dense<0x7F800000> : vector<100xf32>
    %reduce_min3A_967 = vector.multi_reduction <minimumf>, %select_n3A_965, %reduce_min3A_966 [1] : vector<100x100xf32> to vector<100xf32>
    %broadcast_in_dim3A_968 = vector.shape_cast %reduce_min3A_967 : vector<100xf32> to vector<100x1xf32>
    %le3A_969 = vector.broadcast %broadcast_in_dim3A_968 : vector<100x1xf32> to vector<100x100xf32>
    %le3A_970 = arith.cmpf ole, %select_n3A_965, %le3A_969 : vector<100x100xf32>
    %jit3A_971 = arith.constant 1000000 : i32
    %broadcast_in_dim3A_972 = vector.broadcast %jit3A_971 : i32 to vector<100x100xi32>
    %select_n3A_973 = arith.select %le3A_970, %iota3A_832, %broadcast_in_dim3A_972 : vector<100x100xi1>, vector<100x100xi32>
    %reduce_min3A_974 = arith.constant dense<2147483647> : vector<100xi32>
    %reduce_min3A_975 = vector.multi_reduction <minsi>, %select_n3A_973, %reduce_min3A_974 [1] : vector<100x100xi32> to vector<100xi32>
    %broadcast_in_dim3A_976 = vector.shape_cast %reduce_min3A_975 : vector<100xi32> to vector<100x1xi32>
    %eq3A_977 = vector.broadcast %broadcast_in_dim3A_976 : vector<100x1xi32> to vector<100x100xi32>
    %eq3A_978 = arith.cmpi eq, %iota3A_832, %eq3A_977 : vector<100x100xi32>
    %jit3A_979 = arith.constant 1.000000e+00 : f32
    %jit3A_980 = arith.constant 0.000000e+00 : f32
    %broadcast_in_dim3A_981 = vector.broadcast %jit3A_979 : f32 to vector<100x100xf32>
    %broadcast_in_dim3A_982 = vector.broadcast %jit3A_980 : f32 to vector<100x100xf32>
    %select_n3A_983 = arith.select %eq3A_978, %broadcast_in_dim3A_981, %broadcast_in_dim3A_982 : vector<100x100xi1>, vector<100x100xf32>
    %add3A_984 = arith.addf %add3A_946, %select_n3A_983 : vector<100x100xf32>
    %get3A_985 = arith.constant 3 : index
    %get3A_986 = arith.constant 0 : index
    %get3A_987 = arith.constant 0 : index
    %get3A_988 = vector.load %arg3[%get3A_985, %get3A_986, %get3A_987] : memref<4x100x128xf32, #tpu.memory_space<vmem>>, vector<1x100x128xf32>
    %get3A_989 = vector.shape_cast %get3A_988 : vector<1x100x128xf32> to vector<100x128xf32>
    %dot_general3A_990 = arith.constant dense<0.000000e+00> : vector<100x128xf32>
    %dot_general3A_991 = tpu.matmul %add3A_984, %get3A_989, %dot_general3A_990 {dimension_numbers = #tpu.dot_dimension_numbers<[1], [0], [0], [1], [0, 0, 1, 1], [], []>, precision = #tpu.contract_precision<fp32>, transpose_lhs_hint = false} : vector<100x100xf32>, vector<100x128xf32>, vector<100x128xf32> -> vector<100x128xf32>
    %mul3A_992 = arith.constant 2.000000e-01 : f32
    %mul3A_993 = vector.broadcast %mul3A_992 : f32 to vector<100x128xf32>
    %mul3A_994 = arith.mulf %dot_general3A_991, %mul3A_993 : vector<100x128xf32>
    %add3A_995 = vector.broadcast %get3A_1 : vector<1x128xf32> to vector<100x128xf32>
    %add3A_996 = arith.addf %mul3A_994, %add3A_995 : vector<100x128xf32>
    %tanh3A_997 = math.tanh %add3A_996 : vector<100x128xf32>
    %add3A_998 = arith.addf %tanh3A_813, %tanh3A_997 : vector<100x128xf32>
    %ge3A_999 = arith.constant 0.000000e+00 : f32
    %ge3A_1000 = vector.broadcast %ge3A_999 : f32 to vector<100x128xf32>
    %ge3A_1001 = arith.cmpf oge, %add3A_998, %ge3A_1000 : vector<100x128xf32>
    %mul3A_1002 = arith.constant 0.00999999977 : f32
    %mul3A_1003 = vector.broadcast %mul3A_1002 : f32 to vector<100x128xf32>
    %mul3A_1004 = arith.mulf %mul3A_1003, %add3A_998 : vector<100x128xf32>
    %select_n3A_1005 = arith.select %ge3A_1001, %add3A_998, %mul3A_1004 : vector<100x128xi1>, vector<100x128xf32>
    %swap3A_1006 = arith.constant 3 : index
    %swap3A_1007 = arith.constant 0 : index
    %swap3A_1008 = arith.constant 0 : index
    %swap3A_1009 = vector.load %arg6[%swap3A_1006, %swap3A_1007, %swap3A_1008] : memref<4x100x128xf32, #tpu.memory_space<vmem>>, vector<1x100x128xf32>
    %swap3A_1010 = vector.shape_cast %swap3A_1009 : vector<1x100x128xf32> to vector<100x128xf32>
    %swap3A_1011 = vector.shape_cast %select_n3A_1005 : vector<100x128xf32> to vector<1x100x128xf32>
    tpu.vector_store %arg6[%swap3A_1006, %swap3A_1007, %swap3A_1008], %swap3A_1011 {strides = array<i32>} : memref<4x100x128xf32, #tpu.memory_space<vmem>>, vector<1x100x128xf32>,
    %convert_element_type3A_1012 = arith.truncf %select_n3A_1005 : vector<100x128xf32> to vector<100x128xbf16>
    %convert_element_type3A_1013 = arith.extf %convert_element_type3A_1012 : vector<100x128xbf16> to vector<100x128xf32>
    %mul3A_1014 = vector.broadcast %dot_general3A_789 : vector<100x1xf32> to vector<100x128xf32>
    %mul3A_1015 = arith.mulf %convert_element_type3A_1013, %mul3A_1014 : vector<100x128xf32>
    %swap3A_1016 = arith.constant 3 : index
    %swap3A_1017 = arith.constant 0 : index
    %swap3A_1018 = arith.constant 0 : index
    %swap3A_1019 = vector.load %arg7[%swap3A_1016, %swap3A_1017, %swap3A_1018] : memref<4x100x128xf32, #tpu.memory_space<vmem>>, vector<1x100x128xf32>
    %swap3A_1020 = vector.shape_cast %swap3A_1019 : vector<1x100x128xf32> to vector<100x128xf32>
    %swap3A_1021 = vector.shape_cast %mul3A_1015 : vector<100x128xf32> to vector<1x100x128xf32>
    tpu.vector_store %arg7[%swap3A_1016, %swap3A_1017, %swap3A_1018], %swap3A_1021 {strides = array<i32>} : memref<4x100x128xf32, #tpu.memory_space<vmem>>, vector<1x100x128xf32>,
    return
  }
  func.func @transform_0(%arg0: i32) -> (i32, i32, i32, i32) {
    %c0_i32 = arith.constant 0 : i32
    %c0_i32_0 = arith.constant 0 : i32
    %c0_i32_1 = arith.constant 0 : i32
    %c0_i32_2 = arith.constant 0 : i32
    return %c0_i32, %arg0, %c0_i32_0, %c0_i32_1 : i32, i32, i32, i32
  }
  func.func @transform_1(%arg0: i32) -> (i32, i32, i32) {
    %c0_i32 = arith.constant 0 : i32
    %c0_i32_0 = arith.constant 0 : i32
    %c0_i32_1 = arith.constant 0 : i32
    return %arg0, %c0_i32, %c0_i32_0 : i32, i32, i32
  }
  func.func @transform_2(%arg0: i32) -> (i32, i32, i32) {
    %c0_i32 = arith.constant 0 : i32
    %c0_i32_0 = arith.constant 0 : i32
    %c0_i32_1 = arith.constant 0 : i32
    return %arg0, %c0_i32, %c0_i32_0 : i32, i32, i32
  }
  func.func @transform_3(%arg0: i32) -> (i32, i32) {
    %c0_i32 = arith.constant 0 : i32
    %c0_i32_0 = arith.constant 0 : i32
    %c0_i32_1 = arith.constant 0 : i32
    return %c0_i32, %c0_i32_0 : i32, i32
  }
  func.func @transform_4(%arg0: i32) -> (i32, i32) {
    %c0_i32 = arith.constant 0 : i32
    %c0_i32_0 = arith.constant 0 : i32
    %c0_i32_1 = arith.constant 0 : i32
    return %c0_i32, %c0_i32_0 : i32, i32
  }
  func.func @transform_5(%arg0: i32) -> (i32, i32, i32) {
    %c0_i32 = arith.constant 0 : i32
    %c0_i32_0 = arith.constant 0 : i32
    %c0_i32_1 = arith.constant 0 : i32
    return %arg0, %c0_i32, %c0_i32_0 : i32, i32, i32
  }
  func.func @transform_6(%arg0: i32) -> (i32, i32, i32) {
    %c0_i32 = arith.constant 0 : i32
    %c0_i32_0 = arith.constant 0 : i32
    %c0_i32_1 = arith.constant 0 : i32
    return %arg0, %c0_i32, %c0_i32_0 : i32, i32, i32
  }
}

module attributes {stable_mosaic.version = 14 : i64} {
  func.func @_tc3_body(%arg0: i32, %arg1: memref<2x4x100x128xf32, #tpu.memory_space<vmem>>, %arg2: memref<4x100x128xf32, #tpu.memory_space<vmem>>, %arg3: memref<100x128xf32, #tpu.memory_space<vmem>>, %arg4: memref<1x128xf32, #tpu.memory_space<vmem>>, %arg5: memref<1x1xf32, #tpu.memory_space<vmem>>, %arg6: memref<128x256xf32, #tpu.memory_space<vmem>>, %arg7: memref<1x256xf32, #tpu.memory_space<vmem>>, %arg8: memref<4x100x256xf32, #tpu.memory_space<vmem>>, %arg9: memref<4x100x1xf32, #tpu.memory_space<vmem>>) attributes {dimension_semantics = [#tpu.dimension_semantics<arbitrary>], iteration_bounds = array<i64: 25>, scalar_prefetch = 0 : i64, scratch_operands = 0 : i64, tpu.core_type = #tpu.core_type<tc>, window_params = [{transform_indices = @transform_0, window_bounds = array<i64: 2, 4, 100, 128>}, {transform_indices = @transform_1, window_bounds = array<i64: 4, 100, 128>}, {pipeline_mode = #tpu.pipeline_mode<synchronous>, transform_indices = @transform_2, window_bounds = array<i64: 100, 128>}, {pipeline_mode = #tpu.pipeline_mode<synchronous>, transform_indices = @transform_3, window_bounds = array<i64: 1, 128>}, {pipeline_mode = #tpu.pipeline_mode<synchronous>, transform_indices = @transform_4, window_bounds = array<i64: 1, 1>}, {pipeline_mode = #tpu.pipeline_mode<synchronous>, transform_indices = @transform_5, window_bounds = array<i64: 128, 256>}, {pipeline_mode = #tpu.pipeline_mode<synchronous>, transform_indices = @transform_6, window_bounds = array<i64: 1, 256>}, {transform_indices = @transform_7, window_bounds = array<i64: 4, 100, 256>}, {transform_indices = @transform_8, window_bounds = array<i64: 4, 100, 1>}]} {
    %get3A = arith.constant 0 : index
    %get3A_0 = arith.constant 0 : index
    %get3A_1 = vector.load %arg4[%get3A, %get3A_0] : memref<1x128xf32, #tpu.memory_space<vmem>>, vector<1x128xf32>
    %convert_element_type3A = arith.truncf %get3A_1 : vector<1x128xf32> to vector<1x128xbf16>
    %convert_element_type3A_2 = arith.extf %convert_element_type3A : vector<1x128xbf16> to vector<1x128xf32>
    %get3A_3 = arith.constant 0 : index
    %get3A_4 = arith.constant 0 : index
    %get3A_5 = vector.load %arg5[%get3A_3, %get3A_4] : memref<1x1xf32, #tpu.memory_space<vmem>>, vector<1x1xf32>
    %get3A_6 = arith.constant 0 : index
    %get3A_7 = arith.constant 0 : index
    %get3A_8 = vector.load %arg6[%get3A_6, %get3A_7] : memref<128x256xf32, #tpu.memory_space<vmem>>, vector<128x256xf32>
    %convert_element_type3A_9 = arith.truncf %get3A_8 : vector<128x256xf32> to vector<128x256xbf16>
    %convert_element_type3A_10 = arith.extf %convert_element_type3A_9 : vector<128x256xbf16> to vector<128x256xf32>
    %get3A_11 = arith.constant 0 : index
    %get3A_12 = arith.constant 0 : index
    %get3A_13 = vector.load %arg7[%get3A_11, %get3A_12] : memref<1x256xf32, #tpu.memory_space<vmem>>, vector<1x256xf32>
    %mul3A = arith.constant 4 : i32
    %mul3A_14 = arith.muli %arg0, %mul3A : i32
    %add3A = arith.constant 0 : i32
    %add3A_15 = arith.addi %mul3A_14, %add3A : i32
    %iota3A = tpu.iota {dimensions = array<i32: 1>} : vector<1x100xi32>
    %eq3A = vector.broadcast %add3A_15 : i32 to vector<1x100xi32>
    %eq3A_16 = arith.cmpi eq, %iota3A, %eq3A : vector<1x100xi32>
    %jit3A = arith.constant 1.000000e+00 : f32
    %jit3A_17 = arith.constant 0.000000e+00 : f32
    %broadcast_in_dim3A = vector.broadcast %jit3A : f32 to vector<1x100xf32>
    %broadcast_in_dim3A_18 = vector.broadcast %jit3A_17 : f32 to vector<1x100xf32>
    %select_n3A = arith.select %eq3A_16, %broadcast_in_dim3A, %broadcast_in_dim3A_18 : vector<1x100xi1>, vector<1x100xf32>
    %get3A_19 = arith.constant 0 : index
    %get3A_20 = arith.constant 0 : index
    %get3A_21 = vector.load %arg3[%get3A_19, %get3A_20] : memref<100x128xf32, #tpu.memory_space<vmem>>, vector<100x128xf32>
    %dot_general3A = arith.constant dense<0.000000e+00> : vector<1x128xf32>
    %dot_general3A_22 = tpu.matmul %select_n3A, %get3A_21, %dot_general3A {dimension_numbers = #tpu.dot_dimension_numbers<[1], [0], [0], [1], [0, 0, 1, 1], [], []>, precision = #tpu.contract_precision<fp32>, transpose_lhs_hint = false} : vector<1x100xf32>, vector<100x128xf32>, vector<1x128xf32> -> vector<1x128xf32>
    %iota3A_23 = tpu.iota {dimensions = array<i32: 0>} : vector<100x128xi32>
    %iota3A_24 = tpu.iota {dimensions = array<i32: 1>} : vector<100x128xi32>
    %eq3A_25 = arith.cmpi eq, %iota3A_23, %iota3A_24 : vector<100x128xi32>
    %jit3A_26 = arith.constant 1.000000e+00 : f32
    %jit3A_27 = arith.constant 0.000000e+00 : f32
    %broadcast_in_dim3A_28 = vector.broadcast %jit3A_26 : f32 to vector<100x128xf32>
    %broadcast_in_dim3A_29 = vector.broadcast %jit3A_27 : f32 to vector<100x128xf32>
    %select_n3A_30 = arith.select %eq3A_25, %broadcast_in_dim3A_28, %broadcast_in_dim3A_29 : vector<100x128xi1>, vector<100x128xf32>
    %dot_general3A_31 = arith.constant dense<0.000000e+00> : vector<100x1xf32>
    %dot_general3A_32 = tpu.matmul %select_n3A_30, %dot_general3A_22, %dot_general3A_31 {dimension_numbers = #tpu.dot_dimension_numbers<[1], [1], [0], [0], [0, 0, 1, 0], [], []>, precision = #tpu.contract_precision<fp32>, transpose_lhs_hint = false} : vector<100x128xf32>, vector<1x128xf32>, vector<100x1xf32> -> vector<100x1xf32>
    %get3A_33 = arith.constant 0 : index
    %get3A_34 = arith.constant 0 : index
    %get3A_35 = arith.constant 0 : index
    %get3A_36 = arith.constant 0 : index
    %get3A_37 = vector.load %arg1[%get3A_33, %get3A_34, %get3A_35, %get3A_36] : memref<2x4x100x128xf32, #tpu.memory_space<vmem>>, vector<1x1x100x128xf32>
    %get3A_38 = vector.shape_cast %get3A_37 : vector<1x1x100x128xf32> to vector<100x128xf32>
    %get3A_39 = arith.constant 1 : index
    %get3A_40 = arith.constant 0 : index
    %get3A_41 = arith.constant 0 : index
    %get3A_42 = arith.constant 0 : index
    %get3A_43 = vector.load %arg1[%get3A_39, %get3A_40, %get3A_41, %get3A_42] : memref<2x4x100x128xf32, #tpu.memory_space<vmem>>, vector<1x1x100x128xf32>
    %get3A_44 = vector.shape_cast %get3A_43 : vector<1x1x100x128xf32> to vector<100x128xf32>
    %add3A_45 = arith.addf %get3A_38, %get3A_44 : vector<100x128xf32>
    %get3A_46 = arith.constant 0 : index
    %get3A_47 = arith.constant 0 : index
    %get3A_48 = arith.constant 0 : index
    %get3A_49 = vector.load %arg2[%get3A_46, %get3A_47, %get3A_48] : memref<4x100x128xf32, #tpu.memory_space<vmem>>, vector<1x100x128xf32>
    %get3A_50 = vector.shape_cast %get3A_49 : vector<1x100x128xf32> to vector<100x128xf32>
    %add3A_51 = arith.addf %add3A_45, %get3A_50 : vector<100x128xf32>
    %mul3A_52 = vector.broadcast %dot_general3A_32 : vector<100x1xf32> to vector<100x128xf32>
    %mul3A_53 = arith.mulf %add3A_51, %mul3A_52 : vector<100x128xf32>
    %mul3A_54 = vector.broadcast %convert_element_type3A_2 : vector<1x128xf32> to vector<100x128xf32>
    %mul3A_55 = arith.mulf %mul3A_53, %mul3A_54 : vector<100x128xf32>
    %reduce_sum3A = arith.constant dense<0.000000e+00> : vector<100xf32>
    %reduce_sum3A_56 = vector.multi_reduction <add>, %mul3A_55, %reduce_sum3A [1] : vector<100x128xf32> to vector<100xf32>
    %broadcast_in_dim3A_57 = vector.shape_cast %reduce_sum3A_56 : vector<100xf32> to vector<100x1xf32>
    %add3A_58 = vector.broadcast %get3A_5 : vector<1x1xf32> to vector<100x1xf32>
    %add3A_59 = arith.addf %broadcast_in_dim3A_57, %add3A_58 : vector<100x1xf32>
    %tanh3A = math.tanh %add3A_59 : vector<100x1xf32>
    %swap3A = arith.constant 0 : index
    %swap3A_60 = arith.constant 0 : index
    %swap3A_61 = arith.constant 0 : index
    %swap3A_62 = vector.load %arg9[%swap3A, %swap3A_60, %swap3A_61] : memref<4x100x1xf32, #tpu.memory_space<vmem>>, vector<1x100x1xf32>
    %swap3A_63 = vector.shape_cast %swap3A_62 : vector<1x100x1xf32> to vector<100x1xf32>
    %swap3A_64 = vector.shape_cast %tanh3A : vector<100x1xf32> to vector<1x100x1xf32>
    tpu.vector_store %arg9[%swap3A, %swap3A_60, %swap3A_61], %swap3A_64 {strides = array<i32>} : memref<4x100x1xf32, #tpu.memory_space<vmem>>, vector<1x100x1xf32>,
    %dot_general3A_65 = arith.constant dense<0.000000e+00> : vector<100x256xf32>
    %dot_general3A_66 = tpu.matmul %mul3A_53, %convert_element_type3A_10, %dot_general3A_65 {dimension_numbers = #tpu.dot_dimension_numbers<[1], [0], [0], [1], [0, 0, 1, 1], [], []>, precision = #tpu.contract_precision<fp32>, transpose_lhs_hint = false} : vector<100x128xf32>, vector<128x256xf32>, vector<100x256xf32> -> vector<100x256xf32>
    %add3A_67 = vector.broadcast %get3A_13 : vector<1x256xf32> to vector<100x256xf32>
    %add3A_68 = arith.addf %dot_general3A_66, %add3A_67 : vector<100x256xf32>
    %tanh3A_69 = math.tanh %add3A_68 : vector<100x256xf32>
    %swap3A_70 = arith.constant 0 : index
    %swap3A_71 = arith.constant 0 : index
    %swap3A_72 = arith.constant 0 : index
    %swap3A_73 = vector.load %arg8[%swap3A_70, %swap3A_71, %swap3A_72] : memref<4x100x256xf32, #tpu.memory_space<vmem>>, vector<1x100x256xf32>
    %swap3A_74 = vector.shape_cast %swap3A_73 : vector<1x100x256xf32> to vector<100x256xf32>
    %swap3A_75 = vector.shape_cast %tanh3A_69 : vector<100x256xf32> to vector<1x100x256xf32>
    tpu.vector_store %arg8[%swap3A_70, %swap3A_71, %swap3A_72], %swap3A_75 {strides = array<i32>} : memref<4x100x256xf32, #tpu.memory_space<vmem>>, vector<1x100x256xf32>,
    %mul3A_76 = arith.constant 4 : i32
    %mul3A_77 = arith.muli %arg0, %mul3A_76 : i32
    %add3A_78 = arith.constant 1 : i32
    %add3A_79 = arith.addi %mul3A_77, %add3A_78 : i32
    %iota3A_80 = tpu.iota {dimensions = array<i32: 1>} : vector<1x100xi32>
    %eq3A_81 = vector.broadcast %add3A_79 : i32 to vector<1x100xi32>
    %eq3A_82 = arith.cmpi eq, %iota3A_80, %eq3A_81 : vector<1x100xi32>
    %jit3A_83 = arith.constant 1.000000e+00 : f32
    %jit3A_84 = arith.constant 0.000000e+00 : f32
    %broadcast_in_dim3A_85 = vector.broadcast %jit3A_83 : f32 to vector<1x100xf32>
    %broadcast_in_dim3A_86 = vector.broadcast %jit3A_84 : f32 to vector<1x100xf32>
    %select_n3A_87 = arith.select %eq3A_82, %broadcast_in_dim3A_85, %broadcast_in_dim3A_86 : vector<1x100xi1>, vector<1x100xf32>
    %get3A_88 = arith.constant 0 : index
    %get3A_89 = arith.constant 0 : index
    %get3A_90 = vector.load %arg3[%get3A_88, %get3A_89] : memref<100x128xf32, #tpu.memory_space<vmem>>, vector<100x128xf32>
    %dot_general3A_91 = arith.constant dense<0.000000e+00> : vector<1x128xf32>
    %dot_general3A_92 = tpu.matmul %select_n3A_87, %get3A_90, %dot_general3A_91 {dimension_numbers = #tpu.dot_dimension_numbers<[1], [0], [0], [1], [0, 0, 1, 1], [], []>, precision = #tpu.contract_precision<fp32>, transpose_lhs_hint = false} : vector<1x100xf32>, vector<100x128xf32>, vector<1x128xf32> -> vector<1x128xf32>
    %iota3A_93 = tpu.iota {dimensions = array<i32: 0>} : vector<100x128xi32>
    %iota3A_94 = tpu.iota {dimensions = array<i32: 1>} : vector<100x128xi32>
    %eq3A_95 = arith.cmpi eq, %iota3A_93, %iota3A_94 : vector<100x128xi32>
    %jit3A_96 = arith.constant 1.000000e+00 : f32
    %jit3A_97 = arith.constant 0.000000e+00 : f32
    %broadcast_in_dim3A_98 = vector.broadcast %jit3A_96 : f32 to vector<100x128xf32>
    %broadcast_in_dim3A_99 = vector.broadcast %jit3A_97 : f32 to vector<100x128xf32>
    %select_n3A_100 = arith.select %eq3A_95, %broadcast_in_dim3A_98, %broadcast_in_dim3A_99 : vector<100x128xi1>, vector<100x128xf32>
    %dot_general3A_101 = arith.constant dense<0.000000e+00> : vector<100x1xf32>
    %dot_general3A_102 = tpu.matmul %select_n3A_100, %dot_general3A_92, %dot_general3A_101 {dimension_numbers = #tpu.dot_dimension_numbers<[1], [1], [0], [0], [0, 0, 1, 0], [], []>, precision = #tpu.contract_precision<fp32>, transpose_lhs_hint = false} : vector<100x128xf32>, vector<1x128xf32>, vector<100x1xf32> -> vector<100x1xf32>
    %get3A_103 = arith.constant 0 : index
    %get3A_104 = arith.constant 1 : index
    %get3A_105 = arith.constant 0 : index
    %get3A_106 = arith.constant 0 : index
    %get3A_107 = vector.load %arg1[%get3A_103, %get3A_104, %get3A_105, %get3A_106] : memref<2x4x100x128xf32, #tpu.memory_space<vmem>>, vector<1x1x100x128xf32>
    %get3A_108 = vector.shape_cast %get3A_107 : vector<1x1x100x128xf32> to vector<100x128xf32>
    %get3A_109 = arith.constant 1 : index
    %get3A_110 = arith.constant 1 : index
    %get3A_111 = arith.constant 0 : index
    %get3A_112 = arith.constant 0 : index
    %get3A_113 = vector.load %arg1[%get3A_109, %get3A_110, %get3A_111, %get3A_112] : memref<2x4x100x128xf32, #tpu.memory_space<vmem>>, vector<1x1x100x128xf32>
    %get3A_114 = vector.shape_cast %get3A_113 : vector<1x1x100x128xf32> to vector<100x128xf32>
    %add3A_115 = arith.addf %get3A_108, %get3A_114 : vector<100x128xf32>
    %get3A_116 = arith.constant 1 : index
    %get3A_117 = arith.constant 0 : index
    %get3A_118 = arith.constant 0 : index
    %get3A_119 = vector.load %arg2[%get3A_116, %get3A_117, %get3A_118] : memref<4x100x128xf32, #tpu.memory_space<vmem>>, vector<1x100x128xf32>
    %get3A_120 = vector.shape_cast %get3A_119 : vector<1x100x128xf32> to vector<100x128xf32>
    %add3A_121 = arith.addf %add3A_115, %get3A_120 : vector<100x128xf32>
    %mul3A_122 = vector.broadcast %dot_general3A_102 : vector<100x1xf32> to vector<100x128xf32>
    %mul3A_123 = arith.mulf %add3A_121, %mul3A_122 : vector<100x128xf32>
    %mul3A_124 = vector.broadcast %convert_element_type3A_2 : vector<1x128xf32> to vector<100x128xf32>
    %mul3A_125 = arith.mulf %mul3A_123, %mul3A_124 : vector<100x128xf32>
    %reduce_sum3A_126 = arith.constant dense<0.000000e+00> : vector<100xf32>
    %reduce_sum3A_127 = vector.multi_reduction <add>, %mul3A_125, %reduce_sum3A_126 [1] : vector<100x128xf32> to vector<100xf32>
    %broadcast_in_dim3A_128 = vector.shape_cast %reduce_sum3A_127 : vector<100xf32> to vector<100x1xf32>
    %add3A_129 = vector.broadcast %get3A_5 : vector<1x1xf32> to vector<100x1xf32>
    %add3A_130 = arith.addf %broadcast_in_dim3A_128, %add3A_129 : vector<100x1xf32>
    %tanh3A_131 = math.tanh %add3A_130 : vector<100x1xf32>
    %swap3A_132 = arith.constant 1 : index
    %swap3A_133 = arith.constant 0 : index
    %swap3A_134 = arith.constant 0 : index
    %swap3A_135 = vector.load %arg9[%swap3A_132, %swap3A_133, %swap3A_134] : memref<4x100x1xf32, #tpu.memory_space<vmem>>, vector<1x100x1xf32>
    %swap3A_136 = vector.shape_cast %swap3A_135 : vector<1x100x1xf32> to vector<100x1xf32>
    %swap3A_137 = vector.shape_cast %tanh3A_131 : vector<100x1xf32> to vector<1x100x1xf32>
    tpu.vector_store %arg9[%swap3A_132, %swap3A_133, %swap3A_134], %swap3A_137 {strides = array<i32>} : memref<4x100x1xf32, #tpu.memory_space<vmem>>, vector<1x100x1xf32>,
    %dot_general3A_138 = arith.constant dense<0.000000e+00> : vector<100x256xf32>
    %dot_general3A_139 = tpu.matmul %mul3A_123, %convert_element_type3A_10, %dot_general3A_138 {dimension_numbers = #tpu.dot_dimension_numbers<[1], [0], [0], [1], [0, 0, 1, 1], [], []>, precision = #tpu.contract_precision<fp32>, transpose_lhs_hint = false} : vector<100x128xf32>, vector<128x256xf32>, vector<100x256xf32> -> vector<100x256xf32>
    %add3A_140 = vector.broadcast %get3A_13 : vector<1x256xf32> to vector<100x256xf32>
    %add3A_141 = arith.addf %dot_general3A_139, %add3A_140 : vector<100x256xf32>
    %tanh3A_142 = math.tanh %add3A_141 : vector<100x256xf32>
    %swap3A_143 = arith.constant 1 : index
    %swap3A_144 = arith.constant 0 : index
    %swap3A_145 = arith.constant 0 : index
    %swap3A_146 = vector.load %arg8[%swap3A_143, %swap3A_144, %swap3A_145] : memref<4x100x256xf32, #tpu.memory_space<vmem>>, vector<1x100x256xf32>
    %swap3A_147 = vector.shape_cast %swap3A_146 : vector<1x100x256xf32> to vector<100x256xf32>
    %swap3A_148 = vector.shape_cast %tanh3A_142 : vector<100x256xf32> to vector<1x100x256xf32>
    tpu.vector_store %arg8[%swap3A_143, %swap3A_144, %swap3A_145], %swap3A_148 {strides = array<i32>} : memref<4x100x256xf32, #tpu.memory_space<vmem>>, vector<1x100x256xf32>,
    %mul3A_149 = arith.constant 4 : i32
    %mul3A_150 = arith.muli %arg0, %mul3A_149 : i32
    %add3A_151 = arith.constant 2 : i32
    %add3A_152 = arith.addi %mul3A_150, %add3A_151 : i32
    %iota3A_153 = tpu.iota {dimensions = array<i32: 1>} : vector<1x100xi32>
    %eq3A_154 = vector.broadcast %add3A_152 : i32 to vector<1x100xi32>
    %eq3A_155 = arith.cmpi eq, %iota3A_153, %eq3A_154 : vector<1x100xi32>
    %jit3A_156 = arith.constant 1.000000e+00 : f32
    %jit3A_157 = arith.constant 0.000000e+00 : f32
    %broadcast_in_dim3A_158 = vector.broadcast %jit3A_156 : f32 to vector<1x100xf32>
    %broadcast_in_dim3A_159 = vector.broadcast %jit3A_157 : f32 to vector<1x100xf32>
    %select_n3A_160 = arith.select %eq3A_155, %broadcast_in_dim3A_158, %broadcast_in_dim3A_159 : vector<1x100xi1>, vector<1x100xf32>
    %get3A_161 = arith.constant 0 : index
    %get3A_162 = arith.constant 0 : index
    %get3A_163 = vector.load %arg3[%get3A_161, %get3A_162] : memref<100x128xf32, #tpu.memory_space<vmem>>, vector<100x128xf32>
    %dot_general3A_164 = arith.constant dense<0.000000e+00> : vector<1x128xf32>
    %dot_general3A_165 = tpu.matmul %select_n3A_160, %get3A_163, %dot_general3A_164 {dimension_numbers = #tpu.dot_dimension_numbers<[1], [0], [0], [1], [0, 0, 1, 1], [], []>, precision = #tpu.contract_precision<fp32>, transpose_lhs_hint = false} : vector<1x100xf32>, vector<100x128xf32>, vector<1x128xf32> -> vector<1x128xf32>
    %iota3A_166 = tpu.iota {dimensions = array<i32: 0>} : vector<100x128xi32>
    %iota3A_167 = tpu.iota {dimensions = array<i32: 1>} : vector<100x128xi32>
    %eq3A_168 = arith.cmpi eq, %iota3A_166, %iota3A_167 : vector<100x128xi32>
    %jit3A_169 = arith.constant 1.000000e+00 : f32
    %jit3A_170 = arith.constant 0.000000e+00 : f32
    %broadcast_in_dim3A_171 = vector.broadcast %jit3A_169 : f32 to vector<100x128xf32>
    %broadcast_in_dim3A_172 = vector.broadcast %jit3A_170 : f32 to vector<100x128xf32>
    %select_n3A_173 = arith.select %eq3A_168, %broadcast_in_dim3A_171, %broadcast_in_dim3A_172 : vector<100x128xi1>, vector<100x128xf32>
    %dot_general3A_174 = arith.constant dense<0.000000e+00> : vector<100x1xf32>
    %dot_general3A_175 = tpu.matmul %select_n3A_173, %dot_general3A_165, %dot_general3A_174 {dimension_numbers = #tpu.dot_dimension_numbers<[1], [1], [0], [0], [0, 0, 1, 0], [], []>, precision = #tpu.contract_precision<fp32>, transpose_lhs_hint = false} : vector<100x128xf32>, vector<1x128xf32>, vector<100x1xf32> -> vector<100x1xf32>
    %get3A_176 = arith.constant 0 : index
    %get3A_177 = arith.constant 2 : index
    %get3A_178 = arith.constant 0 : index
    %get3A_179 = arith.constant 0 : index
    %get3A_180 = vector.load %arg1[%get3A_176, %get3A_177, %get3A_178, %get3A_179] : memref<2x4x100x128xf32, #tpu.memory_space<vmem>>, vector<1x1x100x128xf32>
    %get3A_181 = vector.shape_cast %get3A_180 : vector<1x1x100x128xf32> to vector<100x128xf32>
    %get3A_182 = arith.constant 1 : index
    %get3A_183 = arith.constant 2 : index
    %get3A_184 = arith.constant 0 : index
    %get3A_185 = arith.constant 0 : index
    %get3A_186 = vector.load %arg1[%get3A_182, %get3A_183, %get3A_184, %get3A_185] : memref<2x4x100x128xf32, #tpu.memory_space<vmem>>, vector<1x1x100x128xf32>
    %get3A_187 = vector.shape_cast %get3A_186 : vector<1x1x100x128xf32> to vector<100x128xf32>
    %add3A_188 = arith.addf %get3A_181, %get3A_187 : vector<100x128xf32>
    %get3A_189 = arith.constant 2 : index
    %get3A_190 = arith.constant 0 : index
    %get3A_191 = arith.constant 0 : index
    %get3A_192 = vector.load %arg2[%get3A_189, %get3A_190, %get3A_191] : memref<4x100x128xf32, #tpu.memory_space<vmem>>, vector<1x100x128xf32>
    %get3A_193 = vector.shape_cast %get3A_192 : vector<1x100x128xf32> to vector<100x128xf32>
    %add3A_194 = arith.addf %add3A_188, %get3A_193 : vector<100x128xf32>
    %mul3A_195 = vector.broadcast %dot_general3A_175 : vector<100x1xf32> to vector<100x128xf32>
    %mul3A_196 = arith.mulf %add3A_194, %mul3A_195 : vector<100x128xf32>
    %mul3A_197 = vector.broadcast %convert_element_type3A_2 : vector<1x128xf32> to vector<100x128xf32>
    %mul3A_198 = arith.mulf %mul3A_196, %mul3A_197 : vector<100x128xf32>
    %reduce_sum3A_199 = arith.constant dense<0.000000e+00> : vector<100xf32>
    %reduce_sum3A_200 = vector.multi_reduction <add>, %mul3A_198, %reduce_sum3A_199 [1] : vector<100x128xf32> to vector<100xf32>
    %broadcast_in_dim3A_201 = vector.shape_cast %reduce_sum3A_200 : vector<100xf32> to vector<100x1xf32>
    %add3A_202 = vector.broadcast %get3A_5 : vector<1x1xf32> to vector<100x1xf32>
    %add3A_203 = arith.addf %broadcast_in_dim3A_201, %add3A_202 : vector<100x1xf32>
    %tanh3A_204 = math.tanh %add3A_203 : vector<100x1xf32>
    %swap3A_205 = arith.constant 2 : index
    %swap3A_206 = arith.constant 0 : index
    %swap3A_207 = arith.constant 0 : index
    %swap3A_208 = vector.load %arg9[%swap3A_205, %swap3A_206, %swap3A_207] : memref<4x100x1xf32, #tpu.memory_space<vmem>>, vector<1x100x1xf32>
    %swap3A_209 = vector.shape_cast %swap3A_208 : vector<1x100x1xf32> to vector<100x1xf32>
    %swap3A_210 = vector.shape_cast %tanh3A_204 : vector<100x1xf32> to vector<1x100x1xf32>
    tpu.vector_store %arg9[%swap3A_205, %swap3A_206, %swap3A_207], %swap3A_210 {strides = array<i32>} : memref<4x100x1xf32, #tpu.memory_space<vmem>>, vector<1x100x1xf32>,
    %dot_general3A_211 = arith.constant dense<0.000000e+00> : vector<100x256xf32>
    %dot_general3A_212 = tpu.matmul %mul3A_196, %convert_element_type3A_10, %dot_general3A_211 {dimension_numbers = #tpu.dot_dimension_numbers<[1], [0], [0], [1], [0, 0, 1, 1], [], []>, precision = #tpu.contract_precision<fp32>, transpose_lhs_hint = false} : vector<100x128xf32>, vector<128x256xf32>, vector<100x256xf32> -> vector<100x256xf32>
    %add3A_213 = vector.broadcast %get3A_13 : vector<1x256xf32> to vector<100x256xf32>
    %add3A_214 = arith.addf %dot_general3A_212, %add3A_213 : vector<100x256xf32>
    %tanh3A_215 = math.tanh %add3A_214 : vector<100x256xf32>
    %swap3A_216 = arith.constant 2 : index
    %swap3A_217 = arith.constant 0 : index
    %swap3A_218 = arith.constant 0 : index
    %swap3A_219 = vector.load %arg8[%swap3A_216, %swap3A_217, %swap3A_218] : memref<4x100x256xf32, #tpu.memory_space<vmem>>, vector<1x100x256xf32>
    %swap3A_220 = vector.shape_cast %swap3A_219 : vector<1x100x256xf32> to vector<100x256xf32>
    %swap3A_221 = vector.shape_cast %tanh3A_215 : vector<100x256xf32> to vector<1x100x256xf32>
    tpu.vector_store %arg8[%swap3A_216, %swap3A_217, %swap3A_218], %swap3A_221 {strides = array<i32>} : memref<4x100x256xf32, #tpu.memory_space<vmem>>, vector<1x100x256xf32>,
    %mul3A_222 = arith.constant 4 : i32
    %mul3A_223 = arith.muli %arg0, %mul3A_222 : i32
    %add3A_224 = arith.constant 3 : i32
    %add3A_225 = arith.addi %mul3A_223, %add3A_224 : i32
    %iota3A_226 = tpu.iota {dimensions = array<i32: 1>} : vector<1x100xi32>
    %eq3A_227 = vector.broadcast %add3A_225 : i32 to vector<1x100xi32>
    %eq3A_228 = arith.cmpi eq, %iota3A_226, %eq3A_227 : vector<1x100xi32>
    %jit3A_229 = arith.constant 1.000000e+00 : f32
    %jit3A_230 = arith.constant 0.000000e+00 : f32
    %broadcast_in_dim3A_231 = vector.broadcast %jit3A_229 : f32 to vector<1x100xf32>
    %broadcast_in_dim3A_232 = vector.broadcast %jit3A_230 : f32 to vector<1x100xf32>
    %select_n3A_233 = arith.select %eq3A_228, %broadcast_in_dim3A_231, %broadcast_in_dim3A_232 : vector<1x100xi1>, vector<1x100xf32>
    %get3A_234 = arith.constant 0 : index
    %get3A_235 = arith.constant 0 : index
    %get3A_236 = vector.load %arg3[%get3A_234, %get3A_235] : memref<100x128xf32, #tpu.memory_space<vmem>>, vector<100x128xf32>
    %dot_general3A_237 = arith.constant dense<0.000000e+00> : vector<1x128xf32>
    %dot_general3A_238 = tpu.matmul %select_n3A_233, %get3A_236, %dot_general3A_237 {dimension_numbers = #tpu.dot_dimension_numbers<[1], [0], [0], [1], [0, 0, 1, 1], [], []>, precision = #tpu.contract_precision<fp32>, transpose_lhs_hint = false} : vector<1x100xf32>, vector<100x128xf32>, vector<1x128xf32> -> vector<1x128xf32>
    %iota3A_239 = tpu.iota {dimensions = array<i32: 0>} : vector<100x128xi32>
    %iota3A_240 = tpu.iota {dimensions = array<i32: 1>} : vector<100x128xi32>
    %eq3A_241 = arith.cmpi eq, %iota3A_239, %iota3A_240 : vector<100x128xi32>
    %jit3A_242 = arith.constant 1.000000e+00 : f32
    %jit3A_243 = arith.constant 0.000000e+00 : f32
    %broadcast_in_dim3A_244 = vector.broadcast %jit3A_242 : f32 to vector<100x128xf32>
    %broadcast_in_dim3A_245 = vector.broadcast %jit3A_243 : f32 to vector<100x128xf32>
    %select_n3A_246 = arith.select %eq3A_241, %broadcast_in_dim3A_244, %broadcast_in_dim3A_245 : vector<100x128xi1>, vector<100x128xf32>
    %dot_general3A_247 = arith.constant dense<0.000000e+00> : vector<100x1xf32>
    %dot_general3A_248 = tpu.matmul %select_n3A_246, %dot_general3A_238, %dot_general3A_247 {dimension_numbers = #tpu.dot_dimension_numbers<[1], [1], [0], [0], [0, 0, 1, 0], [], []>, precision = #tpu.contract_precision<fp32>, transpose_lhs_hint = false} : vector<100x128xf32>, vector<1x128xf32>, vector<100x1xf32> -> vector<100x1xf32>
    %get3A_249 = arith.constant 0 : index
    %get3A_250 = arith.constant 3 : index
    %get3A_251 = arith.constant 0 : index
    %get3A_252 = arith.constant 0 : index
    %get3A_253 = vector.load %arg1[%get3A_249, %get3A_250, %get3A_251, %get3A_252] : memref<2x4x100x128xf32, #tpu.memory_space<vmem>>, vector<1x1x100x128xf32>
    %get3A_254 = vector.shape_cast %get3A_253 : vector<1x1x100x128xf32> to vector<100x128xf32>
    %get3A_255 = arith.constant 1 : index
    %get3A_256 = arith.constant 3 : index
    %get3A_257 = arith.constant 0 : index
    %get3A_258 = arith.constant 0 : index
    %get3A_259 = vector.load %arg1[%get3A_255, %get3A_256, %get3A_257, %get3A_258] : memref<2x4x100x128xf32, #tpu.memory_space<vmem>>, vector<1x1x100x128xf32>
    %get3A_260 = vector.shape_cast %get3A_259 : vector<1x1x100x128xf32> to vector<100x128xf32>
    %add3A_261 = arith.addf %get3A_254, %get3A_260 : vector<100x128xf32>
    %get3A_262 = arith.constant 3 : index
    %get3A_263 = arith.constant 0 : index
    %get3A_264 = arith.constant 0 : index
    %get3A_265 = vector.load %arg2[%get3A_262, %get3A_263, %get3A_264] : memref<4x100x128xf32, #tpu.memory_space<vmem>>, vector<1x100x128xf32>
    %get3A_266 = vector.shape_cast %get3A_265 : vector<1x100x128xf32> to vector<100x128xf32>
    %add3A_267 = arith.addf %add3A_261, %get3A_266 : vector<100x128xf32>
    %mul3A_268 = vector.broadcast %dot_general3A_248 : vector<100x1xf32> to vector<100x128xf32>
    %mul3A_269 = arith.mulf %add3A_267, %mul3A_268 : vector<100x128xf32>
    %mul3A_270 = vector.broadcast %convert_element_type3A_2 : vector<1x128xf32> to vector<100x128xf32>
    %mul3A_271 = arith.mulf %mul3A_269, %mul3A_270 : vector<100x128xf32>
    %reduce_sum3A_272 = arith.constant dense<0.000000e+00> : vector<100xf32>
    %reduce_sum3A_273 = vector.multi_reduction <add>, %mul3A_271, %reduce_sum3A_272 [1] : vector<100x128xf32> to vector<100xf32>
    %broadcast_in_dim3A_274 = vector.shape_cast %reduce_sum3A_273 : vector<100xf32> to vector<100x1xf32>
    %add3A_275 = vector.broadcast %get3A_5 : vector<1x1xf32> to vector<100x1xf32>
    %add3A_276 = arith.addf %broadcast_in_dim3A_274, %add3A_275 : vector<100x1xf32>
    %tanh3A_277 = math.tanh %add3A_276 : vector<100x1xf32>
    %swap3A_278 = arith.constant 3 : index
    %swap3A_279 = arith.constant 0 : index
    %swap3A_280 = arith.constant 0 : index
    %swap3A_281 = vector.load %arg9[%swap3A_278, %swap3A_279, %swap3A_280] : memref<4x100x1xf32, #tpu.memory_space<vmem>>, vector<1x100x1xf32>
    %swap3A_282 = vector.shape_cast %swap3A_281 : vector<1x100x1xf32> to vector<100x1xf32>
    %swap3A_283 = vector.shape_cast %tanh3A_277 : vector<100x1xf32> to vector<1x100x1xf32>
    tpu.vector_store %arg9[%swap3A_278, %swap3A_279, %swap3A_280], %swap3A_283 {strides = array<i32>} : memref<4x100x1xf32, #tpu.memory_space<vmem>>, vector<1x100x1xf32>,
    %dot_general3A_284 = arith.constant dense<0.000000e+00> : vector<100x256xf32>
    %dot_general3A_285 = tpu.matmul %mul3A_269, %convert_element_type3A_10, %dot_general3A_284 {dimension_numbers = #tpu.dot_dimension_numbers<[1], [0], [0], [1], [0, 0, 1, 1], [], []>, precision = #tpu.contract_precision<fp32>, transpose_lhs_hint = false} : vector<100x128xf32>, vector<128x256xf32>, vector<100x256xf32> -> vector<100x256xf32>
    %add3A_286 = vector.broadcast %get3A_13 : vector<1x256xf32> to vector<100x256xf32>
    %add3A_287 = arith.addf %dot_general3A_285, %add3A_286 : vector<100x256xf32>
    %tanh3A_288 = math.tanh %add3A_287 : vector<100x256xf32>
    %swap3A_289 = arith.constant 3 : index
    %swap3A_290 = arith.constant 0 : index
    %swap3A_291 = arith.constant 0 : index
    %swap3A_292 = vector.load %arg8[%swap3A_289, %swap3A_290, %swap3A_291] : memref<4x100x256xf32, #tpu.memory_space<vmem>>, vector<1x100x256xf32>
    %swap3A_293 = vector.shape_cast %swap3A_292 : vector<1x100x256xf32> to vector<100x256xf32>
    %swap3A_294 = vector.shape_cast %tanh3A_288 : vector<100x256xf32> to vector<1x100x256xf32>
    tpu.vector_store %arg8[%swap3A_289, %swap3A_290, %swap3A_291], %swap3A_294 {strides = array<i32>} : memref<4x100x256xf32, #tpu.memory_space<vmem>>, vector<1x100x256xf32>,
    return
  }
  func.func @transform_0(%arg0: i32) -> (i32, i32, i32, i32) {
    %c0_i32 = arith.constant 0 : i32
    %c0_i32_0 = arith.constant 0 : i32
    %c0_i32_1 = arith.constant 0 : i32
    %c0_i32_2 = arith.constant 0 : i32
    return %c0_i32, %arg0, %c0_i32_0, %c0_i32_1 : i32, i32, i32, i32
  }
  func.func @transform_1(%arg0: i32) -> (i32, i32, i32) {
    %c0_i32 = arith.constant 0 : i32
    %c0_i32_0 = arith.constant 0 : i32
    %c0_i32_1 = arith.constant 0 : i32
    return %arg0, %c0_i32, %c0_i32_0 : i32, i32, i32
  }
  func.func @transform_2(%arg0: i32) -> (i32, i32) {
    %c0_i32 = arith.constant 0 : i32
    %c0_i32_0 = arith.constant 0 : i32
    %c0_i32_1 = arith.constant 0 : i32
    return %c0_i32, %c0_i32_0 : i32, i32
  }
  func.func @transform_3(%arg0: i32) -> (i32, i32) {
    %c0_i32 = arith.constant 0 : i32
    %c0_i32_0 = arith.constant 0 : i32
    %c0_i32_1 = arith.constant 0 : i32
    return %c0_i32, %c0_i32_0 : i32, i32
  }
  func.func @transform_4(%arg0: i32) -> (i32, i32) {
    %c0_i32 = arith.constant 0 : i32
    %c0_i32_0 = arith.constant 0 : i32
    %c0_i32_1 = arith.constant 0 : i32
    return %c0_i32, %c0_i32_0 : i32, i32
  }
  func.func @transform_5(%arg0: i32) -> (i32, i32) {
    %c0_i32 = arith.constant 0 : i32
    %c0_i32_0 = arith.constant 0 : i32
    %c0_i32_1 = arith.constant 0 : i32
    return %c0_i32, %c0_i32_0 : i32, i32
  }
  func.func @transform_6(%arg0: i32) -> (i32, i32) {
    %c0_i32 = arith.constant 0 : i32
    %c0_i32_0 = arith.constant 0 : i32
    %c0_i32_1 = arith.constant 0 : i32
    return %c0_i32, %c0_i32_0 : i32, i32
  }
  func.func @transform_7(%arg0: i32) -> (i32, i32, i32) {
    %c0_i32 = arith.constant 0 : i32
    %c0_i32_0 = arith.constant 0 : i32
    %c0_i32_1 = arith.constant 0 : i32
    return %arg0, %c0_i32, %c0_i32_0 : i32, i32, i32
  }
  func.func @transform_8(%arg0: i32) -> (i32, i32, i32) {
    %c0_i32 = arith.constant 0 : i32
    %c0_i32_0 = arith.constant 0 : i32
    %c0_i32_1 = arith.constant 0 : i32
    return %arg0, %c0_i32, %c0_i32_0 : i32, i32, i32
  }
}

module attributes {stable_mosaic.version = 14 : i64} {
  func.func @_tc4_body(%arg0: i32, %arg1: memref<4x100x256xf32, #tpu.memory_space<vmem>>, %arg2: memref<4x100x128xf32, #tpu.memory_space<vmem>>, %arg3: memref<128x256xf32, #tpu.memory_space<vmem>>, %arg4: memref<1x256xf32, #tpu.memory_space<vmem>>, %arg5: memref<4x100x100xf32, #tpu.memory_space<vmem>>) attributes {dimension_semantics = [#tpu.dimension_semantics<arbitrary>], iteration_bounds = array<i64: 25>, scalar_prefetch = 0 : i64, scratch_operands = 0 : i64, tpu.core_type = #tpu.core_type<tc>, window_params = [{transform_indices = @transform_0, window_bounds = array<i64: 4, 100, 256>}, {transform_indices = @transform_1, window_bounds = array<i64: 4, 100, 128>}, {pipeline_mode = #tpu.pipeline_mode<synchronous>, transform_indices = @transform_2, window_bounds = array<i64: 128, 256>}, {pipeline_mode = #tpu.pipeline_mode<synchronous>, transform_indices = @transform_3, window_bounds = array<i64: 1, 256>}, {transform_indices = @transform_4, window_bounds = array<i64: 4, 100, 100>}]} {
    %get3A = arith.constant 0 : index
    %get3A_0 = arith.constant 0 : index
    %get3A_1 = vector.load %arg3[%get3A, %get3A_0] : memref<128x256xf32, #tpu.memory_space<vmem>>, vector<128x256xf32>
    %get3A_2 = arith.constant 0 : index
    %get3A_3 = arith.constant 0 : index
    %get3A_4 = vector.load %arg4[%get3A_2, %get3A_3] : memref<1x256xf32, #tpu.memory_space<vmem>>, vector<1x256xf32>
    %iota3A = tpu.iota {dimensions = array<i32: 0>} : vector<100x100xi32>
    %iota3A_5 = tpu.iota {dimensions = array<i32: 1>} : vector<100x100xi32>
    %eq3A = arith.cmpi eq, %iota3A, %iota3A_5 : vector<100x100xi32>
    %get3A_6 = arith.constant 0 : index
    %get3A_7 = arith.constant 0 : index
    %get3A_8 = arith.constant 0 : index
    %get3A_9 = vector.load %arg1[%get3A_6, %get3A_7, %get3A_8] : memref<4x100x256xf32, #tpu.memory_space<vmem>>, vector<1x100x256xf32>
    %get3A_10 = vector.shape_cast %get3A_9 : vector<1x100x256xf32> to vector<100x256xf32>
    %mul3A = arith.mulf %get3A_10, %get3A_10 : vector<100x256xf32>
    %reduce_sum3A = arith.constant dense<0.000000e+00> : vector<100xf32>
    %reduce_sum3A_11 = vector.multi_reduction <add>, %mul3A, %reduce_sum3A [1] : vector<100x256xf32> to vector<100xf32>
    %broadcast_in_dim3A = vector.shape_cast %reduce_sum3A_11 : vector<100xf32> to vector<100x1xf32>
    %iota3A_12 = tpu.iota {dimensions = array<i32: 0>} : vector<100x100xi32>
    %iota3A_13 = tpu.iota {dimensions = array<i32: 1>} : vector<100x100xi32>
    %eq3A_14 = arith.cmpi eq, %iota3A_12, %iota3A_13 : vector<100x100xi32>
    %jit3A = arith.constant 1.000000e+00 : f32
    %jit3A_15 = arith.constant 0.000000e+00 : f32
    %broadcast_in_dim3A_16 = vector.broadcast %jit3A : f32 to vector<100x100xf32>
    %broadcast_in_dim3A_17 = vector.broadcast %jit3A_15 : f32 to vector<100x100xf32>
    %select_n3A = arith.select %eq3A_14, %broadcast_in_dim3A_16, %broadcast_in_dim3A_17 : vector<100x100xi1>, vector<100x100xf32>
    %dot_general3A = arith.constant dense<0.000000e+00> : vector<1x100xf32>
    %dot_general3A_18 = tpu.matmul %broadcast_in_dim3A, %select_n3A, %dot_general3A {dimension_numbers = #tpu.dot_dimension_numbers<[0], [0], [1], [1], [0, 1, 1, 1], [], []>, precision = #tpu.contract_precision<fp32>, transpose_lhs_hint = false} : vector<100x1xf32>, vector<100x100xf32>, vector<1x100xf32> -> vector<1x100xf32>
    %convert_element_type3A = arith.truncf %get3A_10 : vector<100x256xf32> to vector<100x256xbf16>
    %dot_general3A_19 = arith.constant dense<0.000000e+00> : vector<100x100xf32>
    %dot_general3A_20 = tpu.matmul %convert_element_type3A, %convert_element_type3A, %dot_general3A_19 {dimension_numbers = #tpu.dot_dimension_numbers<[1], [1], [0], [0], [0, 0, 1, 0], [], []>, transpose_lhs_hint = false} : vector<100x256xbf16>, vector<100x256xbf16>, vector<100x100xf32> -> vector<100x100xf32>
    %iota3A_21 = tpu.iota {dimensions = array<i32: 0>} : vector<100x100xi32>
    %iota3A_22 = tpu.iota {dimensions = array<i32: 1>} : vector<100x100xi32>
    %eq3A_23 = arith.cmpi eq, %iota3A_21, %iota3A_22 : vector<100x100xi32>
    %add3A = vector.broadcast %broadcast_in_dim3A : vector<100x1xf32> to vector<100x100xf32>
    %add3A_24 = vector.broadcast %dot_general3A_18 : vector<1x100xf32> to vector<100x100xf32>
    %add3A_25 = arith.addf %add3A, %add3A_24 : vector<100x100xf32>
    %mul3A_26 = arith.constant 2.000000e+00 : f32
    %mul3A_27 = vector.broadcast %mul3A_26 : f32 to vector<100x100xf32>
    %mul3A_28 = arith.mulf %mul3A_27, %dot_general3A_20 : vector<100x100xf32>
    %sub3A = arith.subf %add3A_25, %mul3A_28 : vector<100x100xf32>
    %jit3A_29 = arith.constant 1.000000e+09 : f32
    %jit3A_30 = arith.constant 0.000000e+00 : f32
    %broadcast_in_dim3A_31 = vector.broadcast %jit3A_29 : f32 to vector<100x100xf32>
    %broadcast_in_dim3A_32 = vector.broadcast %jit3A_30 : f32 to vector<100x100xf32>
    %select_n3A_33 = arith.select %eq3A_23, %broadcast_in_dim3A_31, %broadcast_in_dim3A_32 : vector<100x100xi1>, vector<100x100xf32>
    %add3A_34 = arith.addf %sub3A, %select_n3A_33 : vector<100x100xf32>
    %jit3A_35 = arith.constant 1.000000e+00 : f32
    %jit3A_36 = arith.constant 0.000000e+00 : f32
    %broadcast_in_dim3A_37 = vector.broadcast %jit3A_35 : f32 to vector<100x100xf32>
    %broadcast_in_dim3A_38 = vector.broadcast %jit3A_36 : f32 to vector<100x100xf32>
    %select_n3A_39 = arith.select %eq3A_23, %broadcast_in_dim3A_37, %broadcast_in_dim3A_38 : vector<100x100xi1>, vector<100x100xf32>
    %reduce_min3A = arith.constant dense<0x7F800000> : vector<100xf32>
    %reduce_min3A_40 = vector.multi_reduction <minimumf>, %add3A_34, %reduce_min3A [1] : vector<100x100xf32> to vector<100xf32>
    %broadcast_in_dim3A_41 = vector.shape_cast %reduce_min3A_40 : vector<100xf32> to vector<100x1xf32>
    %le3A = vector.broadcast %broadcast_in_dim3A_41 : vector<100x1xf32> to vector<100x100xf32>
    %le3A_42 = arith.cmpf ole, %add3A_34, %le3A : vector<100x100xf32>
    %jit3A_43 = arith.constant 1000000 : i32
    %broadcast_in_dim3A_44 = vector.broadcast %jit3A_43 : i32 to vector<100x100xi32>
    %select_n3A_45 = arith.select %le3A_42, %iota3A_22, %broadcast_in_dim3A_44 : vector<100x100xi1>, vector<100x100xi32>
    %reduce_min3A_46 = arith.constant dense<2147483647> : vector<100xi32>
    %reduce_min3A_47 = vector.multi_reduction <minsi>, %select_n3A_45, %reduce_min3A_46 [1] : vector<100x100xi32> to vector<100xi32>
    %broadcast_in_dim3A_48 = vector.shape_cast %reduce_min3A_47 : vector<100xi32> to vector<100x1xi32>
    %eq3A_49 = vector.broadcast %broadcast_in_dim3A_48 : vector<100x1xi32> to vector<100x100xi32>
    %eq3A_50 = arith.cmpi eq, %iota3A_22, %eq3A_49 : vector<100x100xi32>
    %jit3A_51 = arith.constant 1.000000e+00 : f32
    %jit3A_52 = arith.constant 0.000000e+00 : f32
    %broadcast_in_dim3A_53 = vector.broadcast %jit3A_51 : f32 to vector<100x100xf32>
    %broadcast_in_dim3A_54 = vector.broadcast %jit3A_52 : f32 to vector<100x100xf32>
    %select_n3A_55 = arith.select %eq3A_50, %broadcast_in_dim3A_53, %broadcast_in_dim3A_54 : vector<100x100xi1>, vector<100x100xf32>
    %add3A_56 = arith.addf %select_n3A_39, %select_n3A_55 : vector<100x100xf32>
    %jit3A_57 = arith.constant 3.000000e+38 : f32
    %broadcast_in_dim3A_58 = vector.broadcast %jit3A_57 : f32 to vector<100x100xf32>
    %select_n3A_59 = arith.select %eq3A_50, %broadcast_in_dim3A_58, %add3A_34 : vector<100x100xi1>, vector<100x100xf32>
    %reduce_min3A_60 = arith.constant dense<0x7F800000> : vector<100xf32>
    %reduce_min3A_61 = vector.multi_reduction <minimumf>, %select_n3A_59, %reduce_min3A_60 [1] : vector<100x100xf32> to vector<100xf32>
    %broadcast_in_dim3A_62 = vector.shape_cast %reduce_min3A_61 : vector<100xf32> to vector<100x1xf32>
    %le3A_63 = vector.broadcast %broadcast_in_dim3A_62 : vector<100x1xf32> to vector<100x100xf32>
    %le3A_64 = arith.cmpf ole, %select_n3A_59, %le3A_63 : vector<100x100xf32>
    %jit3A_65 = arith.constant 1000000 : i32
    %broadcast_in_dim3A_66 = vector.broadcast %jit3A_65 : i32 to vector<100x100xi32>
    %select_n3A_67 = arith.select %le3A_64, %iota3A_22, %broadcast_in_dim3A_66 : vector<100x100xi1>, vector<100x100xi32>
    %reduce_min3A_68 = arith.constant dense<2147483647> : vector<100xi32>
    %reduce_min3A_69 = vector.multi_reduction <minsi>, %select_n3A_67, %reduce_min3A_68 [1] : vector<100x100xi32> to vector<100xi32>
    %broadcast_in_dim3A_70 = vector.shape_cast %reduce_min3A_69 : vector<100xi32> to vector<100x1xi32>
    %eq3A_71 = vector.broadcast %broadcast_in_dim3A_70 : vector<100x1xi32> to vector<100x100xi32>
    %eq3A_72 = arith.cmpi eq, %iota3A_22, %eq3A_71 : vector<100x100xi32>
    %jit3A_73 = arith.constant 3.000000e+38 : f32
    %broadcast_in_dim3A_74 = vector.broadcast %jit3A_73 : f32 to vector<100x100xf32>
    %select_n3A_75 = arith.select %eq3A_72, %broadcast_in_dim3A_74, %select_n3A_59 : vector<100x100xi1>, vector<100x100xf32>
    %reduce_min3A_76 = arith.constant dense<0x7F800000> : vector<100xf32>
    %reduce_min3A_77 = vector.multi_reduction <minimumf>, %select_n3A_75, %reduce_min3A_76 [1] : vector<100x100xf32> to vector<100xf32>
    %broadcast_in_dim3A_78 = vector.shape_cast %reduce_min3A_77 : vector<100xf32> to vector<100x1xf32>
    %le3A_79 = vector.broadcast %broadcast_in_dim3A_78 : vector<100x1xf32> to vector<100x100xf32>
    %le3A_80 = arith.cmpf ole, %select_n3A_75, %le3A_79 : vector<100x100xf32>
    %jit3A_81 = arith.constant 1000000 : i32
    %broadcast_in_dim3A_82 = vector.broadcast %jit3A_81 : i32 to vector<100x100xi32>
    %select_n3A_83 = arith.select %le3A_80, %iota3A_22, %broadcast_in_dim3A_82 : vector<100x100xi1>, vector<100x100xi32>
    %reduce_min3A_84 = arith.constant dense<2147483647> : vector<100xi32>
    %reduce_min3A_85 = vector.multi_reduction <minsi>, %select_n3A_83, %reduce_min3A_84 [1] : vector<100x100xi32> to vector<100xi32>
    %broadcast_in_dim3A_86 = vector.shape_cast %reduce_min3A_85 : vector<100xi32> to vector<100x1xi32>
    %eq3A_87 = vector.broadcast %broadcast_in_dim3A_86 : vector<100x1xi32> to vector<100x100xi32>
    %eq3A_88 = arith.cmpi eq, %iota3A_22, %eq3A_87 : vector<100x100xi32>
    %jit3A_89 = arith.constant 1.000000e+00 : f32
    %jit3A_90 = arith.constant 0.000000e+00 : f32
    %broadcast_in_dim3A_91 = vector.broadcast %jit3A_89 : f32 to vector<100x100xf32>
    %broadcast_in_dim3A_92 = vector.broadcast %jit3A_90 : f32 to vector<100x100xf32>
    %select_n3A_93 = arith.select %eq3A_88, %broadcast_in_dim3A_91, %broadcast_in_dim3A_92 : vector<100x100xi1>, vector<100x100xf32>
    %add3A_94 = arith.addf %add3A_56, %select_n3A_93 : vector<100x100xf32>
    %jit3A_95 = arith.constant 3.000000e+38 : f32
    %broadcast_in_dim3A_96 = vector.broadcast %jit3A_95 : f32 to vector<100x100xf32>
    %select_n3A_97 = arith.select %eq3A_88, %broadcast_in_dim3A_96, %select_n3A_75 : vector<100x100xi1>, vector<100x100xf32>
    %reduce_min3A_98 = arith.constant dense<0x7F800000> : vector<100xf32>
    %reduce_min3A_99 = vector.multi_reduction <minimumf>, %select_n3A_97, %reduce_min3A_98 [1] : vector<100x100xf32> to vector<100xf32>
    %broadcast_in_dim3A_100 = vector.shape_cast %reduce_min3A_99 : vector<100xf32> to vector<100x1xf32>
    %le3A_101 = vector.broadcast %broadcast_in_dim3A_100 : vector<100x1xf32> to vector<100x100xf32>
    %le3A_102 = arith.cmpf ole, %select_n3A_97, %le3A_101 : vector<100x100xf32>
    %jit3A_103 = arith.constant 1000000 : i32
    %broadcast_in_dim3A_104 = vector.broadcast %jit3A_103 : i32 to vector<100x100xi32>
    %select_n3A_105 = arith.select %le3A_102, %iota3A_22, %broadcast_in_dim3A_104 : vector<100x100xi1>, vector<100x100xi32>
    %reduce_min3A_106 = arith.constant dense<2147483647> : vector<100xi32>
    %reduce_min3A_107 = vector.multi_reduction <minsi>, %select_n3A_105, %reduce_min3A_106 [1] : vector<100x100xi32> to vector<100xi32>
    %broadcast_in_dim3A_108 = vector.shape_cast %reduce_min3A_107 : vector<100xi32> to vector<100x1xi32>
    %eq3A_109 = vector.broadcast %broadcast_in_dim3A_108 : vector<100x1xi32> to vector<100x100xi32>
    %eq3A_110 = arith.cmpi eq, %iota3A_22, %eq3A_109 : vector<100x100xi32>
    %jit3A_111 = arith.constant 3.000000e+38 : f32
    %broadcast_in_dim3A_112 = vector.broadcast %jit3A_111 : f32 to vector<100x100xf32>
    %select_n3A_113 = arith.select %eq3A_110, %broadcast_in_dim3A_112, %select_n3A_97 : vector<100x100xi1>, vector<100x100xf32>
    %reduce_min3A_114 = arith.constant dense<0x7F800000> : vector<100xf32>
    %reduce_min3A_115 = vector.multi_reduction <minimumf>, %select_n3A_113, %reduce_min3A_114 [1] : vector<100x100xf32> to vector<100xf32>
    %broadcast_in_dim3A_116 = vector.shape_cast %reduce_min3A_115 : vector<100xf32> to vector<100x1xf32>
    %le3A_117 = vector.broadcast %broadcast_in_dim3A_116 : vector<100x1xf32> to vector<100x100xf32>
    %le3A_118 = arith.cmpf ole, %select_n3A_113, %le3A_117 : vector<100x100xf32>
    %jit3A_119 = arith.constant 1000000 : i32
    %broadcast_in_dim3A_120 = vector.broadcast %jit3A_119 : i32 to vector<100x100xi32>
    %select_n3A_121 = arith.select %le3A_118, %iota3A_22, %broadcast_in_dim3A_120 : vector<100x100xi1>, vector<100x100xi32>
    %reduce_min3A_122 = arith.constant dense<2147483647> : vector<100xi32>
    %reduce_min3A_123 = vector.multi_reduction <minsi>, %select_n3A_121, %reduce_min3A_122 [1] : vector<100x100xi32> to vector<100xi32>
    %broadcast_in_dim3A_124 = vector.shape_cast %reduce_min3A_123 : vector<100xi32> to vector<100x1xi32>
    %eq3A_125 = vector.broadcast %broadcast_in_dim3A_124 : vector<100x1xi32> to vector<100x100xi32>
    %eq3A_126 = arith.cmpi eq, %iota3A_22, %eq3A_125 : vector<100x100xi32>
    %jit3A_127 = arith.constant 1.000000e+00 : f32
    %jit3A_128 = arith.constant 0.000000e+00 : f32
    %broadcast_in_dim3A_129 = vector.broadcast %jit3A_127 : f32 to vector<100x100xf32>
    %broadcast_in_dim3A_130 = vector.broadcast %jit3A_128 : f32 to vector<100x100xf32>
    %select_n3A_131 = arith.select %eq3A_126, %broadcast_in_dim3A_129, %broadcast_in_dim3A_130 : vector<100x100xi1>, vector<100x100xf32>
    %add3A_132 = arith.addf %add3A_94, %select_n3A_131 : vector<100x100xf32>
    %jit3A_133 = arith.constant 3.000000e+38 : f32
    %broadcast_in_dim3A_134 = vector.broadcast %jit3A_133 : f32 to vector<100x100xf32>
    %select_n3A_135 = arith.select %eq3A_126, %broadcast_in_dim3A_134, %select_n3A_113 : vector<100x100xi1>, vector<100x100xf32>
    %reduce_min3A_136 = arith.constant dense<0x7F800000> : vector<100xf32>
    %reduce_min3A_137 = vector.multi_reduction <minimumf>, %select_n3A_135, %reduce_min3A_136 [1] : vector<100x100xf32> to vector<100xf32>
    %broadcast_in_dim3A_138 = vector.shape_cast %reduce_min3A_137 : vector<100xf32> to vector<100x1xf32>
    %le3A_139 = vector.broadcast %broadcast_in_dim3A_138 : vector<100x1xf32> to vector<100x100xf32>
    %le3A_140 = arith.cmpf ole, %select_n3A_135, %le3A_139 : vector<100x100xf32>
    %jit3A_141 = arith.constant 1000000 : i32
    %broadcast_in_dim3A_142 = vector.broadcast %jit3A_141 : i32 to vector<100x100xi32>
    %select_n3A_143 = arith.select %le3A_140, %iota3A_22, %broadcast_in_dim3A_142 : vector<100x100xi1>, vector<100x100xi32>
    %reduce_min3A_144 = arith.constant dense<2147483647> : vector<100xi32>
    %reduce_min3A_145 = vector.multi_reduction <minsi>, %select_n3A_143, %reduce_min3A_144 [1] : vector<100x100xi32> to vector<100xi32>
    %broadcast_in_dim3A_146 = vector.shape_cast %reduce_min3A_145 : vector<100xi32> to vector<100x1xi32>
    %eq3A_147 = vector.broadcast %broadcast_in_dim3A_146 : vector<100x1xi32> to vector<100x100xi32>
    %eq3A_148 = arith.cmpi eq, %iota3A_22, %eq3A_147 : vector<100x100xi32>
    %jit3A_149 = arith.constant 3.000000e+38 : f32
    %broadcast_in_dim3A_150 = vector.broadcast %jit3A_149 : f32 to vector<100x100xf32>
    %select_n3A_151 = arith.select %eq3A_148, %broadcast_in_dim3A_150, %select_n3A_135 : vector<100x100xi1>, vector<100x100xf32>
    %reduce_min3A_152 = arith.constant dense<0x7F800000> : vector<100xf32>
    %reduce_min3A_153 = vector.multi_reduction <minimumf>, %select_n3A_151, %reduce_min3A_152 [1] : vector<100x100xf32> to vector<100xf32>
    %broadcast_in_dim3A_154 = vector.shape_cast %reduce_min3A_153 : vector<100xf32> to vector<100x1xf32>
    %le3A_155 = vector.broadcast %broadcast_in_dim3A_154 : vector<100x1xf32> to vector<100x100xf32>
    %le3A_156 = arith.cmpf ole, %select_n3A_151, %le3A_155 : vector<100x100xf32>
    %jit3A_157 = arith.constant 1000000 : i32
    %broadcast_in_dim3A_158 = vector.broadcast %jit3A_157 : i32 to vector<100x100xi32>
    %select_n3A_159 = arith.select %le3A_156, %iota3A_22, %broadcast_in_dim3A_158 : vector<100x100xi1>, vector<100x100xi32>
    %reduce_min3A_160 = arith.constant dense<2147483647> : vector<100xi32>
    %reduce_min3A_161 = vector.multi_reduction <minsi>, %select_n3A_159, %reduce_min3A_160 [1] : vector<100x100xi32> to vector<100xi32>
    %broadcast_in_dim3A_162 = vector.shape_cast %reduce_min3A_161 : vector<100xi32> to vector<100x1xi32>
    %eq3A_163 = vector.broadcast %broadcast_in_dim3A_162 : vector<100x1xi32> to vector<100x100xi32>
    %eq3A_164 = arith.cmpi eq, %iota3A_22, %eq3A_163 : vector<100x100xi32>
    %jit3A_165 = arith.constant 1.000000e+00 : f32
    %jit3A_166 = arith.constant 0.000000e+00 : f32
    %broadcast_in_dim3A_167 = vector.broadcast %jit3A_165 : f32 to vector<100x100xf32>
    %broadcast_in_dim3A_168 = vector.broadcast %jit3A_166 : f32 to vector<100x100xf32>
    %select_n3A_169 = arith.select %eq3A_164, %broadcast_in_dim3A_167, %broadcast_in_dim3A_168 : vector<100x100xi1>, vector<100x100xf32>
    %add3A_170 = arith.addf %add3A_132, %select_n3A_169 : vector<100x100xf32>
    %get3A_171 = arith.constant 0 : index
    %get3A_172 = arith.constant 0 : index
    %get3A_173 = arith.constant 0 : index
    %get3A_174 = vector.load %arg2[%get3A_171, %get3A_172, %get3A_173] : memref<4x100x128xf32, #tpu.memory_space<vmem>>, vector<1x100x128xf32>
    %get3A_175 = vector.shape_cast %get3A_174 : vector<1x100x128xf32> to vector<100x128xf32>
    %convert_element_type3A_176 = arith.truncf %get3A_175 : vector<100x128xf32> to vector<100x128xbf16>
    %convert_element_type3A_177 = arith.truncf %get3A_1 : vector<128x256xf32> to vector<128x256xbf16>
    %dot_general3A_178 = arith.constant dense<0.000000e+00> : vector<100x256xf32>
    %dot_general3A_179 = tpu.matmul %convert_element_type3A_176, %convert_element_type3A_177, %dot_general3A_178 {dimension_numbers = #tpu.dot_dimension_numbers<[1], [0], [0], [1], [0, 0, 1, 1], [], []>, transpose_lhs_hint = false} : vector<100x128xbf16>, vector<128x256xbf16>, vector<100x256xf32> -> vector<100x256xf32>
    %dot_general3A_180 = arith.constant dense<0.000000e+00> : vector<100x256xf32>
    %dot_general3A_181 = tpu.matmul %add3A_170, %dot_general3A_179, %dot_general3A_180 {dimension_numbers = #tpu.dot_dimension_numbers<[1], [0], [0], [1], [0, 0, 1, 1], [], []>, precision = #tpu.contract_precision<fp32>, transpose_lhs_hint = false} : vector<100x100xf32>, vector<100x256xf32>, vector<100x256xf32> -> vector<100x256xf32>
    %mul3A_182 = arith.constant 2.000000e-01 : f32
    %mul3A_183 = vector.broadcast %mul3A_182 : f32 to vector<100x256xf32>
    %mul3A_184 = arith.mulf %dot_general3A_181, %mul3A_183 : vector<100x256xf32>
    %add3A_185 = vector.broadcast %get3A_4 : vector<1x256xf32> to vector<100x256xf32>
    %add3A_186 = arith.addf %mul3A_184, %add3A_185 : vector<100x256xf32>
    %tanh3A = math.tanh %add3A_186 : vector<100x256xf32>
    %add3A_187 = arith.addf %get3A_10, %tanh3A : vector<100x256xf32>
    %convert_element_type3A_188 = arith.truncf %add3A_187 : vector<100x256xf32> to vector<100x256xbf16>
    %dot_general3A_189 = arith.constant dense<0.000000e+00> : vector<100x100xf32>
    %dot_general3A_190 = tpu.matmul %convert_element_type3A_188, %convert_element_type3A_188, %dot_general3A_189 {dimension_numbers = #tpu.dot_dimension_numbers<[1], [1], [0], [0], [0, 0, 1, 0], [], []>, transpose_lhs_hint = false} : vector<100x256xbf16>, vector<100x256xbf16>, vector<100x100xf32> -> vector<100x100xf32>
    %jit3A_191 = arith.constant 0.000000e+00 : f32
    %broadcast_in_dim3A_192 = vector.broadcast %jit3A_191 : f32 to vector<100x100xf32>
    %select_n3A_193 = arith.select %eq3A, %broadcast_in_dim3A_192, %dot_general3A_190 : vector<100x100xi1>, vector<100x100xf32>
    %swap3A = arith.constant 0 : index
    %swap3A_194 = arith.constant 0 : index
    %swap3A_195 = arith.constant 0 : index
    %swap3A_196 = vector.load %arg5[%swap3A, %swap3A_194, %swap3A_195] : memref<4x100x100xf32, #tpu.memory_space<vmem>>, vector<1x100x100xf32>
    %swap3A_197 = vector.shape_cast %swap3A_196 : vector<1x100x100xf32> to vector<100x100xf32>
    %swap3A_198 = vector.shape_cast %select_n3A_193 : vector<100x100xf32> to vector<1x100x100xf32>
    tpu.vector_store %arg5[%swap3A, %swap3A_194, %swap3A_195], %swap3A_198 {strides = array<i32>} : memref<4x100x100xf32, #tpu.memory_space<vmem>>, vector<1x100x100xf32>,
    %get3A_199 = arith.constant 1 : index
    %get3A_200 = arith.constant 0 : index
    %get3A_201 = arith.constant 0 : index
    %get3A_202 = vector.load %arg1[%get3A_199, %get3A_200, %get3A_201] : memref<4x100x256xf32, #tpu.memory_space<vmem>>, vector<1x100x256xf32>
    %get3A_203 = vector.shape_cast %get3A_202 : vector<1x100x256xf32> to vector<100x256xf32>
    %mul3A_204 = arith.mulf %get3A_203, %get3A_203 : vector<100x256xf32>
    %reduce_sum3A_205 = arith.constant dense<0.000000e+00> : vector<100xf32>
    %reduce_sum3A_206 = vector.multi_reduction <add>, %mul3A_204, %reduce_sum3A_205 [1] : vector<100x256xf32> to vector<100xf32>
    %broadcast_in_dim3A_207 = vector.shape_cast %reduce_sum3A_206 : vector<100xf32> to vector<100x1xf32>
    %iota3A_208 = tpu.iota {dimensions = array<i32: 0>} : vector<100x100xi32>
    %iota3A_209 = tpu.iota {dimensions = array<i32: 1>} : vector<100x100xi32>
    %eq3A_210 = arith.cmpi eq, %iota3A_208, %iota3A_209 : vector<100x100xi32>
    %jit3A_211 = arith.constant 1.000000e+00 : f32
    %jit3A_212 = arith.constant 0.000000e+00 : f32
    %broadcast_in_dim3A_213 = vector.broadcast %jit3A_211 : f32 to vector<100x100xf32>
    %broadcast_in_dim3A_214 = vector.broadcast %jit3A_212 : f32 to vector<100x100xf32>
    %select_n3A_215 = arith.select %eq3A_210, %broadcast_in_dim3A_213, %broadcast_in_dim3A_214 : vector<100x100xi1>, vector<100x100xf32>
    %dot_general3A_216 = arith.constant dense<0.000000e+00> : vector<1x100xf32>
    %dot_general3A_217 = tpu.matmul %broadcast_in_dim3A_207, %select_n3A_215, %dot_general3A_216 {dimension_numbers = #tpu.dot_dimension_numbers<[0], [0], [1], [1], [0, 1, 1, 1], [], []>, precision = #tpu.contract_precision<fp32>, transpose_lhs_hint = false} : vector<100x1xf32>, vector<100x100xf32>, vector<1x100xf32> -> vector<1x100xf32>
    %convert_element_type3A_218 = arith.truncf %get3A_203 : vector<100x256xf32> to vector<100x256xbf16>
    %dot_general3A_219 = arith.constant dense<0.000000e+00> : vector<100x100xf32>
    %dot_general3A_220 = tpu.matmul %convert_element_type3A_218, %convert_element_type3A_218, %dot_general3A_219 {dimension_numbers = #tpu.dot_dimension_numbers<[1], [1], [0], [0], [0, 0, 1, 0], [], []>, transpose_lhs_hint = false} : vector<100x256xbf16>, vector<100x256xbf16>, vector<100x100xf32> -> vector<100x100xf32>
    %iota3A_221 = tpu.iota {dimensions = array<i32: 0>} : vector<100x100xi32>
    %iota3A_222 = tpu.iota {dimensions = array<i32: 1>} : vector<100x100xi32>
    %eq3A_223 = arith.cmpi eq, %iota3A_221, %iota3A_222 : vector<100x100xi32>
    %add3A_224 = vector.broadcast %broadcast_in_dim3A_207 : vector<100x1xf32> to vector<100x100xf32>
    %add3A_225 = vector.broadcast %dot_general3A_217 : vector<1x100xf32> to vector<100x100xf32>
    %add3A_226 = arith.addf %add3A_224, %add3A_225 : vector<100x100xf32>
    %mul3A_227 = arith.constant 2.000000e+00 : f32
    %mul3A_228 = vector.broadcast %mul3A_227 : f32 to vector<100x100xf32>
    %mul3A_229 = arith.mulf %mul3A_228, %dot_general3A_220 : vector<100x100xf32>
    %sub3A_230 = arith.subf %add3A_226, %mul3A_229 : vector<100x100xf32>
    %jit3A_231 = arith.constant 1.000000e+09 : f32
    %jit3A_232 = arith.constant 0.000000e+00 : f32
    %broadcast_in_dim3A_233 = vector.broadcast %jit3A_231 : f32 to vector<100x100xf32>
    %broadcast_in_dim3A_234 = vector.broadcast %jit3A_232 : f32 to vector<100x100xf32>
    %select_n3A_235 = arith.select %eq3A_223, %broadcast_in_dim3A_233, %broadcast_in_dim3A_234 : vector<100x100xi1>, vector<100x100xf32>
    %add3A_236 = arith.addf %sub3A_230, %select_n3A_235 : vector<100x100xf32>
    %jit3A_237 = arith.constant 1.000000e+00 : f32
    %jit3A_238 = arith.constant 0.000000e+00 : f32
    %broadcast_in_dim3A_239 = vector.broadcast %jit3A_237 : f32 to vector<100x100xf32>
    %broadcast_in_dim3A_240 = vector.broadcast %jit3A_238 : f32 to vector<100x100xf32>
    %select_n3A_241 = arith.select %eq3A_223, %broadcast_in_dim3A_239, %broadcast_in_dim3A_240 : vector<100x100xi1>, vector<100x100xf32>
    %reduce_min3A_242 = arith.constant dense<0x7F800000> : vector<100xf32>
    %reduce_min3A_243 = vector.multi_reduction <minimumf>, %add3A_236, %reduce_min3A_242 [1] : vector<100x100xf32> to vector<100xf32>
    %broadcast_in_dim3A_244 = vector.shape_cast %reduce_min3A_243 : vector<100xf32> to vector<100x1xf32>
    %le3A_245 = vector.broadcast %broadcast_in_dim3A_244 : vector<100x1xf32> to vector<100x100xf32>
    %le3A_246 = arith.cmpf ole, %add3A_236, %le3A_245 : vector<100x100xf32>
    %jit3A_247 = arith.constant 1000000 : i32
    %broadcast_in_dim3A_248 = vector.broadcast %jit3A_247 : i32 to vector<100x100xi32>
    %select_n3A_249 = arith.select %le3A_246, %iota3A_222, %broadcast_in_dim3A_248 : vector<100x100xi1>, vector<100x100xi32>
    %reduce_min3A_250 = arith.constant dense<2147483647> : vector<100xi32>
    %reduce_min3A_251 = vector.multi_reduction <minsi>, %select_n3A_249, %reduce_min3A_250 [1] : vector<100x100xi32> to vector<100xi32>
    %broadcast_in_dim3A_252 = vector.shape_cast %reduce_min3A_251 : vector<100xi32> to vector<100x1xi32>
    %eq3A_253 = vector.broadcast %broadcast_in_dim3A_252 : vector<100x1xi32> to vector<100x100xi32>
    %eq3A_254 = arith.cmpi eq, %iota3A_222, %eq3A_253 : vector<100x100xi32>
    %jit3A_255 = arith.constant 1.000000e+00 : f32
    %jit3A_256 = arith.constant 0.000000e+00 : f32
    %broadcast_in_dim3A_257 = vector.broadcast %jit3A_255 : f32 to vector<100x100xf32>
    %broadcast_in_dim3A_258 = vector.broadcast %jit3A_256 : f32 to vector<100x100xf32>
    %select_n3A_259 = arith.select %eq3A_254, %broadcast_in_dim3A_257, %broadcast_in_dim3A_258 : vector<100x100xi1>, vector<100x100xf32>
    %add3A_260 = arith.addf %select_n3A_241, %select_n3A_259 : vector<100x100xf32>
    %jit3A_261 = arith.constant 3.000000e+38 : f32
    %broadcast_in_dim3A_262 = vector.broadcast %jit3A_261 : f32 to vector<100x100xf32>
    %select_n3A_263 = arith.select %eq3A_254, %broadcast_in_dim3A_262, %add3A_236 : vector<100x100xi1>, vector<100x100xf32>
    %reduce_min3A_264 = arith.constant dense<0x7F800000> : vector<100xf32>
    %reduce_min3A_265 = vector.multi_reduction <minimumf>, %select_n3A_263, %reduce_min3A_264 [1] : vector<100x100xf32> to vector<100xf32>
    %broadcast_in_dim3A_266 = vector.shape_cast %reduce_min3A_265 : vector<100xf32> to vector<100x1xf32>
    %le3A_267 = vector.broadcast %broadcast_in_dim3A_266 : vector<100x1xf32> to vector<100x100xf32>
    %le3A_268 = arith.cmpf ole, %select_n3A_263, %le3A_267 : vector<100x100xf32>
    %jit3A_269 = arith.constant 1000000 : i32
    %broadcast_in_dim3A_270 = vector.broadcast %jit3A_269 : i32 to vector<100x100xi32>
    %select_n3A_271 = arith.select %le3A_268, %iota3A_222, %broadcast_in_dim3A_270 : vector<100x100xi1>, vector<100x100xi32>
    %reduce_min3A_272 = arith.constant dense<2147483647> : vector<100xi32>
    %reduce_min3A_273 = vector.multi_reduction <minsi>, %select_n3A_271, %reduce_min3A_272 [1] : vector<100x100xi32> to vector<100xi32>
    %broadcast_in_dim3A_274 = vector.shape_cast %reduce_min3A_273 : vector<100xi32> to vector<100x1xi32>
    %eq3A_275 = vector.broadcast %broadcast_in_dim3A_274 : vector<100x1xi32> to vector<100x100xi32>
    %eq3A_276 = arith.cmpi eq, %iota3A_222, %eq3A_275 : vector<100x100xi32>
    %jit3A_277 = arith.constant 3.000000e+38 : f32
    %broadcast_in_dim3A_278 = vector.broadcast %jit3A_277 : f32 to vector<100x100xf32>
    %select_n3A_279 = arith.select %eq3A_276, %broadcast_in_dim3A_278, %select_n3A_263 : vector<100x100xi1>, vector<100x100xf32>
    %reduce_min3A_280 = arith.constant dense<0x7F800000> : vector<100xf32>
    %reduce_min3A_281 = vector.multi_reduction <minimumf>, %select_n3A_279, %reduce_min3A_280 [1] : vector<100x100xf32> to vector<100xf32>
    %broadcast_in_dim3A_282 = vector.shape_cast %reduce_min3A_281 : vector<100xf32> to vector<100x1xf32>
    %le3A_283 = vector.broadcast %broadcast_in_dim3A_282 : vector<100x1xf32> to vector<100x100xf32>
    %le3A_284 = arith.cmpf ole, %select_n3A_279, %le3A_283 : vector<100x100xf32>
    %jit3A_285 = arith.constant 1000000 : i32
    %broadcast_in_dim3A_286 = vector.broadcast %jit3A_285 : i32 to vector<100x100xi32>
    %select_n3A_287 = arith.select %le3A_284, %iota3A_222, %broadcast_in_dim3A_286 : vector<100x100xi1>, vector<100x100xi32>
    %reduce_min3A_288 = arith.constant dense<2147483647> : vector<100xi32>
    %reduce_min3A_289 = vector.multi_reduction <minsi>, %select_n3A_287, %reduce_min3A_288 [1] : vector<100x100xi32> to vector<100xi32>
    %broadcast_in_dim3A_290 = vector.shape_cast %reduce_min3A_289 : vector<100xi32> to vector<100x1xi32>
    %eq3A_291 = vector.broadcast %broadcast_in_dim3A_290 : vector<100x1xi32> to vector<100x100xi32>
    %eq3A_292 = arith.cmpi eq, %iota3A_222, %eq3A_291 : vector<100x100xi32>
    %jit3A_293 = arith.constant 1.000000e+00 : f32
    %jit3A_294 = arith.constant 0.000000e+00 : f32
    %broadcast_in_dim3A_295 = vector.broadcast %jit3A_293 : f32 to vector<100x100xf32>
    %broadcast_in_dim3A_296 = vector.broadcast %jit3A_294 : f32 to vector<100x100xf32>
    %select_n3A_297 = arith.select %eq3A_292, %broadcast_in_dim3A_295, %broadcast_in_dim3A_296 : vector<100x100xi1>, vector<100x100xf32>
    %add3A_298 = arith.addf %add3A_260, %select_n3A_297 : vector<100x100xf32>
    %jit3A_299 = arith.constant 3.000000e+38 : f32
    %broadcast_in_dim3A_300 = vector.broadcast %jit3A_299 : f32 to vector<100x100xf32>
    %select_n3A_301 = arith.select %eq3A_292, %broadcast_in_dim3A_300, %select_n3A_279 : vector<100x100xi1>, vector<100x100xf32>
    %reduce_min3A_302 = arith.constant dense<0x7F800000> : vector<100xf32>
    %reduce_min3A_303 = vector.multi_reduction <minimumf>, %select_n3A_301, %reduce_min3A_302 [1] : vector<100x100xf32> to vector<100xf32>
    %broadcast_in_dim3A_304 = vector.shape_cast %reduce_min3A_303 : vector<100xf32> to vector<100x1xf32>
    %le3A_305 = vector.broadcast %broadcast_in_dim3A_304 : vector<100x1xf32> to vector<100x100xf32>
    %le3A_306 = arith.cmpf ole, %select_n3A_301, %le3A_305 : vector<100x100xf32>
    %jit3A_307 = arith.constant 1000000 : i32
    %broadcast_in_dim3A_308 = vector.broadcast %jit3A_307 : i32 to vector<100x100xi32>
    %select_n3A_309 = arith.select %le3A_306, %iota3A_222, %broadcast_in_dim3A_308 : vector<100x100xi1>, vector<100x100xi32>
    %reduce_min3A_310 = arith.constant dense<2147483647> : vector<100xi32>
    %reduce_min3A_311 = vector.multi_reduction <minsi>, %select_n3A_309, %reduce_min3A_310 [1] : vector<100x100xi32> to vector<100xi32>
    %broadcast_in_dim3A_312 = vector.shape_cast %reduce_min3A_311 : vector<100xi32> to vector<100x1xi32>
    %eq3A_313 = vector.broadcast %broadcast_in_dim3A_312 : vector<100x1xi32> to vector<100x100xi32>
    %eq3A_314 = arith.cmpi eq, %iota3A_222, %eq3A_313 : vector<100x100xi32>
    %jit3A_315 = arith.constant 3.000000e+38 : f32
    %broadcast_in_dim3A_316 = vector.broadcast %jit3A_315 : f32 to vector<100x100xf32>
    %select_n3A_317 = arith.select %eq3A_314, %broadcast_in_dim3A_316, %select_n3A_301 : vector<100x100xi1>, vector<100x100xf32>
    %reduce_min3A_318 = arith.constant dense<0x7F800000> : vector<100xf32>
    %reduce_min3A_319 = vector.multi_reduction <minimumf>, %select_n3A_317, %reduce_min3A_318 [1] : vector<100x100xf32> to vector<100xf32>
    %broadcast_in_dim3A_320 = vector.shape_cast %reduce_min3A_319 : vector<100xf32> to vector<100x1xf32>
    %le3A_321 = vector.broadcast %broadcast_in_dim3A_320 : vector<100x1xf32> to vector<100x100xf32>
    %le3A_322 = arith.cmpf ole, %select_n3A_317, %le3A_321 : vector<100x100xf32>
    %jit3A_323 = arith.constant 1000000 : i32
    %broadcast_in_dim3A_324 = vector.broadcast %jit3A_323 : i32 to vector<100x100xi32>
    %select_n3A_325 = arith.select %le3A_322, %iota3A_222, %broadcast_in_dim3A_324 : vector<100x100xi1>, vector<100x100xi32>
    %reduce_min3A_326 = arith.constant dense<2147483647> : vector<100xi32>
    %reduce_min3A_327 = vector.multi_reduction <minsi>, %select_n3A_325, %reduce_min3A_326 [1] : vector<100x100xi32> to vector<100xi32>
    %broadcast_in_dim3A_328 = vector.shape_cast %reduce_min3A_327 : vector<100xi32> to vector<100x1xi32>
    %eq3A_329 = vector.broadcast %broadcast_in_dim3A_328 : vector<100x1xi32> to vector<100x100xi32>
    %eq3A_330 = arith.cmpi eq, %iota3A_222, %eq3A_329 : vector<100x100xi32>
    %jit3A_331 = arith.constant 1.000000e+00 : f32
    %jit3A_332 = arith.constant 0.000000e+00 : f32
    %broadcast_in_dim3A_333 = vector.broadcast %jit3A_331 : f32 to vector<100x100xf32>
    %broadcast_in_dim3A_334 = vector.broadcast %jit3A_332 : f32 to vector<100x100xf32>
    %select_n3A_335 = arith.select %eq3A_330, %broadcast_in_dim3A_333, %broadcast_in_dim3A_334 : vector<100x100xi1>, vector<100x100xf32>
    %add3A_336 = arith.addf %add3A_298, %select_n3A_335 : vector<100x100xf32>
    %jit3A_337 = arith.constant 3.000000e+38 : f32
    %broadcast_in_dim3A_338 = vector.broadcast %jit3A_337 : f32 to vector<100x100xf32>
    %select_n3A_339 = arith.select %eq3A_330, %broadcast_in_dim3A_338, %select_n3A_317 : vector<100x100xi1>, vector<100x100xf32>
    %reduce_min3A_340 = arith.constant dense<0x7F800000> : vector<100xf32>
    %reduce_min3A_341 = vector.multi_reduction <minimumf>, %select_n3A_339, %reduce_min3A_340 [1] : vector<100x100xf32> to vector<100xf32>
    %broadcast_in_dim3A_342 = vector.shape_cast %reduce_min3A_341 : vector<100xf32> to vector<100x1xf32>
    %le3A_343 = vector.broadcast %broadcast_in_dim3A_342 : vector<100x1xf32> to vector<100x100xf32>
    %le3A_344 = arith.cmpf ole, %select_n3A_339, %le3A_343 : vector<100x100xf32>
    %jit3A_345 = arith.constant 1000000 : i32
    %broadcast_in_dim3A_346 = vector.broadcast %jit3A_345 : i32 to vector<100x100xi32>
    %select_n3A_347 = arith.select %le3A_344, %iota3A_222, %broadcast_in_dim3A_346 : vector<100x100xi1>, vector<100x100xi32>
    %reduce_min3A_348 = arith.constant dense<2147483647> : vector<100xi32>
    %reduce_min3A_349 = vector.multi_reduction <minsi>, %select_n3A_347, %reduce_min3A_348 [1] : vector<100x100xi32> to vector<100xi32>
    %broadcast_in_dim3A_350 = vector.shape_cast %reduce_min3A_349 : vector<100xi32> to vector<100x1xi32>
    %eq3A_351 = vector.broadcast %broadcast_in_dim3A_350 : vector<100x1xi32> to vector<100x100xi32>
    %eq3A_352 = arith.cmpi eq, %iota3A_222, %eq3A_351 : vector<100x100xi32>
    %jit3A_353 = arith.constant 3.000000e+38 : f32
    %broadcast_in_dim3A_354 = vector.broadcast %jit3A_353 : f32 to vector<100x100xf32>
    %select_n3A_355 = arith.select %eq3A_352, %broadcast_in_dim3A_354, %select_n3A_339 : vector<100x100xi1>, vector<100x100xf32>
    %reduce_min3A_356 = arith.constant dense<0x7F800000> : vector<100xf32>
    %reduce_min3A_357 = vector.multi_reduction <minimumf>, %select_n3A_355, %reduce_min3A_356 [1] : vector<100x100xf32> to vector<100xf32>
    %broadcast_in_dim3A_358 = vector.shape_cast %reduce_min3A_357 : vector<100xf32> to vector<100x1xf32>
    %le3A_359 = vector.broadcast %broadcast_in_dim3A_358 : vector<100x1xf32> to vector<100x100xf32>
    %le3A_360 = arith.cmpf ole, %select_n3A_355, %le3A_359 : vector<100x100xf32>
    %jit3A_361 = arith.constant 1000000 : i32
    %broadcast_in_dim3A_362 = vector.broadcast %jit3A_361 : i32 to vector<100x100xi32>
    %select_n3A_363 = arith.select %le3A_360, %iota3A_222, %broadcast_in_dim3A_362 : vector<100x100xi1>, vector<100x100xi32>
    %reduce_min3A_364 = arith.constant dense<2147483647> : vector<100xi32>
    %reduce_min3A_365 = vector.multi_reduction <minsi>, %select_n3A_363, %reduce_min3A_364 [1] : vector<100x100xi32> to vector<100xi32>
    %broadcast_in_dim3A_366 = vector.shape_cast %reduce_min3A_365 : vector<100xi32> to vector<100x1xi32>
    %eq3A_367 = vector.broadcast %broadcast_in_dim3A_366 : vector<100x1xi32> to vector<100x100xi32>
    %eq3A_368 = arith.cmpi eq, %iota3A_222, %eq3A_367 : vector<100x100xi32>
    %jit3A_369 = arith.constant 1.000000e+00 : f32
    %jit3A_370 = arith.constant 0.000000e+00 : f32
    %broadcast_in_dim3A_371 = vector.broadcast %jit3A_369 : f32 to vector<100x100xf32>
    %broadcast_in_dim3A_372 = vector.broadcast %jit3A_370 : f32 to vector<100x100xf32>
    %select_n3A_373 = arith.select %eq3A_368, %broadcast_in_dim3A_371, %broadcast_in_dim3A_372 : vector<100x100xi1>, vector<100x100xf32>
    %add3A_374 = arith.addf %add3A_336, %select_n3A_373 : vector<100x100xf32>
    %get3A_375 = arith.constant 1 : index
    %get3A_376 = arith.constant 0 : index
    %get3A_377 = arith.constant 0 : index
    %get3A_378 = vector.load %arg2[%get3A_375, %get3A_376, %get3A_377] : memref<4x100x128xf32, #tpu.memory_space<vmem>>, vector<1x100x128xf32>
    %get3A_379 = vector.shape_cast %get3A_378 : vector<1x100x128xf32> to vector<100x128xf32>
    %convert_element_type3A_380 = arith.truncf %get3A_379 : vector<100x128xf32> to vector<100x128xbf16>
    %convert_element_type3A_381 = arith.truncf %get3A_1 : vector<128x256xf32> to vector<128x256xbf16>
    %dot_general3A_382 = arith.constant dense<0.000000e+00> : vector<100x256xf32>
    %dot_general3A_383 = tpu.matmul %convert_element_type3A_380, %convert_element_type3A_381, %dot_general3A_382 {dimension_numbers = #tpu.dot_dimension_numbers<[1], [0], [0], [1], [0, 0, 1, 1], [], []>, transpose_lhs_hint = false} : vector<100x128xbf16>, vector<128x256xbf16>, vector<100x256xf32> -> vector<100x256xf32>
    %dot_general3A_384 = arith.constant dense<0.000000e+00> : vector<100x256xf32>
    %dot_general3A_385 = tpu.matmul %add3A_374, %dot_general3A_383, %dot_general3A_384 {dimension_numbers = #tpu.dot_dimension_numbers<[1], [0], [0], [1], [0, 0, 1, 1], [], []>, precision = #tpu.contract_precision<fp32>, transpose_lhs_hint = false} : vector<100x100xf32>, vector<100x256xf32>, vector<100x256xf32> -> vector<100x256xf32>
    %mul3A_386 = arith.constant 2.000000e-01 : f32
    %mul3A_387 = vector.broadcast %mul3A_386 : f32 to vector<100x256xf32>
    %mul3A_388 = arith.mulf %dot_general3A_385, %mul3A_387 : vector<100x256xf32>
    %add3A_389 = vector.broadcast %get3A_4 : vector<1x256xf32> to vector<100x256xf32>
    %add3A_390 = arith.addf %mul3A_388, %add3A_389 : vector<100x256xf32>
    %tanh3A_391 = math.tanh %add3A_390 : vector<100x256xf32>
    %add3A_392 = arith.addf %get3A_203, %tanh3A_391 : vector<100x256xf32>
    %convert_element_type3A_393 = arith.truncf %add3A_392 : vector<100x256xf32> to vector<100x256xbf16>
    %dot_general3A_394 = arith.constant dense<0.000000e+00> : vector<100x100xf32>
    %dot_general3A_395 = tpu.matmul %convert_element_type3A_393, %convert_element_type3A_393, %dot_general3A_394 {dimension_numbers = #tpu.dot_dimension_numbers<[1], [1], [0], [0], [0, 0, 1, 0], [], []>, transpose_lhs_hint = false} : vector<100x256xbf16>, vector<100x256xbf16>, vector<100x100xf32> -> vector<100x100xf32>
    %jit3A_396 = arith.constant 0.000000e+00 : f32
    %broadcast_in_dim3A_397 = vector.broadcast %jit3A_396 : f32 to vector<100x100xf32>
    %select_n3A_398 = arith.select %eq3A, %broadcast_in_dim3A_397, %dot_general3A_395 : vector<100x100xi1>, vector<100x100xf32>
    %swap3A_399 = arith.constant 1 : index
    %swap3A_400 = arith.constant 0 : index
    %swap3A_401 = arith.constant 0 : index
    %swap3A_402 = vector.load %arg5[%swap3A_399, %swap3A_400, %swap3A_401] : memref<4x100x100xf32, #tpu.memory_space<vmem>>, vector<1x100x100xf32>
    %swap3A_403 = vector.shape_cast %swap3A_402 : vector<1x100x100xf32> to vector<100x100xf32>
    %swap3A_404 = vector.shape_cast %select_n3A_398 : vector<100x100xf32> to vector<1x100x100xf32>
    tpu.vector_store %arg5[%swap3A_399, %swap3A_400, %swap3A_401], %swap3A_404 {strides = array<i32>} : memref<4x100x100xf32, #tpu.memory_space<vmem>>, vector<1x100x100xf32>,
    %get3A_405 = arith.constant 2 : index
    %get3A_406 = arith.constant 0 : index
    %get3A_407 = arith.constant 0 : index
    %get3A_408 = vector.load %arg1[%get3A_405, %get3A_406, %get3A_407] : memref<4x100x256xf32, #tpu.memory_space<vmem>>, vector<1x100x256xf32>
    %get3A_409 = vector.shape_cast %get3A_408 : vector<1x100x256xf32> to vector<100x256xf32>
    %mul3A_410 = arith.mulf %get3A_409, %get3A_409 : vector<100x256xf32>
    %reduce_sum3A_411 = arith.constant dense<0.000000e+00> : vector<100xf32>
    %reduce_sum3A_412 = vector.multi_reduction <add>, %mul3A_410, %reduce_sum3A_411 [1] : vector<100x256xf32> to vector<100xf32>
    %broadcast_in_dim3A_413 = vector.shape_cast %reduce_sum3A_412 : vector<100xf32> to vector<100x1xf32>
    %iota3A_414 = tpu.iota {dimensions = array<i32: 0>} : vector<100x100xi32>
    %iota3A_415 = tpu.iota {dimensions = array<i32: 1>} : vector<100x100xi32>
    %eq3A_416 = arith.cmpi eq, %iota3A_414, %iota3A_415 : vector<100x100xi32>
    %jit3A_417 = arith.constant 1.000000e+00 : f32
    %jit3A_418 = arith.constant 0.000000e+00 : f32
    %broadcast_in_dim3A_419 = vector.broadcast %jit3A_417 : f32 to vector<100x100xf32>
    %broadcast_in_dim3A_420 = vector.broadcast %jit3A_418 : f32 to vector<100x100xf32>
    %select_n3A_421 = arith.select %eq3A_416, %broadcast_in_dim3A_419, %broadcast_in_dim3A_420 : vector<100x100xi1>, vector<100x100xf32>
    %dot_general3A_422 = arith.constant dense<0.000000e+00> : vector<1x100xf32>
    %dot_general3A_423 = tpu.matmul %broadcast_in_dim3A_413, %select_n3A_421, %dot_general3A_422 {dimension_numbers = #tpu.dot_dimension_numbers<[0], [0], [1], [1], [0, 1, 1, 1], [], []>, precision = #tpu.contract_precision<fp32>, transpose_lhs_hint = false} : vector<100x1xf32>, vector<100x100xf32>, vector<1x100xf32> -> vector<1x100xf32>
    %convert_element_type3A_424 = arith.truncf %get3A_409 : vector<100x256xf32> to vector<100x256xbf16>
    %dot_general3A_425 = arith.constant dense<0.000000e+00> : vector<100x100xf32>
    %dot_general3A_426 = tpu.matmul %convert_element_type3A_424, %convert_element_type3A_424, %dot_general3A_425 {dimension_numbers = #tpu.dot_dimension_numbers<[1], [1], [0], [0], [0, 0, 1, 0], [], []>, transpose_lhs_hint = false} : vector<100x256xbf16>, vector<100x256xbf16>, vector<100x100xf32> -> vector<100x100xf32>
    %iota3A_427 = tpu.iota {dimensions = array<i32: 0>} : vector<100x100xi32>
    %iota3A_428 = tpu.iota {dimensions = array<i32: 1>} : vector<100x100xi32>
    %eq3A_429 = arith.cmpi eq, %iota3A_427, %iota3A_428 : vector<100x100xi32>
    %add3A_430 = vector.broadcast %broadcast_in_dim3A_413 : vector<100x1xf32> to vector<100x100xf32>
    %add3A_431 = vector.broadcast %dot_general3A_423 : vector<1x100xf32> to vector<100x100xf32>
    %add3A_432 = arith.addf %add3A_430, %add3A_431 : vector<100x100xf32>
    %mul3A_433 = arith.constant 2.000000e+00 : f32
    %mul3A_434 = vector.broadcast %mul3A_433 : f32 to vector<100x100xf32>
    %mul3A_435 = arith.mulf %mul3A_434, %dot_general3A_426 : vector<100x100xf32>
    %sub3A_436 = arith.subf %add3A_432, %mul3A_435 : vector<100x100xf32>
    %jit3A_437 = arith.constant 1.000000e+09 : f32
    %jit3A_438 = arith.constant 0.000000e+00 : f32
    %broadcast_in_dim3A_439 = vector.broadcast %jit3A_437 : f32 to vector<100x100xf32>
    %broadcast_in_dim3A_440 = vector.broadcast %jit3A_438 : f32 to vector<100x100xf32>
    %select_n3A_441 = arith.select %eq3A_429, %broadcast_in_dim3A_439, %broadcast_in_dim3A_440 : vector<100x100xi1>, vector<100x100xf32>
    %add3A_442 = arith.addf %sub3A_436, %select_n3A_441 : vector<100x100xf32>
    %jit3A_443 = arith.constant 1.000000e+00 : f32
    %jit3A_444 = arith.constant 0.000000e+00 : f32
    %broadcast_in_dim3A_445 = vector.broadcast %jit3A_443 : f32 to vector<100x100xf32>
    %broadcast_in_dim3A_446 = vector.broadcast %jit3A_444 : f32 to vector<100x100xf32>
    %select_n3A_447 = arith.select %eq3A_429, %broadcast_in_dim3A_445, %broadcast_in_dim3A_446 : vector<100x100xi1>, vector<100x100xf32>
    %reduce_min3A_448 = arith.constant dense<0x7F800000> : vector<100xf32>
    %reduce_min3A_449 = vector.multi_reduction <minimumf>, %add3A_442, %reduce_min3A_448 [1] : vector<100x100xf32> to vector<100xf32>
    %broadcast_in_dim3A_450 = vector.shape_cast %reduce_min3A_449 : vector<100xf32> to vector<100x1xf32>
    %le3A_451 = vector.broadcast %broadcast_in_dim3A_450 : vector<100x1xf32> to vector<100x100xf32>
    %le3A_452 = arith.cmpf ole, %add3A_442, %le3A_451 : vector<100x100xf32>
    %jit3A_453 = arith.constant 1000000 : i32
    %broadcast_in_dim3A_454 = vector.broadcast %jit3A_453 : i32 to vector<100x100xi32>
    %select_n3A_455 = arith.select %le3A_452, %iota3A_428, %broadcast_in_dim3A_454 : vector<100x100xi1>, vector<100x100xi32>
    %reduce_min3A_456 = arith.constant dense<2147483647> : vector<100xi32>
    %reduce_min3A_457 = vector.multi_reduction <minsi>, %select_n3A_455, %reduce_min3A_456 [1] : vector<100x100xi32> to vector<100xi32>
    %broadcast_in_dim3A_458 = vector.shape_cast %reduce_min3A_457 : vector<100xi32> to vector<100x1xi32>
    %eq3A_459 = vector.broadcast %broadcast_in_dim3A_458 : vector<100x1xi32> to vector<100x100xi32>
    %eq3A_460 = arith.cmpi eq, %iota3A_428, %eq3A_459 : vector<100x100xi32>
    %jit3A_461 = arith.constant 1.000000e+00 : f32
    %jit3A_462 = arith.constant 0.000000e+00 : f32
    %broadcast_in_dim3A_463 = vector.broadcast %jit3A_461 : f32 to vector<100x100xf32>
    %broadcast_in_dim3A_464 = vector.broadcast %jit3A_462 : f32 to vector<100x100xf32>
    %select_n3A_465 = arith.select %eq3A_460, %broadcast_in_dim3A_463, %broadcast_in_dim3A_464 : vector<100x100xi1>, vector<100x100xf32>
    %add3A_466 = arith.addf %select_n3A_447, %select_n3A_465 : vector<100x100xf32>
    %jit3A_467 = arith.constant 3.000000e+38 : f32
    %broadcast_in_dim3A_468 = vector.broadcast %jit3A_467 : f32 to vector<100x100xf32>
    %select_n3A_469 = arith.select %eq3A_460, %broadcast_in_dim3A_468, %add3A_442 : vector<100x100xi1>, vector<100x100xf32>
    %reduce_min3A_470 = arith.constant dense<0x7F800000> : vector<100xf32>
    %reduce_min3A_471 = vector.multi_reduction <minimumf>, %select_n3A_469, %reduce_min3A_470 [1] : vector<100x100xf32> to vector<100xf32>
    %broadcast_in_dim3A_472 = vector.shape_cast %reduce_min3A_471 : vector<100xf32> to vector<100x1xf32>
    %le3A_473 = vector.broadcast %broadcast_in_dim3A_472 : vector<100x1xf32> to vector<100x100xf32>
    %le3A_474 = arith.cmpf ole, %select_n3A_469, %le3A_473 : vector<100x100xf32>
    %jit3A_475 = arith.constant 1000000 : i32
    %broadcast_in_dim3A_476 = vector.broadcast %jit3A_475 : i32 to vector<100x100xi32>
    %select_n3A_477 = arith.select %le3A_474, %iota3A_428, %broadcast_in_dim3A_476 : vector<100x100xi1>, vector<100x100xi32>
    %reduce_min3A_478 = arith.constant dense<2147483647> : vector<100xi32>
    %reduce_min3A_479 = vector.multi_reduction <minsi>, %select_n3A_477, %reduce_min3A_478 [1] : vector<100x100xi32> to vector<100xi32>
    %broadcast_in_dim3A_480 = vector.shape_cast %reduce_min3A_479 : vector<100xi32> to vector<100x1xi32>
    %eq3A_481 = vector.broadcast %broadcast_in_dim3A_480 : vector<100x1xi32> to vector<100x100xi32>
    %eq3A_482 = arith.cmpi eq, %iota3A_428, %eq3A_481 : vector<100x100xi32>
    %jit3A_483 = arith.constant 3.000000e+38 : f32
    %broadcast_in_dim3A_484 = vector.broadcast %jit3A_483 : f32 to vector<100x100xf32>
    %select_n3A_485 = arith.select %eq3A_482, %broadcast_in_dim3A_484, %select_n3A_469 : vector<100x100xi1>, vector<100x100xf32>
    %reduce_min3A_486 = arith.constant dense<0x7F800000> : vector<100xf32>
    %reduce_min3A_487 = vector.multi_reduction <minimumf>, %select_n3A_485, %reduce_min3A_486 [1] : vector<100x100xf32> to vector<100xf32>
    %broadcast_in_dim3A_488 = vector.shape_cast %reduce_min3A_487 : vector<100xf32> to vector<100x1xf32>
    %le3A_489 = vector.broadcast %broadcast_in_dim3A_488 : vector<100x1xf32> to vector<100x100xf32>
    %le3A_490 = arith.cmpf ole, %select_n3A_485, %le3A_489 : vector<100x100xf32>
    %jit3A_491 = arith.constant 1000000 : i32
    %broadcast_in_dim3A_492 = vector.broadcast %jit3A_491 : i32 to vector<100x100xi32>
    %select_n3A_493 = arith.select %le3A_490, %iota3A_428, %broadcast_in_dim3A_492 : vector<100x100xi1>, vector<100x100xi32>
    %reduce_min3A_494 = arith.constant dense<2147483647> : vector<100xi32>
    %reduce_min3A_495 = vector.multi_reduction <minsi>, %select_n3A_493, %reduce_min3A_494 [1] : vector<100x100xi32> to vector<100xi32>
    %broadcast_in_dim3A_496 = vector.shape_cast %reduce_min3A_495 : vector<100xi32> to vector<100x1xi32>
    %eq3A_497 = vector.broadcast %broadcast_in_dim3A_496 : vector<100x1xi32> to vector<100x100xi32>
    %eq3A_498 = arith.cmpi eq, %iota3A_428, %eq3A_497 : vector<100x100xi32>
    %jit3A_499 = arith.constant 1.000000e+00 : f32
    %jit3A_500 = arith.constant 0.000000e+00 : f32
    %broadcast_in_dim3A_501 = vector.broadcast %jit3A_499 : f32 to vector<100x100xf32>
    %broadcast_in_dim3A_502 = vector.broadcast %jit3A_500 : f32 to vector<100x100xf32>
    %select_n3A_503 = arith.select %eq3A_498, %broadcast_in_dim3A_501, %broadcast_in_dim3A_502 : vector<100x100xi1>, vector<100x100xf32>
    %add3A_504 = arith.addf %add3A_466, %select_n3A_503 : vector<100x100xf32>
    %jit3A_505 = arith.constant 3.000000e+38 : f32
    %broadcast_in_dim3A_506 = vector.broadcast %jit3A_505 : f32 to vector<100x100xf32>
    %select_n3A_507 = arith.select %eq3A_498, %broadcast_in_dim3A_506, %select_n3A_485 : vector<100x100xi1>, vector<100x100xf32>
    %reduce_min3A_508 = arith.constant dense<0x7F800000> : vector<100xf32>
    %reduce_min3A_509 = vector.multi_reduction <minimumf>, %select_n3A_507, %reduce_min3A_508 [1] : vector<100x100xf32> to vector<100xf32>
    %broadcast_in_dim3A_510 = vector.shape_cast %reduce_min3A_509 : vector<100xf32> to vector<100x1xf32>
    %le3A_511 = vector.broadcast %broadcast_in_dim3A_510 : vector<100x1xf32> to vector<100x100xf32>
    %le3A_512 = arith.cmpf ole, %select_n3A_507, %le3A_511 : vector<100x100xf32>
    %jit3A_513 = arith.constant 1000000 : i32
    %broadcast_in_dim3A_514 = vector.broadcast %jit3A_513 : i32 to vector<100x100xi32>
    %select_n3A_515 = arith.select %le3A_512, %iota3A_428, %broadcast_in_dim3A_514 : vector<100x100xi1>, vector<100x100xi32>
    %reduce_min3A_516 = arith.constant dense<2147483647> : vector<100xi32>
    %reduce_min3A_517 = vector.multi_reduction <minsi>, %select_n3A_515, %reduce_min3A_516 [1] : vector<100x100xi32> to vector<100xi32>
    %broadcast_in_dim3A_518 = vector.shape_cast %reduce_min3A_517 : vector<100xi32> to vector<100x1xi32>
    %eq3A_519 = vector.broadcast %broadcast_in_dim3A_518 : vector<100x1xi32> to vector<100x100xi32>
    %eq3A_520 = arith.cmpi eq, %iota3A_428, %eq3A_519 : vector<100x100xi32>
    %jit3A_521 = arith.constant 3.000000e+38 : f32
    %broadcast_in_dim3A_522 = vector.broadcast %jit3A_521 : f32 to vector<100x100xf32>
    %select_n3A_523 = arith.select %eq3A_520, %broadcast_in_dim3A_522, %select_n3A_507 : vector<100x100xi1>, vector<100x100xf32>
    %reduce_min3A_524 = arith.constant dense<0x7F800000> : vector<100xf32>
    %reduce_min3A_525 = vector.multi_reduction <minimumf>, %select_n3A_523, %reduce_min3A_524 [1] : vector<100x100xf32> to vector<100xf32>
    %broadcast_in_dim3A_526 = vector.shape_cast %reduce_min3A_525 : vector<100xf32> to vector<100x1xf32>
    %le3A_527 = vector.broadcast %broadcast_in_dim3A_526 : vector<100x1xf32> to vector<100x100xf32>
    %le3A_528 = arith.cmpf ole, %select_n3A_523, %le3A_527 : vector<100x100xf32>
    %jit3A_529 = arith.constant 1000000 : i32
    %broadcast_in_dim3A_530 = vector.broadcast %jit3A_529 : i32 to vector<100x100xi32>
    %select_n3A_531 = arith.select %le3A_528, %iota3A_428, %broadcast_in_dim3A_530 : vector<100x100xi1>, vector<100x100xi32>
    %reduce_min3A_532 = arith.constant dense<2147483647> : vector<100xi32>
    %reduce_min3A_533 = vector.multi_reduction <minsi>, %select_n3A_531, %reduce_min3A_532 [1] : vector<100x100xi32> to vector<100xi32>
    %broadcast_in_dim3A_534 = vector.shape_cast %reduce_min3A_533 : vector<100xi32> to vector<100x1xi32>
    %eq3A_535 = vector.broadcast %broadcast_in_dim3A_534 : vector<100x1xi32> to vector<100x100xi32>
    %eq3A_536 = arith.cmpi eq, %iota3A_428, %eq3A_535 : vector<100x100xi32>
    %jit3A_537 = arith.constant 1.000000e+00 : f32
    %jit3A_538 = arith.constant 0.000000e+00 : f32
    %broadcast_in_dim3A_539 = vector.broadcast %jit3A_537 : f32 to vector<100x100xf32>
    %broadcast_in_dim3A_540 = vector.broadcast %jit3A_538 : f32 to vector<100x100xf32>
    %select_n3A_541 = arith.select %eq3A_536, %broadcast_in_dim3A_539, %broadcast_in_dim3A_540 : vector<100x100xi1>, vector<100x100xf32>
    %add3A_542 = arith.addf %add3A_504, %select_n3A_541 : vector<100x100xf32>
    %jit3A_543 = arith.constant 3.000000e+38 : f32
    %broadcast_in_dim3A_544 = vector.broadcast %jit3A_543 : f32 to vector<100x100xf32>
    %select_n3A_545 = arith.select %eq3A_536, %broadcast_in_dim3A_544, %select_n3A_523 : vector<100x100xi1>, vector<100x100xf32>
    %reduce_min3A_546 = arith.constant dense<0x7F800000> : vector<100xf32>
    %reduce_min3A_547 = vector.multi_reduction <minimumf>, %select_n3A_545, %reduce_min3A_546 [1] : vector<100x100xf32> to vector<100xf32>
    %broadcast_in_dim3A_548 = vector.shape_cast %reduce_min3A_547 : vector<100xf32> to vector<100x1xf32>
    %le3A_549 = vector.broadcast %broadcast_in_dim3A_548 : vector<100x1xf32> to vector<100x100xf32>
    %le3A_550 = arith.cmpf ole, %select_n3A_545, %le3A_549 : vector<100x100xf32>
    %jit3A_551 = arith.constant 1000000 : i32
    %broadcast_in_dim3A_552 = vector.broadcast %jit3A_551 : i32 to vector<100x100xi32>
    %select_n3A_553 = arith.select %le3A_550, %iota3A_428, %broadcast_in_dim3A_552 : vector<100x100xi1>, vector<100x100xi32>
    %reduce_min3A_554 = arith.constant dense<2147483647> : vector<100xi32>
    %reduce_min3A_555 = vector.multi_reduction <minsi>, %select_n3A_553, %reduce_min3A_554 [1] : vector<100x100xi32> to vector<100xi32>
    %broadcast_in_dim3A_556 = vector.shape_cast %reduce_min3A_555 : vector<100xi32> to vector<100x1xi32>
    %eq3A_557 = vector.broadcast %broadcast_in_dim3A_556 : vector<100x1xi32> to vector<100x100xi32>
    %eq3A_558 = arith.cmpi eq, %iota3A_428, %eq3A_557 : vector<100x100xi32>
    %jit3A_559 = arith.constant 3.000000e+38 : f32
    %broadcast_in_dim3A_560 = vector.broadcast %jit3A_559 : f32 to vector<100x100xf32>
    %select_n3A_561 = arith.select %eq3A_558, %broadcast_in_dim3A_560, %select_n3A_545 : vector<100x100xi1>, vector<100x100xf32>
    %reduce_min3A_562 = arith.constant dense<0x7F800000> : vector<100xf32>
    %reduce_min3A_563 = vector.multi_reduction <minimumf>, %select_n3A_561, %reduce_min3A_562 [1] : vector<100x100xf32> to vector<100xf32>
    %broadcast_in_dim3A_564 = vector.shape_cast %reduce_min3A_563 : vector<100xf32> to vector<100x1xf32>
    %le3A_565 = vector.broadcast %broadcast_in_dim3A_564 : vector<100x1xf32> to vector<100x100xf32>
    %le3A_566 = arith.cmpf ole, %select_n3A_561, %le3A_565 : vector<100x100xf32>
    %jit3A_567 = arith.constant 1000000 : i32
    %broadcast_in_dim3A_568 = vector.broadcast %jit3A_567 : i32 to vector<100x100xi32>
    %select_n3A_569 = arith.select %le3A_566, %iota3A_428, %broadcast_in_dim3A_568 : vector<100x100xi1>, vector<100x100xi32>
    %reduce_min3A_570 = arith.constant dense<2147483647> : vector<100xi32>
    %reduce_min3A_571 = vector.multi_reduction <minsi>, %select_n3A_569, %reduce_min3A_570 [1] : vector<100x100xi32> to vector<100xi32>
    %broadcast_in_dim3A_572 = vector.shape_cast %reduce_min3A_571 : vector<100xi32> to vector<100x1xi32>
    %eq3A_573 = vector.broadcast %broadcast_in_dim3A_572 : vector<100x1xi32> to vector<100x100xi32>
    %eq3A_574 = arith.cmpi eq, %iota3A_428, %eq3A_573 : vector<100x100xi32>
    %jit3A_575 = arith.constant 1.000000e+00 : f32
    %jit3A_576 = arith.constant 0.000000e+00 : f32
    %broadcast_in_dim3A_577 = vector.broadcast %jit3A_575 : f32 to vector<100x100xf32>
    %broadcast_in_dim3A_578 = vector.broadcast %jit3A_576 : f32 to vector<100x100xf32>
    %select_n3A_579 = arith.select %eq3A_574, %broadcast_in_dim3A_577, %broadcast_in_dim3A_578 : vector<100x100xi1>, vector<100x100xf32>
    %add3A_580 = arith.addf %add3A_542, %select_n3A_579 : vector<100x100xf32>
    %get3A_581 = arith.constant 2 : index
    %get3A_582 = arith.constant 0 : index
    %get3A_583 = arith.constant 0 : index
    %get3A_584 = vector.load %arg2[%get3A_581, %get3A_582, %get3A_583] : memref<4x100x128xf32, #tpu.memory_space<vmem>>, vector<1x100x128xf32>
    %get3A_585 = vector.shape_cast %get3A_584 : vector<1x100x128xf32> to vector<100x128xf32>
    %convert_element_type3A_586 = arith.truncf %get3A_585 : vector<100x128xf32> to vector<100x128xbf16>
    %convert_element_type3A_587 = arith.truncf %get3A_1 : vector<128x256xf32> to vector<128x256xbf16>
    %dot_general3A_588 = arith.constant dense<0.000000e+00> : vector<100x256xf32>
    %dot_general3A_589 = tpu.matmul %convert_element_type3A_586, %convert_element_type3A_587, %dot_general3A_588 {dimension_numbers = #tpu.dot_dimension_numbers<[1], [0], [0], [1], [0, 0, 1, 1], [], []>, transpose_lhs_hint = false} : vector<100x128xbf16>, vector<128x256xbf16>, vector<100x256xf32> -> vector<100x256xf32>
    %dot_general3A_590 = arith.constant dense<0.000000e+00> : vector<100x256xf32>
    %dot_general3A_591 = tpu.matmul %add3A_580, %dot_general3A_589, %dot_general3A_590 {dimension_numbers = #tpu.dot_dimension_numbers<[1], [0], [0], [1], [0, 0, 1, 1], [], []>, precision = #tpu.contract_precision<fp32>, transpose_lhs_hint = false} : vector<100x100xf32>, vector<100x256xf32>, vector<100x256xf32> -> vector<100x256xf32>
    %mul3A_592 = arith.constant 2.000000e-01 : f32
    %mul3A_593 = vector.broadcast %mul3A_592 : f32 to vector<100x256xf32>
    %mul3A_594 = arith.mulf %dot_general3A_591, %mul3A_593 : vector<100x256xf32>
    %add3A_595 = vector.broadcast %get3A_4 : vector<1x256xf32> to vector<100x256xf32>
    %add3A_596 = arith.addf %mul3A_594, %add3A_595 : vector<100x256xf32>
    %tanh3A_597 = math.tanh %add3A_596 : vector<100x256xf32>
    %add3A_598 = arith.addf %get3A_409, %tanh3A_597 : vector<100x256xf32>
    %convert_element_type3A_599 = arith.truncf %add3A_598 : vector<100x256xf32> to vector<100x256xbf16>
    %dot_general3A_600 = arith.constant dense<0.000000e+00> : vector<100x100xf32>
    %dot_general3A_601 = tpu.matmul %convert_element_type3A_599, %convert_element_type3A_599, %dot_general3A_600 {dimension_numbers = #tpu.dot_dimension_numbers<[1], [1], [0], [0], [0, 0, 1, 0], [], []>, transpose_lhs_hint = false} : vector<100x256xbf16>, vector<100x256xbf16>, vector<100x100xf32> -> vector<100x100xf32>
    %jit3A_602 = arith.constant 0.000000e+00 : f32
    %broadcast_in_dim3A_603 = vector.broadcast %jit3A_602 : f32 to vector<100x100xf32>
    %select_n3A_604 = arith.select %eq3A, %broadcast_in_dim3A_603, %dot_general3A_601 : vector<100x100xi1>, vector<100x100xf32>
    %swap3A_605 = arith.constant 2 : index
    %swap3A_606 = arith.constant 0 : index
    %swap3A_607 = arith.constant 0 : index
    %swap3A_608 = vector.load %arg5[%swap3A_605, %swap3A_606, %swap3A_607] : memref<4x100x100xf32, #tpu.memory_space<vmem>>, vector<1x100x100xf32>
    %swap3A_609 = vector.shape_cast %swap3A_608 : vector<1x100x100xf32> to vector<100x100xf32>
    %swap3A_610 = vector.shape_cast %select_n3A_604 : vector<100x100xf32> to vector<1x100x100xf32>
    tpu.vector_store %arg5[%swap3A_605, %swap3A_606, %swap3A_607], %swap3A_610 {strides = array<i32>} : memref<4x100x100xf32, #tpu.memory_space<vmem>>, vector<1x100x100xf32>,
    %get3A_611 = arith.constant 3 : index
    %get3A_612 = arith.constant 0 : index
    %get3A_613 = arith.constant 0 : index
    %get3A_614 = vector.load %arg1[%get3A_611, %get3A_612, %get3A_613] : memref<4x100x256xf32, #tpu.memory_space<vmem>>, vector<1x100x256xf32>
    %get3A_615 = vector.shape_cast %get3A_614 : vector<1x100x256xf32> to vector<100x256xf32>
    %mul3A_616 = arith.mulf %get3A_615, %get3A_615 : vector<100x256xf32>
    %reduce_sum3A_617 = arith.constant dense<0.000000e+00> : vector<100xf32>
    %reduce_sum3A_618 = vector.multi_reduction <add>, %mul3A_616, %reduce_sum3A_617 [1] : vector<100x256xf32> to vector<100xf32>
    %broadcast_in_dim3A_619 = vector.shape_cast %reduce_sum3A_618 : vector<100xf32> to vector<100x1xf32>
    %iota3A_620 = tpu.iota {dimensions = array<i32: 0>} : vector<100x100xi32>
    %iota3A_621 = tpu.iota {dimensions = array<i32: 1>} : vector<100x100xi32>
    %eq3A_622 = arith.cmpi eq, %iota3A_620, %iota3A_621 : vector<100x100xi32>
    %jit3A_623 = arith.constant 1.000000e+00 : f32
    %jit3A_624 = arith.constant 0.000000e+00 : f32
    %broadcast_in_dim3A_625 = vector.broadcast %jit3A_623 : f32 to vector<100x100xf32>
    %broadcast_in_dim3A_626 = vector.broadcast %jit3A_624 : f32 to vector<100x100xf32>
    %select_n3A_627 = arith.select %eq3A_622, %broadcast_in_dim3A_625, %broadcast_in_dim3A_626 : vector<100x100xi1>, vector<100x100xf32>
    %dot_general3A_628 = arith.constant dense<0.000000e+00> : vector<1x100xf32>
    %dot_general3A_629 = tpu.matmul %broadcast_in_dim3A_619, %select_n3A_627, %dot_general3A_628 {dimension_numbers = #tpu.dot_dimension_numbers<[0], [0], [1], [1], [0, 1, 1, 1], [], []>, precision = #tpu.contract_precision<fp32>, transpose_lhs_hint = false} : vector<100x1xf32>, vector<100x100xf32>, vector<1x100xf32> -> vector<1x100xf32>
    %convert_element_type3A_630 = arith.truncf %get3A_615 : vector<100x256xf32> to vector<100x256xbf16>
    %dot_general3A_631 = arith.constant dense<0.000000e+00> : vector<100x100xf32>
    %dot_general3A_632 = tpu.matmul %convert_element_type3A_630, %convert_element_type3A_630, %dot_general3A_631 {dimension_numbers = #tpu.dot_dimension_numbers<[1], [1], [0], [0], [0, 0, 1, 0], [], []>, transpose_lhs_hint = false} : vector<100x256xbf16>, vector<100x256xbf16>, vector<100x100xf32> -> vector<100x100xf32>
    %iota3A_633 = tpu.iota {dimensions = array<i32: 0>} : vector<100x100xi32>
    %iota3A_634 = tpu.iota {dimensions = array<i32: 1>} : vector<100x100xi32>
    %eq3A_635 = arith.cmpi eq, %iota3A_633, %iota3A_634 : vector<100x100xi32>
    %add3A_636 = vector.broadcast %broadcast_in_dim3A_619 : vector<100x1xf32> to vector<100x100xf32>
    %add3A_637 = vector.broadcast %dot_general3A_629 : vector<1x100xf32> to vector<100x100xf32>
    %add3A_638 = arith.addf %add3A_636, %add3A_637 : vector<100x100xf32>
    %mul3A_639 = arith.constant 2.000000e+00 : f32
    %mul3A_640 = vector.broadcast %mul3A_639 : f32 to vector<100x100xf32>
    %mul3A_641 = arith.mulf %mul3A_640, %dot_general3A_632 : vector<100x100xf32>
    %sub3A_642 = arith.subf %add3A_638, %mul3A_641 : vector<100x100xf32>
    %jit3A_643 = arith.constant 1.000000e+09 : f32
    %jit3A_644 = arith.constant 0.000000e+00 : f32
    %broadcast_in_dim3A_645 = vector.broadcast %jit3A_643 : f32 to vector<100x100xf32>
    %broadcast_in_dim3A_646 = vector.broadcast %jit3A_644 : f32 to vector<100x100xf32>
    %select_n3A_647 = arith.select %eq3A_635, %broadcast_in_dim3A_645, %broadcast_in_dim3A_646 : vector<100x100xi1>, vector<100x100xf32>
    %add3A_648 = arith.addf %sub3A_642, %select_n3A_647 : vector<100x100xf32>
    %jit3A_649 = arith.constant 1.000000e+00 : f32
    %jit3A_650 = arith.constant 0.000000e+00 : f32
    %broadcast_in_dim3A_651 = vector.broadcast %jit3A_649 : f32 to vector<100x100xf32>
    %broadcast_in_dim3A_652 = vector.broadcast %jit3A_650 : f32 to vector<100x100xf32>
    %select_n3A_653 = arith.select %eq3A_635, %broadcast_in_dim3A_651, %broadcast_in_dim3A_652 : vector<100x100xi1>, vector<100x100xf32>
    %reduce_min3A_654 = arith.constant dense<0x7F800000> : vector<100xf32>
    %reduce_min3A_655 = vector.multi_reduction <minimumf>, %add3A_648, %reduce_min3A_654 [1] : vector<100x100xf32> to vector<100xf32>
    %broadcast_in_dim3A_656 = vector.shape_cast %reduce_min3A_655 : vector<100xf32> to vector<100x1xf32>
    %le3A_657 = vector.broadcast %broadcast_in_dim3A_656 : vector<100x1xf32> to vector<100x100xf32>
    %le3A_658 = arith.cmpf ole, %add3A_648, %le3A_657 : vector<100x100xf32>
    %jit3A_659 = arith.constant 1000000 : i32
    %broadcast_in_dim3A_660 = vector.broadcast %jit3A_659 : i32 to vector<100x100xi32>
    %select_n3A_661 = arith.select %le3A_658, %iota3A_634, %broadcast_in_dim3A_660 : vector<100x100xi1>, vector<100x100xi32>
    %reduce_min3A_662 = arith.constant dense<2147483647> : vector<100xi32>
    %reduce_min3A_663 = vector.multi_reduction <minsi>, %select_n3A_661, %reduce_min3A_662 [1] : vector<100x100xi32> to vector<100xi32>
    %broadcast_in_dim3A_664 = vector.shape_cast %reduce_min3A_663 : vector<100xi32> to vector<100x1xi32>
    %eq3A_665 = vector.broadcast %broadcast_in_dim3A_664 : vector<100x1xi32> to vector<100x100xi32>
    %eq3A_666 = arith.cmpi eq, %iota3A_634, %eq3A_665 : vector<100x100xi32>
    %jit3A_667 = arith.constant 1.000000e+00 : f32
    %jit3A_668 = arith.constant 0.000000e+00 : f32
    %broadcast_in_dim3A_669 = vector.broadcast %jit3A_667 : f32 to vector<100x100xf32>
    %broadcast_in_dim3A_670 = vector.broadcast %jit3A_668 : f32 to vector<100x100xf32>
    %select_n3A_671 = arith.select %eq3A_666, %broadcast_in_dim3A_669, %broadcast_in_dim3A_670 : vector<100x100xi1>, vector<100x100xf32>
    %add3A_672 = arith.addf %select_n3A_653, %select_n3A_671 : vector<100x100xf32>
    %jit3A_673 = arith.constant 3.000000e+38 : f32
    %broadcast_in_dim3A_674 = vector.broadcast %jit3A_673 : f32 to vector<100x100xf32>
    %select_n3A_675 = arith.select %eq3A_666, %broadcast_in_dim3A_674, %add3A_648 : vector<100x100xi1>, vector<100x100xf32>
    %reduce_min3A_676 = arith.constant dense<0x7F800000> : vector<100xf32>
    %reduce_min3A_677 = vector.multi_reduction <minimumf>, %select_n3A_675, %reduce_min3A_676 [1] : vector<100x100xf32> to vector<100xf32>
    %broadcast_in_dim3A_678 = vector.shape_cast %reduce_min3A_677 : vector<100xf32> to vector<100x1xf32>
    %le3A_679 = vector.broadcast %broadcast_in_dim3A_678 : vector<100x1xf32> to vector<100x100xf32>
    %le3A_680 = arith.cmpf ole, %select_n3A_675, %le3A_679 : vector<100x100xf32>
    %jit3A_681 = arith.constant 1000000 : i32
    %broadcast_in_dim3A_682 = vector.broadcast %jit3A_681 : i32 to vector<100x100xi32>
    %select_n3A_683 = arith.select %le3A_680, %iota3A_634, %broadcast_in_dim3A_682 : vector<100x100xi1>, vector<100x100xi32>
    %reduce_min3A_684 = arith.constant dense<2147483647> : vector<100xi32>
    %reduce_min3A_685 = vector.multi_reduction <minsi>, %select_n3A_683, %reduce_min3A_684 [1] : vector<100x100xi32> to vector<100xi32>
    %broadcast_in_dim3A_686 = vector.shape_cast %reduce_min3A_685 : vector<100xi32> to vector<100x1xi32>
    %eq3A_687 = vector.broadcast %broadcast_in_dim3A_686 : vector<100x1xi32> to vector<100x100xi32>
    %eq3A_688 = arith.cmpi eq, %iota3A_634, %eq3A_687 : vector<100x100xi32>
    %jit3A_689 = arith.constant 3.000000e+38 : f32
    %broadcast_in_dim3A_690 = vector.broadcast %jit3A_689 : f32 to vector<100x100xf32>
    %select_n3A_691 = arith.select %eq3A_688, %broadcast_in_dim3A_690, %select_n3A_675 : vector<100x100xi1>, vector<100x100xf32>
    %reduce_min3A_692 = arith.constant dense<0x7F800000> : vector<100xf32>
    %reduce_min3A_693 = vector.multi_reduction <minimumf>, %select_n3A_691, %reduce_min3A_692 [1] : vector<100x100xf32> to vector<100xf32>
    %broadcast_in_dim3A_694 = vector.shape_cast %reduce_min3A_693 : vector<100xf32> to vector<100x1xf32>
    %le3A_695 = vector.broadcast %broadcast_in_dim3A_694 : vector<100x1xf32> to vector<100x100xf32>
    %le3A_696 = arith.cmpf ole, %select_n3A_691, %le3A_695 : vector<100x100xf32>
    %jit3A_697 = arith.constant 1000000 : i32
    %broadcast_in_dim3A_698 = vector.broadcast %jit3A_697 : i32 to vector<100x100xi32>
    %select_n3A_699 = arith.select %le3A_696, %iota3A_634, %broadcast_in_dim3A_698 : vector<100x100xi1>, vector<100x100xi32>
    %reduce_min3A_700 = arith.constant dense<2147483647> : vector<100xi32>
    %reduce_min3A_701 = vector.multi_reduction <minsi>, %select_n3A_699, %reduce_min3A_700 [1] : vector<100x100xi32> to vector<100xi32>
    %broadcast_in_dim3A_702 = vector.shape_cast %reduce_min3A_701 : vector<100xi32> to vector<100x1xi32>
    %eq3A_703 = vector.broadcast %broadcast_in_dim3A_702 : vector<100x1xi32> to vector<100x100xi32>
    %eq3A_704 = arith.cmpi eq, %iota3A_634, %eq3A_703 : vector<100x100xi32>
    %jit3A_705 = arith.constant 1.000000e+00 : f32
    %jit3A_706 = arith.constant 0.000000e+00 : f32
    %broadcast_in_dim3A_707 = vector.broadcast %jit3A_705 : f32 to vector<100x100xf32>
    %broadcast_in_dim3A_708 = vector.broadcast %jit3A_706 : f32 to vector<100x100xf32>
    %select_n3A_709 = arith.select %eq3A_704, %broadcast_in_dim3A_707, %broadcast_in_dim3A_708 : vector<100x100xi1>, vector<100x100xf32>
    %add3A_710 = arith.addf %add3A_672, %select_n3A_709 : vector<100x100xf32>
    %jit3A_711 = arith.constant 3.000000e+38 : f32
    %broadcast_in_dim3A_712 = vector.broadcast %jit3A_711 : f32 to vector<100x100xf32>
    %select_n3A_713 = arith.select %eq3A_704, %broadcast_in_dim3A_712, %select_n3A_691 : vector<100x100xi1>, vector<100x100xf32>
    %reduce_min3A_714 = arith.constant dense<0x7F800000> : vector<100xf32>
    %reduce_min3A_715 = vector.multi_reduction <minimumf>, %select_n3A_713, %reduce_min3A_714 [1] : vector<100x100xf32> to vector<100xf32>
    %broadcast_in_dim3A_716 = vector.shape_cast %reduce_min3A_715 : vector<100xf32> to vector<100x1xf32>
    %le3A_717 = vector.broadcast %broadcast_in_dim3A_716 : vector<100x1xf32> to vector<100x100xf32>
    %le3A_718 = arith.cmpf ole, %select_n3A_713, %le3A_717 : vector<100x100xf32>
    %jit3A_719 = arith.constant 1000000 : i32
    %broadcast_in_dim3A_720 = vector.broadcast %jit3A_719 : i32 to vector<100x100xi32>
    %select_n3A_721 = arith.select %le3A_718, %iota3A_634, %broadcast_in_dim3A_720 : vector<100x100xi1>, vector<100x100xi32>
    %reduce_min3A_722 = arith.constant dense<2147483647> : vector<100xi32>
    %reduce_min3A_723 = vector.multi_reduction <minsi>, %select_n3A_721, %reduce_min3A_722 [1] : vector<100x100xi32> to vector<100xi32>
    %broadcast_in_dim3A_724 = vector.shape_cast %reduce_min3A_723 : vector<100xi32> to vector<100x1xi32>
    %eq3A_725 = vector.broadcast %broadcast_in_dim3A_724 : vector<100x1xi32> to vector<100x100xi32>
    %eq3A_726 = arith.cmpi eq, %iota3A_634, %eq3A_725 : vector<100x100xi32>
    %jit3A_727 = arith.constant 3.000000e+38 : f32
    %broadcast_in_dim3A_728 = vector.broadcast %jit3A_727 : f32 to vector<100x100xf32>
    %select_n3A_729 = arith.select %eq3A_726, %broadcast_in_dim3A_728, %select_n3A_713 : vector<100x100xi1>, vector<100x100xf32>
    %reduce_min3A_730 = arith.constant dense<0x7F800000> : vector<100xf32>
    %reduce_min3A_731 = vector.multi_reduction <minimumf>, %select_n3A_729, %reduce_min3A_730 [1] : vector<100x100xf32> to vector<100xf32>
    %broadcast_in_dim3A_732 = vector.shape_cast %reduce_min3A_731 : vector<100xf32> to vector<100x1xf32>
    %le3A_733 = vector.broadcast %broadcast_in_dim3A_732 : vector<100x1xf32> to vector<100x100xf32>
    %le3A_734 = arith.cmpf ole, %select_n3A_729, %le3A_733 : vector<100x100xf32>
    %jit3A_735 = arith.constant 1000000 : i32
    %broadcast_in_dim3A_736 = vector.broadcast %jit3A_735 : i32 to vector<100x100xi32>
    %select_n3A_737 = arith.select %le3A_734, %iota3A_634, %broadcast_in_dim3A_736 : vector<100x100xi1>, vector<100x100xi32>
    %reduce_min3A_738 = arith.constant dense<2147483647> : vector<100xi32>
    %reduce_min3A_739 = vector.multi_reduction <minsi>, %select_n3A_737, %reduce_min3A_738 [1] : vector<100x100xi32> to vector<100xi32>
    %broadcast_in_dim3A_740 = vector.shape_cast %reduce_min3A_739 : vector<100xi32> to vector<100x1xi32>
    %eq3A_741 = vector.broadcast %broadcast_in_dim3A_740 : vector<100x1xi32> to vector<100x100xi32>
    %eq3A_742 = arith.cmpi eq, %iota3A_634, %eq3A_741 : vector<100x100xi32>
    %jit3A_743 = arith.constant 1.000000e+00 : f32
    %jit3A_744 = arith.constant 0.000000e+00 : f32
    %broadcast_in_dim3A_745 = vector.broadcast %jit3A_743 : f32 to vector<100x100xf32>
    %broadcast_in_dim3A_746 = vector.broadcast %jit3A_744 : f32 to vector<100x100xf32>
    %select_n3A_747 = arith.select %eq3A_742, %broadcast_in_dim3A_745, %broadcast_in_dim3A_746 : vector<100x100xi1>, vector<100x100xf32>
    %add3A_748 = arith.addf %add3A_710, %select_n3A_747 : vector<100x100xf32>
    %jit3A_749 = arith.constant 3.000000e+38 : f32
    %broadcast_in_dim3A_750 = vector.broadcast %jit3A_749 : f32 to vector<100x100xf32>
    %select_n3A_751 = arith.select %eq3A_742, %broadcast_in_dim3A_750, %select_n3A_729 : vector<100x100xi1>, vector<100x100xf32>
    %reduce_min3A_752 = arith.constant dense<0x7F800000> : vector<100xf32>
    %reduce_min3A_753 = vector.multi_reduction <minimumf>, %select_n3A_751, %reduce_min3A_752 [1] : vector<100x100xf32> to vector<100xf32>
    %broadcast_in_dim3A_754 = vector.shape_cast %reduce_min3A_753 : vector<100xf32> to vector<100x1xf32>
    %le3A_755 = vector.broadcast %broadcast_in_dim3A_754 : vector<100x1xf32> to vector<100x100xf32>
    %le3A_756 = arith.cmpf ole, %select_n3A_751, %le3A_755 : vector<100x100xf32>
    %jit3A_757 = arith.constant 1000000 : i32
    %broadcast_in_dim3A_758 = vector.broadcast %jit3A_757 : i32 to vector<100x100xi32>
    %select_n3A_759 = arith.select %le3A_756, %iota3A_634, %broadcast_in_dim3A_758 : vector<100x100xi1>, vector<100x100xi32>
    %reduce_min3A_760 = arith.constant dense<2147483647> : vector<100xi32>
    %reduce_min3A_761 = vector.multi_reduction <minsi>, %select_n3A_759, %reduce_min3A_760 [1] : vector<100x100xi32> to vector<100xi32>
    %broadcast_in_dim3A_762 = vector.shape_cast %reduce_min3A_761 : vector<100xi32> to vector<100x1xi32>
    %eq3A_763 = vector.broadcast %broadcast_in_dim3A_762 : vector<100x1xi32> to vector<100x100xi32>
    %eq3A_764 = arith.cmpi eq, %iota3A_634, %eq3A_763 : vector<100x100xi32>
    %jit3A_765 = arith.constant 3.000000e+38 : f32
    %broadcast_in_dim3A_766 = vector.broadcast %jit3A_765 : f32 to vector<100x100xf32>
    %select_n3A_767 = arith.select %eq3A_764, %broadcast_in_dim3A_766, %select_n3A_751 : vector<100x100xi1>, vector<100x100xf32>
    %reduce_min3A_768 = arith.constant dense<0x7F800000> : vector<100xf32>
    %reduce_min3A_769 = vector.multi_reduction <minimumf>, %select_n3A_767, %reduce_min3A_768 [1] : vector<100x100xf32> to vector<100xf32>
    %broadcast_in_dim3A_770 = vector.shape_cast %reduce_min3A_769 : vector<100xf32> to vector<100x1xf32>
    %le3A_771 = vector.broadcast %broadcast_in_dim3A_770 : vector<100x1xf32> to vector<100x100xf32>
    %le3A_772 = arith.cmpf ole, %select_n3A_767, %le3A_771 : vector<100x100xf32>
    %jit3A_773 = arith.constant 1000000 : i32
    %broadcast_in_dim3A_774 = vector.broadcast %jit3A_773 : i32 to vector<100x100xi32>
    %select_n3A_775 = arith.select %le3A_772, %iota3A_634, %broadcast_in_dim3A_774 : vector<100x100xi1>, vector<100x100xi32>
    %reduce_min3A_776 = arith.constant dense<2147483647> : vector<100xi32>
    %reduce_min3A_777 = vector.multi_reduction <minsi>, %select_n3A_775, %reduce_min3A_776 [1] : vector<100x100xi32> to vector<100xi32>
    %broadcast_in_dim3A_778 = vector.shape_cast %reduce_min3A_777 : vector<100xi32> to vector<100x1xi32>
    %eq3A_779 = vector.broadcast %broadcast_in_dim3A_778 : vector<100x1xi32> to vector<100x100xi32>
    %eq3A_780 = arith.cmpi eq, %iota3A_634, %eq3A_779 : vector<100x100xi32>
    %jit3A_781 = arith.constant 1.000000e+00 : f32
    %jit3A_782 = arith.constant 0.000000e+00 : f32
    %broadcast_in_dim3A_783 = vector.broadcast %jit3A_781 : f32 to vector<100x100xf32>
    %broadcast_in_dim3A_784 = vector.broadcast %jit3A_782 : f32 to vector<100x100xf32>
    %select_n3A_785 = arith.select %eq3A_780, %broadcast_in_dim3A_783, %broadcast_in_dim3A_784 : vector<100x100xi1>, vector<100x100xf32>
    %add3A_786 = arith.addf %add3A_748, %select_n3A_785 : vector<100x100xf32>
    %get3A_787 = arith.constant 3 : index
    %get3A_788 = arith.constant 0 : index
    %get3A_789 = arith.constant 0 : index
    %get3A_790 = vector.load %arg2[%get3A_787, %get3A_788, %get3A_789] : memref<4x100x128xf32, #tpu.memory_space<vmem>>, vector<1x100x128xf32>
    %get3A_791 = vector.shape_cast %get3A_790 : vector<1x100x128xf32> to vector<100x128xf32>
    %convert_element_type3A_792 = arith.truncf %get3A_791 : vector<100x128xf32> to vector<100x128xbf16>
    %convert_element_type3A_793 = arith.truncf %get3A_1 : vector<128x256xf32> to vector<128x256xbf16>
    %dot_general3A_794 = arith.constant dense<0.000000e+00> : vector<100x256xf32>
    %dot_general3A_795 = tpu.matmul %convert_element_type3A_792, %convert_element_type3A_793, %dot_general3A_794 {dimension_numbers = #tpu.dot_dimension_numbers<[1], [0], [0], [1], [0, 0, 1, 1], [], []>, transpose_lhs_hint = false} : vector<100x128xbf16>, vector<128x256xbf16>, vector<100x256xf32> -> vector<100x256xf32>
    %dot_general3A_796 = arith.constant dense<0.000000e+00> : vector<100x256xf32>
    %dot_general3A_797 = tpu.matmul %add3A_786, %dot_general3A_795, %dot_general3A_796 {dimension_numbers = #tpu.dot_dimension_numbers<[1], [0], [0], [1], [0, 0, 1, 1], [], []>, precision = #tpu.contract_precision<fp32>, transpose_lhs_hint = false} : vector<100x100xf32>, vector<100x256xf32>, vector<100x256xf32> -> vector<100x256xf32>
    %mul3A_798 = arith.constant 2.000000e-01 : f32
    %mul3A_799 = vector.broadcast %mul3A_798 : f32 to vector<100x256xf32>
    %mul3A_800 = arith.mulf %dot_general3A_797, %mul3A_799 : vector<100x256xf32>
    %add3A_801 = vector.broadcast %get3A_4 : vector<1x256xf32> to vector<100x256xf32>
    %add3A_802 = arith.addf %mul3A_800, %add3A_801 : vector<100x256xf32>
    %tanh3A_803 = math.tanh %add3A_802 : vector<100x256xf32>
    %add3A_804 = arith.addf %get3A_615, %tanh3A_803 : vector<100x256xf32>
    %convert_element_type3A_805 = arith.truncf %add3A_804 : vector<100x256xf32> to vector<100x256xbf16>
    %dot_general3A_806 = arith.constant dense<0.000000e+00> : vector<100x100xf32>
    %dot_general3A_807 = tpu.matmul %convert_element_type3A_805, %convert_element_type3A_805, %dot_general3A_806 {dimension_numbers = #tpu.dot_dimension_numbers<[1], [1], [0], [0], [0, 0, 1, 0], [], []>, transpose_lhs_hint = false} : vector<100x256xbf16>, vector<100x256xbf16>, vector<100x100xf32> -> vector<100x100xf32>
    %jit3A_808 = arith.constant 0.000000e+00 : f32
    %broadcast_in_dim3A_809 = vector.broadcast %jit3A_808 : f32 to vector<100x100xf32>
    %select_n3A_810 = arith.select %eq3A, %broadcast_in_dim3A_809, %dot_general3A_807 : vector<100x100xi1>, vector<100x100xf32>
    %swap3A_811 = arith.constant 3 : index
    %swap3A_812 = arith.constant 0 : index
    %swap3A_813 = arith.constant 0 : index
    %swap3A_814 = vector.load %arg5[%swap3A_811, %swap3A_812, %swap3A_813] : memref<4x100x100xf32, #tpu.memory_space<vmem>>, vector<1x100x100xf32>
    %swap3A_815 = vector.shape_cast %swap3A_814 : vector<1x100x100xf32> to vector<100x100xf32>
    %swap3A_816 = vector.shape_cast %select_n3A_810 : vector<100x100xf32> to vector<1x100x100xf32>
    tpu.vector_store %arg5[%swap3A_811, %swap3A_812, %swap3A_813], %swap3A_816 {strides = array<i32>} : memref<4x100x100xf32, #tpu.memory_space<vmem>>, vector<1x100x100xf32>,
    return
  }
  func.func @transform_0(%arg0: i32) -> (i32, i32, i32) {
    %c0_i32 = arith.constant 0 : i32
    %c0_i32_0 = arith.constant 0 : i32
    %c0_i32_1 = arith.constant 0 : i32
    return %arg0, %c0_i32, %c0_i32_0 : i32, i32, i32
  }
  func.func @transform_1(%arg0: i32) -> (i32, i32, i32) {
    %c0_i32 = arith.constant 0 : i32
    %c0_i32_0 = arith.constant 0 : i32
    %c0_i32_1 = arith.constant 0 : i32
    return %arg0, %c0_i32, %c0_i32_0 : i32, i32, i32
  }
  func.func @transform_2(%arg0: i32) -> (i32, i32) {
    %c0_i32 = arith.constant 0 : i32
    %c0_i32_0 = arith.constant 0 : i32
    %c0_i32_1 = arith.constant 0 : i32
    return %c0_i32, %c0_i32_0 : i32, i32
  }
  func.func @transform_3(%arg0: i32) -> (i32, i32) {
    %c0_i32 = arith.constant 0 : i32
    %c0_i32_0 = arith.constant 0 : i32
    %c0_i32_1 = arith.constant 0 : i32
    return %c0_i32, %c0_i32_0 : i32, i32
  }
  func.func @transform_4(%arg0: i32) -> (i32, i32, i32) {
    %c0_i32 = arith.constant 0 : i32
    %c0_i32_0 = arith.constant 0 : i32
    %c0_i32_1 = arith.constant 0 : i32
    return %arg0, %c0_i32, %c0_i32_0 : i32, i32, i32
  }
}

</mosaic_0001>

<sc_bundles>
// kernel: kernel.10.cloned.1.call-start
scs
__scs_entry_jumppad:
0x0: {  	(pc) =	sbr.rel $0x88, $3  }
0x1: {  	(tag) =	ssettag $0x0;
	lr =	simm.s32 $0x1  }
0x2: {  	[smem:$0x3F99] =	sst lr;
	_ =	strace $0xD0000000  }
0x3: {  	_ = 	snop  }
0x4: {  	_ = 	snop  }
0x5: {  	_ = 	snop  }
0x6: {  	_ = 	snop  }
0x7: {  	_ = 	snop  }
__scs_overlays_trampoline_lowered:
0x8: {  	[smem:$0x3FA8] =	sst s0  }
0x9: {  	[smem:$0x3FA9] =	sst s1  }
0xa: {  	[smem:$0x3FAA] =	sst s2  }
0xb: {  	[smem:$0x3FAB] =	sst s3  }
0xc: {  	[smem:$0x3FAC] =	sst s4  }
0xd: {  	[smem:$0x3FAD] =	sst s5  }
0xe: {  	[smem:$0x3FAE] =	sst s6  }
0xf: {  	[smem:$0x3FAF] =	sst s7  }
0x10: {  	[smem:$0x3FB0] =	sst s8  }
0x11: {  	[smem:$0x3FB1] =	sst s9;
	s0 =	simm.s32 @!p0 $0x0  }
0x12: {  	s1 =	sld [smem:$0x3F97];
	s0 =	simm.s32 @p0 $0x1  }
0x13: {  	[smem:$0x3FB2] =	sst s0;
	s0 =	simm.s32 @!p1 $0x0  }
0x14: {  	s2 =	sld [smem:$0x3F96];
	s0 =	simm.s32 @p1 $0x1  }
0x15: {  	[smem:$0x3FB3] =	sst s0;
	s0 =	simm.s32 @!p2 $0x0  }
0x16: {  	s3 =	sld [smem:$0x3FDB];
	s0 =	simm.s32 @p2 $0x1  }
0x17: {  	s4 =	simm.s32 $0x1BF5;
	[smem:$0x3FB5] =	sst s0  }
0x18: {  	s0 =	sld [smem:$0x3F98];
	_ =	swait.ge [sflag:s4], $0x0  }
0x19: {  	s7 =	sld [smem:$0x3F99]  }
0x1a: {  	s8 =	sadd.s32 $0xFFFFE003, lr  }
0x1b: {  	s9 =	sadd.s32 $0xFFFFFEF7, lr;
	s5 =	simm.s32 $0xFFFFFFFF;
	p2 =	slt.u32 s8, $0xFFFFF086  }
0x1c: {  	p1 =	slt.u32 s9, $0xF7A;
	s5 =	simm.s32 @!p2 $0x0  }
0x1d: {  	s5 =	simm.s32 @p1 $0x1;
	p0 =	seq.s32 s7, s2  }
0x1e: {  	s7 =	smul.u32 @!p0 $0xF7A, s2;
	p2 =	seq.s32 @!p0 s5, $0x0  }
0x1f: {  	s9 =	smul.u32 $0xF7A, s1;
	s8 =	simm.s32 @!p0 $0x1BF5;
	p2 =	por !p2, p0  }
0x20: {  	[sflag:s8] =	ssyncset.s32 @!p0 $0xFFFFF086;
	s6 =	sadd.s32 @!p0 s3, s7;
	s7 =	simm.s32 @!p0 $0x108  }
0x21: {  	s3 =	sadd.s32 s3, s9;
	s6 =	sadd.s32 @!p0 $0x88, s6;
	s7 =	simm.s32 @p2 $0x1082  }
0x22: {  	[simem:s7], [sflag:s8] =	dma.local @!p0 [hbm:s6], $0xF7A  }
0x23: {  	s9 =	sor.u32 $0xD0000000, s2;
	s6 =	simm.s32 $0x108;
	_ =	swait.ge @!p0 [sflag:s8], $0x0  }
0x24: {  	s3 =	sadd.s32 $0x88, s3;
	s6 =	simm.s32 @!p1 $0x1082;
	[sflag:s4] =	ssyncset.s32 $0xFFFFF086  }
0x25: {  	[simem:s6], [sflag:s4] =	dma.local [hbm:s3], $0xF7A  }
0x26: {  	[smem:$0x3F99] =	sst s1;
	(tag) =	ssettag s2;
	_ =	strace s9  }
0x27: {  	s1 =	sld [smem:$0x3FA9]  }
0x28: {  	s2 =	sld [smem:$0x3FAA]  }
0x29: {  	s4 =	sld [smem:$0x3FAC]  }
0x2a: {  	p0 =	seq.s32 s5, $0x0;
	s5 =	sld [smem:$0x3FAD]  }
0x2b: {  	s6 =	sld [smem:$0x3FAE]  }
0x2c: {  	s7 =	sld [smem:$0x3FAF]  }
0x2d: {  	s3 =	simm.s32 $0x108;
	s8 =	sld [smem:$0x3FB0]  }
0x2e: {  	s3 =	simm.s32 @!p0 $0x1082;
	s9 =	sld [smem:$0x3FB1]  }
0x2f: {  	lr =	sadd.s32 s0, s3;
	s0 =	sld [smem:$0x3FA8]  }
0x30: {  	s3 =	sld [smem:$0x3FAB]  }
0x31: {  	[smem:$0x3FB4] =	sst s10  }
0x32: {  	s10 =	sld [smem:$0x3FB2];
	_ =	sdelay $0x3  }
0x33: {  	p0 =	seq.s32 s10, $0x1;
	s10 =	sld [smem:$0x3FB4];
	_ =	sdelay $0x3  }
0x34: {  	[smem:$0x3FB4] =	sst s10  }
0x35: {  	s10 =	sld [smem:$0x3FB3];
	_ =	sdelay $0x3  }
0x36: {  	p1 =	seq.s32 s10, $0x1;
	s10 =	sld [smem:$0x3FB4];
	_ =	sdelay $0x3  }
0x37: {  	[smem:$0x3FB4] =	sst s10  }
0x38: {  	s10 =	sld [smem:$0x3FB5]  }
0x39: {  	_ = 	snop;
	(pc) =	sbr.ind lr, $3  }
0x3a: {  	_ = 	snop  }
0x3b: {  	_ = 	snop  }
0x3c: {  	p2 =	seq.s32 s10, $0x1;
	s10 =	sld [smem:$0x3FB4]  }
0x3d: {  	_ =	shalt  }
0x3e: {  	_ =	shalt  }
0x3f: {  	_ =	shalt  }
0x40: {  	_ =	shalt  }
0x41: {  	_ =	shalt  }
0x42: {  	_ =	shalt  }
0x43: {  	_ =	shalt  }
0x44: {  	_ =	shalt  }
0x45: {  	_ =	shalt  }
0x46: {  	_ =	shalt  }
0x47: {  	_ =	shalt  }
0x48: {  	_ =	shalt  }
0x49: {  	_ =	shalt  }
0x4a: {  	_ =	shalt  }
0x4b: {  	_ =	shalt  }
0x4c: {  	_ =	shalt  }
0x4d: {  	_ =	shalt  }
0x4e: {  	_ =	shalt  }
0x4f: {  	_ =	shalt  }
0x50: {  	_ =	shalt  }
0x51: {  	_ =	shalt  }
0x52: {  	_ =	shalt  }
0x53: {  	_ =	shalt  }
0x54: {  	_ =	shalt  }
0x55: {  	_ =	shalt  }
0x56: {  	_ =	shalt  }
0x57: {  	_ =	shalt  }
0x58: {  	_ =	shalt  }
0x59: {  	_ =	shalt  }
0x5a: {  	_ =	shalt  }
0x5b: {  	_ =	shalt  }
0x5c: {  	_ =	shalt  }
0x5d: {  	_ =	shalt  }
0x5e: {  	_ =	shalt  }
0x5f: {  	_ =	shalt  }
0x60: {  	_ =	shalt  }
0x61: {  	_ =	shalt  }
0x62: {  	_ =	shalt  }
0x63: {  	_ =	shalt  }
0x64: {  	_ =	shalt  }
0x65: {  	_ =	shalt  }
0x66: {  	_ =	shalt  }
0x67: {  	_ =	shalt  }
0x68: {  	_ =	shalt  }
0x69: {  	_ =	shalt  }
0x6a: {  	_ =	shalt  }
0x6b: {  	_ =	shalt  }
0x6c: {  	_ =	shalt  }
0x6d: {  	_ =	shalt  }
0x6e: {  	_ =	shalt  }
0x6f: {  	_ =	shalt  }
0x70: {  	_ =	shalt  }
0x71: {  	_ =	shalt  }
0x72: {  	_ =	shalt  }
0x73: {  	_ =	shalt  }
0x74: {  	_ =	shalt  }
0x75: {  	_ =	shalt  }
0x76: {  	_ =	shalt  }
0x77: {  	_ =	shalt  }
0x78: {  	_ =	shalt  }
0x79: {  	_ =	shalt  }
0x7a: {  	_ =	shalt  }
0x7b: {  	_ =	shalt  }
0x7c: {  	_ =	shalt  }
0x7d: {  	_ =	shalt  }
0x7e: {  	_ =	shalt  }
0x7f: {  	_ =	shalt  }
0x80: {  	_ =	shalt  }
0x81: {  	_ =	shalt  }
0x82: {  	_ =	shalt  }
0x83: {  	_ =	shalt  }
0x84: {  	_ =	shalt  }
0x85: {  	_ =	shalt  }
0x86: {  	_ =	shalt  }
0x87: {  	_ =	shalt  }
.Lfunc_end0:
.L_simem_size_0:
called_computation_lowered:
.L_overlay_start_0:
0x88: {  	s2 =	sld [smem:$0x3FD9]  }
0x89: {  	s3 =	sld [smem:$0x3FFE];
	_ =	sdelay $0x1  }
0x8a: {  	s1 =	srdreg.scid  }
0x8b: {  	s0 =	sand.u32 $0x1, s1  }
0x8c: {  	s14 =	sshll.u32 s0, $0xA;
	s2 =	sadd.s32 s3, s2  }
0x8d: {  	s2 =	sadd.s32 s2, s14  }
0x8e: {  	[smem:$0x3FC0] =	sst s2  }
0x8f: {  	_ = 	snop  }
0x90: {  	s2 =	sld [smem:$0x3FD0];
	_ =	sdelay $0x2  }
0x91: {  	s15 =	simm.s32 $0xA;
	s4 =	simm.s32 $0x10  }
0x92: {  	[smem:s4], [sflag:s15] =	dma.local [hbm:s2], $0x1  }
0x93: {  	_ =	swait.eq [sflag:s15], $0x1  }
0x94: {  	[sflag:s15] =	ssyncset.done $0x0  }
0x95: {  	[sflag:s15] =	ssyncadd.s32 $0xFFFFFFFF  }
0x96: {  	s16 =	sld [smem:$0x10];
	(tm) =	ssettm $0x1  }
0x97: {  	s17 =	sld [smem:$0x3FFB];
	_ =	sdelay $0x3  }
0x98: {  	_ =	strace s17  }
0x99: {  	s3 =	sld [smem:$0x3FFC];
	_ =	sdelay $0x3  }
0x9a: {  	_ =	strace s3  }
0x9b: {  	s3 =	sld [smem:$0x3FFD];
	_ =	sdelay $0x3  }
0x9c: {  	_ =	strace s3  }
0x9d: {  	_ =	strace $0x8FFFFFFF  }
0x9e: {  	s18 =	sld [smem:$0x3FDB];
	_ =	sdelay $0x1  }
0x9f: {  	s19 =	simm.s32 $_scs_section_size  }
0xa0: {  	s5 =	simm.s32 $_size__tile_overlayer_lowered;
	s6 =	simm.s32 $_tile_overlayer_lowered  }
0xa1: {  	s22 =	simm.s32 $0x1BFF;
	s21 =	sshll.u32 s6, $0x1;
	s3 =	sadd.s32 s19, s18  }
0xa2: {  	s7 =	simm.s32 $0x0;
	s20 =	sshll.u32 s5, $0x1;
	s5 =	sadd.s32 s21, s3  }
0xa3: {  	[timem:s7], [sflag:s22] =	dma.local [hbm:s5], s20  }
0xa4: {  	_ =	swait.ge [sflag:s22], s20  }
0xa5: {  	s4 =	ssub.s32 $0x0, s20;
	[sflag:s22] =	ssyncset.done $0x0  }
0xa6: {  	[sflag:s22] =	ssyncadd.s32 s4;
	_ =	sdelay $0x1  }
0xa7: {  	s23 =	simm.s32 $0x1B8B  }
0xa8: {  	_ =	swait.ge [sflag:s23], $0x1  }
0xa9: {  	[sflag:s23] =	ssyncset.done $0x0  }
0xaa: {  	s25 =	simm.s32 $0x1B8E;
	s24 =	sld [smem:$0x3FFE];
	[sflag:s23] =	ssyncadd.s32 $0xFFFFFFFF  }
0xab: {  	s26 =	simm.s32 $execute0_lowered;
	[smem:$0x3FD2] =	sst s25  }
0xac: {  	s5 =	sshll.u32 s26, $0x1;
	_ =	strace $0x80000046;
	[dreg:$0x1] =	wrdreg $0xFFFFFFFF  }
0xad: {  	s28 =	simm.s32 $_size_execute0_lowered;
	s3 =	sadd.s32 s3, s5;
	[dreg:$0x0] =	wrdreg $0x0  }
0xae: {  	s5 =	sshll.u32 s28, $0x1;
	[dreg:$0x2] =	wrdreg s3  }
0xaf: {  	[dreg:$0x3] =	wrdreg s5  }
0xb0: {  	[dreg:$0x4] =	wrdreg $0xC0  }
0xb1: {  	_ =	task [dreg:s7], $0x5FFFF  }
0xb2: {  	[dreg:$0x1] =	wrdreg $0xFFFFFFFF  }
0xb3: {  	[dreg:$0x0] =	wrdreg $0x60  }
0xb4: {  	[dreg:$0x2] =	wrdreg s24  }
0xb5: {  	[dreg:$0x3] =	wrdreg s16  }
0xb6: {  	[dreg:$0x4] =	wrdreg $0x9  }
0xb7: {  	_ =	task.clear_ibuf [dreg:s7], $0x5FFFF;
	_ =	strace $0x90000046  }
0xb8: {  	s29 =	simm.s32 $0x9;
	_ =	strace $0x80000048  }
0xb9: {  	_ =	swait.ge [sflag:s29], $0x1  }
0xba: {  	[sflag:s29] =	ssyncadd.s32 $0xFFFFFFFF  }
0xbb: {  	_ =	strace $0x90000048  }
0xbc: {  	_ =	sfence  }
0xbd: {  	s30 =	sld [smem:$0x0];
	_ =	sdelay $0x2  }
0xbe: {  	s31 =	sshll.u32 s1, $0xD;
	s1 =	sshrl.u32 s1, $0x2  }
0xbf: {  	s3 =	sand.u32 $0x4000, s31;
	s1 =	sadd.s32 s1, s30  }
0xc0: {  	s0 =	sor.u32 s3, s0;
	s1 =	sshll.u32 s1, $0x11  }
0xc1: {  	s0 =	sor.u32 s1, s0  }
0xc2: {  	s0 =	sadd.s32 $0x8F2B, s0  }
0xc3: {  	[sflag:s0] =	ssyncadd.remote.s32 $0x1  }
0xc4: {  	_ =	sfence.sel $0xFFFF  }
0xc5: {  	[dreg:$0x0] =	wrdreg $0xFFFFFFFF;
	(pc) =	sbr.abs _section_cstart, $3  }
0xc6: {  	[dreg:$0x1] =	wrdreg $0xFFFFFFFF  }
0xc7: {  	_ =	task.clear_ibuf [dreg:s7], $0x2FFFF;
	_ =	strace $0x9FFFFFFF  }
0xc8: {  	(tm) =	ssettm $0x7FFFFFFF  }
0xc9: {  	_ =	shalt  }
tec
execute0_lowered:
.L_overlay_start_1:
0x0: {  	(tag) =	ssettag $0x1  }
0x1: {  	s3 =	rddreg [dreg:$0x0]  }
0x2: {  	s4 =	rddreg [dreg:$0x1]  }
0x3: {  	s1 =	srdreg.scid;
	s0 =	stileid.u32  }
0x4: {  	v0 =	vimm.s32 $0xECA86420;
	vm0 =	vcmask $0xB08;
	s25 =	simm.s32 $0x0;
	s5 =	sand.u32 $0x1, s1;
	s8 =	smul.u32 $0x3400, s0  }
0x5: {  	vm1 =	vcmask $0x1310;
	vm2 =	vcmask $0x1B18;
	vm3 =	vcmask $0x300;
	s6 =	sshll.u32 s5, $0x4;
	s7 =	smul.u32 $0x34000, s5;
	s5 =	ssub.s32 $0x2, s5  }
0x6: {  	vm4 =	vcmask $0x2320;
	vm5 =	vcmask $0x2B28;
	v2 =	vlaneseq.u32;
	[smem:$0x7FF] =	sst s25;
	s6 =	sor.u32 s0, s6;
	s26 =	sshrl.u32 s5, $0x1  }
0x7: {  	vm6 =	vcmask $0x3330;
	vm7 =	vcmask $0x3B38;
	vm8 =	vmmov $0xff;
	s6 =	smul.u32 $0x2780, s6;
	s7 =	sadd.s32 s8, s7;
	s5 =	ssub.s32 s5, s26  }
0x8: {  	vm9 =	vcmask $0x704;
	vm10 =	vcmask $0xF0C;
	vm11 =	vcmask $0x1714;
	_ =	strace $0x80000047;
	s28 =	sshrl.u32 s7, $0x3;
	s31 =	smax.u32 s5, $0x1  }
0x9: {  	vm12 =	vcmask $0x1F1C;
	vm13 =	vcmask $0x2724;
	v1 =	vunpack.c.l.s4.s8 v0;
	s3 =	sadd.s32 s6, s3;
	s30 =	sadd.s32 s4, s28;
	[dreg:$0x7] =	wrdreg s31  }
0xa: {  	vm14 =	vcmask $0x2F2C;
	vm15 =	vcmask $0x3734;
	v3 =	vimm.f32 $1.000000000e+00;
	s29 =	sadd.s32 $0x2400, s3;
	[dreg:$0x6] =	wrdreg s30  }
0xb: {  	s2 =	simm.s32 $0x0;
	v0 =	vimm.f32 $0.0e+00;
	v2 =	vmul.u32 $0x2, v2;
	s1 =	simm.s32 $0x1;
	v1 =	vunpack.c.0.s8.s32 v1;
	[dreg:$0x5] =	wrdreg s29  }
.LBB2_1:
0xc: {  	[dreg:$0x8] =	wrdreg s2;
	s9 =	simm.s32 $0x0;
	s10 =	simm.s32 $0x200  }
.LBB2_2:
0xd: {  	p0 =	sne.s32 s10, $0xC600;
	[tilespmem:s9+$0x13C70] =	vst v0  }
0xe: {  	[tilespmem:s9+$0x13C00] =	vst v0  }
0xf: {  	[tilespmem:s9+$0x13C10] =	vst v0  }
.Ltmp0:
0x10: {  	[tilespmem:s9+$0x13C20] =	vst v0;
	(pc) =	sbr.rel @p0 .LBB2_2-.Ltmp0, $4  }
0x11: {  	[tilespmem:s9+$0x13C30] =	vst v0  }
0x12: {  	[tilespmem:s9+$0x13C40] =	vst v0  }
0x13: {  	[tilespmem:s9+$0x13C50] =	vst v0  }
0x14: {  	[tilespmem:s9+$0x13C60] =	vst v0;
	s9 =	sshra.s32 s10, $0x2;
	s10 =	sadd.s32 $0x200, s10  }
0x15: {  	[tilespmem:s9+$0x13C70] =	vst v0  }
0x16: {  	[tilespmem:s9+$0x13C00] =	vst v0  }
0x17: {  	[tilespmem:s9+$0x13C10] =	vst v0  }
0x18: {  	[tilespmem:s9+$0x13C20] =	vst v0  }
0x19: {  	[tilespmem:s9+$0x13C30] =	vst v0  }
0x1a: {  	[tilespmem:s9+$0x13C40] =	vst v0  }
0x1b: {  	[tilespmem:s9+$0x13C50] =	vst v0  }
0x1c: {  	[tilespmem:s9+$0x13C60] =	vst v0;
	s2 =	simm.s32 $0x0;
	s0 =	rddreg [dreg:$0x5]  }
0x1d: {  	[tilespmem:s2], [sflag:$0x1] =	stream.linear.gather [hbm4b:s0+s2], $0x13880, $0x38;
	[tilespmem:$0x17000] =	vst v63  }
0x1e: {  	_ =	swait.ge [sflag:s1], $0x13880  }
0x1f: {  	[sflag:s1] =	ssyncset.done $0x0  }
0x20: {  	s3 =	simm.s32 $0x0;
	[sflag:s1] =	ssyncadd.s32 $0xFFFEC780  }
0x21: {  	v4 =	vld [tilespmem:s3+$0x0];
	_ =	sdelay $0x4  }
0x22: {  	(v2sf) =	vpush v4, $0x0  }
0x23: {  	(v2sf) =	vpush v4, $0x1  }
0x24: {  	(v2sf) =	vpush v4, $0x2;
	_ =	sdelay $0x1  }
0x25: {  	(v2sf) =	vpush v4, $0x7;
	_ =	sdelay $0x2  }
0x26: {  	(v2sf) =	vpush v4, $0x3;
	_ =	sdelay $0x1  }
0x27: {  	(v2sf) =	vpush v4, $0x4  }
0x28: {  	(v2sf) =	vpush v4, $0x6  }
0x29: {  	(v2sf) =	vpush v4, $0xC  }
0x2a: {  	(v2sf) =	vpush v4, $0xD;
	_ =	sdelay $0x1  }
0x2b: {  	(v2sf) =	vpush v4, $0xE  }
0x2c: {  	s11 =	spop (v2sf)  }
0x2d: {  	(v2sf) =	vpush v4, $0x8;
	s9 =	smulhi.u32 $0x51EB851F, s11;
	s10 =	spop (v2sf)  }
0x2e: {  	(v2sf) =	vpush v4, $0xF;
	s12 =	smulhi.u32 $0x51EB851F, s10;
	s13 =	spop (v2sf)  }
0x2f: {  	s10 =	sshra.s32 s10, $0x1F;
	s15 =	smulhi.u32 $0x51EB851F, s13  }
0x30: {  	s14 =	spop (v2sf);
	s17 =	smul.u32 $0x51EB851F, s10  }
0x31: {  	s13 =	sshra.s32 s13, $0x1F;
	s18 =	smulhi.u32 $0x51EB851F, s14  }
0x32: {  	(v2sf) =	vpush v4, $0x9;
	s14 =	sshra.s32 s14, $0x1F;
	s13 =	smul.u32 $0x51EB851F, s13  }
0x33: {  	s16 =	spop (v2sf);
	s20 =	smul.u32 $0x51EB851F, s14  }
0x34: {  	(v2sf) =	vpush v4, $0xA;
	s24 =	smulhi.u32 $0x51EB851F, s16;
	s16 =	sshra.s32 s16, $0x1F  }
0x35: {  	s11 =	sshra.s32 s11, $0x1F;
	(v2sf) =	vpush v4, $0x5;
	s19 =	spop (v2sf);
	s7 =	smul.u32 $0x51EB851F, s16  }
0x36: {  	(v2sf) =	vpush v4, $0xB;
	s4 =	sshra.s32 s19, $0x1F;
	s10 =	spop (v2sf);
	s19 =	smulhi.u32 $0x51EB851F, s19  }
0x37: {  	s26 =	sadd.s32 s17, s12;
	s21 =	spop (v2sf);
	s22 =	smul.u32 $0x51EB851F, s4  }
0x38: {  	s23 =	spop (v2sf);
	s5 =	sshra.s32 s21, $0x1F;
	s21 =	smulhi.u32 $0x51EB851F, s21  }
0x39: {  	s14 =	sshrl.u32 s26, $0x1F;
	s13 =	sadd.s32 s13, s15;
	s25 =	smulhi.u32 $0x51EB851F, s23  }
0x3a: {  	s30 =	sshra.s32 s26, $0x1F;
	s6 =	spop (v2sf);
	s28 =	smul.u32 $0x51EB851F, s5  }
0x3b: {  	s17 =	sshra.s32 s13, $0x5;
	s23 =	sshra.s32 s23, $0x1F;
	s29 =	smulhi.u32 $0x51EB851F, s6  }
0x3c: {  	s31 =	spop (v2sf);
	s23 =	smul.u32 $0x51EB851F, s23;
	s3 =	sshra.s32 s6, $0x1F  }
0x3d: {  	s15 =	sshrl.u32 s13, $0x1F;
	s8 =	spop (v2sf);
	s3 =	smul.u32 $0x51EB851F, s3  }
0x3e: {  	s16 =	sshra.s32 s13, $0x1F;
	s2 =	smulhi.u32 $0x51EB851F, s8;
	s1 =	sshra.s32 s8, $0x1F  }
0x3f: {  	s0 =	sadd.s32 s7, s24;
	s21 =	sadd.s32 s28, s21;
	s1 =	smul.u32 $0x51EB851F, s1  }
0x40: {  	s28 =	sshrl.u32 s0, $0x1F;
	s23 =	sadd.s32 s23, s25;
	s3 =	sadd.s32 s3, s29  }
0x41: {  	s29 =	sshra.s32 s0, $0x5;
	s4 =	spop (v2sf);
	s12 =	sadd.s32 s1, s2  }
0x42: {  	s2 =	sshra.s32 s21, $0x5;
	s5 =	sshra.s32 s4, $0x1F;
	s13 =	smulhi.u32 $0x51EB851F, s4  }
0x43: {  	s4 =	sshrl.u32 s21, $0x1F;
	s25 =	spop (v2sf);
	s6 =	smul.u32 $0x51EB851F, s5  }
0x44: {  	s21 =	sshra.s32 s23, $0x5;
	s24 =	spop (v2sf);
	s5 =	smul.u32 $0x51EB851F, s11  }
0x45: {  	s11 =	sadd.s32 s20, s18;
	s1 =	smulhi.u32 $0x51EB851F, s25;
	s7 =	spop (v2sf)  }
0x46: {  	s20 =	sadd.s32 s22, s19;
	s5 =	sadd.s32 s5, s9;
	s8 =	smulhi.u32 $0x51EB851F, s7  }
0x47: {  	s18 =	sshra.s32 s7, $0x1F;
	s22 =	sadd.s32 s6, s13;
	s6 =	sshrl.u32 s23, $0x1F  }
0x48: {  	s23 =	sshra.s32 s11, $0x1F;
	s7 =	sshra.s32 s24, $0x1F;
	s13 =	smulhi.u32 $0x51EB851F, s24  }
0x49: {  	s18 =	smul.u32 $0x51EB851F, s18;
	v5 =	vmov s23;
	s19 =	sshra.s32 s5, $0x5;
	s23 =	sshra.s32 s26, $0x5  }
0x4a: {  	s24 =	sshra.s32 s5, $0x1F;
	s26 =	sshra.s32 s31, $0x1F;
	s31 =	smulhi.u32 $0x51EB851F, s31;
	v5 =	vsel vm3, s19, v5  }
0x4b: {  	s0 =	sshra.s32 s0, $0x1F;
	s5 =	sshrl.u32 s5, $0x1F;
	s9 =	smul.u32 $0x51EB851F, s26;
	v5 =	vsel vm9, s24, v5  }
0x4c: {  	v6 =	vmov s5;
	s19 =	sshra.s32 s20, $0x1F;
	s26 =	sshra.s32 s22, $0x5;
	s8 =	sadd.s32 s18, s8;
	v5 =	vsel vm0, s23, v5  }
0x4d: {  	s24 =	sshra.s32 s25, $0x1F;
	s18 =	sshrl.u32 s12, $0x1F;
	s25 =	sshra.s32 s20, $0x5;
	v6 =	vnsel vm3, $0x0, v6;
	v5 =	vsel vm10, s30, v5  }
0x4e: {  	s23 =	smul.u32 $0x51EB851F, s7;
	s7 =	simm.s32 $0x200;
	v6 =	vsel vm0, s14, v6;
	s14 =	sshrl.u32 s20, $0x1F;
	v5 =	vsel vm1, s17, v5  }
0x4f: {  	v8 =	vmov s2;
	v7 =	vmov s4;
	s20 =	sshra.s32 s8, $0x5;
	s30 =	sadd.s32 s9, s31;
	s17 =	smul.u32 $0x51EB851F, s24;
	v9 =	vsel vm11, s16, v5  }
0x50: {  	v6 =	vsel vm1, s15, v6;
	s15 =	sshrl.u32 s3, $0x1F;
	s24 =	sshrl.u32 s22, $0x1F;
	s22 =	sshra.s32 s10, $0x1F;
	v5 =	vsel vm0, s21, v8;
	v8 =	vsel vm2, s29, v9  }
0x51: {  	v7 =	vsel vm0, s6, v7;
	v6 =	vsel vm2, s28, v6;
	s16 =	sshrl.u32 s8, $0x1F;
	s21 =	sadd.s32 s17, s1;
	s17 =	sshra.s32 s3, $0x5;
	v8 =	vsel vm12, s0, v8  }
.LBB2_4:
0x52: {  	v7 =	vsel vm1, s15, v7;
	s0 =	sshrl.u32 s30, $0x1F;
	s1 =	smul.u32 $0x51EB851F, s22;
	v8 =	vsel vm4, s25, v8;
	v5 =	vsel vm1, s17, v5  }
0x53: {  	s2 =	sshra.s32 s30, $0x5;
	s3 =	smulhi.u32 $0x51EB851F, s10;
	v6 =	vsel vm4, s14, v6;
	v7 =	vsel vm2, s18, v7;
	v9 =	vmov s0  }
0x54: {  	s8 =	sshrl.u32 s21, $0x1F;
	s6 =	sadd.s32 s23, s13;
	v10 =	vmov s2;
	v8 =	vsel vm13, s19, v8;
	s13 =	sshra.s32 s12, $0x5;
	v9 =	vsel vm0, s24, v9  }
0x55: {  	s4 =	sshra.s32 s21, $0x5;
	v10 =	vsel vm0, s26, v10;
	s5 =	sshra.s32 s6, $0x5;
	v5 =	vsel vm2, s13, v5;
	s0 =	sshrl.u32 s6, $0x1F;
	v9 =	vsel vm1, s8, v9  }
0x56: {  	s1 =	sadd.s32 s1, s3;
	s9 =	sshra.s32 s6, $0x1F;
	v10 =	vsel vm1, s4, v10;
	v8 =	vsel vm5, s5, v8;
	v6 =	vsel vm5, s0, v6  }
0x57: {  	s10 =	sshra.s32 s1, $0x5;
	s18 =	sshrl.u32 s1, $0x1F;
	v9 =	vsel vm2, s16, v9;
	v10 =	vsel vm2, s20, v10;
	v8 =	vsel vm14, s9, v8  }
0x58: {  	s19 =	sshrl.u32 s11, $0x1F;
	s16 =	sshra.s32 s1, $0x1F;
	v6 =	vsel vm6, s18, v6;
	v8 =	vsel vm6, s10, v8;
	v5 =	vcombine.low v10, v5  }
0x59: {  	s17 =	sshra.s32 s11, $0x5;
	v7 =	vcombine.low v9, v7;
	v6 =	vsel vm7, s19, v6;
	v8 =	vsel vm15, s16, v8  }
0x5a: {  	v6 =	vperm.xlane v6, v2;
	v8 =	vsel vm7, s17, v8;
	v5 =	vperm.xlane v5, v1  }
0x5b: {  	v7 =	vperm.xlane v7, v1;
	v8 =	vperm.xlane v8, v2;
	_ =	sdelay $0x1  }
0x5c: {  	v6 =	vsel vm8, v6, v7;
	v5 =	vsel vm8, v8, v5  }
0x5d: {  	v5 =	vadd.s32 v6, v5  }
0x5e: {  	v6 =	vmul.u32 $0xFFFFFF9C, v5;
	_ =	sdelay $0x1  }
0x5f: {  	v4 =	vadd.s32 v4, v6  }
0x60: {  	v5 =	vshll.u32 v5, $0x7;
	v6 =	vand.u32 $0xFFFFFF80, v4  }
0x61: {  	v4 =	vand.u32 $0x7F, v4;
	v5 =	vadd.s32 v6, v5  }
0x62: {  	v4 =	vor.u32 v4, v5;
	_ =	sdelay $0x3  }
0x63: {  	s31 =	smov.u32 s7;
	s21 =	simm.s32 $0x13C00  }
0x64: {  	s20 =	sshra.s32 s31, $0x2;
	[tilespmem:v4+s21+$0x0] =	vst.idx.add.f32.msk $0xffff, v3  }
0x65: {  	v4 =	vld [tilespmem:s20+$0x0];
	_ =	sdelay $0x4  }
0x66: {  	(v2sf) =	vpush v4, $0x0  }
0x67: {  	(v2sf) =	vpush v4, $0x1  }
0x68: {  	(v2sf) =	vpush v4, $0x2;
	_ =	sdelay $0x1  }
0x69: {  	(v2sf) =	vpush v4, $0x7  }
0x6a: {  	(v2sf) =	vpush v4, $0x3;
	_ =	sdelay $0x1  }
0x6b: {  	(v2sf) =	vpush v4, $0x4  }
0x6c: {  	(v2sf) =	vpush v4, $0x6;
	_ =	sdelay $0x1  }
0x6d: {  	(v2sf) =	vpush v4, $0xC;
	_ =	sdelay $0x1  }
0x6e: {  	(v2sf) =	vpush v4, $0xD;
	_ =	sdelay $0x2  }
0x6f: {  	(v2sf) =	vpush v4, $0xE;
	s22 =	spop (v2sf)  }
0x70: {  	s13 =	smulhi.u32 $0x51EB851F, s22;
	s23 =	spop (v2sf)  }
0x71: {  	p0 =	sne.s32 s7, $0x4E000;
	(v2sf) =	vpush v4, $0x8;
	s24 =	smulhi.u32 $0x51EB851F, s23;
	s25 =	spop (v2sf)  }
0x72: {  	s7 =	sadd.s32 $0x200, s7;
	(v2sf) =	vpush v4, $0xF;
	s0 =	sshra.s32 s23, $0x1F;
	s26 =	smulhi.u32 $0x51EB851F, s25  }
0x73: {  	(v2sf) =	vpush v4, $0x9;
	s11 =	sshra.s32 s22, $0x1F;
	s28 =	spop (v2sf);
	s0 =	smul.u32 $0x51EB851F, s0  }
0x74: {  	s2 =	sshra.s32 s25, $0x1F;
	s12 =	smulhi.u32 $0x51EB851F, s28;
	s29 =	spop (v2sf)  }
0x75: {  	s4 =	sshra.s32 s28, $0x1F;
	s9 =	smul.u32 $0x51EB851F, s2;
	s6 =	sshra.s32 s29, $0x1F  }
0x76: {  	s8 =	spop (v2sf);
	s23 =	smul.u32 $0x51EB851F, s4;
	s18 =	sadd.s32 s0, s24  }
0x77: {  	s3 =	smulhi.u32 $0x51EB851F, s29;
	s31 =	sshra.s32 s8, $0x1F;
	s14 =	spop (v2sf)  }
0x78: {  	s22 =	sshrl.u32 s18, $0x1F;
	s0 =	sadd.s32 s9, s26;
	s1 =	smul.u32 $0x51EB851F, s6  }
0x79: {  	s20 =	sshra.s32 s18, $0x1F;
	s6 =	smulhi.u32 $0x51EB851F, s8;
	s10 =	spop (v2sf)  }
0x7a: {  	(v2sf) =	vpush v4, $0xA;
	[dreg:$0x3] =	wrdreg s22;
	s19 =	smul.u32 $0x51EB851F, s31;
	s17 =	sshra.s32 s0, $0x5  }
0x7b: {  	s16 =	sshrl.u32 s0, $0x1F;
	s0 =	sshra.s32 s0, $0x1F;
	s24 =	spop (v2sf)  }
0x7c: {  	s25 =	sshra.s32 s10, $0x1F;
	[dreg:$0x4] =	wrdreg s0;
	s31 =	smulhi.u32 $0x51EB851F, s10  }
0x7d: {  	(v2sf) =	vpush v4, $0x5;
	s1 =	sadd.s32 s1, s3;
	s26 =	smulhi.u32 $0x51EB851F, s24;
	s2 =	sshra.s32 s24, $0x1F  }
0x7e: {  	s29 =	spop (v2sf);
	s4 =	smul.u32 $0x51EB851F, s25;
	s8 =	sshrl.u32 s1, $0x1F  }
0x7f: {  	(v2sf) =	vpush v4, $0xB;
	s6 =	sadd.s32 s19, s6;
	s21 =	smulhi.u32 $0x51EB851F, s29;
	s24 =	sshra.s32 s29, $0x1F  }
0x80: {  	s25 =	spop (v2sf);
	s2 =	smul.u32 $0x51EB851F, s2;
	s19 =	sshra.s32 s6, $0x1F  }
0x81: {  	s22 =	sshra.s32 s25, $0x1F;
	s9 =	spop (v2sf);
	s0 =	sadd.s32 s4, s31  }
0x82: {  	s10 =	sshra.s32 s9, $0x1F;
	s28 =	spop (v2sf);
	s4 =	smulhi.u32 $0x51EB851F, s9  }
0x83: {  	s29 =	sshrl.u32 s0, $0x1F;
	s2 =	sadd.s32 s2, s26;
	s9 =	smul.u32 $0x51EB851F, s11  }
0x84: {  	s0 =	sshra.s32 s0, $0x5;
	s11 =	sadd.s32 s23, s12;
	s30 =	smulhi.u32 $0x51EB851F, s28  }
0x85: {  	s15 =	sshra.s32 s28, $0x1F;
	v6 =	vmov s29;
	s29 =	sshra.s32 s2, $0x5;
	s26 =	smul.u32 $0x51EB851F, s10  }
0x86: {  	v5 =	vmov s0;
	s2 =	sshrl.u32 s2, $0x1F;
	s5 =	smul.u32 $0x51EB851F, s15;
	s15 =	sshra.s32 s1, $0x5  }
0x87: {  	v5 =	vsel vm0, s29, v5;
	s29 =	sshra.s32 s1, $0x1F;
	v7 =	vsel vm0, s2, v6;
	s2 =	sadd.s32 s9, s13;
	s9 =	sshra.s32 s11, $0x1F  }
0x88: {  	s12 =	sadd.s32 s26, s4;
	s4 =	sshra.s32 s18, $0x5;
	s23 =	sshra.s32 s2, $0x5  }
0x89: {  	v6 =	vmov s9;
	s26 =	sshra.s32 s2, $0x1F;
	s9 =	smul.u32 $0x51EB851F, s24;
	s31 =	spop (v2sf)  }
0x8a: {  	s2 =	sshrl.u32 s2, $0x1F;
	s18 =	sshrl.u32 s12, $0x1F;
	s28 =	smulhi.u32 $0x51EB851F, s31  }
0x8b: {  	v8 =	vmov s2;
	s31 =	sshra.s32 s31, $0x1F;
	s2 =	sadd.s32 s9, s21;
	s9 =	smul.u32 $0x51EB851F, s22  }
0x8c: {  	v6 =	vsel vm3, s23, v6;
	s5 =	sadd.s32 s5, s30;
	s21 =	smul.u32 $0x51EB851F, s31;
	s0 =	spop (v2sf)  }
0x8d: {  	v6 =	vsel vm9, s26, v6;
	s24 =	sshrl.u32 s5, $0x1F;
	s26 =	sshra.s32 s5, $0x5;
	s13 =	smulhi.u32 $0x51EB851F, s0  }
0x8e: {  	s3 =	spop (v2sf);
	s10 =	sshra.s32 s0, $0x1F;
	s0 =	smulhi.u32 $0x51EB851F, s25  }
0x8f: {  	v6 =	vsel vm0, s4, v6;
	s31 =	rddreg [dreg:$0x4];
	s1 =	sshra.s32 s3, $0x1F;
	s3 =	smulhi.u32 $0x51EB851F, s3  }
.Ltmp1:
0x90: {  	v8 =	vnsel vm3, $0x0, v8;
	s22 =	sshra.s32 s14, $0x1F;
	v6 =	vsel vm10, s20, v6;
	s20 =	rddreg [dreg:$0x3];
	(pc) =	sbr.rel @p0 .LBB2_4-.Ltmp1, $4  }
0x91: {  	s25 =	sshra.s32 s6, $0x5;
	v8 =	vsel vm0, s20, v8;
	v6 =	vsel vm1, s17, v6;
	s21 =	sadd.s32 s21, s28;
	s1 =	smul.u32 $0x51EB851F, s1  }
0x92: {  	s17 =	sshra.s32 s2, $0x5;
	s23 =	smul.u32 $0x51EB851F, s10;
	s10 =	smov.u32 s14;
	v8 =	vsel vm1, s16, v8;
	v9 =	vsel vm11, s31, v6  }
0x93: {  	s14 =	sshrl.u32 s6, $0x1F;
	s30 =	sadd.s32 s9, s0;
	v6 =	vsel vm2, s8, v8;
	v8 =	vsel vm2, s15, v9;
	s1 =	sadd.s32 s1, s3  }
0x94: {  	s15 =	sshrl.u32 s2, $0x1F;
	v8 =	vsel vm12, s29, v8;
	s16 =	sshrl.u32 s1, $0x1F;
	s20 =	sshra.s32 s1, $0x5  }
0x95: {  	v7 =	vsel vm1, s15, v7;
	s0 =	sshrl.u32 s30, $0x1F  }
0x96: {  	s1 =	sshra.s32 s30, $0x5;
	s2 =	smul.u32 $0x51EB851F, s22;
	v8 =	vsel vm4, s25, v8;
	s15 =	sadd.s32 s23, s13;
	v5 =	vsel vm1, s17, v5;
	v6 =	vsel vm4, s14, v6  }
0x97: {  	s3 =	sshrl.u32 s21, $0x1F;
	s4 =	sshra.s32 s21, $0x5;
	s21 =	sshra.s32 s12, $0x5;
	v9 =	vmov s0;
	v10 =	vmov s1;
	v7 =	vsel vm2, s18, v7  }
0x98: {  	s18 =	smulhi.u32 $0x51EB851F, s10;
	v8 =	vsel vm13, s19, v8;
	s5 =	sshra.s32 s15, $0x5;
	v5 =	vsel vm2, s21, v5;
	v9 =	vsel vm0, s24, v9  }
0x99: {  	s0 =	sshrl.u32 s15, $0x1F;
	v10 =	vsel vm0, s26, v10;
	v8 =	vsel vm5, s5, v8;
	v9 =	vsel vm1, s3, v9  }
0x9a: {  	s19 =	sshra.s32 s15, $0x1F;
	v6 =	vsel vm5, s0, v6;
	v10 =	vsel vm1, s4, v10;
	s1 =	sadd.s32 s2, s18;
	v9 =	vsel vm2, s16, v9  }
0x9b: {  	v8 =	vsel vm14, s19, v8;
	v10 =	vsel vm2, s20, v10;
	s20 =	sshra.s32 s1, $0x5;
	s24 =	sshrl.u32 s1, $0x1F;
	v7 =	vcombine.low v9, v7  }
0x9c: {  	s25 =	sshrl.u32 s11, $0x1F;
	s22 =	sshra.s32 s1, $0x1F;
	v8 =	vsel vm6, s20, v8;
	v5 =	vcombine.low v10, v5;
	v6 =	vsel vm6, s24, v6  }
0x9d: {  	s23 =	sshra.s32 s11, $0x5;
	v8 =	vsel vm15, s22, v8;
	v6 =	vsel vm7, s25, v6  }
0x9e: {  	v8 =	vsel vm7, s23, v8;
	v5 =	vperm.xlane v5, v1;
	v7 =	vperm.xlane v7, v1  }
0x9f: {  	v6 =	vperm.xlane v6, v2;
	v8 =	vperm.xlane v8, v2;
	_ =	sdelay $0x1  }
0xa0: {  	v6 =	vsel vm8, v6, v7;
	v5 =	vsel vm8, v8, v5  }
0xa1: {  	v5 =	vadd.s32 v6, v5  }
0xa2: {  	v6 =	vmul.u32 $0xFFFFFF9C, v5;
	_ =	sdelay $0x1  }
0xa3: {  	v4 =	vadd.s32 v4, v6  }
0xa4: {  	v5 =	vshll.u32 v5, $0x7;
	v6 =	vand.u32 $0xFFFFFF80, v4  }
0xa5: {  	v4 =	vand.u32 $0x7F, v4;
	v5 =	vadd.s32 v6, v5  }
0xa6: {  	v4 =	vor.u32 v4, v5;
	_ =	sdelay $0x3  }
0xa7: {  	s26 =	simm.s32 $0x13C00  }
0xa8: {  	s28 =	simm.s32 $0x0;
	s29 =	rddreg [dreg:$0x6];
	s1 =	simm.s32 $0x1;
	[tilespmem:v4+s26+$0x0] =	vst.idx.add.f32.msk $0xffff, v3  }
0xa9: {  	[hbm4b:s29+s28] =	stream.linear.scatter [tilespmem:s26], [sflag:$0x1], $0x3200, $0x38;
	[tilespmem:$0x17000] =	vst v63  }
0xaa: {  	_ =	swait.ge [sflag:s1], $0x3200  }
0xab: {  	s30 =	rddreg [dreg:$0x8]  }
0xac: {  	s31 =	rddreg [dreg:$0x7];
	s2 =	sadd.s32 $0x1, s30  }
0xad: {  	p0 =	sne.s32 s2, s31  }
.Ltmp2:
0xae: {  	_ = 	snop;
	(pc) =	sbr.rel @p0 .LBB2_1-.Ltmp2, $3  }
0xaf: {  	_ =	sdelay $0x1  }
0xb0: {  	[sflag:s1] =	ssyncset.done $0x0  }
0xb1: {  	[sflag:s1] =	ssyncadd.s32 $0xFFFFCE00  }
0xb2: {  	_ =	sfence.sel $0x180000  }
0xb3: {  	[bflag:$0x0] =	sbarrier.arrive $0xFFFF  }
0xb4: {  	_ =	strace $0x90000047  }
0xb5: {  	s0 =	stileid.u32;
	[bflag:$0x2] =	sbarrier.arrive $0xFFFF  }
0xb6: {  	p0 =	sne.s32 s0, $0x0;
	s0 =	rddreg [dreg:$0x2]  }
0xb7: {  	s0 =	sadd.s32 @!p0 $0x100000, s0  }
0xb8: {  	[sflag:s0] =	ssyncadd.tile.s32 @!p0 $0x1;
	_ =	shalt  }
.Lfunc_end2:
_tile_overlayer_lowered:
.L_overlay_start_2:
0xb9: {  	(tag) =	ssettag $0x2  }
0xba: {  	s0 =	rddreg [dreg:$0x0];
	s2 =	stileid.u32  }
0xbb: {  	s1 =	rddreg [dreg:$0x1];
	p0 =	sne.s32 s2, $0x0  }
0xbc: {  	s3 =	rddreg [dreg:$0x2];
	[bflag:$0x3] =	sbarrier.arrive $0xFFFF;
	s2 =	simm.s32 @!p0 $0x1C01  }
0xbd: {  	[timem:s3], [sflag:s2] =	dma.local @!p0 [hbm:s0], s1  }
0xbe: {  	s0 =	simm.s32 @!p0 $0x1  }
0xbf: {  	_ =	swait.ge @!p0 [sflag:s0], s1  }
0xc0: {  	s1 =	ssub.s32 @!p0 $0x0, s1;
	[sflag:s0] =	ssyncset.done @!p0 $0x0  }
0xc1: {  	[sflag:s0] =	ssyncadd.s32 @!p0 s1  }
0xc2: {  	[bflag:$0x3] =	sbarrier.arrive $0xFFFF  }
0xc3: {  	_ =	shalt  }

// kernel: kernel.13.cloned.1.call-start
scs
__scs_entry_jumppad:
0x0: {  	(pc) =	sbr.rel $0x88, $3  }
0x1: {  	(tag) =	ssettag $0x0;
	lr =	simm.s32 $0x1  }
0x2: {  	[smem:$0x3F99] =	sst lr;
	_ =	strace $0xD0000000  }
0x3: {  	_ = 	snop  }
0x4: {  	_ = 	snop  }
0x5: {  	_ = 	snop  }
0x6: {  	_ = 	snop  }
0x7: {  	_ = 	snop  }
__scs_overlays_trampoline_lowered:
0x8: {  	[smem:$0x3FA8] =	sst s0  }
0x9: {  	[smem:$0x3FA9] =	sst s1  }
0xa: {  	[smem:$0x3FAA] =	sst s2  }
0xb: {  	[smem:$0x3FAB] =	sst s3  }
0xc: {  	[smem:$0x3FAC] =	sst s4  }
0xd: {  	[smem:$0x3FAD] =	sst s5  }
0xe: {  	[smem:$0x3FAE] =	sst s6  }
0xf: {  	[smem:$0x3FAF] =	sst s7  }
0x10: {  	[smem:$0x3FB0] =	sst s8  }
0x11: {  	[smem:$0x3FB1] =	sst s9;
	s0 =	simm.s32 @!p0 $0x0  }
0x12: {  	s1 =	sld [smem:$0x3F97];
	s0 =	simm.s32 @p0 $0x1  }
0x13: {  	[smem:$0x3FB2] =	sst s0;
	s0 =	simm.s32 @!p1 $0x0  }
0x14: {  	s2 =	sld [smem:$0x3F96];
	s0 =	simm.s32 @p1 $0x1  }
0x15: {  	[smem:$0x3FB3] =	sst s0;
	s0 =	simm.s32 @!p2 $0x0  }
0x16: {  	s3 =	sld [smem:$0x3FDB];
	s0 =	simm.s32 @p2 $0x1  }
0x17: {  	s4 =	simm.s32 $0x1BF5;
	[smem:$0x3FB5] =	sst s0  }
0x18: {  	s0 =	sld [smem:$0x3F98];
	_ =	swait.ge [sflag:s4], $0x0  }
0x19: {  	s7 =	sld [smem:$0x3F99]  }
0x1a: {  	s8 =	sadd.s32 $0xFFFFE003, lr  }
0x1b: {  	s9 =	sadd.s32 $0xFFFFFEF7, lr;
	s5 =	simm.s32 $0xFFFFFFFF;
	p2 =	slt.u32 s8, $0xFFFFF086  }
0x1c: {  	p1 =	slt.u32 s9, $0xF7A;
	s5 =	simm.s32 @!p2 $0x0  }
0x1d: {  	s5 =	simm.s32 @p1 $0x1;
	p0 =	seq.s32 s7, s2  }
0x1e: {  	s7 =	smul.u32 @!p0 $0xF7A, s2;
	p2 =	seq.s32 @!p0 s5, $0x0  }
0x1f: {  	s9 =	smul.u32 $0xF7A, s1;
	s8 =	simm.s32 @!p0 $0x1BF5;
	p2 =	por !p2, p0  }
0x20: {  	[sflag:s8] =	ssyncset.s32 @!p0 $0xFFFFF086;
	s6 =	sadd.s32 @!p0 s3, s7;
	s7 =	simm.s32 @!p0 $0x108  }
0x21: {  	s3 =	sadd.s32 s3, s9;
	s6 =	sadd.s32 @!p0 $0x88, s6;
	s7 =	simm.s32 @p2 $0x1082  }
0x22: {  	[simem:s7], [sflag:s8] =	dma.local @!p0 [hbm:s6], $0xF7A  }
0x23: {  	s9 =	sor.u32 $0xD0000000, s2;
	s6 =	simm.s32 $0x108;
	_ =	swait.ge @!p0 [sflag:s8], $0x0  }
0x24: {  	s3 =	sadd.s32 $0x88, s3;
	s6 =	simm.s32 @!p1 $0x1082;
	[sflag:s4] =	ssyncset.s32 $0xFFFFF086  }
0x25: {  	[simem:s6], [sflag:s4] =	dma.local [hbm:s3], $0xF7A  }
0x26: {  	[smem:$0x3F99] =	sst s1;
	(tag) =	ssettag s2;
	_ =	strace s9  }
0x27: {  	s1 =	sld [smem:$0x3FA9]  }
0x28: {  	s2 =	sld [smem:$0x3FAA]  }
0x29: {  	s4 =	sld [smem:$0x3FAC]  }
0x2a: {  	p0 =	seq.s32 s5, $0x0;
	s5 =	sld [smem:$0x3FAD]  }
0x2b: {  	s6 =	sld [smem:$0x3FAE]  }
0x2c: {  	s7 =	sld [smem:$0x3FAF]  }
0x2d: {  	s3 =	simm.s32 $0x108;
	s8 =	sld [smem:$0x3FB0]  }
0x2e: {  	s3 =	simm.s32 @!p0 $0x1082;
	s9 =	sld [smem:$0x3FB1]  }
0x2f: {  	lr =	sadd.s32 s0, s3;
	s0 =	sld [smem:$0x3FA8]  }
0x30: {  	s3 =	sld [smem:$0x3FAB]  }
0x31: {  	[smem:$0x3FB4] =	sst s10  }
0x32: {  	s10 =	sld [smem:$0x3FB2];
	_ =	sdelay $0x3  }
0x33: {  	p0 =	seq.s32 s10, $0x1;
	s10 =	sld [smem:$0x3FB4];
	_ =	sdelay $0x3  }
0x34: {  	[smem:$0x3FB4] =	sst s10  }
0x35: {  	s10 =	sld [smem:$0x3FB3];
	_ =	sdelay $0x3  }
0x36: {  	p1 =	seq.s32 s10, $0x1;
	s10 =	sld [smem:$0x3FB4];
	_ =	sdelay $0x3  }
0x37: {  	[smem:$0x3FB4] =	sst s10  }
0x38: {  	s10 =	sld [smem:$0x3FB5]  }
0x39: {  	_ = 	snop;
	(pc) =	sbr.ind lr, $3  }
0x3a: {  	_ = 	snop  }
0x3b: {  	_ = 	snop  }
0x3c: {  	p2 =	seq.s32 s10, $0x1;
	s10 =	sld [smem:$0x3FB4]  }
0x3d: {  	_ =	shalt  }
0x3e: {  	_ =	shalt  }
0x3f: {  	_ =	shalt  }
0x40: {  	_ =	shalt  }
0x41: {  	_ =	shalt  }
0x42: {  	_ =	shalt  }
0x43: {  	_ =	shalt  }
0x44: {  	_ =	shalt  }
0x45: {  	_ =	shalt  }
0x46: {  	_ =	shalt  }
0x47: {  	_ =	shalt  }
0x48: {  	_ =	shalt  }
0x49: {  	_ =	shalt  }
0x4a: {  	_ =	shalt  }
0x4b: {  	_ =	shalt  }
0x4c: {  	_ =	shalt  }
0x4d: {  	_ =	shalt  }
0x4e: {  	_ =	shalt  }
0x4f: {  	_ =	shalt  }
0x50: {  	_ =	shalt  }
0x51: {  	_ =	shalt  }
0x52: {  	_ =	shalt  }
0x53: {  	_ =	shalt  }
0x54: {  	_ =	shalt  }
0x55: {  	_ =	shalt  }
0x56: {  	_ =	shalt  }
0x57: {  	_ =	shalt  }
0x58: {  	_ =	shalt  }
0x59: {  	_ =	shalt  }
0x5a: {  	_ =	shalt  }
0x5b: {  	_ =	shalt  }
0x5c: {  	_ =	shalt  }
0x5d: {  	_ =	shalt  }
0x5e: {  	_ =	shalt  }
0x5f: {  	_ =	shalt  }
0x60: {  	_ =	shalt  }
0x61: {  	_ =	shalt  }
0x62: {  	_ =	shalt  }
0x63: {  	_ =	shalt  }
0x64: {  	_ =	shalt  }
0x65: {  	_ =	shalt  }
0x66: {  	_ =	shalt  }
0x67: {  	_ =	shalt  }
0x68: {  	_ =	shalt  }
0x69: {  	_ =	shalt  }
0x6a: {  	_ =	shalt  }
0x6b: {  	_ =	shalt  }
0x6c: {  	_ =	shalt  }
0x6d: {  	_ =	shalt  }
0x6e: {  	_ =	shalt  }
0x6f: {  	_ =	shalt  }
0x70: {  	_ =	shalt  }
0x71: {  	_ =	shalt  }
0x72: {  	_ =	shalt  }
0x73: {  	_ =	shalt  }
0x74: {  	_ =	shalt  }
0x75: {  	_ =	shalt  }
0x76: {  	_ =	shalt  }
0x77: {  	_ =	shalt  }
0x78: {  	_ =	shalt  }
0x79: {  	_ =	shalt  }
0x7a: {  	_ =	shalt  }
0x7b: {  	_ =	shalt  }
0x7c: {  	_ =	shalt  }
0x7d: {  	_ =	shalt  }
0x7e: {  	_ =	shalt  }
0x7f: {  	_ =	shalt  }
0x80: {  	_ =	shalt  }
0x81: {  	_ =	shalt  }
0x82: {  	_ =	shalt  }
0x83: {  	_ =	shalt  }
0x84: {  	_ =	shalt  }
0x85: {  	_ =	shalt  }
0x86: {  	_ =	shalt  }
0x87: {  	_ =	shalt  }
.Lfunc_end0:
.L_simem_size_0:
called_computation.1_lowered:
.L_overlay_start_0:
0x88: {  	s2 =	sld [smem:$0x3FD9]  }
0x89: {  	s3 =	sld [smem:$0x3FFE];
	_ =	sdelay $0x1  }
0x8a: {  	s1 =	srdreg.scid  }
0x8b: {  	s0 =	sand.u32 $0x1, s1  }
0x8c: {  	s16 =	sshll.u32 s0, $0xA;
	s2 =	sadd.s32 s3, s2  }
0x8d: {  	s2 =	sadd.s32 s2, s16  }
0x8e: {  	[smem:$0x3FC0] =	sst s2  }
0x8f: {  	_ = 	snop  }
0x90: {  	(tm) =	ssettm $0x1  }
0x91: {  	s17 =	sld [smem:$0x3FFB];
	_ =	sdelay $0x3  }
0x92: {  	_ =	strace s17  }
0x93: {  	s2 =	sld [smem:$0x3FFC];
	_ =	sdelay $0x3  }
0x94: {  	_ =	strace s2  }
0x95: {  	s2 =	sld [smem:$0x3FFD];
	_ =	sdelay $0x3  }
0x96: {  	_ =	strace s2  }
0x97: {  	_ =	strace $0x8FFFFFFF  }
0x98: {  	s18 =	sld [smem:$0x3FDB];
	_ =	sdelay $0x1  }
0x99: {  	s19 =	simm.s32 $_scs_section_size  }
0x9a: {  	s4 =	simm.s32 $_size__tile_overlayer_lowered;
	s5 =	simm.s32 $_tile_overlayer_lowered  }
0x9b: {  	s22 =	simm.s32 $0x1BFF;
	s21 =	sshll.u32 s5, $0x1;
	s2 =	sadd.s32 s19, s18  }
0x9c: {  	s6 =	simm.s32 $0x0;
	s20 =	sshll.u32 s4, $0x1;
	s4 =	sadd.s32 s21, s2  }
0x9d: {  	[timem:s6], [sflag:s22] =	dma.local [hbm:s4], s20  }
0x9e: {  	_ =	swait.ge [sflag:s22], s20  }
0x9f: {  	s3 =	ssub.s32 $0x0, s20;
	[sflag:s22] =	ssyncset.done $0x0  }
0xa0: {  	[sflag:s22] =	ssyncadd.s32 s3;
	_ =	sdelay $0x1  }
0xa1: {  	s23 =	simm.s32 $0x1B8B  }
0xa2: {  	_ =	swait.ge [sflag:s23], $0x1  }
0xa3: {  	[sflag:s23] =	ssyncset.done $0x0  }
0xa4: {  	s25 =	simm.s32 $0x1B8E;
	s24 =	sld [smem:$0x3FFE];
	[sflag:s23] =	ssyncadd.s32 $0xFFFFFFFF  }
0xa5: {  	s26 =	simm.s32 $execute0_lowered;
	[smem:$0x3FD2] =	sst s25  }
0xa6: {  	s4 =	sshll.u32 s26, $0x1;
	_ =	strace $0x80000049;
	[dreg:$0x1] =	wrdreg $0xFFFFFFFF  }
0xa7: {  	s28 =	simm.s32 $_size_execute0_lowered;
	s2 =	sadd.s32 s2, s4;
	[dreg:$0x0] =	wrdreg $0x0  }
0xa8: {  	s4 =	sshll.u32 s28, $0x1;
	[dreg:$0x2] =	wrdreg s2  }
0xa9: {  	[dreg:$0x3] =	wrdreg s4  }
0xaa: {  	[dreg:$0x4] =	wrdreg $0xC0  }
0xab: {  	_ =	task [dreg:s6], $0x5FFFF  }
0xac: {  	[dreg:$0x1] =	wrdreg $0xFFFFFFFF  }
0xad: {  	[dreg:$0x0] =	wrdreg $0x60  }
0xae: {  	[dreg:$0x2] =	wrdreg s24  }
0xaf: {  	[dreg:$0x3] =	wrdreg $0xC4000  }
0xb0: {  	[dreg:$0x4] =	wrdreg $0x9  }
0xb1: {  	_ =	task.clear_ibuf [dreg:s6], $0x5FFFF;
	_ =	strace $0x90000049  }
0xb2: {  	s29 =	simm.s32 $0x9;
	_ =	strace $0x8000004B  }
0xb3: {  	_ =	swait.ge [sflag:s29], $0x1  }
0xb4: {  	[sflag:s29] =	ssyncadd.s32 $0xFFFFFFFF  }
0xb5: {  	_ =	strace $0x9000004B  }
0xb6: {  	_ =	sfence  }
0xb7: {  	s30 =	sld [smem:$0x0];
	_ =	sdelay $0x2  }
0xb8: {  	s31 =	sshll.u32 s1, $0xD;
	s1 =	sshrl.u32 s1, $0x2  }
0xb9: {  	s3 =	sand.u32 $0x4000, s31;
	s1 =	sadd.s32 s1, s30  }
0xba: {  	s0 =	sor.u32 s3, s0;
	s1 =	sshll.u32 s1, $0x11  }
0xbb: {  	s0 =	sor.u32 s1, s0  }
0xbc: {  	s0 =	sadd.s32 $0x8F2B, s0  }
0xbd: {  	[sflag:s0] =	ssyncadd.remote.s32 $0x1  }
0xbe: {  	_ =	sfence.sel $0xFFFF  }
0xbf: {  	[dreg:$0x0] =	wrdreg $0xFFFFFFFF;
	(pc) =	sbr.abs _section_cstart, $3  }
0xc0: {  	[dreg:$0x1] =	wrdreg $0xFFFFFFFF  }
0xc1: {  	_ =	task.clear_ibuf [dreg:s6], $0x2FFFF;
	_ =	strace $0x9FFFFFFF  }
0xc2: {  	(tm) =	ssettm $0x7FFFFFFF  }
0xc3: {  	_ =	shalt  }
tec
execute0_lowered:
.L_overlay_start_1:
0x0: {  	(tag) =	ssettag $0x1  }
0x1: {  	s0 =	srdreg.scid  }
0x2: {  	s5 =	rddreg [dreg:$0x0];
	s1 =	stileid.u32  }
0x3: {  	s2 =	rddreg [dreg:$0x1];
	s3 =	simm.s32 $0x0;
	s19 =	simm.s32 $0x2800  }
0x4: {  	s20 =	simm.s32 $0x7D;
	s21 =	simm.s32 $0x5000;
	s22 =	simm.s32 $0x1  }
0x5: {  	s6 =	sand.u32 $0x1, s0;
	[smem:$0x7FF] =	sst s3;
	s8 =	smul.u32 $0x4E000, s1  }
0x6: {  	s15 =	sadd.s32 $0x65400, s5;
	s12 =	smul.u32 $0x13800, s1;
	s11 =	sadd.s32 $0x138000, s2  }
0x7: {  	p0 =	sne.s32 s1, $0x0;
	s0 =	sshll.u32 s6, $0x4;
	s29 =	ssub.s32 $0x2, s6  }
0x8: {  	s14 =	smul.u32 $0x138800, s6;
	s4 =	sor.u32 s1, s0;
	s0 =	rddreg [dreg:$0x2]  }
0x9: {  	_ =	strace $0x8000004A;
	s30 =	sshrl.u32 s8, $0x2;
	s31 =	sshrl.u32 s29, $0x1  }
0xa: {  	s7 =	smul.u32 $0x500, s4;
	s4 =	sadd.s32 $0x2400, s5;
	s17 =	sadd.s32 s12, s14  }
0xb: {  	s16 =	ssub.s32 s29, s31;
	s18 =	sshrl.u32 s14, $0x3;
	s17 =	sshrl.u32 s17, $0x3  }
0xc: {  	s16 =	smax.u32 s16, $0x1;
	s13 =	sadd.s32 s7, s5;
	s5 =	sadd.s32 s30, s2  }
0xd: {  	s14 =	sadd.s32 s15, s17;
	s15 =	sadd.s32 s15, s18;
	s17 =	simm.s32 $0x9000  }
0xe: {  	s18 =	simm.s32 $0x2;
	s6 =	sadd.s32 $0x3400, s5;
	s7 =	sadd.s32 $0x6800, s5  }
0xf: {  	s8 =	sadd.s32 $0x9C00, s5;
	s9 =	sadd.s32 $0xD000, s5;
	s10 =	sadd.s32 $0x10400, s5  }
0x10: {  	v0 =	vimm.f32 $0.0e+00;
	s12 =	sadd.s32 $0x5B400, s13;
	s13 =	sadd.s32 $0x51400, s13;
	s15 =	sadd.s32 $0x27000, s15  }
.LBB2_1:
0x11: {  	s23 =	simm.s32 $0x0;
	s24 =	simm.s32 $0x200  }
.LBB2_2:
0x12: {  	p1 =	sne.s32 s24, $0xCE00;
	[tilespmem:s23+$0x9070] =	vst v0  }
0x13: {  	[tilespmem:s23+$0x9000] =	vst v0  }
0x14: {  	[tilespmem:s23+$0x9010] =	vst v0  }
.Ltmp0:
0x15: {  	[tilespmem:s23+$0x9020] =	vst v0;
	(pc) =	sbr.rel @p1 .LBB2_2-.Ltmp0, $4  }
0x16: {  	[tilespmem:s23+$0x9030] =	vst v0  }
0x17: {  	[tilespmem:s23+$0x9040] =	vst v0  }
0x18: {  	[tilespmem:s23+$0x9050] =	vst v0  }
0x19: {  	[tilespmem:s23+$0x9060] =	vst v0;
	s23 =	sshra.s32 s24, $0x2;
	s24 =	sadd.s32 $0x200, s24  }
0x1a: {  	[tilespmem:s23+$0x9070] =	vst v0  }
0x1b: {  	[tilespmem:s23+$0x9000] =	vst v0  }
0x1c: {  	[tilespmem:s23+$0x9010] =	vst v0  }
0x1d: {  	[tilespmem:s23+$0x9020] =	vst v0  }
0x1e: {  	[tilespmem:s23+$0x9030] =	vst v0  }
0x1f: {  	[tilespmem:s23+$0x9040] =	vst v0  }
0x20: {  	[tilespmem:s23+$0x9050] =	vst v0  }
0x21: {  	[tilespmem:s23+$0x9060] =	vst v0  }
0x22: {  	[spmem:s5] =	stream.linear.scatter [tilespmem:s17], [sflag:$0x2], $0x3400, $0x38;
	[tilespmem:$0x1FC80] =	vst v63  }
0x23: {  	_ =	swait.ge [sflag:s18], $0x3400  }
0x24: {  	[sflag:s18] =	ssyncset.done $0x0  }
0x25: {  	[sflag:s18] =	ssyncadd.s32 $0xFFFFCC00  }
0x26: {  	[spmem:s6] =	stream.linear.scatter [tilespmem:s17], [sflag:$0x2], $0x3400, $0x38;
	[tilespmem:$0x1FC80] =	vst v63  }
0x27: {  	_ =	swait.ge [sflag:s18], $0x3400  }
0x28: {  	[sflag:s18] =	ssyncset.done $0x0  }
0x29: {  	[sflag:s18] =	ssyncadd.s32 $0xFFFFCC00  }
0x2a: {  	[spmem:s7] =	stream.linear.scatter [tilespmem:s17], [sflag:$0x2], $0x3400, $0x38;
	[tilespmem:$0x1FC80] =	vst v63  }
0x2b: {  	_ =	swait.ge [sflag:s18], $0x3400  }
0x2c: {  	[sflag:s18] =	ssyncset.done $0x0  }
0x2d: {  	[sflag:s18] =	ssyncadd.s32 $0xFFFFCC00  }
0x2e: {  	[spmem:s8] =	stream.linear.scatter [tilespmem:s17], [sflag:$0x2], $0x3400, $0x38;
	[tilespmem:$0x1FC80] =	vst v63  }
0x2f: {  	_ =	swait.ge [sflag:s18], $0x3400  }
0x30: {  	[sflag:s18] =	ssyncset.done $0x0  }
0x31: {  	[sflag:s18] =	ssyncadd.s32 $0xFFFFCC00  }
0x32: {  	[spmem:s9] =	stream.linear.scatter [tilespmem:s17], [sflag:$0x2], $0x3400, $0x38;
	[tilespmem:$0x1FC80] =	vst v63  }
0x33: {  	_ =	swait.ge [sflag:s18], $0x3400  }
0x34: {  	[sflag:s18] =	ssyncset.done $0x0  }
0x35: {  	[sflag:s18] =	ssyncadd.s32 $0xFFFFCC00  }
0x36: {  	[spmem:s10] =	stream.linear.scatter [tilespmem:s17], [sflag:$0x2], $0x3400, $0x38;
	[tilespmem:$0x1FC80] =	vst v63  }
0x37: {  	_ =	swait.ge [sflag:s18], $0x3400  }
0x38: {  	[sflag:s18] =	ssyncset.done $0x0  }
0x39: {  	s23 =	simm.s32 @!p0 $0x9000;
	[sflag:s18] =	ssyncadd.s32 $0xFFFFCC00  }
0x3a: {  	[spmem:s11] =	stream.linear.scatter @!p0 [tilespmem:s23], [sflag:$0x2], $0x800, $0x38;
	[tilespmem:$0x1FC80] =	vst v63  }
0x3b: {  	s23 =	simm.s32 @!p0 $0x2  }
0x3c: {  	_ =	swait.ge @!p0 [sflag:s23], $0x800  }
0x3d: {  	[sflag:s23] =	ssyncset.done @!p0 $0x0  }
0x3e: {  	s29 =	simm.s32 $0x0;
	[sflag:s23] =	ssyncadd.s32 @!p0 $0xFFFFF800  }
0x3f: {  	[tilespmem:s29], [sflag:$0x2] =	stream.linear.gather [hbm4b:s12+s29], $0x2800, $0x38;
	[tilespmem:$0x1FC80] =	vst v63  }
0x40: {  	_ =	swait.ge [sflag:s18], $0x2800  }
0x41: {  	[sflag:s18] =	ssyncset.done $0x0  }
0x42: {  	[sflag:s18] =	ssyncadd.s32 $0xFFFFD800  }
0x43: {  	[tilespmem:s19], [sflag:$0x2] =	stream.linear.gather [hbm4b:s13+s29], $0x2800, $0x38;
	[tilespmem:$0x1FC80] =	vst v63  }
0x44: {  	_ =	swait.ge [sflag:s18], $0x2800  }
0x45: {  	[sflag:s18] =	ssyncset.done $0x0  }
0x46: {  	[sflag:s18] =	ssyncadd.s32 $0xFFFFD800  }
0x47: {  	s30 =	simm.s32 $0x0;
	[bflag:$0x0] =	sbarrier.arrive $0xFFFF  }
0x48: {  	[tilespmem:s21], [sflag:$0x1] =	stream.indirect.gather [hbm4b:s4+s20], $0x80, s30, s20, $0xb8;
	[tilespmem:$0x1FC80] =	vst v63  }
0x49: {  	_ =	swait.ge [sflag:s22], $0x3E80  }
0x4a: {  	[sflag:s22] =	ssyncset.done $0x0  }
0x4b: {  	s31 =	simm.s32 $0x2800;
	[sflag:s22] =	ssyncadd.s32 $0xFFFFC180  }
0x4c: {  	[spmem:s2] =	stream.indirect.scatter.add.f32 [tilespmem:s21], [sflag:$0x2], $0x80, s31, s20, $0xb8;
	[tilespmem:$0x1FC80] =	vst v63  }
0x4d: {  	_ =	swait.ge [sflag:s18], $0x3E80  }
0x4e: {  	s24 =	simm.s32 $0x400;
	s23 =	simm.s32 $0x200;
	[sflag:s18] =	ssyncset.done $0x0  }
.LBB2_4:
0x4f: {  	s25 =	sshra.s32 s23, $0x2  }
0x50: {  	[sflag:s18] =	ssyncadd.s32 $0xFFFFC180;
	s23 =	smov.u32 s24;
	s26 =	sadd.s32 $0x200, s24  }
0x51: {  	[tilespmem:s21], [sflag:$0x1] =	stream.indirect.gather [hbm4b:s4+s20], $0x80, s25, s20, $0xb8;
	[tilespmem:$0x1FC80] =	vst v63  }
0x52: {  	p1 =	sne.s32 s24, $0x9E00;
	_ =	swait.ge [sflag:s22], $0x3E80  }
.Ltmp1:
0x53: {  	[sflag:s22] =	ssyncset.done $0x0;
	(pc) =	sbr.rel @p1 .LBB2_4-.Ltmp1, $4  }
0x54: {  	s24 =	sadd.s32 $0x2800, s25;
	[sflag:s22] =	ssyncadd.s32 $0xFFFFC180  }
0x55: {  	[spmem:s2] =	stream.indirect.scatter.add.f32 [tilespmem:s21], [sflag:$0x2], $0x80, s24, s20, $0xb8;
	[tilespmem:$0x1FC80] =	vst v63  }
0x56: {  	_ =	swait.ge [sflag:s18], $0x3E80  }
0x57: {  	s24 =	smov.u32 s26;
	[sflag:s18] =	ssyncset.done $0x0  }
0x58: {  	s23 =	sshra.s32 s23, $0x2;
	[sflag:s18] =	ssyncadd.s32 $0xFFFFC180  }
0x59: {  	[tilespmem:s21], [sflag:$0x1] =	stream.indirect.gather [hbm4b:s4+s20], $0x80, s23, s20, $0xb8;
	[tilespmem:$0x1FC80] =	vst v63  }
0x5a: {  	_ =	swait.ge [sflag:s22], $0x3E80  }
0x5b: {  	[sflag:s22] =	ssyncset.done $0x0  }
0x5c: {  	s23 =	sadd.s32 $0x2800, s23;
	[sflag:s22] =	ssyncadd.s32 $0xFFFFC180  }
0x5d: {  	[spmem:s2] =	stream.indirect.scatter.add.f32 [tilespmem:s21], [sflag:$0x2], $0x80, s23, s20, $0xb8;
	[tilespmem:$0x1FC80] =	vst v63  }
0x5e: {  	_ =	swait.ge [sflag:s18], $0x3E80  }
0x5f: {  	[sflag:s18] =	ssyncset.done $0x0  }
0x60: {  	s31 =	sshll.u32 s1, $0x6;
	[sflag:s18] =	ssyncadd.s32 $0xFFFFC180  }
0x61: {  	s24 =	sshrl.u32 s5, $0x3;
	s23 =	sor.u32 $0x1C02, s31;
	[bflag:$0x0] =	sbarrier.arrive $0xFFFF  }
0x62: {  	[hbm:s14], [sflag:s23] =	dma.local [spmem:s24], $0x2700  }
0x63: {  	_ =	swait.ge [sflag:s18], $0x2700  }
0x64: {  	s3 =	sadd.s32 $0x1, s3;
	[sflag:s18] =	ssyncset.done $0x0  }
0x65: {  	p1 =	sne.s32 s3, s16;
	s24 =	sshrl.u32 @!p0 s11, $0x3;
	[sflag:s18] =	ssyncadd.s32 $0xFFFFD900  }
0x66: {  	[hbm:s15], [sflag:s23] =	dma.local @!p0 [spmem:s24], $0x100  }
.Ltmp2:
0x67: {  	_ = 	snop;
	(pc) =	sbr.rel @p1 .LBB2_1-.Ltmp2, $4  }
0x68: {  	s23 =	simm.s32 @!p0 $0x2  }
0x69: {  	_ =	swait.ge @!p0 [sflag:s23], $0x100  }
0x6a: {  	[sflag:s23] =	ssyncset.done @!p0 $0x0  }
0x6b: {  	[sflag:s23] =	ssyncadd.s32 @!p0 $0xFFFFFF00  }
0x6c: {  	_ =	sfence.sel $0x180000  }
0x6d: {  	[bflag:$0x0] =	sbarrier.arrive $0xFFFF  }
0x6e: {  	_ =	strace $0x9000004A  }
0x6f: {  	s0 =	sadd.s32 @!p0 $0x100000, s0;
	[bflag:$0x2] =	sbarrier.arrive $0xFFFF  }
0x70: {  	[sflag:s0] =	ssyncadd.tile.s32 @!p0 $0x1;
	_ =	shalt  }
.Lfunc_end2:
_tile_overlayer_lowered:
.L_overlay_start_2:
0x71: {  	(tag) =	ssettag $0x2  }
0x72: {  	s0 =	rddreg [dreg:$0x0];
	s2 =	stileid.u32  }
0x73: {  	s1 =	rddreg [dreg:$0x1];
	p0 =	sne.s32 s2, $0x0  }
0x74: {  	s3 =	rddreg [dreg:$0x2];
	[bflag:$0x3] =	sbarrier.arrive $0xFFFF;
	s2 =	simm.s32 @!p0 $0x1C02  }
0x75: {  	[timem:s3], [sflag:s2] =	dma.local @!p0 [hbm:s0], s1  }
0x76: {  	s0 =	simm.s32 @!p0 $0x2  }
0x77: {  	_ =	swait.ge @!p0 [sflag:s0], s1  }
0x78: {  	s1 =	ssub.s32 @!p0 $0x0, s1;
	[sflag:s0] =	ssyncset.done @!p0 $0x0  }
0x79: {  	[sflag:s0] =	ssyncadd.s32 @!p0 s1  }
0x7a: {  	[bflag:$0x3] =	sbarrier.arrive $0xFFFF  }
0x7b: {  	_ =	shalt  }

// kernel: kernel.16.cloned.1.call-start
scs
__scs_entry_jumppad:
0x0: {  	(pc) =	sbr.rel $0x88, $3  }
0x1: {  	(tag) =	ssettag $0x0;
	lr =	simm.s32 $0x1  }
0x2: {  	[smem:$0x3F99] =	sst lr;
	_ =	strace $0xD0000000  }
0x3: {  	_ = 	snop  }
0x4: {  	_ = 	snop  }
0x5: {  	_ = 	snop  }
0x6: {  	_ = 	snop  }
0x7: {  	_ = 	snop  }
__scs_overlays_trampoline_lowered:
0x8: {  	[smem:$0x3FA8] =	sst s0  }
0x9: {  	[smem:$0x3FA9] =	sst s1  }
0xa: {  	[smem:$0x3FAA] =	sst s2  }
0xb: {  	[smem:$0x3FAB] =	sst s3  }
0xc: {  	[smem:$0x3FAC] =	sst s4  }
0xd: {  	[smem:$0x3FAD] =	sst s5  }
0xe: {  	[smem:$0x3FAE] =	sst s6  }
0xf: {  	[smem:$0x3FAF] =	sst s7  }
0x10: {  	[smem:$0x3FB0] =	sst s8  }
0x11: {  	[smem:$0x3FB1] =	sst s9;
	s0 =	simm.s32 @!p0 $0x0  }
0x12: {  	s1 =	sld [smem:$0x3F97];
	s0 =	simm.s32 @p0 $0x1  }
0x13: {  	[smem:$0x3FB2] =	sst s0;
	s0 =	simm.s32 @!p1 $0x0  }
0x14: {  	s2 =	sld [smem:$0x3F96];
	s0 =	simm.s32 @p1 $0x1  }
0x15: {  	[smem:$0x3FB3] =	sst s0;
	s0 =	simm.s32 @!p2 $0x0  }
0x16: {  	s3 =	sld [smem:$0x3FDB];
	s0 =	simm.s32 @p2 $0x1  }
0x17: {  	s4 =	simm.s32 $0x1BF5;
	[smem:$0x3FB5] =	sst s0  }
0x18: {  	s0 =	sld [smem:$0x3F98];
	_ =	swait.ge [sflag:s4], $0x0  }
0x19: {  	s7 =	sld [smem:$0x3F99]  }
0x1a: {  	s8 =	sadd.s32 $0xFFFFE003, lr  }
0x1b: {  	s9 =	sadd.s32 $0xFFFFFEF7, lr;
	s5 =	simm.s32 $0xFFFFFFFF;
	p2 =	slt.u32 s8, $0xFFFFF086  }
0x1c: {  	p1 =	slt.u32 s9, $0xF7A;
	s5 =	simm.s32 @!p2 $0x0  }
0x1d: {  	s5 =	simm.s32 @p1 $0x1;
	p0 =	seq.s32 s7, s2  }
0x1e: {  	s7 =	smul.u32 @!p0 $0xF7A, s2;
	p2 =	seq.s32 @!p0 s5, $0x0  }
0x1f: {  	s9 =	smul.u32 $0xF7A, s1;
	s8 =	simm.s32 @!p0 $0x1BF5;
	p2 =	por !p2, p0  }
0x20: {  	[sflag:s8] =	ssyncset.s32 @!p0 $0xFFFFF086;
	s6 =	sadd.s32 @!p0 s3, s7;
	s7 =	simm.s32 @!p0 $0x108  }
0x21: {  	s3 =	sadd.s32 s3, s9;
	s6 =	sadd.s32 @!p0 $0x88, s6;
	s7 =	simm.s32 @p2 $0x1082  }
0x22: {  	[simem:s7], [sflag:s8] =	dma.local @!p0 [hbm:s6], $0xF7A  }
0x23: {  	s9 =	sor.u32 $0xD0000000, s2;
	s6 =	simm.s32 $0x108;
	_ =	swait.ge @!p0 [sflag:s8], $0x0  }
0x24: {  	s3 =	sadd.s32 $0x88, s3;
	s6 =	simm.s32 @!p1 $0x1082;
	[sflag:s4] =	ssyncset.s32 $0xFFFFF086  }
0x25: {  	[simem:s6], [sflag:s4] =	dma.local [hbm:s3], $0xF7A  }
0x26: {  	[smem:$0x3F99] =	sst s1;
	(tag) =	ssettag s2;
	_ =	strace s9  }
0x27: {  	s1 =	sld [smem:$0x3FA9]  }
0x28: {  	s2 =	sld [smem:$0x3FAA]  }
0x29: {  	s4 =	sld [smem:$0x3FAC]  }
0x2a: {  	p0 =	seq.s32 s5, $0x0;
	s5 =	sld [smem:$0x3FAD]  }
0x2b: {  	s6 =	sld [smem:$0x3FAE]  }
0x2c: {  	s7 =	sld [smem:$0x3FAF]  }
0x2d: {  	s3 =	simm.s32 $0x108;
	s8 =	sld [smem:$0x3FB0]  }
0x2e: {  	s3 =	simm.s32 @!p0 $0x1082;
	s9 =	sld [smem:$0x3FB1]  }
0x2f: {  	lr =	sadd.s32 s0, s3;
	s0 =	sld [smem:$0x3FA8]  }
0x30: {  	s3 =	sld [smem:$0x3FAB]  }
0x31: {  	[smem:$0x3FB4] =	sst s10  }
0x32: {  	s10 =	sld [smem:$0x3FB2];
	_ =	sdelay $0x3  }
0x33: {  	p0 =	seq.s32 s10, $0x1;
	s10 =	sld [smem:$0x3FB4];
	_ =	sdelay $0x3  }
0x34: {  	[smem:$0x3FB4] =	sst s10  }
0x35: {  	s10 =	sld [smem:$0x3FB3];
	_ =	sdelay $0x3  }
0x36: {  	p1 =	seq.s32 s10, $0x1;
	s10 =	sld [smem:$0x3FB4];
	_ =	sdelay $0x3  }
0x37: {  	[smem:$0x3FB4] =	sst s10  }
0x38: {  	s10 =	sld [smem:$0x3FB5]  }
0x39: {  	_ = 	snop;
	(pc) =	sbr.ind lr, $3  }
0x3a: {  	_ = 	snop  }
0x3b: {  	_ = 	snop  }
0x3c: {  	p2 =	seq.s32 s10, $0x1;
	s10 =	sld [smem:$0x3FB4]  }
0x3d: {  	_ =	shalt  }
0x3e: {  	_ =	shalt  }
0x3f: {  	_ =	shalt  }
0x40: {  	_ =	shalt  }
0x41: {  	_ =	shalt  }
0x42: {  	_ =	shalt  }
0x43: {  	_ =	shalt  }
0x44: {  	_ =	shalt  }
0x45: {  	_ =	shalt  }
0x46: {  	_ =	shalt  }
0x47: {  	_ =	shalt  }
0x48: {  	_ =	shalt  }
0x49: {  	_ =	shalt  }
0x4a: {  	_ =	shalt  }
0x4b: {  	_ =	shalt  }
0x4c: {  	_ =	shalt  }
0x4d: {  	_ =	shalt  }
0x4e: {  	_ =	shalt  }
0x4f: {  	_ =	shalt  }
0x50: {  	_ =	shalt  }
0x51: {  	_ =	shalt  }
0x52: {  	_ =	shalt  }
0x53: {  	_ =	shalt  }
0x54: {  	_ =	shalt  }
0x55: {  	_ =	shalt  }
0x56: {  	_ =	shalt  }
0x57: {  	_ =	shalt  }
0x58: {  	_ =	shalt  }
0x59: {  	_ =	shalt  }
0x5a: {  	_ =	shalt  }
0x5b: {  	_ =	shalt  }
0x5c: {  	_ =	shalt  }
0x5d: {  	_ =	shalt  }
0x5e: {  	_ =	shalt  }
0x5f: {  	_ =	shalt  }
0x60: {  	_ =	shalt  }
0x61: {  	_ =	shalt  }
0x62: {  	_ =	shalt  }
0x63: {  	_ =	shalt  }
0x64: {  	_ =	shalt  }
0x65: {  	_ =	shalt  }
0x66: {  	_ =	shalt  }
0x67: {  	_ =	shalt  }
0x68: {  	_ =	shalt  }
0x69: {  	_ =	shalt  }
0x6a: {  	_ =	shalt  }
0x6b: {  	_ =	shalt  }
0x6c: {  	_ =	shalt  }
0x6d: {  	_ =	shalt  }
0x6e: {  	_ =	shalt  }
0x6f: {  	_ =	shalt  }
0x70: {  	_ =	shalt  }
0x71: {  	_ =	shalt  }
0x72: {  	_ =	shalt  }
0x73: {  	_ =	shalt  }
0x74: {  	_ =	shalt  }
0x75: {  	_ =	shalt  }
0x76: {  	_ =	shalt  }
0x77: {  	_ =	shalt  }
0x78: {  	_ =	shalt  }
0x79: {  	_ =	shalt  }
0x7a: {  	_ =	shalt  }
0x7b: {  	_ =	shalt  }
0x7c: {  	_ =	shalt  }
0x7d: {  	_ =	shalt  }
0x7e: {  	_ =	shalt  }
0x7f: {  	_ =	shalt  }
0x80: {  	_ =	shalt  }
0x81: {  	_ =	shalt  }
0x82: {  	_ =	shalt  }
0x83: {  	_ =	shalt  }
0x84: {  	_ =	shalt  }
0x85: {  	_ =	shalt  }
0x86: {  	_ =	shalt  }
0x87: {  	_ =	shalt  }
.Lfunc_end0:
.L_simem_size_0:
called_computation.2_lowered:
.L_overlay_start_0:
0x88: {  	s2 =	sld [smem:$0x3FD9]  }
0x89: {  	s3 =	sld [smem:$0x3FFE];
	_ =	sdelay $0x1  }
0x8a: {  	s1 =	srdreg.scid  }
0x8b: {  	s0 =	sand.u32 $0x1, s1  }
0x8c: {  	s16 =	sshll.u32 s0, $0xA;
	s2 =	sadd.s32 s3, s2  }
0x8d: {  	s2 =	sadd.s32 s2, s16  }
0x8e: {  	[smem:$0x3FC0] =	sst s2  }
0x8f: {  	_ = 	snop  }
0x90: {  	(tm) =	ssettm $0x1  }
0x91: {  	s17 =	sld [smem:$0x3FFB];
	_ =	sdelay $0x3  }
0x92: {  	_ =	strace s17  }
0x93: {  	s2 =	sld [smem:$0x3FFC];
	_ =	sdelay $0x3  }
0x94: {  	_ =	strace s2  }
0x95: {  	s2 =	sld [smem:$0x3FFD];
	_ =	sdelay $0x3  }
0x96: {  	_ =	strace s2  }
0x97: {  	_ =	strace $0x8FFFFFFF  }
0x98: {  	s18 =	sld [smem:$0x3FDB];
	_ =	sdelay $0x1  }
0x99: {  	s19 =	simm.s32 $_scs_section_size  }
0x9a: {  	s4 =	simm.s32 $_size__tile_overlayer_lowered;
	s5 =	simm.s32 $_tile_overlayer_lowered  }
0x9b: {  	s22 =	simm.s32 $0x1BFF;
	s21 =	sshll.u32 s5, $0x1;
	s2 =	sadd.s32 s19, s18  }
0x9c: {  	s6 =	simm.s32 $0x0;
	s20 =	sshll.u32 s4, $0x1;
	s4 =	sadd.s32 s21, s2  }
0x9d: {  	[timem:s6], [sflag:s22] =	dma.local [hbm:s4], s20  }
0x9e: {  	_ =	swait.ge [sflag:s22], s20  }
0x9f: {  	s3 =	ssub.s32 $0x0, s20;
	[sflag:s22] =	ssyncset.done $0x0  }
0xa0: {  	[sflag:s22] =	ssyncadd.s32 s3;
	_ =	sdelay $0x1  }
0xa1: {  	s23 =	simm.s32 $0x1B8B  }
0xa2: {  	_ =	swait.ge [sflag:s23], $0x1  }
0xa3: {  	[sflag:s23] =	ssyncset.done $0x0  }
0xa4: {  	s25 =	simm.s32 $0x1B8E;
	s24 =	sld [smem:$0x3FFE];
	[sflag:s23] =	ssyncadd.s32 $0xFFFFFFFF  }
0xa5: {  	s26 =	simm.s32 $execute0_lowered;
	[smem:$0x3FD2] =	sst s25  }
0xa6: {  	s4 =	sshll.u32 s26, $0x1;
	_ =	strace $0x8000004C;
	[dreg:$0x1] =	wrdreg $0xFFFFFFFF  }
0xa7: {  	s28 =	simm.s32 $_size_execute0_lowered;
	s2 =	sadd.s32 s2, s4;
	[dreg:$0x0] =	wrdreg $0x0  }
0xa8: {  	s4 =	sshll.u32 s28, $0x1;
	[dreg:$0x2] =	wrdreg s2  }
0xa9: {  	[dreg:$0x3] =	wrdreg s4  }
0xaa: {  	[dreg:$0x4] =	wrdreg $0xC0  }
0xab: {  	_ =	task [dreg:s6], $0x5FFFF  }
0xac: {  	[dreg:$0x1] =	wrdreg $0xFFFFFFFF  }
0xad: {  	[dreg:$0x0] =	wrdreg $0x60  }
0xae: {  	[dreg:$0x2] =	wrdreg s24  }
0xaf: {  	[dreg:$0x3] =	wrdreg $0xC4000  }
0xb0: {  	[dreg:$0x4] =	wrdreg $0x9  }
0xb1: {  	_ =	task.clear_ibuf [dreg:s6], $0x5FFFF;
	_ =	strace $0x9000004C  }
0xb2: {  	s29 =	simm.s32 $0x9;
	_ =	strace $0x8000004E  }
0xb3: {  	_ =	swait.ge [sflag:s29], $0x1  }
0xb4: {  	[sflag:s29] =	ssyncadd.s32 $0xFFFFFFFF  }
0xb5: {  	_ =	strace $0x9000004E  }
0xb6: {  	_ =	sfence  }
0xb7: {  	s30 =	sld [smem:$0x0];
	_ =	sdelay $0x2  }
0xb8: {  	s31 =	sshll.u32 s1, $0xD;
	s1 =	sshrl.u32 s1, $0x2  }
0xb9: {  	s3 =	sand.u32 $0x4000, s31;
	s1 =	sadd.s32 s1, s30  }
0xba: {  	s0 =	sor.u32 s3, s0;
	s1 =	sshll.u32 s1, $0x11  }
0xbb: {  	s0 =	sor.u32 s1, s0  }
0xbc: {  	s0 =	sadd.s32 $0x8F2B, s0  }
0xbd: {  	[sflag:s0] =	ssyncadd.remote.s32 $0x1  }
0xbe: {  	_ =	sfence.sel $0xFFFF  }
0xbf: {  	[dreg:$0x0] =	wrdreg $0xFFFFFFFF;
	(pc) =	sbr.abs _section_cstart, $3  }
0xc0: {  	[dreg:$0x1] =	wrdreg $0xFFFFFFFF  }
0xc1: {  	_ =	task.clear_ibuf [dreg:s6], $0x2FFFF;
	_ =	strace $0x9FFFFFFF  }
0xc2: {  	(tm) =	ssettm $0x7FFFFFFF  }
0xc3: {  	_ =	shalt  }
tec
execute0_lowered:
.L_overlay_start_1:
0x0: {  	(tag) =	ssettag $0x1  }
0x1: {  	s0 =	srdreg.scid  }
0x2: {  	s5 =	rddreg [dreg:$0x0];
	s1 =	stileid.u32  }
0x3: {  	s2 =	rddreg [dreg:$0x1];
	s3 =	simm.s32 $0x0;
	s19 =	simm.s32 $0x2800  }
0x4: {  	s20 =	simm.s32 $0x7D;
	s21 =	simm.s32 $0x5000;
	s22 =	simm.s32 $0x1  }
0x5: {  	s6 =	sand.u32 $0x1, s0;
	[smem:$0x7FF] =	sst s3;
	s8 =	smul.u32 $0x4E000, s1  }
0x6: {  	s15 =	sadd.s32 $0x8C600, s5;
	s12 =	smul.u32 $0x13800, s1;
	s11 =	sadd.s32 $0x138000, s2  }
0x7: {  	p0 =	sne.s32 s1, $0x0;
	s0 =	sshll.u32 s6, $0x4;
	s29 =	ssub.s32 $0x2, s6  }
0x8: {  	s14 =	smul.u32 $0x138800, s6;
	s4 =	sor.u32 s1, s0;
	s0 =	rddreg [dreg:$0x2]  }
0x9: {  	_ =	strace $0x8000004D;
	s30 =	sshrl.u32 s8, $0x2;
	s31 =	sshrl.u32 s29, $0x1  }
0xa: {  	s7 =	smul.u32 $0x500, s4;
	s4 =	sadd.s32 $0x65400, s5;
	s17 =	sadd.s32 s12, s14  }
0xb: {  	s16 =	ssub.s32 s29, s31;
	s18 =	sshrl.u32 s14, $0x3;
	s17 =	sshrl.u32 s17, $0x3  }
0xc: {  	s16 =	smax.u32 s16, $0x1;
	s13 =	sadd.s32 s7, s5;
	s5 =	sadd.s32 s30, s2  }
0xd: {  	s14 =	sadd.s32 s15, s17;
	s15 =	sadd.s32 s15, s18;
	s17 =	simm.s32 $0x9000  }
0xe: {  	s18 =	simm.s32 $0x2;
	s6 =	sadd.s32 $0x3400, s5;
	s7 =	sadd.s32 $0x6800, s5  }
0xf: {  	s8 =	sadd.s32 $0x9C00, s5;
	s9 =	sadd.s32 $0xD000, s5;
	s10 =	sadd.s32 $0x10400, s5  }
0x10: {  	v0 =	vimm.f32 $0.0e+00;
	s12 =	sadd.s32 $0x5B400, s13;
	s13 =	sadd.s32 $0x51400, s13;
	s15 =	sadd.s32 $0x27000, s15  }
.LBB2_1:
0x11: {  	s23 =	simm.s32 $0x0;
	s24 =	simm.s32 $0x200  }
.LBB2_2:
0x12: {  	p1 =	sne.s32 s24, $0xCE00;
	[tilespmem:s23+$0x9070] =	vst v0  }
0x13: {  	[tilespmem:s23+$0x9000] =	vst v0  }
0x14: {  	[tilespmem:s23+$0x9010] =	vst v0  }
.Ltmp0:
0x15: {  	[tilespmem:s23+$0x9020] =	vst v0;
	(pc) =	sbr.rel @p1 .LBB2_2-.Ltmp0, $4  }
0x16: {  	[tilespmem:s23+$0x9030] =	vst v0  }
0x17: {  	[tilespmem:s23+$0x9040] =	vst v0  }
0x18: {  	[tilespmem:s23+$0x9050] =	vst v0  }
0x19: {  	[tilespmem:s23+$0x9060] =	vst v0;
	s23 =	sshra.s32 s24, $0x2;
	s24 =	sadd.s32 $0x200, s24  }
0x1a: {  	[tilespmem:s23+$0x9070] =	vst v0  }
0x1b: {  	[tilespmem:s23+$0x9000] =	vst v0  }
0x1c: {  	[tilespmem:s23+$0x9010] =	vst v0  }
0x1d: {  	[tilespmem:s23+$0x9020] =	vst v0  }
0x1e: {  	[tilespmem:s23+$0x9030] =	vst v0  }
0x1f: {  	[tilespmem:s23+$0x9040] =	vst v0  }
0x20: {  	[tilespmem:s23+$0x9050] =	vst v0  }
0x21: {  	[tilespmem:s23+$0x9060] =	vst v0  }
0x22: {  	[spmem:s5] =	stream.linear.scatter [tilespmem:s17], [sflag:$0x2], $0x3400, $0x38;
	[tilespmem:$0x1FC80] =	vst v63  }
0x23: {  	_ =	swait.ge [sflag:s18], $0x3400  }
0x24: {  	[sflag:s18] =	ssyncset.done $0x0  }
0x25: {  	[sflag:s18] =	ssyncadd.s32 $0xFFFFCC00  }
0x26: {  	[spmem:s6] =	stream.linear.scatter [tilespmem:s17], [sflag:$0x2], $0x3400, $0x38;
	[tilespmem:$0x1FC80] =	vst v63  }
0x27: {  	_ =	swait.ge [sflag:s18], $0x3400  }
0x28: {  	[sflag:s18] =	ssyncset.done $0x0  }
0x29: {  	[sflag:s18] =	ssyncadd.s32 $0xFFFFCC00  }
0x2a: {  	[spmem:s7] =	stream.linear.scatter [tilespmem:s17], [sflag:$0x2], $0x3400, $0x38;
	[tilespmem:$0x1FC80] =	vst v63  }
0x2b: {  	_ =	swait.ge [sflag:s18], $0x3400  }
0x2c: {  	[sflag:s18] =	ssyncset.done $0x0  }
0x2d: {  	[sflag:s18] =	ssyncadd.s32 $0xFFFFCC00  }
0x2e: {  	[spmem:s8] =	stream.linear.scatter [tilespmem:s17], [sflag:$0x2], $0x3400, $0x38;
	[tilespmem:$0x1FC80] =	vst v63  }
0x2f: {  	_ =	swait.ge [sflag:s18], $0x3400  }
0x30: {  	[sflag:s18] =	ssyncset.done $0x0  }
0x31: {  	[sflag:s18] =	ssyncadd.s32 $0xFFFFCC00  }
0x32: {  	[spmem:s9] =	stream.linear.scatter [tilespmem:s17], [sflag:$0x2], $0x3400, $0x38;
	[tilespmem:$0x1FC80] =	vst v63  }
0x33: {  	_ =	swait.ge [sflag:s18], $0x3400  }
0x34: {  	[sflag:s18] =	ssyncset.done $0x0  }
0x35: {  	[sflag:s18] =	ssyncadd.s32 $0xFFFFCC00  }
0x36: {  	[spmem:s10] =	stream.linear.scatter [tilespmem:s17], [sflag:$0x2], $0x3400, $0x38;
	[tilespmem:$0x1FC80] =	vst v63  }
0x37: {  	_ =	swait.ge [sflag:s18], $0x3400  }
0x38: {  	[sflag:s18] =	ssyncset.done $0x0  }
0x39: {  	s23 =	simm.s32 @!p0 $0x9000;
	[sflag:s18] =	ssyncadd.s32 $0xFFFFCC00  }
0x3a: {  	[spmem:s11] =	stream.linear.scatter @!p0 [tilespmem:s23], [sflag:$0x2], $0x800, $0x38;
	[tilespmem:$0x1FC80] =	vst v63  }
0x3b: {  	s23 =	simm.s32 @!p0 $0x2  }
0x3c: {  	_ =	swait.ge @!p0 [sflag:s23], $0x800  }
0x3d: {  	[sflag:s23] =	ssyncset.done @!p0 $0x0  }
0x3e: {  	s29 =	simm.s32 $0x0;
	[sflag:s23] =	ssyncadd.s32 @!p0 $0xFFFFF800  }
0x3f: {  	[tilespmem:s29], [sflag:$0x2] =	stream.linear.gather [hbm4b:s12+s29], $0x2800, $0x38;
	[tilespmem:$0x1FC80] =	vst v63  }
0x40: {  	_ =	swait.ge [sflag:s18], $0x2800  }
0x41: {  	[sflag:s18] =	ssyncset.done $0x0  }
0x42: {  	[sflag:s18] =	ssyncadd.s32 $0xFFFFD800  }
0x43: {  	[tilespmem:s19], [sflag:$0x2] =	stream.linear.gather [hbm4b:s13+s29], $0x2800, $0x38;
	[tilespmem:$0x1FC80] =	vst v63  }
0x44: {  	_ =	swait.ge [sflag:s18], $0x2800  }
0x45: {  	[sflag:s18] =	ssyncset.done $0x0  }
0x46: {  	[sflag:s18] =	ssyncadd.s32 $0xFFFFD800  }
0x47: {  	s30 =	simm.s32 $0x0;
	[bflag:$0x0] =	sbarrier.arrive $0xFFFF  }
0x48: {  	[tilespmem:s21], [sflag:$0x1] =	stream.indirect.gather [hbm4b:s4+s20], $0x80, s30, s20, $0xb8;
	[tilespmem:$0x1FC80] =	vst v63  }
0x49: {  	_ =	swait.ge [sflag:s22], $0x3E80  }
0x4a: {  	[sflag:s22] =	ssyncset.done $0x0  }
0x4b: {  	s31 =	simm.s32 $0x2800;
	[sflag:s22] =	ssyncadd.s32 $0xFFFFC180  }
0x4c: {  	[spmem:s2] =	stream.indirect.scatter.add.f32 [tilespmem:s21], [sflag:$0x2], $0x80, s31, s20, $0xb8;
	[tilespmem:$0x1FC80] =	vst v63  }
0x4d: {  	_ =	swait.ge [sflag:s18], $0x3E80  }
0x4e: {  	s24 =	simm.s32 $0x400;
	s23 =	simm.s32 $0x200;
	[sflag:s18] =	ssyncset.done $0x0  }
.LBB2_4:
0x4f: {  	s25 =	sshra.s32 s23, $0x2  }
0x50: {  	[sflag:s18] =	ssyncadd.s32 $0xFFFFC180;
	s23 =	smov.u32 s24;
	s26 =	sadd.s32 $0x200, s24  }
0x51: {  	[tilespmem:s21], [sflag:$0x1] =	stream.indirect.gather [hbm4b:s4+s20], $0x80, s25, s20, $0xb8;
	[tilespmem:$0x1FC80] =	vst v63  }
0x52: {  	p1 =	sne.s32 s24, $0x9E00;
	_ =	swait.ge [sflag:s22], $0x3E80  }
.Ltmp1:
0x53: {  	[sflag:s22] =	ssyncset.done $0x0;
	(pc) =	sbr.rel @p1 .LBB2_4-.Ltmp1, $4  }
0x54: {  	s24 =	sadd.s32 $0x2800, s25;
	[sflag:s22] =	ssyncadd.s32 $0xFFFFC180  }
0x55: {  	[spmem:s2] =	stream.indirect.scatter.add.f32 [tilespmem:s21], [sflag:$0x2], $0x80, s24, s20, $0xb8;
	[tilespmem:$0x1FC80] =	vst v63  }
0x56: {  	_ =	swait.ge [sflag:s18], $0x3E80  }
0x57: {  	s24 =	smov.u32 s26;
	[sflag:s18] =	ssyncset.done $0x0  }
0x58: {  	s23 =	sshra.s32 s23, $0x2;
	[sflag:s18] =	ssyncadd.s32 $0xFFFFC180  }
0x59: {  	[tilespmem:s21], [sflag:$0x1] =	stream.indirect.gather [hbm4b:s4+s20], $0x80, s23, s20, $0xb8;
	[tilespmem:$0x1FC80] =	vst v63  }
0x5a: {  	_ =	swait.ge [sflag:s22], $0x3E80  }
0x5b: {  	[sflag:s22] =	ssyncset.done $0x0  }
0x5c: {  	s23 =	sadd.s32 $0x2800, s23;
	[sflag:s22] =	ssyncadd.s32 $0xFFFFC180  }
0x5d: {  	[spmem:s2] =	stream.indirect.scatter.add.f32 [tilespmem:s21], [sflag:$0x2], $0x80, s23, s20, $0xb8;
	[tilespmem:$0x1FC80] =	vst v63  }
0x5e: {  	_ =	swait.ge [sflag:s18], $0x3E80  }
0x5f: {  	[sflag:s18] =	ssyncset.done $0x0  }
0x60: {  	s31 =	sshll.u32 s1, $0x6;
	[sflag:s18] =	ssyncadd.s32 $0xFFFFC180  }
0x61: {  	s24 =	sshrl.u32 s5, $0x3;
	s23 =	sor.u32 $0x1C02, s31;
	[bflag:$0x0] =	sbarrier.arrive $0xFFFF  }
0x62: {  	[hbm:s14], [sflag:s23] =	dma.local [spmem:s24], $0x2700  }
0x63: {  	_ =	swait.ge [sflag:s18], $0x2700  }
0x64: {  	s3 =	sadd.s32 $0x1, s3;
	[sflag:s18] =	ssyncset.done $0x0  }
0x65: {  	p1 =	sne.s32 s3, s16;
	s24 =	sshrl.u32 @!p0 s11, $0x3;
	[sflag:s18] =	ssyncadd.s32 $0xFFFFD900  }
0x66: {  	[hbm:s15], [sflag:s23] =	dma.local @!p0 [spmem:s24], $0x100  }
.Ltmp2:
0x67: {  	_ = 	snop;
	(pc) =	sbr.rel @p1 .LBB2_1-.Ltmp2, $4  }
0x68: {  	s23 =	simm.s32 @!p0 $0x2  }
0x69: {  	_ =	swait.ge @!p0 [sflag:s23], $0x100  }
0x6a: {  	[sflag:s23] =	ssyncset.done @!p0 $0x0  }
0x6b: {  	[sflag:s23] =	ssyncadd.s32 @!p0 $0xFFFFFF00  }
0x6c: {  	_ =	sfence.sel $0x180000  }
0x6d: {  	[bflag:$0x0] =	sbarrier.arrive $0xFFFF  }
0x6e: {  	_ =	strace $0x9000004D  }
0x6f: {  	s0 =	sadd.s32 @!p0 $0x100000, s0;
	[bflag:$0x2] =	sbarrier.arrive $0xFFFF  }
0x70: {  	[sflag:s0] =	ssyncadd.tile.s32 @!p0 $0x1;
	_ =	shalt  }
.Lfunc_end2:
_tile_overlayer_lowered:
.L_overlay_start_2:
0x71: {  	(tag) =	ssettag $0x2  }
0x72: {  	s0 =	rddreg [dreg:$0x0];
	s2 =	stileid.u32  }
0x73: {  	s1 =	rddreg [dreg:$0x1];
	p0 =	sne.s32 s2, $0x0  }
0x74: {  	s3 =	rddreg [dreg:$0x2];
	[bflag:$0x3] =	sbarrier.arrive $0xFFFF;
	s2 =	simm.s32 @!p0 $0x1C02  }
0x75: {  	[timem:s3], [sflag:s2] =	dma.local @!p0 [hbm:s0], s1  }
0x76: {  	s0 =	simm.s32 @!p0 $0x2  }
0x77: {  	_ =	swait.ge @!p0 [sflag:s0], s1  }
0x78: {  	s1 =	ssub.s32 @!p0 $0x0, s1;
	[sflag:s0] =	ssyncset.done @!p0 $0x0  }
0x79: {  	[sflag:s0] =	ssyncadd.s32 @!p0 s1  }
0x7a: {  	[bflag:$0x3] =	sbarrier.arrive $0xFFFF  }
0x7b: {  	_ =	shalt  }

</sc_bundles>
